<compile_context>
chip_gen: v7x
topology: tpu7x:2x2x1
jax: 0.10.2.dev20260603
libtpu: 0.0.44.dev20260713+nightly
codegen_flags: <defaults>
</compile_context>

<pallas_src>
import jax
import jax.numpy as jnp
from jax import lax
from jax.experimental import pallas as pl
from jax.experimental.pallas import tpu as pltpu
from jax.experimental.pallas import tpu_sc as plsc

TOPK = 64
NROWS = 128
NCOLS = 32768
L = 16
NCHUNK = NCOLS // L
NBINS = 1024
BIN_SHIFT = 22
CAP = 4096
NWORKERS = 32
ROWS_PER_W = NROWS // NWORKERS


def _mono(fi):
    return fi ^ (lax.shift_right_arithmetic(fi, 31) & 0x7FFFFFFF)


def _tc_zeros():
    def zbody(o_ref):
        o_ref[...] = jnp.zeros_like(o_ref)

    return pl.pallas_call(
        zbody,
        out_shape=jax.ShapeDtypeStruct((NROWS, NCOLS), jnp.float32),
        grid=(8,),
        out_specs=pl.BlockSpec((NROWS // 8, NCOLS), lambda i: (i, 0)),
    )()


def _body(x_hbm, out_hbm, rowa, rowb, ck, ci, hist, vwin, iwin,
          ssem, isema, isemb):
    cid = lax.axis_index("c")
    sid = lax.axis_index("s")
    wid = sid * 2 + cid
    iota = lax.broadcasted_iota(jnp.int32, (L,), 0)
    ones = jnp.ones((L,), jnp.int32)

    base = wid * ROWS_PER_W
    bufs = (rowa, rowb)
    isems = (isema, isemb)
    pending = pltpu.async_copy(
        x_hbm.at[pl.ds(base * NCOLS, NCOLS)], rowa, isema)
    for rr in range(ROWS_PER_W):
        rowf = bufs[rr % 2]
        row = base + rr
        pending.wait()
        if rr + 1 < ROWS_PER_W:
            pending = pltpu.async_copy(
                x_hbm.at[pl.ds((row + 1) * NCOLS, NCOLS)],
                bufs[(rr + 1) % 2], isems[(rr + 1) % 2])
        @plsc.parallel_loop(0, NBINS, unroll=8)
        def zero_hist(i):
            hist[pl.ds(i * L, L)] = jnp.zeros((L,), jnp.int32)

        @plsc.parallel_loop(0, NCHUNK // 4, unroll=8)
        def hist_pass(i):
            a = rowf[pl.ds(i * 4 * L, L)]
            b_ = rowf[pl.ds((i * 4 + 1) * L, L)]
            c_ = rowf[pl.ds((i * 4 + 2) * L, L)]
            d_ = rowf[pl.ds((i * 4 + 3) * L, L)]
            m = jnp.maximum(jnp.maximum(a, b_), jnp.maximum(c_, d_))
            v = _mono(lax.bitcast_convert_type(m, jnp.int32))
            b = lax.shift_right_arithmetic(v, BIN_SHIFT) + (NBINS // 2)
            plsc.addupdate_scatter(hist, [(b << 4) + iota], ones)

        def wcond(c):
            return c[1] < TOPK

        def wbody(c):
            b, cum = c
            s = jnp.sum(hist[pl.ds(b * L, L)])
            return (b - 1, cum + s)

        bend, _cumf = lax.while_loop(
            wcond, wbody, (jnp.int32(NBINS - 1), jnp.int32(0)))
        bsig = bend + 1 - (NBINS // 2)
        lo0 = lax.shift_left(bsig, BIN_SHIFT)

        @plsc.parallel_loop(0, NCHUNK, unroll=8,
                            carry=jnp.zeros((L,), jnp.int32))
        def collect_pass(i, offv):
            v = _mono(lax.bitcast_convert_type(rowf[pl.ds(i * L, L)],
                                               jnp.int32))
            ge = v >= lo0
            gei = jnp.where(ge, 1, 0)
            pos = jnp.minimum(offv + plsc.cumsum(gei) - 1, CAP - 1)
            plsc.store_scatter(ck, [pos], v, mask=ge)
            plsc.store_scatter(ci, [pos], iota + i * L, mask=ge)
            return offv + plsc.all_reduce_population_count(ge)

        cnt = jnp.max(collect_pass)
        nch = (cnt + (L - 1)) >> 4

        def count_where(pred):
            @plsc.parallel_loop(0, nch, unroll=4,
                                carry=jnp.zeros((L,), jnp.int32))
            def cb(j, acc):
                keys = ck[pl.ds(j * L, L)]
                idxs = ci[pl.ds(j * L, L)]
                valid = (j * L + iota) < cnt
                return acc + jnp.where(valid & pred(keys, idxs), 1, 0)
            return jnp.sum(cb)

        hi0 = jnp.int32(0x7F800000)

        def sa_cond(c):
            return c[0] < c[1]

        def sa_body(c):
            lo, hi = c
            mid = lo + lax.shift_right_logical(hi - lo + 1, 1)
            ge = count_where(lambda k, x: k >= mid) >= TOPK
            return (jnp.where(ge, mid, lo), jnp.where(ge, hi, mid - 1))

        tkey, _ = lax.while_loop(sa_cond, sa_body, (lo0, hi0))
        n_gt = count_where(lambda k, x: k > tkey)
        rank_eq = TOPK - n_gt

        def sb_body(c):
            lo, hi = c
            mid = (lo + hi) >> 1
            ok = count_where(
                lambda k, x: (k == tkey) & (x <= mid)) >= rank_eq
            return (jnp.where(ok, lo, mid + 1), jnp.where(ok, mid, hi))

        idx_cut, _ = lax.while_loop(
            sa_cond, sb_body, (jnp.int32(0), jnp.int32(NCOLS - 1)))

        @plsc.parallel_loop(0, nch, unroll=4,
                            carry=jnp.zeros((L,), jnp.int32))
        def compact(j, offv):
            keys = ck[pl.ds(j * L, L)]
            idxs = ci[pl.ds(j * L, L)]
            valid = (j * L + iota) < cnt
            keep = valid & ((keys > tkey)
                            | ((keys == tkey) & (idxs <= idx_cut)))
            keepi = jnp.where(keep, 1, 0)
            pos = jnp.minimum(offv + plsc.cumsum(keepi) - 1, TOPK - 1)
            vals = lax.bitcast_convert_type(_mono(keys), jnp.float32)
            plsc.store_scatter(vwin, [pos], vals, mask=keep)
            plsc.store_scatter(iwin, [pos], idxs + row * NCOLS, mask=keep)
            return offv + plsc.all_reduce_population_count(keep)
        del compact

        pltpu.async_copy(vwin, out_hbm.at[iwin], ssem).wait()


def kernel(x):
    mesh = plsc.VectorSubcoreMesh(core_axis_name="c", subcore_axis_name="s")
    fill = pl.kernel(
        _body,
        out_type=(),
        mesh=mesh,
        compiler_params=pltpu.CompilerParams(needs_layout_passes=False),
        scratch_types=[
            pltpu.VMEM((NCOLS,), jnp.float32),
            pltpu.VMEM((NCOLS,), jnp.float32),
            pltpu.VMEM((CAP,), jnp.int32),
            pltpu.VMEM((CAP,), jnp.int32),
            pltpu.VMEM((NBINS * L,), jnp.int32),
            pltpu.VMEM((TOPK,), jnp.float32),
            pltpu.VMEM((TOPK,), jnp.int32),
            pltpu.SemaphoreType.DMA,
            pltpu.SemaphoreType.DMA,
            pltpu.SemaphoreType.DMA,
        ],
    )
    oref = jax.new_ref(_tc_zeros().reshape(NROWS * NCOLS))
    fill(x.reshape(NROWS * NCOLS), oref)
    return oref[...].reshape(NROWS, NCOLS)

# --- scband reference (transcript-rebuilt; emitter-appended) ---
"""Pipeline reference for scband-top-k-30520037605537 (READ-ONLY COPY).

The authoritative reference and input builder live on the scoring server;
editing this copy changes nothing except your own understanding.
"""

import jax, jax.numpy as jnp
import numpy as np

K = 64

def setup_inputs(seed: int = 0) -> dict:
    key = jax.random.key(seed)
    x = jax.random.normal(key, (128, 32768), dtype=jnp.float32)
    return {"x": x}

def reference(x):
    # torch.topk along last dim, keep indices only
    _, indices = jax.lax.top_k(x, K)  # indices: [B, K]
    B = x.shape[0]
    rows = jnp.arange(B)[:, None]
    gate = jnp.zeros_like(x).at[rows, indices].set(1.0)
    return x * gate.astype(x.dtype)

if __name__ == "__main__":
    import jax
    _d = setup_inputs()
    print(jax.jit(kernel)(*tuple(_d.values())))

</pallas_src>

<mosaic_0001>
#map = affine_map<(d0, d1) -> (0)>
module attributes {stable_mosaic.version = 14 : i64} {
  func.func @new_body(%arg0: i32, %arg1: i32, %arg2: memref<4194304xf32, #tpu.memory_space<hbm>>, %arg3: memref<4194304xf32, #tpu.memory_space<hbm>>, %arg4: memref<4194304xf32, #tpu.memory_space<hbm>>, %arg5: memref<32768xf32, #tpu.memory_space<vmem>>, %arg6: memref<32768xf32, #tpu.memory_space<vmem>>, %arg7: memref<4096xi32, #tpu.memory_space<vmem>>, %arg8: memref<4096xi32, #tpu.memory_space<vmem>>, %arg9: memref<16384xi32, #tpu.memory_space<vmem>>, %arg10: memref<64xf32, #tpu.memory_space<vmem>>, %arg11: memref<64xi32, #tpu.memory_space<vmem>>, %arg12: memref<!tpu.dma_semaphore, #tpu.memory_space<semaphore_mem>>, %arg13: memref<!tpu.dma_semaphore, #tpu.memory_space<semaphore_mem>>, %arg14: memref<!tpu.dma_semaphore, #tpu.memory_space<semaphore_mem>>) attributes {dimension_semantics = [#tpu.dimension_semantics<core_parallel>, #tpu.dimension_semantics<subcore_parallel>], iteration_bounds = array<i64: 2, 16>, scalar_prefetch = 0 : i64, scratch_operands = 10 : i64, tpu.core_type = #tpu.core_type<sc_vector_subcore>, window_params = [{transform_indices = #map}, {transform_indices = #map}, {transform_indices = #map}]} {
    %mul3A = arith.constant 2 : i32
    %mul3A_0 = arith.muli %arg1, %mul3A : i32
    %add3A = arith.addi %mul3A_0, %arg0 : i32
    %iota3A = tpu.iota {dimensions = array<i32: 0>} : vector<16xi32>
    %broadcast_in_dim3A = arith.constant 1 : i32
    %broadcast_in_dim3A_1 = vector.broadcast %broadcast_in_dim3A : i32 to vector<16xi32>
    %mul3A_2 = arith.constant 4 : i32
    %mul3A_3 = arith.muli %add3A, %mul3A_2 : i32
    %mul3A_4 = arith.constant 32768 : i32
    %mul3A_5 = arith.muli %mul3A_3, %mul3A_4 : i32
    %dma_start3A = tpu.memref_slice %arg2[%mul3A_5] : memref<4194304xf32, #tpu.memory_space<hbm>> -> memref<32768xf32, #tpu.memory_space<hbm>>
    %dma_start3A_6 = tpu.memref_slice %arg2[%mul3A_5] : memref<4194304xf32, #tpu.memory_space<hbm>> -> memref<32768xf32, #tpu.memory_space<hbm>>
    tpu.enqueue_dma source(%dma_start3A_6 : memref<32768xf32, #tpu.memory_space<hbm>>) target(%arg5 : memref<32768xf32, #tpu.memory_space<vmem>>) target_semaphore(%arg13 : memref<!tpu.dma_semaphore, #tpu.memory_space<semaphore_mem>>)
    %add3A_7 = arith.constant 0 : i32
    %add3A_8 = arith.addi %mul3A_3, %add3A_7 : i32
    %dma_wait3A = tpu.memref_slice %arg2[%mul3A_5] : memref<4194304xf32, #tpu.memory_space<hbm>> -> memref<32768xf32, #tpu.memory_space<hbm>>
    %dma_wait3A_9 = tpu.memref_slice %arg2[%mul3A_5] : memref<4194304xf32, #tpu.memory_space<hbm>> -> memref<32768xf32, #tpu.memory_space<hbm>>
    tpu.wait_dma2 semaphore(%arg13 : memref<!tpu.dma_semaphore, #tpu.memory_space<semaphore_mem>>) src(%dma_wait3A_9 : memref<32768xf32, #tpu.memory_space<hbm>>) dst(%arg5 : memref<32768xf32, #tpu.memory_space<vmem>>)
    %add3A_10 = arith.constant 1 : i32
    %add3A_11 = arith.addi %add3A_8, %add3A_10 : i32
    %mul3A_12 = arith.constant 32768 : i32
    %mul3A_13 = arith.muli %add3A_11, %mul3A_12 : i32
    %dma_start3A_14 = tpu.memref_slice %arg2[%mul3A_13] : memref<4194304xf32, #tpu.memory_space<hbm>> -> memref<32768xf32, #tpu.memory_space<hbm>>
    %dma_start3A_15 = tpu.memref_slice %arg2[%mul3A_13] : memref<4194304xf32, #tpu.memory_space<hbm>> -> memref<32768xf32, #tpu.memory_space<hbm>>
    tpu.enqueue_dma source(%dma_start3A_15 : memref<32768xf32, #tpu.memory_space<hbm>>) target(%arg6 : memref<32768xf32, #tpu.memory_space<vmem>>) target_semaphore(%arg14 : memref<!tpu.dma_semaphore, #tpu.memory_space<semaphore_mem>>)
    %parallel_loop3A = arith.constant 0 : i32
    %parallel_loop3A_16 = arith.constant 1024 : i32
    %parallel_loop3A_17 = arith.constant 1 : i32
    scf.for %parallel_loop3A_265 = %parallel_loop3A to %parallel_loop3A_16 step %parallel_loop3A_17  : i32 {
      %parallel_loop3A_266 = arith.constant 0 : i32
      %parallel_loop3A_267 = vector.broadcast %parallel_loop3A_266 : i32 to vector<16xi32>
      %parallel_loop3A_268 = arith.constant 16 : i32
      %parallel_loop3A_269 = arith.muli %parallel_loop3A_265, %parallel_loop3A_268 : i32
      %parallel_loop3A_270 = arith.index_cast %parallel_loop3A_269 : i32 to index
      %parallel_loop3A_271 = tpu.vector_load %arg9[%parallel_loop3A_270] {strides = array<i32>} : memref<16384xi32, #tpu.memory_space<vmem>>, vector<16xi32>,
      tpu.vector_store %arg9[%parallel_loop3A_270], %parallel_loop3A_267 {strides = array<i32>} : memref<16384xi32, #tpu.memory_space<vmem>>, vector<16xi32>,
    } {sc.loop_unroll_factor = 8 : i64, sc.parallel_access}
    %parallel_loop3A_18 = arith.constant 0 : i32
    %parallel_loop3A_19 = arith.constant 512 : i32
    %parallel_loop3A_20 = arith.constant 1 : i32
    scf.for %parallel_loop3A_265 = %parallel_loop3A_18 to %parallel_loop3A_19 step %parallel_loop3A_20  : i32 {
      %parallel_loop3A_266 = arith.constant 4 : i32
      %parallel_loop3A_267 = arith.muli %parallel_loop3A_265, %parallel_loop3A_266 : i32
      %parallel_loop3A_268 = arith.constant 16 : i32
      %parallel_loop3A_269 = arith.muli %parallel_loop3A_267, %parallel_loop3A_268 : i32
      %parallel_loop3A_270 = arith.index_cast %parallel_loop3A_269 : i32 to index
      %parallel_loop3A_271 = tpu.vector_load %arg5[%parallel_loop3A_270] {strides = array<i32>} : memref<32768xf32, #tpu.memory_space<vmem>>, vector<16xf32>,
      %parallel_loop3A_272 = arith.constant 4 : i32
      %parallel_loop3A_273 = arith.muli %parallel_loop3A_265, %parallel_loop3A_272 : i32
      %parallel_loop3A_274 = arith.constant 1 : i32
      %parallel_loop3A_275 = arith.addi %parallel_loop3A_273, %parallel_loop3A_274 : i32
      %parallel_loop3A_276 = arith.constant 16 : i32
      %parallel_loop3A_277 = arith.muli %parallel_loop3A_275, %parallel_loop3A_276 : i32
      %parallel_loop3A_278 = arith.index_cast %parallel_loop3A_277 : i32 to index
      %parallel_loop3A_279 = tpu.vector_load %arg5[%parallel_loop3A_278] {strides = array<i32>} : memref<32768xf32, #tpu.memory_space<vmem>>, vector<16xf32>,
      %parallel_loop3A_280 = arith.constant 4 : i32
      %parallel_loop3A_281 = arith.muli %parallel_loop3A_265, %parallel_loop3A_280 : i32
      %parallel_loop3A_282 = arith.constant 2 : i32
      %parallel_loop3A_283 = arith.addi %parallel_loop3A_281, %parallel_loop3A_282 : i32
      %parallel_loop3A_284 = arith.constant 16 : i32
      %parallel_loop3A_285 = arith.muli %parallel_loop3A_283, %parallel_loop3A_284 : i32
      %parallel_loop3A_286 = arith.index_cast %parallel_loop3A_285 : i32 to index
      %parallel_loop3A_287 = tpu.vector_load %arg5[%parallel_loop3A_286] {strides = array<i32>} : memref<32768xf32, #tpu.memory_space<vmem>>, vector<16xf32>,
      %parallel_loop3A_288 = arith.constant 4 : i32
      %parallel_loop3A_289 = arith.muli %parallel_loop3A_265, %parallel_loop3A_288 : i32
      %parallel_loop3A_290 = arith.constant 3 : i32
      %parallel_loop3A_291 = arith.addi %parallel_loop3A_289, %parallel_loop3A_290 : i32
      %parallel_loop3A_292 = arith.constant 16 : i32
      %parallel_loop3A_293 = arith.muli %parallel_loop3A_291, %parallel_loop3A_292 : i32
      %parallel_loop3A_294 = arith.index_cast %parallel_loop3A_293 : i32 to index
      %parallel_loop3A_295 = tpu.vector_load %arg5[%parallel_loop3A_294] {strides = array<i32>} : memref<32768xf32, #tpu.memory_space<vmem>>, vector<16xf32>,
      %parallel_loop3A_296 = arith.maximumf %parallel_loop3A_271, %parallel_loop3A_279 : vector<16xf32>
      %parallel_loop3A_297 = arith.maximumf %parallel_loop3A_287, %parallel_loop3A_295 : vector<16xf32>
      %parallel_loop3A_298 = arith.maximumf %parallel_loop3A_296, %parallel_loop3A_297 : vector<16xf32>
      %parallel_loop3A_299 = tpu.bitcast %parallel_loop3A_298 : vector<16xf32> -> vector<16xi32>
      %parallel_loop3A_300 = arith.constant 31 : i32
      %parallel_loop3A_301 = vector.broadcast %parallel_loop3A_300 : i32 to vector<16xi32>
      %parallel_loop3A_302 = arith.shrsi %parallel_loop3A_299, %parallel_loop3A_301 : vector<16xi32>
      %parallel_loop3A_303 = arith.constant 2147483647 : i32
      %parallel_loop3A_304 = vector.broadcast %parallel_loop3A_303 : i32 to vector<16xi32>
      %parallel_loop3A_305 = arith.andi %parallel_loop3A_302, %parallel_loop3A_304 : vector<16xi32>
      %parallel_loop3A_306 = arith.xori %parallel_loop3A_299, %parallel_loop3A_305 : vector<16xi32>
      %parallel_loop3A_307 = arith.constant 22 : i32
      %parallel_loop3A_308 = vector.broadcast %parallel_loop3A_307 : i32 to vector<16xi32>
      %parallel_loop3A_309 = arith.shrsi %parallel_loop3A_306, %parallel_loop3A_308 : vector<16xi32>
      %parallel_loop3A_310 = arith.constant 512 : i32
      %parallel_loop3A_311 = vector.broadcast %parallel_loop3A_310 : i32 to vector<16xi32>
      %parallel_loop3A_312 = arith.addi %parallel_loop3A_309, %parallel_loop3A_311 : vector<16xi32>
      %parallel_loop3A_313 = arith.constant 4 : i32
      %parallel_loop3A_314 = vector.broadcast %parallel_loop3A_313 : i32 to vector<16xi32>
      %parallel_loop3A_315 = arith.shli %parallel_loop3A_312, %parallel_loop3A_314 : vector<16xi32>
      %parallel_loop3A_316 = arith.addi %parallel_loop3A_315, %iota3A : vector<16xi32>
      tpu.vector_store_idx %arg9[%parallel_loop3A_316], %broadcast_in_dim3A_1 {add = true} : memref<16384xi32, #tpu.memory_space<vmem>>[vector<16xi32>], vector<16xi32>,
    } {sc.loop_unroll_factor = 8 : i64, sc.parallel_access}
    %while3A = arith.constant 1023 : i32
    %while3A_21 = arith.constant 0 : i32
    %while3A_22:2 = scf.while (%while3A_265 = %while3A, %while3A_266 = %while3A_21) : (i32, i32) -> (i32, i32) {
      %lt3A = arith.constant 64 : i32
      %lt3A_267 = arith.cmpi slt, %while3A_266, %lt3A : i32
      scf.condition(%lt3A_267) %while3A_265, %while3A_266 : i32, i32
    } do {
    ^bb0(%while3A_265: i32, %while3A_266: i32):
      %mul3A_267 = arith.constant 16 : i32
      %mul3A_268 = arith.muli %while3A_265, %mul3A_267 : i32
      %get3A = arith.index_cast %mul3A_268 : i32 to index
      %get3A_269 = tpu.vector_load %arg9[%get3A] {strides = array<i32>} : memref<16384xi32, #tpu.memory_space<vmem>>, vector<16xi32>,
      %reduce_sum3A_270 = arith.constant true
      %reduce_sum3A_271 = vector.broadcast %reduce_sum3A_270 : i1 to vector<16xi1>
      %reduce_sum3A_272 = tpu.scan <sum>, %get3A_269 masked %reduce_sum3A_271 : vector<16xi32>, vector<16xi1> -> vector<16xi32>
      %reduce_sum3A_273 = vector.extract %reduce_sum3A_272[15] : i32 from vector<16xi32>
      %sub3A_274 = arith.constant 1 : i32
      %sub3A_275 = arith.subi %while3A_265, %sub3A_274 : i32
      %add3A_276 = arith.addi %while3A_266, %reduce_sum3A_273 : i32
      scf.yield %sub3A_275, %add3A_276 : i32, i32
    }
    %add3A_23 = arith.constant 1 : i32
    %add3A_24 = arith.addi %while3A_22#0, %add3A_23 : i32
    %sub3A = arith.constant 512 : i32
    %sub3A_25 = arith.subi %add3A_24, %sub3A : i32
    %shift_left3A = arith.constant 22 : i32
    %shift_left3A_26 = arith.shli %sub3A_25, %shift_left3A : i32
    %broadcast_in_dim3A_27 = arith.constant 0 : i32
    %broadcast_in_dim3A_28 = vector.broadcast %broadcast_in_dim3A_27 : i32 to vector<16xi32>
    %parallel_loop3A_29 = arith.constant 0 : i32
    %parallel_loop3A_30 = arith.constant 2048 : i32
    %parallel_loop3A_31 = arith.constant 1 : i32
    %parallel_loop3A_32 = scf.for %parallel_loop3A_265 = %parallel_loop3A_29 to %parallel_loop3A_30 step %parallel_loop3A_31 iter_args(%parallel_loop3A_266 = %broadcast_in_dim3A_28) -> (vector<16xi32>)  : i32 {
      %parallel_loop3A_267 = arith.constant 16 : i32
      %parallel_loop3A_268 = arith.muli %parallel_loop3A_265, %parallel_loop3A_267 : i32
      %parallel_loop3A_269 = arith.index_cast %parallel_loop3A_268 : i32 to index
      %parallel_loop3A_270 = tpu.vector_load %arg5[%parallel_loop3A_269] {strides = array<i32>} : memref<32768xf32, #tpu.memory_space<vmem>>, vector<16xf32>,
      %parallel_loop3A_271 = tpu.bitcast %parallel_loop3A_270 : vector<16xf32> -> vector<16xi32>
      %parallel_loop3A_272 = arith.constant 31 : i32
      %parallel_loop3A_273 = vector.broadcast %parallel_loop3A_272 : i32 to vector<16xi32>
      %parallel_loop3A_274 = arith.shrsi %parallel_loop3A_271, %parallel_loop3A_273 : vector<16xi32>
      %parallel_loop3A_275 = arith.constant 2147483647 : i32
      %parallel_loop3A_276 = vector.broadcast %parallel_loop3A_275 : i32 to vector<16xi32>
      %parallel_loop3A_277 = arith.andi %parallel_loop3A_274, %parallel_loop3A_276 : vector<16xi32>
      %parallel_loop3A_278 = arith.xori %parallel_loop3A_271, %parallel_loop3A_277 : vector<16xi32>
      %parallel_loop3A_279 = vector.broadcast %shift_left3A_26 : i32 to vector<16xi32>
      %parallel_loop3A_280 = arith.cmpi sge, %parallel_loop3A_278, %parallel_loop3A_279 : vector<16xi32>
      %parallel_loop3A_281 = arith.constant 1 : i32
      %parallel_loop3A_282 = arith.constant 0 : i32
      %parallel_loop3A_283 = vector.broadcast %parallel_loop3A_281 : i32 to vector<16xi32>
      %parallel_loop3A_284 = vector.broadcast %parallel_loop3A_282 : i32 to vector<16xi32>
      %parallel_loop3A_285 = arith.select %parallel_loop3A_280, %parallel_loop3A_283, %parallel_loop3A_284 : vector<16xi1>, vector<16xi32>
      %parallel_loop3A_286 = arith.constant true
      %parallel_loop3A_287 = vector.broadcast %parallel_loop3A_286 : i1 to vector<16xi1>
      %parallel_loop3A_288 = tpu.scan <sum>, %parallel_loop3A_285 masked %parallel_loop3A_287 : vector<16xi32>, vector<16xi1> -> vector<16xi32>
      %parallel_loop3A_289 = arith.addi %parallel_loop3A_266, %parallel_loop3A_288 : vector<16xi32>
      %parallel_loop3A_290 = arith.constant 1 : i32
      %parallel_loop3A_291 = vector.broadcast %parallel_loop3A_290 : i32 to vector<16xi32>
      %parallel_loop3A_292 = arith.subi %parallel_loop3A_289, %parallel_loop3A_291 : vector<16xi32>
      %parallel_loop3A_293 = arith.constant 4095 : i32
      %parallel_loop3A_294 = vector.broadcast %parallel_loop3A_293 : i32 to vector<16xi32>
      %parallel_loop3A_295 = arith.minsi %parallel_loop3A_292, %parallel_loop3A_294 : vector<16xi32>
      tpu.vector_store_idx %arg7[%parallel_loop3A_295], %parallel_loop3A_278 masked %parallel_loop3A_280 : memref<4096xi32, #tpu.memory_space<vmem>>[vector<16xi32>], vector<16xi32>, vector<16xi1>
      %parallel_loop3A_296 = arith.constant 16 : i32
      %parallel_loop3A_297 = arith.muli %parallel_loop3A_265, %parallel_loop3A_296 : i32
      %parallel_loop3A_298 = vector.broadcast %parallel_loop3A_297 : i32 to vector<16xi32>
      %parallel_loop3A_299 = arith.addi %iota3A, %parallel_loop3A_298 : vector<16xi32>
      tpu.vector_store_idx %arg8[%parallel_loop3A_295], %parallel_loop3A_299 masked %parallel_loop3A_280 : memref<4096xi32, #tpu.memory_space<vmem>>[vector<16xi32>], vector<16xi32>, vector<16xi1>
      %parallel_loop3A_300 = tpu.all_reduce %parallel_loop3A_280 {dim = 0 : i64, kind = #tpu.reduction_kind<sum>} : vector<16xi1> -> vector<16xi32>
      %parallel_loop3A_301 = arith.addi %parallel_loop3A_266, %parallel_loop3A_300 : vector<16xi32>
      scf.yield %parallel_loop3A_301 : vector<16xi32>
    } {sc.loop_unroll_factor = 8 : i64, sc.parallel_access}
    %reduce_max3A = arith.constant true
    %reduce_max3A_33 = vector.broadcast %reduce_max3A : i1 to vector<16xi1>
    %reduce_max3A_34 = arith.constant -2147483648 : i32
    %reduce_max3A_35 = vector.broadcast %reduce_max3A_34 : i32 to vector<16xi32>
    %reduce_max3A_36 = arith.xori %parallel_loop3A_32, %reduce_max3A_35 : vector<16xi32>
    %reduce_max3A_37 = tpu.scan <max>, %reduce_max3A_36 masked %reduce_max3A_33 : vector<16xi32>, vector<16xi1> -> vector<16xi32>
    %reduce_max3A_38 = arith.xori %reduce_max3A_37, %reduce_max3A_35 : vector<16xi32>
    %reduce_max3A_39 = vector.extract %reduce_max3A_38[15] : i32 from vector<16xi32>
    %add3A_40 = arith.constant 15 : i32
    %add3A_41 = arith.addi %reduce_max3A_39, %add3A_40 : i32
    %shift_right_arithmetic3A = arith.constant 4 : i32
    %shift_right_arithmetic3A_42 = arith.shrsi %add3A_41, %shift_right_arithmetic3A : i32
    %while3A_43 = arith.constant 2139095040 : i32
    %while3A_44:2 = scf.while (%while3A_265 = %shift_left3A_26, %while3A_266 = %while3A_43) : (i32, i32) -> (i32, i32) {
      %lt3A = arith.cmpi slt, %while3A_265, %while3A_266 : i32
      scf.condition(%lt3A) %while3A_265, %while3A_266 : i32, i32
    } do {
    ^bb0(%while3A_265: i32, %while3A_266: i32):
      %sub3A_267 = arith.subi %while3A_266, %while3A_265 : i32
      %add3A_268 = arith.constant 1 : i32
      %add3A_269 = arith.addi %sub3A_267, %add3A_268 : i32
      %shift_right_logical3A = arith.constant 1 : i32
      %shift_right_logical3A_270 = arith.shrui %add3A_269, %shift_right_logical3A : i32
      %add3A_271 = arith.addi %while3A_265, %shift_right_logical3A_270 : i32
      %broadcast_in_dim3A_272 = arith.constant 0 : i32
      %broadcast_in_dim3A_273 = vector.broadcast %broadcast_in_dim3A_272 : i32 to vector<16xi32>
      %parallel_loop3A_274 = arith.constant 0 : i32
      %parallel_loop3A_275 = arith.constant 1 : i32
      %parallel_loop3A_276 = scf.for %parallel_loop3A_285 = %parallel_loop3A_274 to %shift_right_arithmetic3A_42 step %parallel_loop3A_275 iter_args(%parallel_loop3A_286 = %broadcast_in_dim3A_273) -> (vector<16xi32>)  : i32 {
        %parallel_loop3A_287 = arith.constant 16 : i32
        %parallel_loop3A_288 = arith.muli %parallel_loop3A_285, %parallel_loop3A_287 : i32
        %parallel_loop3A_289 = arith.index_cast %parallel_loop3A_288 : i32 to index
        %parallel_loop3A_290 = tpu.vector_load %arg7[%parallel_loop3A_289] {strides = array<i32>} : memref<4096xi32, #tpu.memory_space<vmem>>, vector<16xi32>,
        %parallel_loop3A_291 = arith.constant 16 : i32
        %parallel_loop3A_292 = arith.muli %parallel_loop3A_285, %parallel_loop3A_291 : i32
        %parallel_loop3A_293 = arith.index_cast %parallel_loop3A_292 : i32 to index
        %parallel_loop3A_294 = tpu.vector_load %arg8[%parallel_loop3A_293] {strides = array<i32>} : memref<4096xi32, #tpu.memory_space<vmem>>, vector<16xi32>,
        %parallel_loop3A_295 = arith.constant 16 : i32
        %parallel_loop3A_296 = arith.muli %parallel_loop3A_285, %parallel_loop3A_295 : i32
        %parallel_loop3A_297 = vector.broadcast %parallel_loop3A_296 : i32 to vector<16xi32>
        %parallel_loop3A_298 = arith.addi %parallel_loop3A_297, %iota3A : vector<16xi32>
        %parallel_loop3A_299 = vector.broadcast %reduce_max3A_39 : i32 to vector<16xi32>
        %parallel_loop3A_300 = arith.cmpi slt, %parallel_loop3A_298, %parallel_loop3A_299 : vector<16xi32>
        %parallel_loop3A_301 = vector.broadcast %add3A_271 : i32 to vector<16xi32>
        %parallel_loop3A_302 = arith.cmpi sge, %parallel_loop3A_290, %parallel_loop3A_301 : vector<16xi32>
        %parallel_loop3A_303 = arith.andi %parallel_loop3A_300, %parallel_loop3A_302 : vector<16xi1>
        %parallel_loop3A_304 = arith.constant 1 : i32
        %parallel_loop3A_305 = arith.constant 0 : i32
        %parallel_loop3A_306 = vector.broadcast %parallel_loop3A_304 : i32 to vector<16xi32>
        %parallel_loop3A_307 = vector.broadcast %parallel_loop3A_305 : i32 to vector<16xi32>
        %parallel_loop3A_308 = arith.select %parallel_loop3A_303, %parallel_loop3A_306, %parallel_loop3A_307 : vector<16xi1>, vector<16xi32>
        %parallel_loop3A_309 = arith.addi %parallel_loop3A_286, %parallel_loop3A_308 : vector<16xi32>
        scf.yield %parallel_loop3A_309 : vector<16xi32>
      } {sc.loop_unroll_factor = 4 : i64, sc.parallel_access}
      %reduce_sum3A_277 = arith.constant true
      %reduce_sum3A_278 = vector.broadcast %reduce_sum3A_277 : i1 to vector<16xi1>
      %reduce_sum3A_279 = tpu.scan <sum>, %parallel_loop3A_276 masked %reduce_sum3A_278 : vector<16xi32>, vector<16xi1> -> vector<16xi32>
      %reduce_sum3A_280 = vector.extract %reduce_sum3A_279[15] : i32 from vector<16xi32>
      %ge3A = arith.constant 64 : i32
      %ge3A_281 = arith.cmpi sge, %reduce_sum3A_280, %ge3A : i32
      %select_n3A = arith.select %ge3A_281, %add3A_271, %while3A_265 : i32
      %sub3A_282 = arith.constant 1 : i32
      %sub3A_283 = arith.subi %add3A_271, %sub3A_282 : i32
      %select_n3A_284 = arith.select %ge3A_281, %while3A_266, %sub3A_283 : i32
      scf.yield %select_n3A, %select_n3A_284 : i32, i32
    }
    %broadcast_in_dim3A_45 = arith.constant 0 : i32
    %broadcast_in_dim3A_46 = vector.broadcast %broadcast_in_dim3A_45 : i32 to vector<16xi32>
    %parallel_loop3A_47 = arith.constant 0 : i32
    %parallel_loop3A_48 = arith.constant 1 : i32
    %parallel_loop3A_49 = scf.for %parallel_loop3A_265 = %parallel_loop3A_47 to %shift_right_arithmetic3A_42 step %parallel_loop3A_48 iter_args(%parallel_loop3A_266 = %broadcast_in_dim3A_46) -> (vector<16xi32>)  : i32 {
      %parallel_loop3A_267 = arith.constant 16 : i32
      %parallel_loop3A_268 = arith.muli %parallel_loop3A_265, %parallel_loop3A_267 : i32
      %parallel_loop3A_269 = arith.index_cast %parallel_loop3A_268 : i32 to index
      %parallel_loop3A_270 = tpu.vector_load %arg7[%parallel_loop3A_269] {strides = array<i32>} : memref<4096xi32, #tpu.memory_space<vmem>>, vector<16xi32>,
      %parallel_loop3A_271 = arith.constant 16 : i32
      %parallel_loop3A_272 = arith.muli %parallel_loop3A_265, %parallel_loop3A_271 : i32
      %parallel_loop3A_273 = arith.index_cast %parallel_loop3A_272 : i32 to index
      %parallel_loop3A_274 = tpu.vector_load %arg8[%parallel_loop3A_273] {strides = array<i32>} : memref<4096xi32, #tpu.memory_space<vmem>>, vector<16xi32>,
      %parallel_loop3A_275 = arith.constant 16 : i32
      %parallel_loop3A_276 = arith.muli %parallel_loop3A_265, %parallel_loop3A_275 : i32
      %parallel_loop3A_277 = vector.broadcast %parallel_loop3A_276 : i32 to vector<16xi32>
      %parallel_loop3A_278 = arith.addi %parallel_loop3A_277, %iota3A : vector<16xi32>
      %parallel_loop3A_279 = vector.broadcast %reduce_max3A_39 : i32 to vector<16xi32>
      %parallel_loop3A_280 = arith.cmpi slt, %parallel_loop3A_278, %parallel_loop3A_279 : vector<16xi32>
      %parallel_loop3A_281 = vector.broadcast %while3A_44#0 : i32 to vector<16xi32>
      %parallel_loop3A_282 = arith.cmpi sgt, %parallel_loop3A_270, %parallel_loop3A_281 : vector<16xi32>
      %parallel_loop3A_283 = arith.andi %parallel_loop3A_280, %parallel_loop3A_282 : vector<16xi1>
      %parallel_loop3A_284 = arith.constant 1 : i32
      %parallel_loop3A_285 = arith.constant 0 : i32
      %parallel_loop3A_286 = vector.broadcast %parallel_loop3A_284 : i32 to vector<16xi32>
      %parallel_loop3A_287 = vector.broadcast %parallel_loop3A_285 : i32 to vector<16xi32>
      %parallel_loop3A_288 = arith.select %parallel_loop3A_283, %parallel_loop3A_286, %parallel_loop3A_287 : vector<16xi1>, vector<16xi32>
      %parallel_loop3A_289 = arith.addi %parallel_loop3A_266, %parallel_loop3A_288 : vector<16xi32>
      scf.yield %parallel_loop3A_289 : vector<16xi32>
    } {sc.loop_unroll_factor = 4 : i64, sc.parallel_access}
    %reduce_sum3A = arith.constant true
    %reduce_sum3A_50 = vector.broadcast %reduce_sum3A : i1 to vector<16xi1>
    %reduce_sum3A_51 = tpu.scan <sum>, %parallel_loop3A_49 masked %reduce_sum3A_50 : vector<16xi32>, vector<16xi1> -> vector<16xi32>
    %reduce_sum3A_52 = vector.extract %reduce_sum3A_51[15] : i32 from vector<16xi32>
    %sub3A_53 = arith.constant 64 : i32
    %sub3A_54 = arith.subi %sub3A_53, %reduce_sum3A_52 : i32
    %while3A_55 = arith.constant 0 : i32
    %while3A_56 = arith.constant 32767 : i32
    %while3A_57:2 = scf.while (%while3A_265 = %while3A_55, %while3A_266 = %while3A_56) : (i32, i32) -> (i32, i32) {
      %lt3A = arith.cmpi slt, %while3A_265, %while3A_266 : i32
      scf.condition(%lt3A) %while3A_265, %while3A_266 : i32, i32
    } do {
    ^bb0(%while3A_265: i32, %while3A_266: i32):
      %add3A_267 = arith.addi %while3A_265, %while3A_266 : i32
      %shift_right_arithmetic3A_268 = arith.constant 1 : i32
      %shift_right_arithmetic3A_269 = arith.shrsi %add3A_267, %shift_right_arithmetic3A_268 : i32
      %broadcast_in_dim3A_270 = arith.constant 0 : i32
      %broadcast_in_dim3A_271 = vector.broadcast %broadcast_in_dim3A_270 : i32 to vector<16xi32>
      %parallel_loop3A_272 = arith.constant 0 : i32
      %parallel_loop3A_273 = arith.constant 1 : i32
      %parallel_loop3A_274 = scf.for %parallel_loop3A_282 = %parallel_loop3A_272 to %shift_right_arithmetic3A_42 step %parallel_loop3A_273 iter_args(%parallel_loop3A_283 = %broadcast_in_dim3A_271) -> (vector<16xi32>)  : i32 {
        %parallel_loop3A_284 = arith.constant 16 : i32
        %parallel_loop3A_285 = arith.muli %parallel_loop3A_282, %parallel_loop3A_284 : i32
        %parallel_loop3A_286 = arith.index_cast %parallel_loop3A_285 : i32 to index
        %parallel_loop3A_287 = tpu.vector_load %arg7[%parallel_loop3A_286] {strides = array<i32>} : memref<4096xi32, #tpu.memory_space<vmem>>, vector<16xi32>,
        %parallel_loop3A_288 = arith.constant 16 : i32
        %parallel_loop3A_289 = arith.muli %parallel_loop3A_282, %parallel_loop3A_288 : i32
        %parallel_loop3A_290 = arith.index_cast %parallel_loop3A_289 : i32 to index
        %parallel_loop3A_291 = tpu.vector_load %arg8[%parallel_loop3A_290] {strides = array<i32>} : memref<4096xi32, #tpu.memory_space<vmem>>, vector<16xi32>,
        %parallel_loop3A_292 = arith.constant 16 : i32
        %parallel_loop3A_293 = arith.muli %parallel_loop3A_282, %parallel_loop3A_292 : i32
        %parallel_loop3A_294 = vector.broadcast %parallel_loop3A_293 : i32 to vector<16xi32>
        %parallel_loop3A_295 = arith.addi %parallel_loop3A_294, %iota3A : vector<16xi32>
        %parallel_loop3A_296 = vector.broadcast %reduce_max3A_39 : i32 to vector<16xi32>
        %parallel_loop3A_297 = arith.cmpi slt, %parallel_loop3A_295, %parallel_loop3A_296 : vector<16xi32>
        %parallel_loop3A_298 = vector.broadcast %while3A_44#0 : i32 to vector<16xi32>
        %parallel_loop3A_299 = arith.cmpi eq, %parallel_loop3A_287, %parallel_loop3A_298 : vector<16xi32>
        %parallel_loop3A_300 = vector.broadcast %shift_right_arithmetic3A_269 : i32 to vector<16xi32>
        %parallel_loop3A_301 = arith.cmpi sle, %parallel_loop3A_291, %parallel_loop3A_300 : vector<16xi32>
        %parallel_loop3A_302 = arith.andi %parallel_loop3A_299, %parallel_loop3A_301 : vector<16xi1>
        %parallel_loop3A_303 = arith.andi %parallel_loop3A_297, %parallel_loop3A_302 : vector<16xi1>
        %parallel_loop3A_304 = arith.constant 1 : i32
        %parallel_loop3A_305 = arith.constant 0 : i32
        %parallel_loop3A_306 = vector.broadcast %parallel_loop3A_304 : i32 to vector<16xi32>
        %parallel_loop3A_307 = vector.broadcast %parallel_loop3A_305 : i32 to vector<16xi32>
        %parallel_loop3A_308 = arith.select %parallel_loop3A_303, %parallel_loop3A_306, %parallel_loop3A_307 : vector<16xi1>, vector<16xi32>
        %parallel_loop3A_309 = arith.addi %parallel_loop3A_283, %parallel_loop3A_308 : vector<16xi32>
        scf.yield %parallel_loop3A_309 : vector<16xi32>
      } {sc.loop_unroll_factor = 4 : i64, sc.parallel_access}
      %reduce_sum3A_275 = arith.constant true
      %reduce_sum3A_276 = vector.broadcast %reduce_sum3A_275 : i1 to vector<16xi1>
      %reduce_sum3A_277 = tpu.scan <sum>, %parallel_loop3A_274 masked %reduce_sum3A_276 : vector<16xi32>, vector<16xi1> -> vector<16xi32>
      %reduce_sum3A_278 = vector.extract %reduce_sum3A_277[15] : i32 from vector<16xi32>
      %ge3A = arith.cmpi sge, %reduce_sum3A_278, %sub3A_54 : i32
      %add3A_279 = arith.constant 1 : i32
      %add3A_280 = arith.addi %shift_right_arithmetic3A_269, %add3A_279 : i32
      %select_n3A = arith.select %ge3A, %while3A_265, %add3A_280 : i32
      %select_n3A_281 = arith.select %ge3A, %shift_right_arithmetic3A_269, %while3A_266 : i32
      scf.yield %select_n3A, %select_n3A_281 : i32, i32
    }
    %broadcast_in_dim3A_58 = arith.constant 0 : i32
    %broadcast_in_dim3A_59 = vector.broadcast %broadcast_in_dim3A_58 : i32 to vector<16xi32>
    %parallel_loop3A_60 = arith.constant 0 : i32
    %parallel_loop3A_61 = arith.constant 1 : i32
    %parallel_loop3A_62 = scf.for %parallel_loop3A_265 = %parallel_loop3A_60 to %shift_right_arithmetic3A_42 step %parallel_loop3A_61 iter_args(%parallel_loop3A_266 = %broadcast_in_dim3A_59) -> (vector<16xi32>)  : i32 {
      %parallel_loop3A_267 = arith.constant 16 : i32
      %parallel_loop3A_268 = arith.muli %parallel_loop3A_265, %parallel_loop3A_267 : i32
      %parallel_loop3A_269 = arith.index_cast %parallel_loop3A_268 : i32 to index
      %parallel_loop3A_270 = tpu.vector_load %arg7[%parallel_loop3A_269] {strides = array<i32>} : memref<4096xi32, #tpu.memory_space<vmem>>, vector<16xi32>,
      %parallel_loop3A_271 = arith.constant 16 : i32
      %parallel_loop3A_272 = arith.muli %parallel_loop3A_265, %parallel_loop3A_271 : i32
      %parallel_loop3A_273 = arith.index_cast %parallel_loop3A_272 : i32 to index
      %parallel_loop3A_274 = tpu.vector_load %arg8[%parallel_loop3A_273] {strides = array<i32>} : memref<4096xi32, #tpu.memory_space<vmem>>, vector<16xi32>,
      %parallel_loop3A_275 = arith.constant 16 : i32
      %parallel_loop3A_276 = arith.muli %parallel_loop3A_265, %parallel_loop3A_275 : i32
      %parallel_loop3A_277 = vector.broadcast %parallel_loop3A_276 : i32 to vector<16xi32>
      %parallel_loop3A_278 = arith.addi %parallel_loop3A_277, %iota3A : vector<16xi32>
      %parallel_loop3A_279 = vector.broadcast %reduce_max3A_39 : i32 to vector<16xi32>
      %parallel_loop3A_280 = arith.cmpi slt, %parallel_loop3A_278, %parallel_loop3A_279 : vector<16xi32>
      %parallel_loop3A_281 = vector.broadcast %while3A_44#0 : i32 to vector<16xi32>
      %parallel_loop3A_282 = arith.cmpi sgt, %parallel_loop3A_270, %parallel_loop3A_281 : vector<16xi32>
      %parallel_loop3A_283 = vector.broadcast %while3A_44#0 : i32 to vector<16xi32>
      %parallel_loop3A_284 = arith.cmpi eq, %parallel_loop3A_270, %parallel_loop3A_283 : vector<16xi32>
      %parallel_loop3A_285 = vector.broadcast %while3A_57#0 : i32 to vector<16xi32>
      %parallel_loop3A_286 = arith.cmpi sle, %parallel_loop3A_274, %parallel_loop3A_285 : vector<16xi32>
      %parallel_loop3A_287 = arith.andi %parallel_loop3A_284, %parallel_loop3A_286 : vector<16xi1>
      %parallel_loop3A_288 = arith.ori %parallel_loop3A_282, %parallel_loop3A_287 : vector<16xi1>
      %parallel_loop3A_289 = arith.andi %parallel_loop3A_280, %parallel_loop3A_288 : vector<16xi1>
      %parallel_loop3A_290 = arith.constant 1 : i32
      %parallel_loop3A_291 = arith.constant 0 : i32
      %parallel_loop3A_292 = vector.broadcast %parallel_loop3A_290 : i32 to vector<16xi32>
      %parallel_loop3A_293 = vector.broadcast %parallel_loop3A_291 : i32 to vector<16xi32>
      %parallel_loop3A_294 = arith.select %parallel_loop3A_289, %parallel_loop3A_292, %parallel_loop3A_293 : vector<16xi1>, vector<16xi32>
      %parallel_loop3A_295 = arith.constant true
      %parallel_loop3A_296 = vector.broadcast %parallel_loop3A_295 : i1 to vector<16xi1>
      %parallel_loop3A_297 = tpu.scan <sum>, %parallel_loop3A_294 masked %parallel_loop3A_296 : vector<16xi32>, vector<16xi1> -> vector<16xi32>
      %parallel_loop3A_298 = arith.addi %parallel_loop3A_266, %parallel_loop3A_297 : vector<16xi32>
      %parallel_loop3A_299 = arith.constant 1 : i32
      %parallel_loop3A_300 = vector.broadcast %parallel_loop3A_299 : i32 to vector<16xi32>
      %parallel_loop3A_301 = arith.subi %parallel_loop3A_298, %parallel_loop3A_300 : vector<16xi32>
      %parallel_loop3A_302 = arith.constant 63 : i32
      %parallel_loop3A_303 = vector.broadcast %parallel_loop3A_302 : i32 to vector<16xi32>
      %parallel_loop3A_304 = arith.minsi %parallel_loop3A_301, %parallel_loop3A_303 : vector<16xi32>
      %parallel_loop3A_305 = arith.constant 31 : i32
      %parallel_loop3A_306 = vector.broadcast %parallel_loop3A_305 : i32 to vector<16xi32>
      %parallel_loop3A_307 = arith.shrsi %parallel_loop3A_270, %parallel_loop3A_306 : vector<16xi32>
      %parallel_loop3A_308 = arith.constant 2147483647 : i32
      %parallel_loop3A_309 = vector.broadcast %parallel_loop3A_308 : i32 to vector<16xi32>
      %parallel_loop3A_310 = arith.andi %parallel_loop3A_307, %parallel_loop3A_309 : vector<16xi32>
      %parallel_loop3A_311 = arith.xori %parallel_loop3A_270, %parallel_loop3A_310 : vector<16xi32>
      %parallel_loop3A_312 = tpu.bitcast %parallel_loop3A_311 : vector<16xi32> -> vector<16xf32>
      tpu.vector_store_idx %arg10[%parallel_loop3A_304], %parallel_loop3A_312 masked %parallel_loop3A_289 : memref<64xf32, #tpu.memory_space<vmem>>[vector<16xi32>], vector<16xf32>, vector<16xi1>
      %parallel_loop3A_313 = arith.constant 32768 : i32
      %parallel_loop3A_314 = arith.muli %add3A_8, %parallel_loop3A_313 : i32
      %parallel_loop3A_315 = vector.broadcast %parallel_loop3A_314 : i32 to vector<16xi32>
      %parallel_loop3A_316 = arith.addi %parallel_loop3A_274, %parallel_loop3A_315 : vector<16xi32>
      tpu.vector_store_idx %arg11[%parallel_loop3A_304], %parallel_loop3A_316 masked %parallel_loop3A_289 : memref<64xi32, #tpu.memory_space<vmem>>[vector<16xi32>], vector<16xi32>, vector<16xi1>
      %parallel_loop3A_317 = tpu.all_reduce %parallel_loop3A_289 {dim = 0 : i64, kind = #tpu.reduction_kind<sum>} : vector<16xi1> -> vector<16xi32>
      %parallel_loop3A_318 = arith.addi %parallel_loop3A_266, %parallel_loop3A_317 : vector<16xi32>
      scf.yield %parallel_loop3A_318 : vector<16xi32>
    } {sc.loop_unroll_factor = 4 : i64, sc.parallel_access}
    %dma_start3A_63 = arith.constant 0 : i32
    %dma_start3A_64 = tpu.memref_slice %arg3[%dma_start3A_63] : memref<4194304xf32, #tpu.memory_space<hbm>> -> memref<4194304xf32, #tpu.memory_space<hbm>>
    tpu.enqueue_indirect_dma source(%arg10 : memref<64xf32, #tpu.memory_space<vmem>>) target(%dma_start3A_64 : memref<4194304xf32, #tpu.memory_space<hbm>>) offsets(%arg11 : memref<64xi32, #tpu.memory_space<vmem>>) semaphore(%arg12 : memref<!tpu.dma_semaphore, #tpu.memory_space<semaphore_mem>>)
    %dma_wait3A_65 = arith.constant 0 : i32
    %dma_wait3A_66 = tpu.memref_slice %arg3[%dma_wait3A_65] : memref<4194304xf32, #tpu.memory_space<hbm>> -> memref<4194304xf32, #tpu.memory_space<hbm>>
    tpu.wait_indirect_dma semaphore(%arg12 : memref<!tpu.dma_semaphore, #tpu.memory_space<semaphore_mem>>) src(%arg10 : memref<64xf32, #tpu.memory_space<vmem>>) dst(%dma_wait3A_66 : memref<4194304xf32, #tpu.memory_space<hbm>>)
    %add3A_67 = arith.constant 1 : i32
    %add3A_68 = arith.addi %mul3A_3, %add3A_67 : i32
    %dma_wait3A_69 = tpu.memref_slice %arg2[%mul3A_13] : memref<4194304xf32, #tpu.memory_space<hbm>> -> memref<32768xf32, #tpu.memory_space<hbm>>
    %dma_wait3A_70 = tpu.memref_slice %arg2[%mul3A_13] : memref<4194304xf32, #tpu.memory_space<hbm>> -> memref<32768xf32, #tpu.memory_space<hbm>>
    tpu.wait_dma2 semaphore(%arg14 : memref<!tpu.dma_semaphore, #tpu.memory_space<semaphore_mem>>) src(%dma_wait3A_70 : memref<32768xf32, #tpu.memory_space<hbm>>) dst(%arg6 : memref<32768xf32, #tpu.memory_space<vmem>>)
    %add3A_71 = arith.constant 1 : i32
    %add3A_72 = arith.addi %add3A_68, %add3A_71 : i32
    %mul3A_73 = arith.constant 32768 : i32
    %mul3A_74 = arith.muli %add3A_72, %mul3A_73 : i32
    %dma_start3A_75 = tpu.memref_slice %arg2[%mul3A_74] : memref<4194304xf32, #tpu.memory_space<hbm>> -> memref<32768xf32, #tpu.memory_space<hbm>>
    %dma_start3A_76 = tpu.memref_slice %arg2[%mul3A_74] : memref<4194304xf32, #tpu.memory_space<hbm>> -> memref<32768xf32, #tpu.memory_space<hbm>>
    tpu.enqueue_dma source(%dma_start3A_76 : memref<32768xf32, #tpu.memory_space<hbm>>) target(%arg5 : memref<32768xf32, #tpu.memory_space<vmem>>) target_semaphore(%arg13 : memref<!tpu.dma_semaphore, #tpu.memory_space<semaphore_mem>>)
    %parallel_loop3A_77 = arith.constant 0 : i32
    %parallel_loop3A_78 = arith.constant 1024 : i32
    %parallel_loop3A_79 = arith.constant 1 : i32
    scf.for %parallel_loop3A_265 = %parallel_loop3A_77 to %parallel_loop3A_78 step %parallel_loop3A_79  : i32 {
      %parallel_loop3A_266 = arith.constant 0 : i32
      %parallel_loop3A_267 = vector.broadcast %parallel_loop3A_266 : i32 to vector<16xi32>
      %parallel_loop3A_268 = arith.constant 16 : i32
      %parallel_loop3A_269 = arith.muli %parallel_loop3A_265, %parallel_loop3A_268 : i32
      %parallel_loop3A_270 = arith.index_cast %parallel_loop3A_269 : i32 to index
      %parallel_loop3A_271 = tpu.vector_load %arg9[%parallel_loop3A_270] {strides = array<i32>} : memref<16384xi32, #tpu.memory_space<vmem>>, vector<16xi32>,
      tpu.vector_store %arg9[%parallel_loop3A_270], %parallel_loop3A_267 {strides = array<i32>} : memref<16384xi32, #tpu.memory_space<vmem>>, vector<16xi32>,
    } {sc.loop_unroll_factor = 8 : i64, sc.parallel_access}
    %parallel_loop3A_80 = arith.constant 0 : i32
    %parallel_loop3A_81 = arith.constant 512 : i32
    %parallel_loop3A_82 = arith.constant 1 : i32
    scf.for %parallel_loop3A_265 = %parallel_loop3A_80 to %parallel_loop3A_81 step %parallel_loop3A_82  : i32 {
      %parallel_loop3A_266 = arith.constant 4 : i32
      %parallel_loop3A_267 = arith.muli %parallel_loop3A_265, %parallel_loop3A_266 : i32
      %parallel_loop3A_268 = arith.constant 16 : i32
      %parallel_loop3A_269 = arith.muli %parallel_loop3A_267, %parallel_loop3A_268 : i32
      %parallel_loop3A_270 = arith.index_cast %parallel_loop3A_269 : i32 to index
      %parallel_loop3A_271 = tpu.vector_load %arg6[%parallel_loop3A_270] {strides = array<i32>} : memref<32768xf32, #tpu.memory_space<vmem>>, vector<16xf32>,
      %parallel_loop3A_272 = arith.constant 4 : i32
      %parallel_loop3A_273 = arith.muli %parallel_loop3A_265, %parallel_loop3A_272 : i32
      %parallel_loop3A_274 = arith.constant 1 : i32
      %parallel_loop3A_275 = arith.addi %parallel_loop3A_273, %parallel_loop3A_274 : i32
      %parallel_loop3A_276 = arith.constant 16 : i32
      %parallel_loop3A_277 = arith.muli %parallel_loop3A_275, %parallel_loop3A_276 : i32
      %parallel_loop3A_278 = arith.index_cast %parallel_loop3A_277 : i32 to index
      %parallel_loop3A_279 = tpu.vector_load %arg6[%parallel_loop3A_278] {strides = array<i32>} : memref<32768xf32, #tpu.memory_space<vmem>>, vector<16xf32>,
      %parallel_loop3A_280 = arith.constant 4 : i32
      %parallel_loop3A_281 = arith.muli %parallel_loop3A_265, %parallel_loop3A_280 : i32
      %parallel_loop3A_282 = arith.constant 2 : i32
      %parallel_loop3A_283 = arith.addi %parallel_loop3A_281, %parallel_loop3A_282 : i32
      %parallel_loop3A_284 = arith.constant 16 : i32
      %parallel_loop3A_285 = arith.muli %parallel_loop3A_283, %parallel_loop3A_284 : i32
      %parallel_loop3A_286 = arith.index_cast %parallel_loop3A_285 : i32 to index
      %parallel_loop3A_287 = tpu.vector_load %arg6[%parallel_loop3A_286] {strides = array<i32>} : memref<32768xf32, #tpu.memory_space<vmem>>, vector<16xf32>,
      %parallel_loop3A_288 = arith.constant 4 : i32
      %parallel_loop3A_289 = arith.muli %parallel_loop3A_265, %parallel_loop3A_288 : i32
      %parallel_loop3A_290 = arith.constant 3 : i32
      %parallel_loop3A_291 = arith.addi %parallel_loop3A_289, %parallel_loop3A_290 : i32
      %parallel_loop3A_292 = arith.constant 16 : i32
      %parallel_loop3A_293 = arith.muli %parallel_loop3A_291, %parallel_loop3A_292 : i32
      %parallel_loop3A_294 = arith.index_cast %parallel_loop3A_293 : i32 to index
      %parallel_loop3A_295 = tpu.vector_load %arg6[%parallel_loop3A_294] {strides = array<i32>} : memref<32768xf32, #tpu.memory_space<vmem>>, vector<16xf32>,
      %parallel_loop3A_296 = arith.maximumf %parallel_loop3A_271, %parallel_loop3A_279 : vector<16xf32>
      %parallel_loop3A_297 = arith.maximumf %parallel_loop3A_287, %parallel_loop3A_295 : vector<16xf32>
      %parallel_loop3A_298 = arith.maximumf %parallel_loop3A_296, %parallel_loop3A_297 : vector<16xf32>
      %parallel_loop3A_299 = tpu.bitcast %parallel_loop3A_298 : vector<16xf32> -> vector<16xi32>
      %parallel_loop3A_300 = arith.constant 31 : i32
      %parallel_loop3A_301 = vector.broadcast %parallel_loop3A_300 : i32 to vector<16xi32>
      %parallel_loop3A_302 = arith.shrsi %parallel_loop3A_299, %parallel_loop3A_301 : vector<16xi32>
      %parallel_loop3A_303 = arith.constant 2147483647 : i32
      %parallel_loop3A_304 = vector.broadcast %parallel_loop3A_303 : i32 to vector<16xi32>
      %parallel_loop3A_305 = arith.andi %parallel_loop3A_302, %parallel_loop3A_304 : vector<16xi32>
      %parallel_loop3A_306 = arith.xori %parallel_loop3A_299, %parallel_loop3A_305 : vector<16xi32>
      %parallel_loop3A_307 = arith.constant 22 : i32
      %parallel_loop3A_308 = vector.broadcast %parallel_loop3A_307 : i32 to vector<16xi32>
      %parallel_loop3A_309 = arith.shrsi %parallel_loop3A_306, %parallel_loop3A_308 : vector<16xi32>
      %parallel_loop3A_310 = arith.constant 512 : i32
      %parallel_loop3A_311 = vector.broadcast %parallel_loop3A_310 : i32 to vector<16xi32>
      %parallel_loop3A_312 = arith.addi %parallel_loop3A_309, %parallel_loop3A_311 : vector<16xi32>
      %parallel_loop3A_313 = arith.constant 4 : i32
      %parallel_loop3A_314 = vector.broadcast %parallel_loop3A_313 : i32 to vector<16xi32>
      %parallel_loop3A_315 = arith.shli %parallel_loop3A_312, %parallel_loop3A_314 : vector<16xi32>
      %parallel_loop3A_316 = arith.addi %parallel_loop3A_315, %iota3A : vector<16xi32>
      tpu.vector_store_idx %arg9[%parallel_loop3A_316], %broadcast_in_dim3A_1 {add = true} : memref<16384xi32, #tpu.memory_space<vmem>>[vector<16xi32>], vector<16xi32>,
    } {sc.loop_unroll_factor = 8 : i64, sc.parallel_access}
    %while3A_83 = arith.constant 1023 : i32
    %while3A_84 = arith.constant 0 : i32
    %while3A_85:2 = scf.while (%while3A_265 = %while3A_83, %while3A_266 = %while3A_84) : (i32, i32) -> (i32, i32) {
      %lt3A = arith.constant 64 : i32
      %lt3A_267 = arith.cmpi slt, %while3A_266, %lt3A : i32
      scf.condition(%lt3A_267) %while3A_265, %while3A_266 : i32, i32
    } do {
    ^bb0(%while3A_265: i32, %while3A_266: i32):
      %mul3A_267 = arith.constant 16 : i32
      %mul3A_268 = arith.muli %while3A_265, %mul3A_267 : i32
      %get3A = arith.index_cast %mul3A_268 : i32 to index
      %get3A_269 = tpu.vector_load %arg9[%get3A] {strides = array<i32>} : memref<16384xi32, #tpu.memory_space<vmem>>, vector<16xi32>,
      %reduce_sum3A_270 = arith.constant true
      %reduce_sum3A_271 = vector.broadcast %reduce_sum3A_270 : i1 to vector<16xi1>
      %reduce_sum3A_272 = tpu.scan <sum>, %get3A_269 masked %reduce_sum3A_271 : vector<16xi32>, vector<16xi1> -> vector<16xi32>
      %reduce_sum3A_273 = vector.extract %reduce_sum3A_272[15] : i32 from vector<16xi32>
      %sub3A_274 = arith.constant 1 : i32
      %sub3A_275 = arith.subi %while3A_265, %sub3A_274 : i32
      %add3A_276 = arith.addi %while3A_266, %reduce_sum3A_273 : i32
      scf.yield %sub3A_275, %add3A_276 : i32, i32
    }
    %add3A_86 = arith.constant 1 : i32
    %add3A_87 = arith.addi %while3A_85#0, %add3A_86 : i32
    %sub3A_88 = arith.constant 512 : i32
    %sub3A_89 = arith.subi %add3A_87, %sub3A_88 : i32
    %shift_left3A_90 = arith.constant 22 : i32
    %shift_left3A_91 = arith.shli %sub3A_89, %shift_left3A_90 : i32
    %broadcast_in_dim3A_92 = arith.constant 0 : i32
    %broadcast_in_dim3A_93 = vector.broadcast %broadcast_in_dim3A_92 : i32 to vector<16xi32>
    %parallel_loop3A_94 = arith.constant 0 : i32
    %parallel_loop3A_95 = arith.constant 2048 : i32
    %parallel_loop3A_96 = arith.constant 1 : i32
    %parallel_loop3A_97 = scf.for %parallel_loop3A_265 = %parallel_loop3A_94 to %parallel_loop3A_95 step %parallel_loop3A_96 iter_args(%parallel_loop3A_266 = %broadcast_in_dim3A_93) -> (vector<16xi32>)  : i32 {
      %parallel_loop3A_267 = arith.constant 16 : i32
      %parallel_loop3A_268 = arith.muli %parallel_loop3A_265, %parallel_loop3A_267 : i32
      %parallel_loop3A_269 = arith.index_cast %parallel_loop3A_268 : i32 to index
      %parallel_loop3A_270 = tpu.vector_load %arg6[%parallel_loop3A_269] {strides = array<i32>} : memref<32768xf32, #tpu.memory_space<vmem>>, vector<16xf32>,
      %parallel_loop3A_271 = tpu.bitcast %parallel_loop3A_270 : vector<16xf32> -> vector<16xi32>
      %parallel_loop3A_272 = arith.constant 31 : i32
      %parallel_loop3A_273 = vector.broadcast %parallel_loop3A_272 : i32 to vector<16xi32>
      %parallel_loop3A_274 = arith.shrsi %parallel_loop3A_271, %parallel_loop3A_273 : vector<16xi32>
      %parallel_loop3A_275 = arith.constant 2147483647 : i32
      %parallel_loop3A_276 = vector.broadcast %parallel_loop3A_275 : i32 to vector<16xi32>
      %parallel_loop3A_277 = arith.andi %parallel_loop3A_274, %parallel_loop3A_276 : vector<16xi32>
      %parallel_loop3A_278 = arith.xori %parallel_loop3A_271, %parallel_loop3A_277 : vector<16xi32>
      %parallel_loop3A_279 = vector.broadcast %shift_left3A_91 : i32 to vector<16xi32>
      %parallel_loop3A_280 = arith.cmpi sge, %parallel_loop3A_278, %parallel_loop3A_279 : vector<16xi32>
      %parallel_loop3A_281 = arith.constant 1 : i32
      %parallel_loop3A_282 = arith.constant 0 : i32
      %parallel_loop3A_283 = vector.broadcast %parallel_loop3A_281 : i32 to vector<16xi32>
      %parallel_loop3A_284 = vector.broadcast %parallel_loop3A_282 : i32 to vector<16xi32>
      %parallel_loop3A_285 = arith.select %parallel_loop3A_280, %parallel_loop3A_283, %parallel_loop3A_284 : vector<16xi1>, vector<16xi32>
      %parallel_loop3A_286 = arith.constant true
      %parallel_loop3A_287 = vector.broadcast %parallel_loop3A_286 : i1 to vector<16xi1>
      %parallel_loop3A_288 = tpu.scan <sum>, %parallel_loop3A_285 masked %parallel_loop3A_287 : vector<16xi32>, vector<16xi1> -> vector<16xi32>
      %parallel_loop3A_289 = arith.addi %parallel_loop3A_266, %parallel_loop3A_288 : vector<16xi32>
      %parallel_loop3A_290 = arith.constant 1 : i32
      %parallel_loop3A_291 = vector.broadcast %parallel_loop3A_290 : i32 to vector<16xi32>
      %parallel_loop3A_292 = arith.subi %parallel_loop3A_289, %parallel_loop3A_291 : vector<16xi32>
      %parallel_loop3A_293 = arith.constant 4095 : i32
      %parallel_loop3A_294 = vector.broadcast %parallel_loop3A_293 : i32 to vector<16xi32>
      %parallel_loop3A_295 = arith.minsi %parallel_loop3A_292, %parallel_loop3A_294 : vector<16xi32>
      tpu.vector_store_idx %arg7[%parallel_loop3A_295], %parallel_loop3A_278 masked %parallel_loop3A_280 : memref<4096xi32, #tpu.memory_space<vmem>>[vector<16xi32>], vector<16xi32>, vector<16xi1>
      %parallel_loop3A_296 = arith.constant 16 : i32
      %parallel_loop3A_297 = arith.muli %parallel_loop3A_265, %parallel_loop3A_296 : i32
      %parallel_loop3A_298 = vector.broadcast %parallel_loop3A_297 : i32 to vector<16xi32>
      %parallel_loop3A_299 = arith.addi %iota3A, %parallel_loop3A_298 : vector<16xi32>
      tpu.vector_store_idx %arg8[%parallel_loop3A_295], %parallel_loop3A_299 masked %parallel_loop3A_280 : memref<4096xi32, #tpu.memory_space<vmem>>[vector<16xi32>], vector<16xi32>, vector<16xi1>
      %parallel_loop3A_300 = tpu.all_reduce %parallel_loop3A_280 {dim = 0 : i64, kind = #tpu.reduction_kind<sum>} : vector<16xi1> -> vector<16xi32>
      %parallel_loop3A_301 = arith.addi %parallel_loop3A_266, %parallel_loop3A_300 : vector<16xi32>
      scf.yield %parallel_loop3A_301 : vector<16xi32>
    } {sc.loop_unroll_factor = 8 : i64, sc.parallel_access}
    %reduce_max3A_98 = arith.constant true
    %reduce_max3A_99 = vector.broadcast %reduce_max3A_98 : i1 to vector<16xi1>
    %reduce_max3A_100 = arith.constant -2147483648 : i32
    %reduce_max3A_101 = vector.broadcast %reduce_max3A_100 : i32 to vector<16xi32>
    %reduce_max3A_102 = arith.xori %parallel_loop3A_97, %reduce_max3A_101 : vector<16xi32>
    %reduce_max3A_103 = tpu.scan <max>, %reduce_max3A_102 masked %reduce_max3A_99 : vector<16xi32>, vector<16xi1> -> vector<16xi32>
    %reduce_max3A_104 = arith.xori %reduce_max3A_103, %reduce_max3A_101 : vector<16xi32>
    %reduce_max3A_105 = vector.extract %reduce_max3A_104[15] : i32 from vector<16xi32>
    %add3A_106 = arith.constant 15 : i32
    %add3A_107 = arith.addi %reduce_max3A_105, %add3A_106 : i32
    %shift_right_arithmetic3A_108 = arith.constant 4 : i32
    %shift_right_arithmetic3A_109 = arith.shrsi %add3A_107, %shift_right_arithmetic3A_108 : i32
    %while3A_110 = arith.constant 2139095040 : i32
    %while3A_111:2 = scf.while (%while3A_265 = %shift_left3A_91, %while3A_266 = %while3A_110) : (i32, i32) -> (i32, i32) {
      %lt3A = arith.cmpi slt, %while3A_265, %while3A_266 : i32
      scf.condition(%lt3A) %while3A_265, %while3A_266 : i32, i32
    } do {
    ^bb0(%while3A_265: i32, %while3A_266: i32):
      %sub3A_267 = arith.subi %while3A_266, %while3A_265 : i32
      %add3A_268 = arith.constant 1 : i32
      %add3A_269 = arith.addi %sub3A_267, %add3A_268 : i32
      %shift_right_logical3A = arith.constant 1 : i32
      %shift_right_logical3A_270 = arith.shrui %add3A_269, %shift_right_logical3A : i32
      %add3A_271 = arith.addi %while3A_265, %shift_right_logical3A_270 : i32
      %broadcast_in_dim3A_272 = arith.constant 0 : i32
      %broadcast_in_dim3A_273 = vector.broadcast %broadcast_in_dim3A_272 : i32 to vector<16xi32>
      %parallel_loop3A_274 = arith.constant 0 : i32
      %parallel_loop3A_275 = arith.constant 1 : i32
      %parallel_loop3A_276 = scf.for %parallel_loop3A_285 = %parallel_loop3A_274 to %shift_right_arithmetic3A_109 step %parallel_loop3A_275 iter_args(%parallel_loop3A_286 = %broadcast_in_dim3A_273) -> (vector<16xi32>)  : i32 {
        %parallel_loop3A_287 = arith.constant 16 : i32
        %parallel_loop3A_288 = arith.muli %parallel_loop3A_285, %parallel_loop3A_287 : i32
        %parallel_loop3A_289 = arith.index_cast %parallel_loop3A_288 : i32 to index
        %parallel_loop3A_290 = tpu.vector_load %arg7[%parallel_loop3A_289] {strides = array<i32>} : memref<4096xi32, #tpu.memory_space<vmem>>, vector<16xi32>,
        %parallel_loop3A_291 = arith.constant 16 : i32
        %parallel_loop3A_292 = arith.muli %parallel_loop3A_285, %parallel_loop3A_291 : i32
        %parallel_loop3A_293 = arith.index_cast %parallel_loop3A_292 : i32 to index
        %parallel_loop3A_294 = tpu.vector_load %arg8[%parallel_loop3A_293] {strides = array<i32>} : memref<4096xi32, #tpu.memory_space<vmem>>, vector<16xi32>,
        %parallel_loop3A_295 = arith.constant 16 : i32
        %parallel_loop3A_296 = arith.muli %parallel_loop3A_285, %parallel_loop3A_295 : i32
        %parallel_loop3A_297 = vector.broadcast %parallel_loop3A_296 : i32 to vector<16xi32>
        %parallel_loop3A_298 = arith.addi %parallel_loop3A_297, %iota3A : vector<16xi32>
        %parallel_loop3A_299 = vector.broadcast %reduce_max3A_105 : i32 to vector<16xi32>
        %parallel_loop3A_300 = arith.cmpi slt, %parallel_loop3A_298, %parallel_loop3A_299 : vector<16xi32>
        %parallel_loop3A_301 = vector.broadcast %add3A_271 : i32 to vector<16xi32>
        %parallel_loop3A_302 = arith.cmpi sge, %parallel_loop3A_290, %parallel_loop3A_301 : vector<16xi32>
        %parallel_loop3A_303 = arith.andi %parallel_loop3A_300, %parallel_loop3A_302 : vector<16xi1>
        %parallel_loop3A_304 = arith.constant 1 : i32
        %parallel_loop3A_305 = arith.constant 0 : i32
        %parallel_loop3A_306 = vector.broadcast %parallel_loop3A_304 : i32 to vector<16xi32>
        %parallel_loop3A_307 = vector.broadcast %parallel_loop3A_305 : i32 to vector<16xi32>
        %parallel_loop3A_308 = arith.select %parallel_loop3A_303, %parallel_loop3A_306, %parallel_loop3A_307 : vector<16xi1>, vector<16xi32>
        %parallel_loop3A_309 = arith.addi %parallel_loop3A_286, %parallel_loop3A_308 : vector<16xi32>
        scf.yield %parallel_loop3A_309 : vector<16xi32>
      } {sc.loop_unroll_factor = 4 : i64, sc.parallel_access}
      %reduce_sum3A_277 = arith.constant true
      %reduce_sum3A_278 = vector.broadcast %reduce_sum3A_277 : i1 to vector<16xi1>
      %reduce_sum3A_279 = tpu.scan <sum>, %parallel_loop3A_276 masked %reduce_sum3A_278 : vector<16xi32>, vector<16xi1> -> vector<16xi32>
      %reduce_sum3A_280 = vector.extract %reduce_sum3A_279[15] : i32 from vector<16xi32>
      %ge3A = arith.constant 64 : i32
      %ge3A_281 = arith.cmpi sge, %reduce_sum3A_280, %ge3A : i32
      %select_n3A = arith.select %ge3A_281, %add3A_271, %while3A_265 : i32
      %sub3A_282 = arith.constant 1 : i32
      %sub3A_283 = arith.subi %add3A_271, %sub3A_282 : i32
      %select_n3A_284 = arith.select %ge3A_281, %while3A_266, %sub3A_283 : i32
      scf.yield %select_n3A, %select_n3A_284 : i32, i32
    }
    %broadcast_in_dim3A_112 = arith.constant 0 : i32
    %broadcast_in_dim3A_113 = vector.broadcast %broadcast_in_dim3A_112 : i32 to vector<16xi32>
    %parallel_loop3A_114 = arith.constant 0 : i32
    %parallel_loop3A_115 = arith.constant 1 : i32
    %parallel_loop3A_116 = scf.for %parallel_loop3A_265 = %parallel_loop3A_114 to %shift_right_arithmetic3A_109 step %parallel_loop3A_115 iter_args(%parallel_loop3A_266 = %broadcast_in_dim3A_113) -> (vector<16xi32>)  : i32 {
      %parallel_loop3A_267 = arith.constant 16 : i32
      %parallel_loop3A_268 = arith.muli %parallel_loop3A_265, %parallel_loop3A_267 : i32
      %parallel_loop3A_269 = arith.index_cast %parallel_loop3A_268 : i32 to index
      %parallel_loop3A_270 = tpu.vector_load %arg7[%parallel_loop3A_269] {strides = array<i32>} : memref<4096xi32, #tpu.memory_space<vmem>>, vector<16xi32>,
      %parallel_loop3A_271 = arith.constant 16 : i32
      %parallel_loop3A_272 = arith.muli %parallel_loop3A_265, %parallel_loop3A_271 : i32
      %parallel_loop3A_273 = arith.index_cast %parallel_loop3A_272 : i32 to index
      %parallel_loop3A_274 = tpu.vector_load %arg8[%parallel_loop3A_273] {strides = array<i32>} : memref<4096xi32, #tpu.memory_space<vmem>>, vector<16xi32>,
      %parallel_loop3A_275 = arith.constant 16 : i32
      %parallel_loop3A_276 = arith.muli %parallel_loop3A_265, %parallel_loop3A_275 : i32
      %parallel_loop3A_277 = vector.broadcast %parallel_loop3A_276 : i32 to vector<16xi32>
      %parallel_loop3A_278 = arith.addi %parallel_loop3A_277, %iota3A : vector<16xi32>
      %parallel_loop3A_279 = vector.broadcast %reduce_max3A_105 : i32 to vector<16xi32>
      %parallel_loop3A_280 = arith.cmpi slt, %parallel_loop3A_278, %parallel_loop3A_279 : vector<16xi32>
      %parallel_loop3A_281 = vector.broadcast %while3A_111#0 : i32 to vector<16xi32>
      %parallel_loop3A_282 = arith.cmpi sgt, %parallel_loop3A_270, %parallel_loop3A_281 : vector<16xi32>
      %parallel_loop3A_283 = arith.andi %parallel_loop3A_280, %parallel_loop3A_282 : vector<16xi1>
      %parallel_loop3A_284 = arith.constant 1 : i32
      %parallel_loop3A_285 = arith.constant 0 : i32
      %parallel_loop3A_286 = vector.broadcast %parallel_loop3A_284 : i32 to vector<16xi32>
      %parallel_loop3A_287 = vector.broadcast %parallel_loop3A_285 : i32 to vector<16xi32>
      %parallel_loop3A_288 = arith.select %parallel_loop3A_283, %parallel_loop3A_286, %parallel_loop3A_287 : vector<16xi1>, vector<16xi32>
      %parallel_loop3A_289 = arith.addi %parallel_loop3A_266, %parallel_loop3A_288 : vector<16xi32>
      scf.yield %parallel_loop3A_289 : vector<16xi32>
    } {sc.loop_unroll_factor = 4 : i64, sc.parallel_access}
    %reduce_sum3A_117 = arith.constant true
    %reduce_sum3A_118 = vector.broadcast %reduce_sum3A_117 : i1 to vector<16xi1>
    %reduce_sum3A_119 = tpu.scan <sum>, %parallel_loop3A_116 masked %reduce_sum3A_118 : vector<16xi32>, vector<16xi1> -> vector<16xi32>
    %reduce_sum3A_120 = vector.extract %reduce_sum3A_119[15] : i32 from vector<16xi32>
    %sub3A_121 = arith.constant 64 : i32
    %sub3A_122 = arith.subi %sub3A_121, %reduce_sum3A_120 : i32
    %while3A_123 = arith.constant 0 : i32
    %while3A_124 = arith.constant 32767 : i32
    %while3A_125:2 = scf.while (%while3A_265 = %while3A_123, %while3A_266 = %while3A_124) : (i32, i32) -> (i32, i32) {
      %lt3A = arith.cmpi slt, %while3A_265, %while3A_266 : i32
      scf.condition(%lt3A) %while3A_265, %while3A_266 : i32, i32
    } do {
    ^bb0(%while3A_265: i32, %while3A_266: i32):
      %add3A_267 = arith.addi %while3A_265, %while3A_266 : i32
      %shift_right_arithmetic3A_268 = arith.constant 1 : i32
      %shift_right_arithmetic3A_269 = arith.shrsi %add3A_267, %shift_right_arithmetic3A_268 : i32
      %broadcast_in_dim3A_270 = arith.constant 0 : i32
      %broadcast_in_dim3A_271 = vector.broadcast %broadcast_in_dim3A_270 : i32 to vector<16xi32>
      %parallel_loop3A_272 = arith.constant 0 : i32
      %parallel_loop3A_273 = arith.constant 1 : i32
      %parallel_loop3A_274 = scf.for %parallel_loop3A_282 = %parallel_loop3A_272 to %shift_right_arithmetic3A_109 step %parallel_loop3A_273 iter_args(%parallel_loop3A_283 = %broadcast_in_dim3A_271) -> (vector<16xi32>)  : i32 {
        %parallel_loop3A_284 = arith.constant 16 : i32
        %parallel_loop3A_285 = arith.muli %parallel_loop3A_282, %parallel_loop3A_284 : i32
        %parallel_loop3A_286 = arith.index_cast %parallel_loop3A_285 : i32 to index
        %parallel_loop3A_287 = tpu.vector_load %arg7[%parallel_loop3A_286] {strides = array<i32>} : memref<4096xi32, #tpu.memory_space<vmem>>, vector<16xi32>,
        %parallel_loop3A_288 = arith.constant 16 : i32
        %parallel_loop3A_289 = arith.muli %parallel_loop3A_282, %parallel_loop3A_288 : i32
        %parallel_loop3A_290 = arith.index_cast %parallel_loop3A_289 : i32 to index
        %parallel_loop3A_291 = tpu.vector_load %arg8[%parallel_loop3A_290] {strides = array<i32>} : memref<4096xi32, #tpu.memory_space<vmem>>, vector<16xi32>,
        %parallel_loop3A_292 = arith.constant 16 : i32
        %parallel_loop3A_293 = arith.muli %parallel_loop3A_282, %parallel_loop3A_292 : i32
        %parallel_loop3A_294 = vector.broadcast %parallel_loop3A_293 : i32 to vector<16xi32>
        %parallel_loop3A_295 = arith.addi %parallel_loop3A_294, %iota3A : vector<16xi32>
        %parallel_loop3A_296 = vector.broadcast %reduce_max3A_105 : i32 to vector<16xi32>
        %parallel_loop3A_297 = arith.cmpi slt, %parallel_loop3A_295, %parallel_loop3A_296 : vector<16xi32>
        %parallel_loop3A_298 = vector.broadcast %while3A_111#0 : i32 to vector<16xi32>
        %parallel_loop3A_299 = arith.cmpi eq, %parallel_loop3A_287, %parallel_loop3A_298 : vector<16xi32>
        %parallel_loop3A_300 = vector.broadcast %shift_right_arithmetic3A_269 : i32 to vector<16xi32>
        %parallel_loop3A_301 = arith.cmpi sle, %parallel_loop3A_291, %parallel_loop3A_300 : vector<16xi32>
        %parallel_loop3A_302 = arith.andi %parallel_loop3A_299, %parallel_loop3A_301 : vector<16xi1>
        %parallel_loop3A_303 = arith.andi %parallel_loop3A_297, %parallel_loop3A_302 : vector<16xi1>
        %parallel_loop3A_304 = arith.constant 1 : i32
        %parallel_loop3A_305 = arith.constant 0 : i32
        %parallel_loop3A_306 = vector.broadcast %parallel_loop3A_304 : i32 to vector<16xi32>
        %parallel_loop3A_307 = vector.broadcast %parallel_loop3A_305 : i32 to vector<16xi32>
        %parallel_loop3A_308 = arith.select %parallel_loop3A_303, %parallel_loop3A_306, %parallel_loop3A_307 : vector<16xi1>, vector<16xi32>
        %parallel_loop3A_309 = arith.addi %parallel_loop3A_283, %parallel_loop3A_308 : vector<16xi32>
        scf.yield %parallel_loop3A_309 : vector<16xi32>
      } {sc.loop_unroll_factor = 4 : i64, sc.parallel_access}
      %reduce_sum3A_275 = arith.constant true
      %reduce_sum3A_276 = vector.broadcast %reduce_sum3A_275 : i1 to vector<16xi1>
      %reduce_sum3A_277 = tpu.scan <sum>, %parallel_loop3A_274 masked %reduce_sum3A_276 : vector<16xi32>, vector<16xi1> -> vector<16xi32>
      %reduce_sum3A_278 = vector.extract %reduce_sum3A_277[15] : i32 from vector<16xi32>
      %ge3A = arith.cmpi sge, %reduce_sum3A_278, %sub3A_122 : i32
      %add3A_279 = arith.constant 1 : i32
      %add3A_280 = arith.addi %shift_right_arithmetic3A_269, %add3A_279 : i32
      %select_n3A = arith.select %ge3A, %while3A_265, %add3A_280 : i32
      %select_n3A_281 = arith.select %ge3A, %shift_right_arithmetic3A_269, %while3A_266 : i32
      scf.yield %select_n3A, %select_n3A_281 : i32, i32
    }
    %broadcast_in_dim3A_126 = arith.constant 0 : i32
    %broadcast_in_dim3A_127 = vector.broadcast %broadcast_in_dim3A_126 : i32 to vector<16xi32>
    %parallel_loop3A_128 = arith.constant 0 : i32
    %parallel_loop3A_129 = arith.constant 1 : i32
    %parallel_loop3A_130 = scf.for %parallel_loop3A_265 = %parallel_loop3A_128 to %shift_right_arithmetic3A_109 step %parallel_loop3A_129 iter_args(%parallel_loop3A_266 = %broadcast_in_dim3A_127) -> (vector<16xi32>)  : i32 {
      %parallel_loop3A_267 = arith.constant 16 : i32
      %parallel_loop3A_268 = arith.muli %parallel_loop3A_265, %parallel_loop3A_267 : i32
      %parallel_loop3A_269 = arith.index_cast %parallel_loop3A_268 : i32 to index
      %parallel_loop3A_270 = tpu.vector_load %arg7[%parallel_loop3A_269] {strides = array<i32>} : memref<4096xi32, #tpu.memory_space<vmem>>, vector<16xi32>,
      %parallel_loop3A_271 = arith.constant 16 : i32
      %parallel_loop3A_272 = arith.muli %parallel_loop3A_265, %parallel_loop3A_271 : i32
      %parallel_loop3A_273 = arith.index_cast %parallel_loop3A_272 : i32 to index
      %parallel_loop3A_274 = tpu.vector_load %arg8[%parallel_loop3A_273] {strides = array<i32>} : memref<4096xi32, #tpu.memory_space<vmem>>, vector<16xi32>,
      %parallel_loop3A_275 = arith.constant 16 : i32
      %parallel_loop3A_276 = arith.muli %parallel_loop3A_265, %parallel_loop3A_275 : i32
      %parallel_loop3A_277 = vector.broadcast %parallel_loop3A_276 : i32 to vector<16xi32>
      %parallel_loop3A_278 = arith.addi %parallel_loop3A_277, %iota3A : vector<16xi32>
      %parallel_loop3A_279 = vector.broadcast %reduce_max3A_105 : i32 to vector<16xi32>
      %parallel_loop3A_280 = arith.cmpi slt, %parallel_loop3A_278, %parallel_loop3A_279 : vector<16xi32>
      %parallel_loop3A_281 = vector.broadcast %while3A_111#0 : i32 to vector<16xi32>
      %parallel_loop3A_282 = arith.cmpi sgt, %parallel_loop3A_270, %parallel_loop3A_281 : vector<16xi32>
      %parallel_loop3A_283 = vector.broadcast %while3A_111#0 : i32 to vector<16xi32>
      %parallel_loop3A_284 = arith.cmpi eq, %parallel_loop3A_270, %parallel_loop3A_283 : vector<16xi32>
      %parallel_loop3A_285 = vector.broadcast %while3A_125#0 : i32 to vector<16xi32>
      %parallel_loop3A_286 = arith.cmpi sle, %parallel_loop3A_274, %parallel_loop3A_285 : vector<16xi32>
      %parallel_loop3A_287 = arith.andi %parallel_loop3A_284, %parallel_loop3A_286 : vector<16xi1>
      %parallel_loop3A_288 = arith.ori %parallel_loop3A_282, %parallel_loop3A_287 : vector<16xi1>
      %parallel_loop3A_289 = arith.andi %parallel_loop3A_280, %parallel_loop3A_288 : vector<16xi1>
      %parallel_loop3A_290 = arith.constant 1 : i32
      %parallel_loop3A_291 = arith.constant 0 : i32
      %parallel_loop3A_292 = vector.broadcast %parallel_loop3A_290 : i32 to vector<16xi32>
      %parallel_loop3A_293 = vector.broadcast %parallel_loop3A_291 : i32 to vector<16xi32>
      %parallel_loop3A_294 = arith.select %parallel_loop3A_289, %parallel_loop3A_292, %parallel_loop3A_293 : vector<16xi1>, vector<16xi32>
      %parallel_loop3A_295 = arith.constant true
      %parallel_loop3A_296 = vector.broadcast %parallel_loop3A_295 : i1 to vector<16xi1>
      %parallel_loop3A_297 = tpu.scan <sum>, %parallel_loop3A_294 masked %parallel_loop3A_296 : vector<16xi32>, vector<16xi1> -> vector<16xi32>
      %parallel_loop3A_298 = arith.addi %parallel_loop3A_266, %parallel_loop3A_297 : vector<16xi32>
      %parallel_loop3A_299 = arith.constant 1 : i32
      %parallel_loop3A_300 = vector.broadcast %parallel_loop3A_299 : i32 to vector<16xi32>
      %parallel_loop3A_301 = arith.subi %parallel_loop3A_298, %parallel_loop3A_300 : vector<16xi32>
      %parallel_loop3A_302 = arith.constant 63 : i32
      %parallel_loop3A_303 = vector.broadcast %parallel_loop3A_302 : i32 to vector<16xi32>
      %parallel_loop3A_304 = arith.minsi %parallel_loop3A_301, %parallel_loop3A_303 : vector<16xi32>
      %parallel_loop3A_305 = arith.constant 31 : i32
      %parallel_loop3A_306 = vector.broadcast %parallel_loop3A_305 : i32 to vector<16xi32>
      %parallel_loop3A_307 = arith.shrsi %parallel_loop3A_270, %parallel_loop3A_306 : vector<16xi32>
      %parallel_loop3A_308 = arith.constant 2147483647 : i32
      %parallel_loop3A_309 = vector.broadcast %parallel_loop3A_308 : i32 to vector<16xi32>
      %parallel_loop3A_310 = arith.andi %parallel_loop3A_307, %parallel_loop3A_309 : vector<16xi32>
      %parallel_loop3A_311 = arith.xori %parallel_loop3A_270, %parallel_loop3A_310 : vector<16xi32>
      %parallel_loop3A_312 = tpu.bitcast %parallel_loop3A_311 : vector<16xi32> -> vector<16xf32>
      tpu.vector_store_idx %arg10[%parallel_loop3A_304], %parallel_loop3A_312 masked %parallel_loop3A_289 : memref<64xf32, #tpu.memory_space<vmem>>[vector<16xi32>], vector<16xf32>, vector<16xi1>
      %parallel_loop3A_313 = arith.constant 32768 : i32
      %parallel_loop3A_314 = arith.muli %add3A_68, %parallel_loop3A_313 : i32
      %parallel_loop3A_315 = vector.broadcast %parallel_loop3A_314 : i32 to vector<16xi32>
      %parallel_loop3A_316 = arith.addi %parallel_loop3A_274, %parallel_loop3A_315 : vector<16xi32>
      tpu.vector_store_idx %arg11[%parallel_loop3A_304], %parallel_loop3A_316 masked %parallel_loop3A_289 : memref<64xi32, #tpu.memory_space<vmem>>[vector<16xi32>], vector<16xi32>, vector<16xi1>
      %parallel_loop3A_317 = tpu.all_reduce %parallel_loop3A_289 {dim = 0 : i64, kind = #tpu.reduction_kind<sum>} : vector<16xi1> -> vector<16xi32>
      %parallel_loop3A_318 = arith.addi %parallel_loop3A_266, %parallel_loop3A_317 : vector<16xi32>
      scf.yield %parallel_loop3A_318 : vector<16xi32>
    } {sc.loop_unroll_factor = 4 : i64, sc.parallel_access}
    %dma_start3A_131 = arith.constant 0 : i32
    %dma_start3A_132 = tpu.memref_slice %arg3[%dma_start3A_131] : memref<4194304xf32, #tpu.memory_space<hbm>> -> memref<4194304xf32, #tpu.memory_space<hbm>>
    tpu.enqueue_indirect_dma source(%arg10 : memref<64xf32, #tpu.memory_space<vmem>>) target(%dma_start3A_132 : memref<4194304xf32, #tpu.memory_space<hbm>>) offsets(%arg11 : memref<64xi32, #tpu.memory_space<vmem>>) semaphore(%arg12 : memref<!tpu.dma_semaphore, #tpu.memory_space<semaphore_mem>>)
    %dma_wait3A_133 = arith.constant 0 : i32
    %dma_wait3A_134 = tpu.memref_slice %arg3[%dma_wait3A_133] : memref<4194304xf32, #tpu.memory_space<hbm>> -> memref<4194304xf32, #tpu.memory_space<hbm>>
    tpu.wait_indirect_dma semaphore(%arg12 : memref<!tpu.dma_semaphore, #tpu.memory_space<semaphore_mem>>) src(%arg10 : memref<64xf32, #tpu.memory_space<vmem>>) dst(%dma_wait3A_134 : memref<4194304xf32, #tpu.memory_space<hbm>>)
    %add3A_135 = arith.constant 2 : i32
    %add3A_136 = arith.addi %mul3A_3, %add3A_135 : i32
    %dma_wait3A_137 = tpu.memref_slice %arg2[%mul3A_74] : memref<4194304xf32, #tpu.memory_space<hbm>> -> memref<32768xf32, #tpu.memory_space<hbm>>
    %dma_wait3A_138 = tpu.memref_slice %arg2[%mul3A_74] : memref<4194304xf32, #tpu.memory_space<hbm>> -> memref<32768xf32, #tpu.memory_space<hbm>>
    tpu.wait_dma2 semaphore(%arg13 : memref<!tpu.dma_semaphore, #tpu.memory_space<semaphore_mem>>) src(%dma_wait3A_138 : memref<32768xf32, #tpu.memory_space<hbm>>) dst(%arg5 : memref<32768xf32, #tpu.memory_space<vmem>>)
    %add3A_139 = arith.constant 1 : i32
    %add3A_140 = arith.addi %add3A_136, %add3A_139 : i32
    %mul3A_141 = arith.constant 32768 : i32
    %mul3A_142 = arith.muli %add3A_140, %mul3A_141 : i32
    %dma_start3A_143 = tpu.memref_slice %arg2[%mul3A_142] : memref<4194304xf32, #tpu.memory_space<hbm>> -> memref<32768xf32, #tpu.memory_space<hbm>>
    %dma_start3A_144 = tpu.memref_slice %arg2[%mul3A_142] : memref<4194304xf32, #tpu.memory_space<hbm>> -> memref<32768xf32, #tpu.memory_space<hbm>>
    tpu.enqueue_dma source(%dma_start3A_144 : memref<32768xf32, #tpu.memory_space<hbm>>) target(%arg6 : memref<32768xf32, #tpu.memory_space<vmem>>) target_semaphore(%arg14 : memref<!tpu.dma_semaphore, #tpu.memory_space<semaphore_mem>>)
    %parallel_loop3A_145 = arith.constant 0 : i32
    %parallel_loop3A_146 = arith.constant 1024 : i32
    %parallel_loop3A_147 = arith.constant 1 : i32
    scf.for %parallel_loop3A_265 = %parallel_loop3A_145 to %parallel_loop3A_146 step %parallel_loop3A_147  : i32 {
      %parallel_loop3A_266 = arith.constant 0 : i32
      %parallel_loop3A_267 = vector.broadcast %parallel_loop3A_266 : i32 to vector<16xi32>
      %parallel_loop3A_268 = arith.constant 16 : i32
      %parallel_loop3A_269 = arith.muli %parallel_loop3A_265, %parallel_loop3A_268 : i32
      %parallel_loop3A_270 = arith.index_cast %parallel_loop3A_269 : i32 to index
      %parallel_loop3A_271 = tpu.vector_load %arg9[%parallel_loop3A_270] {strides = array<i32>} : memref<16384xi32, #tpu.memory_space<vmem>>, vector<16xi32>,
      tpu.vector_store %arg9[%parallel_loop3A_270], %parallel_loop3A_267 {strides = array<i32>} : memref<16384xi32, #tpu.memory_space<vmem>>, vector<16xi32>,
    } {sc.loop_unroll_factor = 8 : i64, sc.parallel_access}
    %parallel_loop3A_148 = arith.constant 0 : i32
    %parallel_loop3A_149 = arith.constant 512 : i32
    %parallel_loop3A_150 = arith.constant 1 : i32
    scf.for %parallel_loop3A_265 = %parallel_loop3A_148 to %parallel_loop3A_149 step %parallel_loop3A_150  : i32 {
      %parallel_loop3A_266 = arith.constant 4 : i32
      %parallel_loop3A_267 = arith.muli %parallel_loop3A_265, %parallel_loop3A_266 : i32
      %parallel_loop3A_268 = arith.constant 16 : i32
      %parallel_loop3A_269 = arith.muli %parallel_loop3A_267, %parallel_loop3A_268 : i32
      %parallel_loop3A_270 = arith.index_cast %parallel_loop3A_269 : i32 to index
      %parallel_loop3A_271 = tpu.vector_load %arg5[%parallel_loop3A_270] {strides = array<i32>} : memref<32768xf32, #tpu.memory_space<vmem>>, vector<16xf32>,
      %parallel_loop3A_272 = arith.constant 4 : i32
      %parallel_loop3A_273 = arith.muli %parallel_loop3A_265, %parallel_loop3A_272 : i32
      %parallel_loop3A_274 = arith.constant 1 : i32
      %parallel_loop3A_275 = arith.addi %parallel_loop3A_273, %parallel_loop3A_274 : i32
      %parallel_loop3A_276 = arith.constant 16 : i32
      %parallel_loop3A_277 = arith.muli %parallel_loop3A_275, %parallel_loop3A_276 : i32
      %parallel_loop3A_278 = arith.index_cast %parallel_loop3A_277 : i32 to index
      %parallel_loop3A_279 = tpu.vector_load %arg5[%parallel_loop3A_278] {strides = array<i32>} : memref<32768xf32, #tpu.memory_space<vmem>>, vector<16xf32>,
      %parallel_loop3A_280 = arith.constant 4 : i32
      %parallel_loop3A_281 = arith.muli %parallel_loop3A_265, %parallel_loop3A_280 : i32
      %parallel_loop3A_282 = arith.constant 2 : i32
      %parallel_loop3A_283 = arith.addi %parallel_loop3A_281, %parallel_loop3A_282 : i32
      %parallel_loop3A_284 = arith.constant 16 : i32
      %parallel_loop3A_285 = arith.muli %parallel_loop3A_283, %parallel_loop3A_284 : i32
      %parallel_loop3A_286 = arith.index_cast %parallel_loop3A_285 : i32 to index
      %parallel_loop3A_287 = tpu.vector_load %arg5[%parallel_loop3A_286] {strides = array<i32>} : memref<32768xf32, #tpu.memory_space<vmem>>, vector<16xf32>,
      %parallel_loop3A_288 = arith.constant 4 : i32
      %parallel_loop3A_289 = arith.muli %parallel_loop3A_265, %parallel_loop3A_288 : i32
      %parallel_loop3A_290 = arith.constant 3 : i32
      %parallel_loop3A_291 = arith.addi %parallel_loop3A_289, %parallel_loop3A_290 : i32
      %parallel_loop3A_292 = arith.constant 16 : i32
      %parallel_loop3A_293 = arith.muli %parallel_loop3A_291, %parallel_loop3A_292 : i32
      %parallel_loop3A_294 = arith.index_cast %parallel_loop3A_293 : i32 to index
      %parallel_loop3A_295 = tpu.vector_load %arg5[%parallel_loop3A_294] {strides = array<i32>} : memref<32768xf32, #tpu.memory_space<vmem>>, vector<16xf32>,
      %parallel_loop3A_296 = arith.maximumf %parallel_loop3A_271, %parallel_loop3A_279 : vector<16xf32>
      %parallel_loop3A_297 = arith.maximumf %parallel_loop3A_287, %parallel_loop3A_295 : vector<16xf32>
      %parallel_loop3A_298 = arith.maximumf %parallel_loop3A_296, %parallel_loop3A_297 : vector<16xf32>
      %parallel_loop3A_299 = tpu.bitcast %parallel_loop3A_298 : vector<16xf32> -> vector<16xi32>
      %parallel_loop3A_300 = arith.constant 31 : i32
      %parallel_loop3A_301 = vector.broadcast %parallel_loop3A_300 : i32 to vector<16xi32>
      %parallel_loop3A_302 = arith.shrsi %parallel_loop3A_299, %parallel_loop3A_301 : vector<16xi32>
      %parallel_loop3A_303 = arith.constant 2147483647 : i32
      %parallel_loop3A_304 = vector.broadcast %parallel_loop3A_303 : i32 to vector<16xi32>
      %parallel_loop3A_305 = arith.andi %parallel_loop3A_302, %parallel_loop3A_304 : vector<16xi32>
      %parallel_loop3A_306 = arith.xori %parallel_loop3A_299, %parallel_loop3A_305 : vector<16xi32>
      %parallel_loop3A_307 = arith.constant 22 : i32
      %parallel_loop3A_308 = vector.broadcast %parallel_loop3A_307 : i32 to vector<16xi32>
      %parallel_loop3A_309 = arith.shrsi %parallel_loop3A_306, %parallel_loop3A_308 : vector<16xi32>
      %parallel_loop3A_310 = arith.constant 512 : i32
      %parallel_loop3A_311 = vector.broadcast %parallel_loop3A_310 : i32 to vector<16xi32>
      %parallel_loop3A_312 = arith.addi %parallel_loop3A_309, %parallel_loop3A_311 : vector<16xi32>
      %parallel_loop3A_313 = arith.constant 4 : i32
      %parallel_loop3A_314 = vector.broadcast %parallel_loop3A_313 : i32 to vector<16xi32>
      %parallel_loop3A_315 = arith.shli %parallel_loop3A_312, %parallel_loop3A_314 : vector<16xi32>
      %parallel_loop3A_316 = arith.addi %parallel_loop3A_315, %iota3A : vector<16xi32>
      tpu.vector_store_idx %arg9[%parallel_loop3A_316], %broadcast_in_dim3A_1 {add = true} : memref<16384xi32, #tpu.memory_space<vmem>>[vector<16xi32>], vector<16xi32>,
    } {sc.loop_unroll_factor = 8 : i64, sc.parallel_access}
    %while3A_151 = arith.constant 1023 : i32
    %while3A_152 = arith.constant 0 : i32
    %while3A_153:2 = scf.while (%while3A_265 = %while3A_151, %while3A_266 = %while3A_152) : (i32, i32) -> (i32, i32) {
      %lt3A = arith.constant 64 : i32
      %lt3A_267 = arith.cmpi slt, %while3A_266, %lt3A : i32
      scf.condition(%lt3A_267) %while3A_265, %while3A_266 : i32, i32
    } do {
    ^bb0(%while3A_265: i32, %while3A_266: i32):
      %mul3A_267 = arith.constant 16 : i32
      %mul3A_268 = arith.muli %while3A_265, %mul3A_267 : i32
      %get3A = arith.index_cast %mul3A_268 : i32 to index
      %get3A_269 = tpu.vector_load %arg9[%get3A] {strides = array<i32>} : memref<16384xi32, #tpu.memory_space<vmem>>, vector<16xi32>,
      %reduce_sum3A_270 = arith.constant true
      %reduce_sum3A_271 = vector.broadcast %reduce_sum3A_270 : i1 to vector<16xi1>
      %reduce_sum3A_272 = tpu.scan <sum>, %get3A_269 masked %reduce_sum3A_271 : vector<16xi32>, vector<16xi1> -> vector<16xi32>
      %reduce_sum3A_273 = vector.extract %reduce_sum3A_272[15] : i32 from vector<16xi32>
      %sub3A_274 = arith.constant 1 : i32
      %sub3A_275 = arith.subi %while3A_265, %sub3A_274 : i32
      %add3A_276 = arith.addi %while3A_266, %reduce_sum3A_273 : i32
      scf.yield %sub3A_275, %add3A_276 : i32, i32
    }
    %add3A_154 = arith.constant 1 : i32
    %add3A_155 = arith.addi %while3A_153#0, %add3A_154 : i32
    %sub3A_156 = arith.constant 512 : i32
    %sub3A_157 = arith.subi %add3A_155, %sub3A_156 : i32
    %shift_left3A_158 = arith.constant 22 : i32
    %shift_left3A_159 = arith.shli %sub3A_157, %shift_left3A_158 : i32
    %broadcast_in_dim3A_160 = arith.constant 0 : i32
    %broadcast_in_dim3A_161 = vector.broadcast %broadcast_in_dim3A_160 : i32 to vector<16xi32>
    %parallel_loop3A_162 = arith.constant 0 : i32
    %parallel_loop3A_163 = arith.constant 2048 : i32
    %parallel_loop3A_164 = arith.constant 1 : i32
    %parallel_loop3A_165 = scf.for %parallel_loop3A_265 = %parallel_loop3A_162 to %parallel_loop3A_163 step %parallel_loop3A_164 iter_args(%parallel_loop3A_266 = %broadcast_in_dim3A_161) -> (vector<16xi32>)  : i32 {
      %parallel_loop3A_267 = arith.constant 16 : i32
      %parallel_loop3A_268 = arith.muli %parallel_loop3A_265, %parallel_loop3A_267 : i32
      %parallel_loop3A_269 = arith.index_cast %parallel_loop3A_268 : i32 to index
      %parallel_loop3A_270 = tpu.vector_load %arg5[%parallel_loop3A_269] {strides = array<i32>} : memref<32768xf32, #tpu.memory_space<vmem>>, vector<16xf32>,
      %parallel_loop3A_271 = tpu.bitcast %parallel_loop3A_270 : vector<16xf32> -> vector<16xi32>
      %parallel_loop3A_272 = arith.constant 31 : i32
      %parallel_loop3A_273 = vector.broadcast %parallel_loop3A_272 : i32 to vector<16xi32>
      %parallel_loop3A_274 = arith.shrsi %parallel_loop3A_271, %parallel_loop3A_273 : vector<16xi32>
      %parallel_loop3A_275 = arith.constant 2147483647 : i32
      %parallel_loop3A_276 = vector.broadcast %parallel_loop3A_275 : i32 to vector<16xi32>
      %parallel_loop3A_277 = arith.andi %parallel_loop3A_274, %parallel_loop3A_276 : vector<16xi32>
      %parallel_loop3A_278 = arith.xori %parallel_loop3A_271, %parallel_loop3A_277 : vector<16xi32>
      %parallel_loop3A_279 = vector.broadcast %shift_left3A_159 : i32 to vector<16xi32>
      %parallel_loop3A_280 = arith.cmpi sge, %parallel_loop3A_278, %parallel_loop3A_279 : vector<16xi32>
      %parallel_loop3A_281 = arith.constant 1 : i32
      %parallel_loop3A_282 = arith.constant 0 : i32
      %parallel_loop3A_283 = vector.broadcast %parallel_loop3A_281 : i32 to vector<16xi32>
      %parallel_loop3A_284 = vector.broadcast %parallel_loop3A_282 : i32 to vector<16xi32>
      %parallel_loop3A_285 = arith.select %parallel_loop3A_280, %parallel_loop3A_283, %parallel_loop3A_284 : vector<16xi1>, vector<16xi32>
      %parallel_loop3A_286 = arith.constant true
      %parallel_loop3A_287 = vector.broadcast %parallel_loop3A_286 : i1 to vector<16xi1>
      %parallel_loop3A_288 = tpu.scan <sum>, %parallel_loop3A_285 masked %parallel_loop3A_287 : vector<16xi32>, vector<16xi1> -> vector<16xi32>
      %parallel_loop3A_289 = arith.addi %parallel_loop3A_266, %parallel_loop3A_288 : vector<16xi32>
      %parallel_loop3A_290 = arith.constant 1 : i32
      %parallel_loop3A_291 = vector.broadcast %parallel_loop3A_290 : i32 to vector<16xi32>
      %parallel_loop3A_292 = arith.subi %parallel_loop3A_289, %parallel_loop3A_291 : vector<16xi32>
      %parallel_loop3A_293 = arith.constant 4095 : i32
      %parallel_loop3A_294 = vector.broadcast %parallel_loop3A_293 : i32 to vector<16xi32>
      %parallel_loop3A_295 = arith.minsi %parallel_loop3A_292, %parallel_loop3A_294 : vector<16xi32>
      tpu.vector_store_idx %arg7[%parallel_loop3A_295], %parallel_loop3A_278 masked %parallel_loop3A_280 : memref<4096xi32, #tpu.memory_space<vmem>>[vector<16xi32>], vector<16xi32>, vector<16xi1>
      %parallel_loop3A_296 = arith.constant 16 : i32
      %parallel_loop3A_297 = arith.muli %parallel_loop3A_265, %parallel_loop3A_296 : i32
      %parallel_loop3A_298 = vector.broadcast %parallel_loop3A_297 : i32 to vector<16xi32>
      %parallel_loop3A_299 = arith.addi %iota3A, %parallel_loop3A_298 : vector<16xi32>
      tpu.vector_store_idx %arg8[%parallel_loop3A_295], %parallel_loop3A_299 masked %parallel_loop3A_280 : memref<4096xi32, #tpu.memory_space<vmem>>[vector<16xi32>], vector<16xi32>, vector<16xi1>
      %parallel_loop3A_300 = tpu.all_reduce %parallel_loop3A_280 {dim = 0 : i64, kind = #tpu.reduction_kind<sum>} : vector<16xi1> -> vector<16xi32>
      %parallel_loop3A_301 = arith.addi %parallel_loop3A_266, %parallel_loop3A_300 : vector<16xi32>
      scf.yield %parallel_loop3A_301 : vector<16xi32>
    } {sc.loop_unroll_factor = 8 : i64, sc.parallel_access}
    %reduce_max3A_166 = arith.constant true
    %reduce_max3A_167 = vector.broadcast %reduce_max3A_166 : i1 to vector<16xi1>
    %reduce_max3A_168 = arith.constant -2147483648 : i32
    %reduce_max3A_169 = vector.broadcast %reduce_max3A_168 : i32 to vector<16xi32>
    %reduce_max3A_170 = arith.xori %parallel_loop3A_165, %reduce_max3A_169 : vector<16xi32>
    %reduce_max3A_171 = tpu.scan <max>, %reduce_max3A_170 masked %reduce_max3A_167 : vector<16xi32>, vector<16xi1> -> vector<16xi32>
    %reduce_max3A_172 = arith.xori %reduce_max3A_171, %reduce_max3A_169 : vector<16xi32>
    %reduce_max3A_173 = vector.extract %reduce_max3A_172[15] : i32 from vector<16xi32>
    %add3A_174 = arith.constant 15 : i32
    %add3A_175 = arith.addi %reduce_max3A_173, %add3A_174 : i32
    %shift_right_arithmetic3A_176 = arith.constant 4 : i32
    %shift_right_arithmetic3A_177 = arith.shrsi %add3A_175, %shift_right_arithmetic3A_176 : i32
    %while3A_178 = arith.constant 2139095040 : i32
    %while3A_179:2 = scf.while (%while3A_265 = %shift_left3A_159, %while3A_266 = %while3A_178) : (i32, i32) -> (i32, i32) {
      %lt3A = arith.cmpi slt, %while3A_265, %while3A_266 : i32
      scf.condition(%lt3A) %while3A_265, %while3A_266 : i32, i32
    } do {
    ^bb0(%while3A_265: i32, %while3A_266: i32):
      %sub3A_267 = arith.subi %while3A_266, %while3A_265 : i32
      %add3A_268 = arith.constant 1 : i32
      %add3A_269 = arith.addi %sub3A_267, %add3A_268 : i32
      %shift_right_logical3A = arith.constant 1 : i32
      %shift_right_logical3A_270 = arith.shrui %add3A_269, %shift_right_logical3A : i32
      %add3A_271 = arith.addi %while3A_265, %shift_right_logical3A_270 : i32
      %broadcast_in_dim3A_272 = arith.constant 0 : i32
      %broadcast_in_dim3A_273 = vector.broadcast %broadcast_in_dim3A_272 : i32 to vector<16xi32>
      %parallel_loop3A_274 = arith.constant 0 : i32
      %parallel_loop3A_275 = arith.constant 1 : i32
      %parallel_loop3A_276 = scf.for %parallel_loop3A_285 = %parallel_loop3A_274 to %shift_right_arithmetic3A_177 step %parallel_loop3A_275 iter_args(%parallel_loop3A_286 = %broadcast_in_dim3A_273) -> (vector<16xi32>)  : i32 {
        %parallel_loop3A_287 = arith.constant 16 : i32
        %parallel_loop3A_288 = arith.muli %parallel_loop3A_285, %parallel_loop3A_287 : i32
        %parallel_loop3A_289 = arith.index_cast %parallel_loop3A_288 : i32 to index
        %parallel_loop3A_290 = tpu.vector_load %arg7[%parallel_loop3A_289] {strides = array<i32>} : memref<4096xi32, #tpu.memory_space<vmem>>, vector<16xi32>,
        %parallel_loop3A_291 = arith.constant 16 : i32
        %parallel_loop3A_292 = arith.muli %parallel_loop3A_285, %parallel_loop3A_291 : i32
        %parallel_loop3A_293 = arith.index_cast %parallel_loop3A_292 : i32 to index
        %parallel_loop3A_294 = tpu.vector_load %arg8[%parallel_loop3A_293] {strides = array<i32>} : memref<4096xi32, #tpu.memory_space<vmem>>, vector<16xi32>,
        %parallel_loop3A_295 = arith.constant 16 : i32
        %parallel_loop3A_296 = arith.muli %parallel_loop3A_285, %parallel_loop3A_295 : i32
        %parallel_loop3A_297 = vector.broadcast %parallel_loop3A_296 : i32 to vector<16xi32>
        %parallel_loop3A_298 = arith.addi %parallel_loop3A_297, %iota3A : vector<16xi32>
        %parallel_loop3A_299 = vector.broadcast %reduce_max3A_173 : i32 to vector<16xi32>
        %parallel_loop3A_300 = arith.cmpi slt, %parallel_loop3A_298, %parallel_loop3A_299 : vector<16xi32>
        %parallel_loop3A_301 = vector.broadcast %add3A_271 : i32 to vector<16xi32>
        %parallel_loop3A_302 = arith.cmpi sge, %parallel_loop3A_290, %parallel_loop3A_301 : vector<16xi32>
        %parallel_loop3A_303 = arith.andi %parallel_loop3A_300, %parallel_loop3A_302 : vector<16xi1>
        %parallel_loop3A_304 = arith.constant 1 : i32
        %parallel_loop3A_305 = arith.constant 0 : i32
        %parallel_loop3A_306 = vector.broadcast %parallel_loop3A_304 : i32 to vector<16xi32>
        %parallel_loop3A_307 = vector.broadcast %parallel_loop3A_305 : i32 to vector<16xi32>
        %parallel_loop3A_308 = arith.select %parallel_loop3A_303, %parallel_loop3A_306, %parallel_loop3A_307 : vector<16xi1>, vector<16xi32>
        %parallel_loop3A_309 = arith.addi %parallel_loop3A_286, %parallel_loop3A_308 : vector<16xi32>
        scf.yield %parallel_loop3A_309 : vector<16xi32>
      } {sc.loop_unroll_factor = 4 : i64, sc.parallel_access}
      %reduce_sum3A_277 = arith.constant true
      %reduce_sum3A_278 = vector.broadcast %reduce_sum3A_277 : i1 to vector<16xi1>
      %reduce_sum3A_279 = tpu.scan <sum>, %parallel_loop3A_276 masked %reduce_sum3A_278 : vector<16xi32>, vector<16xi1> -> vector<16xi32>
      %reduce_sum3A_280 = vector.extract %reduce_sum3A_279[15] : i32 from vector<16xi32>
      %ge3A = arith.constant 64 : i32
      %ge3A_281 = arith.cmpi sge, %reduce_sum3A_280, %ge3A : i32
      %select_n3A = arith.select %ge3A_281, %add3A_271, %while3A_265 : i32
      %sub3A_282 = arith.constant 1 : i32
      %sub3A_283 = arith.subi %add3A_271, %sub3A_282 : i32
      %select_n3A_284 = arith.select %ge3A_281, %while3A_266, %sub3A_283 : i32
      scf.yield %select_n3A, %select_n3A_284 : i32, i32
    }
    %broadcast_in_dim3A_180 = arith.constant 0 : i32
    %broadcast_in_dim3A_181 = vector.broadcast %broadcast_in_dim3A_180 : i32 to vector<16xi32>
    %parallel_loop3A_182 = arith.constant 0 : i32
    %parallel_loop3A_183 = arith.constant 1 : i32
    %parallel_loop3A_184 = scf.for %parallel_loop3A_265 = %parallel_loop3A_182 to %shift_right_arithmetic3A_177 step %parallel_loop3A_183 iter_args(%parallel_loop3A_266 = %broadcast_in_dim3A_181) -> (vector<16xi32>)  : i32 {
      %parallel_loop3A_267 = arith.constant 16 : i32
      %parallel_loop3A_268 = arith.muli %parallel_loop3A_265, %parallel_loop3A_267 : i32
      %parallel_loop3A_269 = arith.index_cast %parallel_loop3A_268 : i32 to index
      %parallel_loop3A_270 = tpu.vector_load %arg7[%parallel_loop3A_269] {strides = array<i32>} : memref<4096xi32, #tpu.memory_space<vmem>>, vector<16xi32>,
      %parallel_loop3A_271 = arith.constant 16 : i32
      %parallel_loop3A_272 = arith.muli %parallel_loop3A_265, %parallel_loop3A_271 : i32
      %parallel_loop3A_273 = arith.index_cast %parallel_loop3A_272 : i32 to index
      %parallel_loop3A_274 = tpu.vector_load %arg8[%parallel_loop3A_273] {strides = array<i32>} : memref<4096xi32, #tpu.memory_space<vmem>>, vector<16xi32>,
      %parallel_loop3A_275 = arith.constant 16 : i32
      %parallel_loop3A_276 = arith.muli %parallel_loop3A_265, %parallel_loop3A_275 : i32
      %parallel_loop3A_277 = vector.broadcast %parallel_loop3A_276 : i32 to vector<16xi32>
      %parallel_loop3A_278 = arith.addi %parallel_loop3A_277, %iota3A : vector<16xi32>
      %parallel_loop3A_279 = vector.broadcast %reduce_max3A_173 : i32 to vector<16xi32>
      %parallel_loop3A_280 = arith.cmpi slt, %parallel_loop3A_278, %parallel_loop3A_279 : vector<16xi32>
      %parallel_loop3A_281 = vector.broadcast %while3A_179#0 : i32 to vector<16xi32>
      %parallel_loop3A_282 = arith.cmpi sgt, %parallel_loop3A_270, %parallel_loop3A_281 : vector<16xi32>
      %parallel_loop3A_283 = arith.andi %parallel_loop3A_280, %parallel_loop3A_282 : vector<16xi1>
      %parallel_loop3A_284 = arith.constant 1 : i32
      %parallel_loop3A_285 = arith.constant 0 : i32
      %parallel_loop3A_286 = vector.broadcast %parallel_loop3A_284 : i32 to vector<16xi32>
      %parallel_loop3A_287 = vector.broadcast %parallel_loop3A_285 : i32 to vector<16xi32>
      %parallel_loop3A_288 = arith.select %parallel_loop3A_283, %parallel_loop3A_286, %parallel_loop3A_287 : vector<16xi1>, vector<16xi32>
      %parallel_loop3A_289 = arith.addi %parallel_loop3A_266, %parallel_loop3A_288 : vector<16xi32>
      scf.yield %parallel_loop3A_289 : vector<16xi32>
    } {sc.loop_unroll_factor = 4 : i64, sc.parallel_access}
    %reduce_sum3A_185 = arith.constant true
    %reduce_sum3A_186 = vector.broadcast %reduce_sum3A_185 : i1 to vector<16xi1>
    %reduce_sum3A_187 = tpu.scan <sum>, %parallel_loop3A_184 masked %reduce_sum3A_186 : vector<16xi32>, vector<16xi1> -> vector<16xi32>
    %reduce_sum3A_188 = vector.extract %reduce_sum3A_187[15] : i32 from vector<16xi32>
    %sub3A_189 = arith.constant 64 : i32
    %sub3A_190 = arith.subi %sub3A_189, %reduce_sum3A_188 : i32
    %while3A_191 = arith.constant 0 : i32
    %while3A_192 = arith.constant 32767 : i32
    %while3A_193:2 = scf.while (%while3A_265 = %while3A_191, %while3A_266 = %while3A_192) : (i32, i32) -> (i32, i32) {
      %lt3A = arith.cmpi slt, %while3A_265, %while3A_266 : i32
      scf.condition(%lt3A) %while3A_265, %while3A_266 : i32, i32
    } do {
    ^bb0(%while3A_265: i32, %while3A_266: i32):
      %add3A_267 = arith.addi %while3A_265, %while3A_266 : i32
      %shift_right_arithmetic3A_268 = arith.constant 1 : i32
      %shift_right_arithmetic3A_269 = arith.shrsi %add3A_267, %shift_right_arithmetic3A_268 : i32
      %broadcast_in_dim3A_270 = arith.constant 0 : i32
      %broadcast_in_dim3A_271 = vector.broadcast %broadcast_in_dim3A_270 : i32 to vector<16xi32>
      %parallel_loop3A_272 = arith.constant 0 : i32
      %parallel_loop3A_273 = arith.constant 1 : i32
      %parallel_loop3A_274 = scf.for %parallel_loop3A_282 = %parallel_loop3A_272 to %shift_right_arithmetic3A_177 step %parallel_loop3A_273 iter_args(%parallel_loop3A_283 = %broadcast_in_dim3A_271) -> (vector<16xi32>)  : i32 {
        %parallel_loop3A_284 = arith.constant 16 : i32
        %parallel_loop3A_285 = arith.muli %parallel_loop3A_282, %parallel_loop3A_284 : i32
        %parallel_loop3A_286 = arith.index_cast %parallel_loop3A_285 : i32 to index
        %parallel_loop3A_287 = tpu.vector_load %arg7[%parallel_loop3A_286] {strides = array<i32>} : memref<4096xi32, #tpu.memory_space<vmem>>, vector<16xi32>,
        %parallel_loop3A_288 = arith.constant 16 : i32
        %parallel_loop3A_289 = arith.muli %parallel_loop3A_282, %parallel_loop3A_288 : i32
        %parallel_loop3A_290 = arith.index_cast %parallel_loop3A_289 : i32 to index
        %parallel_loop3A_291 = tpu.vector_load %arg8[%parallel_loop3A_290] {strides = array<i32>} : memref<4096xi32, #tpu.memory_space<vmem>>, vector<16xi32>,
        %parallel_loop3A_292 = arith.constant 16 : i32
        %parallel_loop3A_293 = arith.muli %parallel_loop3A_282, %parallel_loop3A_292 : i32
        %parallel_loop3A_294 = vector.broadcast %parallel_loop3A_293 : i32 to vector<16xi32>
        %parallel_loop3A_295 = arith.addi %parallel_loop3A_294, %iota3A : vector<16xi32>
        %parallel_loop3A_296 = vector.broadcast %reduce_max3A_173 : i32 to vector<16xi32>
        %parallel_loop3A_297 = arith.cmpi slt, %parallel_loop3A_295, %parallel_loop3A_296 : vector<16xi32>
        %parallel_loop3A_298 = vector.broadcast %while3A_179#0 : i32 to vector<16xi32>
        %parallel_loop3A_299 = arith.cmpi eq, %parallel_loop3A_287, %parallel_loop3A_298 : vector<16xi32>
        %parallel_loop3A_300 = vector.broadcast %shift_right_arithmetic3A_269 : i32 to vector<16xi32>
        %parallel_loop3A_301 = arith.cmpi sle, %parallel_loop3A_291, %parallel_loop3A_300 : vector<16xi32>
        %parallel_loop3A_302 = arith.andi %parallel_loop3A_299, %parallel_loop3A_301 : vector<16xi1>
        %parallel_loop3A_303 = arith.andi %parallel_loop3A_297, %parallel_loop3A_302 : vector<16xi1>
        %parallel_loop3A_304 = arith.constant 1 : i32
        %parallel_loop3A_305 = arith.constant 0 : i32
        %parallel_loop3A_306 = vector.broadcast %parallel_loop3A_304 : i32 to vector<16xi32>
        %parallel_loop3A_307 = vector.broadcast %parallel_loop3A_305 : i32 to vector<16xi32>
        %parallel_loop3A_308 = arith.select %parallel_loop3A_303, %parallel_loop3A_306, %parallel_loop3A_307 : vector<16xi1>, vector<16xi32>
        %parallel_loop3A_309 = arith.addi %parallel_loop3A_283, %parallel_loop3A_308 : vector<16xi32>
        scf.yield %parallel_loop3A_309 : vector<16xi32>
      } {sc.loop_unroll_factor = 4 : i64, sc.parallel_access}
      %reduce_sum3A_275 = arith.constant true
      %reduce_sum3A_276 = vector.broadcast %reduce_sum3A_275 : i1 to vector<16xi1>
      %reduce_sum3A_277 = tpu.scan <sum>, %parallel_loop3A_274 masked %reduce_sum3A_276 : vector<16xi32>, vector<16xi1> -> vector<16xi32>
      %reduce_sum3A_278 = vector.extract %reduce_sum3A_277[15] : i32 from vector<16xi32>
      %ge3A = arith.cmpi sge, %reduce_sum3A_278, %sub3A_190 : i32
      %add3A_279 = arith.constant 1 : i32
      %add3A_280 = arith.addi %shift_right_arithmetic3A_269, %add3A_279 : i32
      %select_n3A = arith.select %ge3A, %while3A_265, %add3A_280 : i32
      %select_n3A_281 = arith.select %ge3A, %shift_right_arithmetic3A_269, %while3A_266 : i32
      scf.yield %select_n3A, %select_n3A_281 : i32, i32
    }
    %broadcast_in_dim3A_194 = arith.constant 0 : i32
    %broadcast_in_dim3A_195 = vector.broadcast %broadcast_in_dim3A_194 : i32 to vector<16xi32>
    %parallel_loop3A_196 = arith.constant 0 : i32
    %parallel_loop3A_197 = arith.constant 1 : i32
    %parallel_loop3A_198 = scf.for %parallel_loop3A_265 = %parallel_loop3A_196 to %shift_right_arithmetic3A_177 step %parallel_loop3A_197 iter_args(%parallel_loop3A_266 = %broadcast_in_dim3A_195) -> (vector<16xi32>)  : i32 {
      %parallel_loop3A_267 = arith.constant 16 : i32
      %parallel_loop3A_268 = arith.muli %parallel_loop3A_265, %parallel_loop3A_267 : i32
      %parallel_loop3A_269 = arith.index_cast %parallel_loop3A_268 : i32 to index
      %parallel_loop3A_270 = tpu.vector_load %arg7[%parallel_loop3A_269] {strides = array<i32>} : memref<4096xi32, #tpu.memory_space<vmem>>, vector<16xi32>,
      %parallel_loop3A_271 = arith.constant 16 : i32
      %parallel_loop3A_272 = arith.muli %parallel_loop3A_265, %parallel_loop3A_271 : i32
      %parallel_loop3A_273 = arith.index_cast %parallel_loop3A_272 : i32 to index
      %parallel_loop3A_274 = tpu.vector_load %arg8[%parallel_loop3A_273] {strides = array<i32>} : memref<4096xi32, #tpu.memory_space<vmem>>, vector<16xi32>,
      %parallel_loop3A_275 = arith.constant 16 : i32
      %parallel_loop3A_276 = arith.muli %parallel_loop3A_265, %parallel_loop3A_275 : i32
      %parallel_loop3A_277 = vector.broadcast %parallel_loop3A_276 : i32 to vector<16xi32>
      %parallel_loop3A_278 = arith.addi %parallel_loop3A_277, %iota3A : vector<16xi32>
      %parallel_loop3A_279 = vector.broadcast %reduce_max3A_173 : i32 to vector<16xi32>
      %parallel_loop3A_280 = arith.cmpi slt, %parallel_loop3A_278, %parallel_loop3A_279 : vector<16xi32>
      %parallel_loop3A_281 = vector.broadcast %while3A_179#0 : i32 to vector<16xi32>
      %parallel_loop3A_282 = arith.cmpi sgt, %parallel_loop3A_270, %parallel_loop3A_281 : vector<16xi32>
      %parallel_loop3A_283 = vector.broadcast %while3A_179#0 : i32 to vector<16xi32>
      %parallel_loop3A_284 = arith.cmpi eq, %parallel_loop3A_270, %parallel_loop3A_283 : vector<16xi32>
      %parallel_loop3A_285 = vector.broadcast %while3A_193#0 : i32 to vector<16xi32>
      %parallel_loop3A_286 = arith.cmpi sle, %parallel_loop3A_274, %parallel_loop3A_285 : vector<16xi32>
      %parallel_loop3A_287 = arith.andi %parallel_loop3A_284, %parallel_loop3A_286 : vector<16xi1>
      %parallel_loop3A_288 = arith.ori %parallel_loop3A_282, %parallel_loop3A_287 : vector<16xi1>
      %parallel_loop3A_289 = arith.andi %parallel_loop3A_280, %parallel_loop3A_288 : vector<16xi1>
      %parallel_loop3A_290 = arith.constant 1 : i32
      %parallel_loop3A_291 = arith.constant 0 : i32
      %parallel_loop3A_292 = vector.broadcast %parallel_loop3A_290 : i32 to vector<16xi32>
      %parallel_loop3A_293 = vector.broadcast %parallel_loop3A_291 : i32 to vector<16xi32>
      %parallel_loop3A_294 = arith.select %parallel_loop3A_289, %parallel_loop3A_292, %parallel_loop3A_293 : vector<16xi1>, vector<16xi32>
      %parallel_loop3A_295 = arith.constant true
      %parallel_loop3A_296 = vector.broadcast %parallel_loop3A_295 : i1 to vector<16xi1>
      %parallel_loop3A_297 = tpu.scan <sum>, %parallel_loop3A_294 masked %parallel_loop3A_296 : vector<16xi32>, vector<16xi1> -> vector<16xi32>
      %parallel_loop3A_298 = arith.addi %parallel_loop3A_266, %parallel_loop3A_297 : vector<16xi32>
      %parallel_loop3A_299 = arith.constant 1 : i32
      %parallel_loop3A_300 = vector.broadcast %parallel_loop3A_299 : i32 to vector<16xi32>
      %parallel_loop3A_301 = arith.subi %parallel_loop3A_298, %parallel_loop3A_300 : vector<16xi32>
      %parallel_loop3A_302 = arith.constant 63 : i32
      %parallel_loop3A_303 = vector.broadcast %parallel_loop3A_302 : i32 to vector<16xi32>
      %parallel_loop3A_304 = arith.minsi %parallel_loop3A_301, %parallel_loop3A_303 : vector<16xi32>
      %parallel_loop3A_305 = arith.constant 31 : i32
      %parallel_loop3A_306 = vector.broadcast %parallel_loop3A_305 : i32 to vector<16xi32>
      %parallel_loop3A_307 = arith.shrsi %parallel_loop3A_270, %parallel_loop3A_306 : vector<16xi32>
      %parallel_loop3A_308 = arith.constant 2147483647 : i32
      %parallel_loop3A_309 = vector.broadcast %parallel_loop3A_308 : i32 to vector<16xi32>
      %parallel_loop3A_310 = arith.andi %parallel_loop3A_307, %parallel_loop3A_309 : vector<16xi32>
      %parallel_loop3A_311 = arith.xori %parallel_loop3A_270, %parallel_loop3A_310 : vector<16xi32>
      %parallel_loop3A_312 = tpu.bitcast %parallel_loop3A_311 : vector<16xi32> -> vector<16xf32>
      tpu.vector_store_idx %arg10[%parallel_loop3A_304], %parallel_loop3A_312 masked %parallel_loop3A_289 : memref<64xf32, #tpu.memory_space<vmem>>[vector<16xi32>], vector<16xf32>, vector<16xi1>
      %parallel_loop3A_313 = arith.constant 32768 : i32
      %parallel_loop3A_314 = arith.muli %add3A_136, %parallel_loop3A_313 : i32
      %parallel_loop3A_315 = vector.broadcast %parallel_loop3A_314 : i32 to vector<16xi32>
      %parallel_loop3A_316 = arith.addi %parallel_loop3A_274, %parallel_loop3A_315 : vector<16xi32>
      tpu.vector_store_idx %arg11[%parallel_loop3A_304], %parallel_loop3A_316 masked %parallel_loop3A_289 : memref<64xi32, #tpu.memory_space<vmem>>[vector<16xi32>], vector<16xi32>, vector<16xi1>
      %parallel_loop3A_317 = tpu.all_reduce %parallel_loop3A_289 {dim = 0 : i64, kind = #tpu.reduction_kind<sum>} : vector<16xi1> -> vector<16xi32>
      %parallel_loop3A_318 = arith.addi %parallel_loop3A_266, %parallel_loop3A_317 : vector<16xi32>
      scf.yield %parallel_loop3A_318 : vector<16xi32>
    } {sc.loop_unroll_factor = 4 : i64, sc.parallel_access}
    %dma_start3A_199 = arith.constant 0 : i32
    %dma_start3A_200 = tpu.memref_slice %arg3[%dma_start3A_199] : memref<4194304xf32, #tpu.memory_space<hbm>> -> memref<4194304xf32, #tpu.memory_space<hbm>>
    tpu.enqueue_indirect_dma source(%arg10 : memref<64xf32, #tpu.memory_space<vmem>>) target(%dma_start3A_200 : memref<4194304xf32, #tpu.memory_space<hbm>>) offsets(%arg11 : memref<64xi32, #tpu.memory_space<vmem>>) semaphore(%arg12 : memref<!tpu.dma_semaphore, #tpu.memory_space<semaphore_mem>>)
    %dma_wait3A_201 = arith.constant 0 : i32
    %dma_wait3A_202 = tpu.memref_slice %arg3[%dma_wait3A_201] : memref<4194304xf32, #tpu.memory_space<hbm>> -> memref<4194304xf32, #tpu.memory_space<hbm>>
    tpu.wait_indirect_dma semaphore(%arg12 : memref<!tpu.dma_semaphore, #tpu.memory_space<semaphore_mem>>) src(%arg10 : memref<64xf32, #tpu.memory_space<vmem>>) dst(%dma_wait3A_202 : memref<4194304xf32, #tpu.memory_space<hbm>>)
    %add3A_203 = arith.constant 3 : i32
    %add3A_204 = arith.addi %mul3A_3, %add3A_203 : i32
    %dma_wait3A_205 = tpu.memref_slice %arg2[%mul3A_142] : memref<4194304xf32, #tpu.memory_space<hbm>> -> memref<32768xf32, #tpu.memory_space<hbm>>
    %dma_wait3A_206 = tpu.memref_slice %arg2[%mul3A_142] : memref<4194304xf32, #tpu.memory_space<hbm>> -> memref<32768xf32, #tpu.memory_space<hbm>>
    tpu.wait_dma2 semaphore(%arg14 : memref<!tpu.dma_semaphore, #tpu.memory_space<semaphore_mem>>) src(%dma_wait3A_206 : memref<32768xf32, #tpu.memory_space<hbm>>) dst(%arg6 : memref<32768xf32, #tpu.memory_space<vmem>>)
    %parallel_loop3A_207 = arith.constant 0 : i32
    %parallel_loop3A_208 = arith.constant 1024 : i32
    %parallel_loop3A_209 = arith.constant 1 : i32
    scf.for %parallel_loop3A_265 = %parallel_loop3A_207 to %parallel_loop3A_208 step %parallel_loop3A_209  : i32 {
      %parallel_loop3A_266 = arith.constant 0 : i32
      %parallel_loop3A_267 = vector.broadcast %parallel_loop3A_266 : i32 to vector<16xi32>
      %parallel_loop3A_268 = arith.constant 16 : i32
      %parallel_loop3A_269 = arith.muli %parallel_loop3A_265, %parallel_loop3A_268 : i32
      %parallel_loop3A_270 = arith.index_cast %parallel_loop3A_269 : i32 to index
      %parallel_loop3A_271 = tpu.vector_load %arg9[%parallel_loop3A_270] {strides = array<i32>} : memref<16384xi32, #tpu.memory_space<vmem>>, vector<16xi32>,
      tpu.vector_store %arg9[%parallel_loop3A_270], %parallel_loop3A_267 {strides = array<i32>} : memref<16384xi32, #tpu.memory_space<vmem>>, vector<16xi32>,
    } {sc.loop_unroll_factor = 8 : i64, sc.parallel_access}
    %parallel_loop3A_210 = arith.constant 0 : i32
    %parallel_loop3A_211 = arith.constant 512 : i32
    %parallel_loop3A_212 = arith.constant 1 : i32
    scf.for %parallel_loop3A_265 = %parallel_loop3A_210 to %parallel_loop3A_211 step %parallel_loop3A_212  : i32 {
      %parallel_loop3A_266 = arith.constant 4 : i32
      %parallel_loop3A_267 = arith.muli %parallel_loop3A_265, %parallel_loop3A_266 : i32
      %parallel_loop3A_268 = arith.constant 16 : i32
      %parallel_loop3A_269 = arith.muli %parallel_loop3A_267, %parallel_loop3A_268 : i32
      %parallel_loop3A_270 = arith.index_cast %parallel_loop3A_269 : i32 to index
      %parallel_loop3A_271 = tpu.vector_load %arg6[%parallel_loop3A_270] {strides = array<i32>} : memref<32768xf32, #tpu.memory_space<vmem>>, vector<16xf32>,
      %parallel_loop3A_272 = arith.constant 4 : i32
      %parallel_loop3A_273 = arith.muli %parallel_loop3A_265, %parallel_loop3A_272 : i32
      %parallel_loop3A_274 = arith.constant 1 : i32
      %parallel_loop3A_275 = arith.addi %parallel_loop3A_273, %parallel_loop3A_274 : i32
      %parallel_loop3A_276 = arith.constant 16 : i32
      %parallel_loop3A_277 = arith.muli %parallel_loop3A_275, %parallel_loop3A_276 : i32
      %parallel_loop3A_278 = arith.index_cast %parallel_loop3A_277 : i32 to index
      %parallel_loop3A_279 = tpu.vector_load %arg6[%parallel_loop3A_278] {strides = array<i32>} : memref<32768xf32, #tpu.memory_space<vmem>>, vector<16xf32>,
      %parallel_loop3A_280 = arith.constant 4 : i32
      %parallel_loop3A_281 = arith.muli %parallel_loop3A_265, %parallel_loop3A_280 : i32
      %parallel_loop3A_282 = arith.constant 2 : i32
      %parallel_loop3A_283 = arith.addi %parallel_loop3A_281, %parallel_loop3A_282 : i32
      %parallel_loop3A_284 = arith.constant 16 : i32
      %parallel_loop3A_285 = arith.muli %parallel_loop3A_283, %parallel_loop3A_284 : i32
      %parallel_loop3A_286 = arith.index_cast %parallel_loop3A_285 : i32 to index
      %parallel_loop3A_287 = tpu.vector_load %arg6[%parallel_loop3A_286] {strides = array<i32>} : memref<32768xf32, #tpu.memory_space<vmem>>, vector<16xf32>,
      %parallel_loop3A_288 = arith.constant 4 : i32
      %parallel_loop3A_289 = arith.muli %parallel_loop3A_265, %parallel_loop3A_288 : i32
      %parallel_loop3A_290 = arith.constant 3 : i32
      %parallel_loop3A_291 = arith.addi %parallel_loop3A_289, %parallel_loop3A_290 : i32
      %parallel_loop3A_292 = arith.constant 16 : i32
      %parallel_loop3A_293 = arith.muli %parallel_loop3A_291, %parallel_loop3A_292 : i32
      %parallel_loop3A_294 = arith.index_cast %parallel_loop3A_293 : i32 to index
      %parallel_loop3A_295 = tpu.vector_load %arg6[%parallel_loop3A_294] {strides = array<i32>} : memref<32768xf32, #tpu.memory_space<vmem>>, vector<16xf32>,
      %parallel_loop3A_296 = arith.maximumf %parallel_loop3A_271, %parallel_loop3A_279 : vector<16xf32>
      %parallel_loop3A_297 = arith.maximumf %parallel_loop3A_287, %parallel_loop3A_295 : vector<16xf32>
      %parallel_loop3A_298 = arith.maximumf %parallel_loop3A_296, %parallel_loop3A_297 : vector<16xf32>
      %parallel_loop3A_299 = tpu.bitcast %parallel_loop3A_298 : vector<16xf32> -> vector<16xi32>
      %parallel_loop3A_300 = arith.constant 31 : i32
      %parallel_loop3A_301 = vector.broadcast %parallel_loop3A_300 : i32 to vector<16xi32>
      %parallel_loop3A_302 = arith.shrsi %parallel_loop3A_299, %parallel_loop3A_301 : vector<16xi32>
      %parallel_loop3A_303 = arith.constant 2147483647 : i32
      %parallel_loop3A_304 = vector.broadcast %parallel_loop3A_303 : i32 to vector<16xi32>
      %parallel_loop3A_305 = arith.andi %parallel_loop3A_302, %parallel_loop3A_304 : vector<16xi32>
      %parallel_loop3A_306 = arith.xori %parallel_loop3A_299, %parallel_loop3A_305 : vector<16xi32>
      %parallel_loop3A_307 = arith.constant 22 : i32
      %parallel_loop3A_308 = vector.broadcast %parallel_loop3A_307 : i32 to vector<16xi32>
      %parallel_loop3A_309 = arith.shrsi %parallel_loop3A_306, %parallel_loop3A_308 : vector<16xi32>
      %parallel_loop3A_310 = arith.constant 512 : i32
      %parallel_loop3A_311 = vector.broadcast %parallel_loop3A_310 : i32 to vector<16xi32>
      %parallel_loop3A_312 = arith.addi %parallel_loop3A_309, %parallel_loop3A_311 : vector<16xi32>
      %parallel_loop3A_313 = arith.constant 4 : i32
      %parallel_loop3A_314 = vector.broadcast %parallel_loop3A_313 : i32 to vector<16xi32>
      %parallel_loop3A_315 = arith.shli %parallel_loop3A_312, %parallel_loop3A_314 : vector<16xi32>
      %parallel_loop3A_316 = arith.addi %parallel_loop3A_315, %iota3A : vector<16xi32>
      tpu.vector_store_idx %arg9[%parallel_loop3A_316], %broadcast_in_dim3A_1 {add = true} : memref<16384xi32, #tpu.memory_space<vmem>>[vector<16xi32>], vector<16xi32>,
    } {sc.loop_unroll_factor = 8 : i64, sc.parallel_access}
    %while3A_213 = arith.constant 1023 : i32
    %while3A_214 = arith.constant 0 : i32
    %while3A_215:2 = scf.while (%while3A_265 = %while3A_213, %while3A_266 = %while3A_214) : (i32, i32) -> (i32, i32) {
      %lt3A = arith.constant 64 : i32
      %lt3A_267 = arith.cmpi slt, %while3A_266, %lt3A : i32
      scf.condition(%lt3A_267) %while3A_265, %while3A_266 : i32, i32
    } do {
    ^bb0(%while3A_265: i32, %while3A_266: i32):
      %mul3A_267 = arith.constant 16 : i32
      %mul3A_268 = arith.muli %while3A_265, %mul3A_267 : i32
      %get3A = arith.index_cast %mul3A_268 : i32 to index
      %get3A_269 = tpu.vector_load %arg9[%get3A] {strides = array<i32>} : memref<16384xi32, #tpu.memory_space<vmem>>, vector<16xi32>,
      %reduce_sum3A_270 = arith.constant true
      %reduce_sum3A_271 = vector.broadcast %reduce_sum3A_270 : i1 to vector<16xi1>
      %reduce_sum3A_272 = tpu.scan <sum>, %get3A_269 masked %reduce_sum3A_271 : vector<16xi32>, vector<16xi1> -> vector<16xi32>
      %reduce_sum3A_273 = vector.extract %reduce_sum3A_272[15] : i32 from vector<16xi32>
      %sub3A_274 = arith.constant 1 : i32
      %sub3A_275 = arith.subi %while3A_265, %sub3A_274 : i32
      %add3A_276 = arith.addi %while3A_266, %reduce_sum3A_273 : i32
      scf.yield %sub3A_275, %add3A_276 : i32, i32
    }
    %add3A_216 = arith.constant 1 : i32
    %add3A_217 = arith.addi %while3A_215#0, %add3A_216 : i32
    %sub3A_218 = arith.constant 512 : i32
    %sub3A_219 = arith.subi %add3A_217, %sub3A_218 : i32
    %shift_left3A_220 = arith.constant 22 : i32
    %shift_left3A_221 = arith.shli %sub3A_219, %shift_left3A_220 : i32
    %broadcast_in_dim3A_222 = arith.constant 0 : i32
    %broadcast_in_dim3A_223 = vector.broadcast %broadcast_in_dim3A_222 : i32 to vector<16xi32>
    %parallel_loop3A_224 = arith.constant 0 : i32
    %parallel_loop3A_225 = arith.constant 2048 : i32
    %parallel_loop3A_226 = arith.constant 1 : i32
    %parallel_loop3A_227 = scf.for %parallel_loop3A_265 = %parallel_loop3A_224 to %parallel_loop3A_225 step %parallel_loop3A_226 iter_args(%parallel_loop3A_266 = %broadcast_in_dim3A_223) -> (vector<16xi32>)  : i32 {
      %parallel_loop3A_267 = arith.constant 16 : i32
      %parallel_loop3A_268 = arith.muli %parallel_loop3A_265, %parallel_loop3A_267 : i32
      %parallel_loop3A_269 = arith.index_cast %parallel_loop3A_268 : i32 to index
      %parallel_loop3A_270 = tpu.vector_load %arg6[%parallel_loop3A_269] {strides = array<i32>} : memref<32768xf32, #tpu.memory_space<vmem>>, vector<16xf32>,
      %parallel_loop3A_271 = tpu.bitcast %parallel_loop3A_270 : vector<16xf32> -> vector<16xi32>
      %parallel_loop3A_272 = arith.constant 31 : i32
      %parallel_loop3A_273 = vector.broadcast %parallel_loop3A_272 : i32 to vector<16xi32>
      %parallel_loop3A_274 = arith.shrsi %parallel_loop3A_271, %parallel_loop3A_273 : vector<16xi32>
      %parallel_loop3A_275 = arith.constant 2147483647 : i32
      %parallel_loop3A_276 = vector.broadcast %parallel_loop3A_275 : i32 to vector<16xi32>
      %parallel_loop3A_277 = arith.andi %parallel_loop3A_274, %parallel_loop3A_276 : vector<16xi32>
      %parallel_loop3A_278 = arith.xori %parallel_loop3A_271, %parallel_loop3A_277 : vector<16xi32>
      %parallel_loop3A_279 = vector.broadcast %shift_left3A_221 : i32 to vector<16xi32>
      %parallel_loop3A_280 = arith.cmpi sge, %parallel_loop3A_278, %parallel_loop3A_279 : vector<16xi32>
      %parallel_loop3A_281 = arith.constant 1 : i32
      %parallel_loop3A_282 = arith.constant 0 : i32
      %parallel_loop3A_283 = vector.broadcast %parallel_loop3A_281 : i32 to vector<16xi32>
      %parallel_loop3A_284 = vector.broadcast %parallel_loop3A_282 : i32 to vector<16xi32>
      %parallel_loop3A_285 = arith.select %parallel_loop3A_280, %parallel_loop3A_283, %parallel_loop3A_284 : vector<16xi1>, vector<16xi32>
      %parallel_loop3A_286 = arith.constant true
      %parallel_loop3A_287 = vector.broadcast %parallel_loop3A_286 : i1 to vector<16xi1>
      %parallel_loop3A_288 = tpu.scan <sum>, %parallel_loop3A_285 masked %parallel_loop3A_287 : vector<16xi32>, vector<16xi1> -> vector<16xi32>
      %parallel_loop3A_289 = arith.addi %parallel_loop3A_266, %parallel_loop3A_288 : vector<16xi32>
      %parallel_loop3A_290 = arith.constant 1 : i32
      %parallel_loop3A_291 = vector.broadcast %parallel_loop3A_290 : i32 to vector<16xi32>
      %parallel_loop3A_292 = arith.subi %parallel_loop3A_289, %parallel_loop3A_291 : vector<16xi32>
      %parallel_loop3A_293 = arith.constant 4095 : i32
      %parallel_loop3A_294 = vector.broadcast %parallel_loop3A_293 : i32 to vector<16xi32>
      %parallel_loop3A_295 = arith.minsi %parallel_loop3A_292, %parallel_loop3A_294 : vector<16xi32>
      tpu.vector_store_idx %arg7[%parallel_loop3A_295], %parallel_loop3A_278 masked %parallel_loop3A_280 : memref<4096xi32, #tpu.memory_space<vmem>>[vector<16xi32>], vector<16xi32>, vector<16xi1>
      %parallel_loop3A_296 = arith.constant 16 : i32
      %parallel_loop3A_297 = arith.muli %parallel_loop3A_265, %parallel_loop3A_296 : i32
      %parallel_loop3A_298 = vector.broadcast %parallel_loop3A_297 : i32 to vector<16xi32>
      %parallel_loop3A_299 = arith.addi %iota3A, %parallel_loop3A_298 : vector<16xi32>
      tpu.vector_store_idx %arg8[%parallel_loop3A_295], %parallel_loop3A_299 masked %parallel_loop3A_280 : memref<4096xi32, #tpu.memory_space<vmem>>[vector<16xi32>], vector<16xi32>, vector<16xi1>
      %parallel_loop3A_300 = tpu.all_reduce %parallel_loop3A_280 {dim = 0 : i64, kind = #tpu.reduction_kind<sum>} : vector<16xi1> -> vector<16xi32>
      %parallel_loop3A_301 = arith.addi %parallel_loop3A_266, %parallel_loop3A_300 : vector<16xi32>
      scf.yield %parallel_loop3A_301 : vector<16xi32>
    } {sc.loop_unroll_factor = 8 : i64, sc.parallel_access}
    %reduce_max3A_228 = arith.constant true
    %reduce_max3A_229 = vector.broadcast %reduce_max3A_228 : i1 to vector<16xi1>
    %reduce_max3A_230 = arith.constant -2147483648 : i32
    %reduce_max3A_231 = vector.broadcast %reduce_max3A_230 : i32 to vector<16xi32>
    %reduce_max3A_232 = arith.xori %parallel_loop3A_227, %reduce_max3A_231 : vector<16xi32>
    %reduce_max3A_233 = tpu.scan <max>, %reduce_max3A_232 masked %reduce_max3A_229 : vector<16xi32>, vector<16xi1> -> vector<16xi32>
    %reduce_max3A_234 = arith.xori %reduce_max3A_233, %reduce_max3A_231 : vector<16xi32>
    %reduce_max3A_235 = vector.extract %reduce_max3A_234[15] : i32 from vector<16xi32>
    %add3A_236 = arith.constant 15 : i32
    %add3A_237 = arith.addi %reduce_max3A_235, %add3A_236 : i32
    %shift_right_arithmetic3A_238 = arith.constant 4 : i32
    %shift_right_arithmetic3A_239 = arith.shrsi %add3A_237, %shift_right_arithmetic3A_238 : i32
    %while3A_240 = arith.constant 2139095040 : i32
    %while3A_241:2 = scf.while (%while3A_265 = %shift_left3A_221, %while3A_266 = %while3A_240) : (i32, i32) -> (i32, i32) {
      %lt3A = arith.cmpi slt, %while3A_265, %while3A_266 : i32
      scf.condition(%lt3A) %while3A_265, %while3A_266 : i32, i32
    } do {
    ^bb0(%while3A_265: i32, %while3A_266: i32):
      %sub3A_267 = arith.subi %while3A_266, %while3A_265 : i32
      %add3A_268 = arith.constant 1 : i32
      %add3A_269 = arith.addi %sub3A_267, %add3A_268 : i32
      %shift_right_logical3A = arith.constant 1 : i32
      %shift_right_logical3A_270 = arith.shrui %add3A_269, %shift_right_logical3A : i32
      %add3A_271 = arith.addi %while3A_265, %shift_right_logical3A_270 : i32
      %broadcast_in_dim3A_272 = arith.constant 0 : i32
      %broadcast_in_dim3A_273 = vector.broadcast %broadcast_in_dim3A_272 : i32 to vector<16xi32>
      %parallel_loop3A_274 = arith.constant 0 : i32
      %parallel_loop3A_275 = arith.constant 1 : i32
      %parallel_loop3A_276 = scf.for %parallel_loop3A_285 = %parallel_loop3A_274 to %shift_right_arithmetic3A_239 step %parallel_loop3A_275 iter_args(%parallel_loop3A_286 = %broadcast_in_dim3A_273) -> (vector<16xi32>)  : i32 {
        %parallel_loop3A_287 = arith.constant 16 : i32
        %parallel_loop3A_288 = arith.muli %parallel_loop3A_285, %parallel_loop3A_287 : i32
        %parallel_loop3A_289 = arith.index_cast %parallel_loop3A_288 : i32 to index
        %parallel_loop3A_290 = tpu.vector_load %arg7[%parallel_loop3A_289] {strides = array<i32>} : memref<4096xi32, #tpu.memory_space<vmem>>, vector<16xi32>,
        %parallel_loop3A_291 = arith.constant 16 : i32
        %parallel_loop3A_292 = arith.muli %parallel_loop3A_285, %parallel_loop3A_291 : i32
        %parallel_loop3A_293 = arith.index_cast %parallel_loop3A_292 : i32 to index
        %parallel_loop3A_294 = tpu.vector_load %arg8[%parallel_loop3A_293] {strides = array<i32>} : memref<4096xi32, #tpu.memory_space<vmem>>, vector<16xi32>,
        %parallel_loop3A_295 = arith.constant 16 : i32
        %parallel_loop3A_296 = arith.muli %parallel_loop3A_285, %parallel_loop3A_295 : i32
        %parallel_loop3A_297 = vector.broadcast %parallel_loop3A_296 : i32 to vector<16xi32>
        %parallel_loop3A_298 = arith.addi %parallel_loop3A_297, %iota3A : vector<16xi32>
        %parallel_loop3A_299 = vector.broadcast %reduce_max3A_235 : i32 to vector<16xi32>
        %parallel_loop3A_300 = arith.cmpi slt, %parallel_loop3A_298, %parallel_loop3A_299 : vector<16xi32>
        %parallel_loop3A_301 = vector.broadcast %add3A_271 : i32 to vector<16xi32>
        %parallel_loop3A_302 = arith.cmpi sge, %parallel_loop3A_290, %parallel_loop3A_301 : vector<16xi32>
        %parallel_loop3A_303 = arith.andi %parallel_loop3A_300, %parallel_loop3A_302 : vector<16xi1>
        %parallel_loop3A_304 = arith.constant 1 : i32
        %parallel_loop3A_305 = arith.constant 0 : i32
        %parallel_loop3A_306 = vector.broadcast %parallel_loop3A_304 : i32 to vector<16xi32>
        %parallel_loop3A_307 = vector.broadcast %parallel_loop3A_305 : i32 to vector<16xi32>
        %parallel_loop3A_308 = arith.select %parallel_loop3A_303, %parallel_loop3A_306, %parallel_loop3A_307 : vector<16xi1>, vector<16xi32>
        %parallel_loop3A_309 = arith.addi %parallel_loop3A_286, %parallel_loop3A_308 : vector<16xi32>
        scf.yield %parallel_loop3A_309 : vector<16xi32>
      } {sc.loop_unroll_factor = 4 : i64, sc.parallel_access}
      %reduce_sum3A_277 = arith.constant true
      %reduce_sum3A_278 = vector.broadcast %reduce_sum3A_277 : i1 to vector<16xi1>
      %reduce_sum3A_279 = tpu.scan <sum>, %parallel_loop3A_276 masked %reduce_sum3A_278 : vector<16xi32>, vector<16xi1> -> vector<16xi32>
      %reduce_sum3A_280 = vector.extract %reduce_sum3A_279[15] : i32 from vector<16xi32>
      %ge3A = arith.constant 64 : i32
      %ge3A_281 = arith.cmpi sge, %reduce_sum3A_280, %ge3A : i32
      %select_n3A = arith.select %ge3A_281, %add3A_271, %while3A_265 : i32
      %sub3A_282 = arith.constant 1 : i32
      %sub3A_283 = arith.subi %add3A_271, %sub3A_282 : i32
      %select_n3A_284 = arith.select %ge3A_281, %while3A_266, %sub3A_283 : i32
      scf.yield %select_n3A, %select_n3A_284 : i32, i32
    }
    %broadcast_in_dim3A_242 = arith.constant 0 : i32
    %broadcast_in_dim3A_243 = vector.broadcast %broadcast_in_dim3A_242 : i32 to vector<16xi32>
    %parallel_loop3A_244 = arith.constant 0 : i32
    %parallel_loop3A_245 = arith.constant 1 : i32
    %parallel_loop3A_246 = scf.for %parallel_loop3A_265 = %parallel_loop3A_244 to %shift_right_arithmetic3A_239 step %parallel_loop3A_245 iter_args(%parallel_loop3A_266 = %broadcast_in_dim3A_243) -> (vector<16xi32>)  : i32 {
      %parallel_loop3A_267 = arith.constant 16 : i32
      %parallel_loop3A_268 = arith.muli %parallel_loop3A_265, %parallel_loop3A_267 : i32
      %parallel_loop3A_269 = arith.index_cast %parallel_loop3A_268 : i32 to index
      %parallel_loop3A_270 = tpu.vector_load %arg7[%parallel_loop3A_269] {strides = array<i32>} : memref<4096xi32, #tpu.memory_space<vmem>>, vector<16xi32>,
      %parallel_loop3A_271 = arith.constant 16 : i32
      %parallel_loop3A_272 = arith.muli %parallel_loop3A_265, %parallel_loop3A_271 : i32
      %parallel_loop3A_273 = arith.index_cast %parallel_loop3A_272 : i32 to index
      %parallel_loop3A_274 = tpu.vector_load %arg8[%parallel_loop3A_273] {strides = array<i32>} : memref<4096xi32, #tpu.memory_space<vmem>>, vector<16xi32>,
      %parallel_loop3A_275 = arith.constant 16 : i32
      %parallel_loop3A_276 = arith.muli %parallel_loop3A_265, %parallel_loop3A_275 : i32
      %parallel_loop3A_277 = vector.broadcast %parallel_loop3A_276 : i32 to vector<16xi32>
      %parallel_loop3A_278 = arith.addi %parallel_loop3A_277, %iota3A : vector<16xi32>
      %parallel_loop3A_279 = vector.broadcast %reduce_max3A_235 : i32 to vector<16xi32>
      %parallel_loop3A_280 = arith.cmpi slt, %parallel_loop3A_278, %parallel_loop3A_279 : vector<16xi32>
      %parallel_loop3A_281 = vector.broadcast %while3A_241#0 : i32 to vector<16xi32>
      %parallel_loop3A_282 = arith.cmpi sgt, %parallel_loop3A_270, %parallel_loop3A_281 : vector<16xi32>
      %parallel_loop3A_283 = arith.andi %parallel_loop3A_280, %parallel_loop3A_282 : vector<16xi1>
      %parallel_loop3A_284 = arith.constant 1 : i32
      %parallel_loop3A_285 = arith.constant 0 : i32
      %parallel_loop3A_286 = vector.broadcast %parallel_loop3A_284 : i32 to vector<16xi32>
      %parallel_loop3A_287 = vector.broadcast %parallel_loop3A_285 : i32 to vector<16xi32>
      %parallel_loop3A_288 = arith.select %parallel_loop3A_283, %parallel_loop3A_286, %parallel_loop3A_287 : vector<16xi1>, vector<16xi32>
      %parallel_loop3A_289 = arith.addi %parallel_loop3A_266, %parallel_loop3A_288 : vector<16xi32>
      scf.yield %parallel_loop3A_289 : vector<16xi32>
    } {sc.loop_unroll_factor = 4 : i64, sc.parallel_access}
    %reduce_sum3A_247 = arith.constant true
    %reduce_sum3A_248 = vector.broadcast %reduce_sum3A_247 : i1 to vector<16xi1>
    %reduce_sum3A_249 = tpu.scan <sum>, %parallel_loop3A_246 masked %reduce_sum3A_248 : vector<16xi32>, vector<16xi1> -> vector<16xi32>
    %reduce_sum3A_250 = vector.extract %reduce_sum3A_249[15] : i32 from vector<16xi32>
    %sub3A_251 = arith.constant 64 : i32
    %sub3A_252 = arith.subi %sub3A_251, %reduce_sum3A_250 : i32
    %while3A_253 = arith.constant 0 : i32
    %while3A_254 = arith.constant 32767 : i32
    %while3A_255:2 = scf.while (%while3A_265 = %while3A_253, %while3A_266 = %while3A_254) : (i32, i32) -> (i32, i32) {
      %lt3A = arith.cmpi slt, %while3A_265, %while3A_266 : i32
      scf.condition(%lt3A) %while3A_265, %while3A_266 : i32, i32
    } do {
    ^bb0(%while3A_265: i32, %while3A_266: i32):
      %add3A_267 = arith.addi %while3A_265, %while3A_266 : i32
      %shift_right_arithmetic3A_268 = arith.constant 1 : i32
      %shift_right_arithmetic3A_269 = arith.shrsi %add3A_267, %shift_right_arithmetic3A_268 : i32
      %broadcast_in_dim3A_270 = arith.constant 0 : i32
      %broadcast_in_dim3A_271 = vector.broadcast %broadcast_in_dim3A_270 : i32 to vector<16xi32>
      %parallel_loop3A_272 = arith.constant 0 : i32
      %parallel_loop3A_273 = arith.constant 1 : i32
      %parallel_loop3A_274 = scf.for %parallel_loop3A_282 = %parallel_loop3A_272 to %shift_right_arithmetic3A_239 step %parallel_loop3A_273 iter_args(%parallel_loop3A_283 = %broadcast_in_dim3A_271) -> (vector<16xi32>)  : i32 {
        %parallel_loop3A_284 = arith.constant 16 : i32
        %parallel_loop3A_285 = arith.muli %parallel_loop3A_282, %parallel_loop3A_284 : i32
        %parallel_loop3A_286 = arith.index_cast %parallel_loop3A_285 : i32 to index
        %parallel_loop3A_287 = tpu.vector_load %arg7[%parallel_loop3A_286] {strides = array<i32>} : memref<4096xi32, #tpu.memory_space<vmem>>, vector<16xi32>,
        %parallel_loop3A_288 = arith.constant 16 : i32
        %parallel_loop3A_289 = arith.muli %parallel_loop3A_282, %parallel_loop3A_288 : i32
        %parallel_loop3A_290 = arith.index_cast %parallel_loop3A_289 : i32 to index
        %parallel_loop3A_291 = tpu.vector_load %arg8[%parallel_loop3A_290] {strides = array<i32>} : memref<4096xi32, #tpu.memory_space<vmem>>, vector<16xi32>,
        %parallel_loop3A_292 = arith.constant 16 : i32
        %parallel_loop3A_293 = arith.muli %parallel_loop3A_282, %parallel_loop3A_292 : i32
        %parallel_loop3A_294 = vector.broadcast %parallel_loop3A_293 : i32 to vector<16xi32>
        %parallel_loop3A_295 = arith.addi %parallel_loop3A_294, %iota3A : vector<16xi32>
        %parallel_loop3A_296 = vector.broadcast %reduce_max3A_235 : i32 to vector<16xi32>
        %parallel_loop3A_297 = arith.cmpi slt, %parallel_loop3A_295, %parallel_loop3A_296 : vector<16xi32>
        %parallel_loop3A_298 = vector.broadcast %while3A_241#0 : i32 to vector<16xi32>
        %parallel_loop3A_299 = arith.cmpi eq, %parallel_loop3A_287, %parallel_loop3A_298 : vector<16xi32>
        %parallel_loop3A_300 = vector.broadcast %shift_right_arithmetic3A_269 : i32 to vector<16xi32>
        %parallel_loop3A_301 = arith.cmpi sle, %parallel_loop3A_291, %parallel_loop3A_300 : vector<16xi32>
        %parallel_loop3A_302 = arith.andi %parallel_loop3A_299, %parallel_loop3A_301 : vector<16xi1>
        %parallel_loop3A_303 = arith.andi %parallel_loop3A_297, %parallel_loop3A_302 : vector<16xi1>
        %parallel_loop3A_304 = arith.constant 1 : i32
        %parallel_loop3A_305 = arith.constant 0 : i32
        %parallel_loop3A_306 = vector.broadcast %parallel_loop3A_304 : i32 to vector<16xi32>
        %parallel_loop3A_307 = vector.broadcast %parallel_loop3A_305 : i32 to vector<16xi32>
        %parallel_loop3A_308 = arith.select %parallel_loop3A_303, %parallel_loop3A_306, %parallel_loop3A_307 : vector<16xi1>, vector<16xi32>
        %parallel_loop3A_309 = arith.addi %parallel_loop3A_283, %parallel_loop3A_308 : vector<16xi32>
        scf.yield %parallel_loop3A_309 : vector<16xi32>
      } {sc.loop_unroll_factor = 4 : i64, sc.parallel_access}
      %reduce_sum3A_275 = arith.constant true
      %reduce_sum3A_276 = vector.broadcast %reduce_sum3A_275 : i1 to vector<16xi1>
      %reduce_sum3A_277 = tpu.scan <sum>, %parallel_loop3A_274 masked %reduce_sum3A_276 : vector<16xi32>, vector<16xi1> -> vector<16xi32>
      %reduce_sum3A_278 = vector.extract %reduce_sum3A_277[15] : i32 from vector<16xi32>
      %ge3A = arith.cmpi sge, %reduce_sum3A_278, %sub3A_252 : i32
      %add3A_279 = arith.constant 1 : i32
      %add3A_280 = arith.addi %shift_right_arithmetic3A_269, %add3A_279 : i32
      %select_n3A = arith.select %ge3A, %while3A_265, %add3A_280 : i32
      %select_n3A_281 = arith.select %ge3A, %shift_right_arithmetic3A_269, %while3A_266 : i32
      scf.yield %select_n3A, %select_n3A_281 : i32, i32
    }
    %broadcast_in_dim3A_256 = arith.constant 0 : i32
    %broadcast_in_dim3A_257 = vector.broadcast %broadcast_in_dim3A_256 : i32 to vector<16xi32>
    %parallel_loop3A_258 = arith.constant 0 : i32
    %parallel_loop3A_259 = arith.constant 1 : i32
    %parallel_loop3A_260 = scf.for %parallel_loop3A_265 = %parallel_loop3A_258 to %shift_right_arithmetic3A_239 step %parallel_loop3A_259 iter_args(%parallel_loop3A_266 = %broadcast_in_dim3A_257) -> (vector<16xi32>)  : i32 {
      %parallel_loop3A_267 = arith.constant 16 : i32
      %parallel_loop3A_268 = arith.muli %parallel_loop3A_265, %parallel_loop3A_267 : i32
      %parallel_loop3A_269 = arith.index_cast %parallel_loop3A_268 : i32 to index
      %parallel_loop3A_270 = tpu.vector_load %arg7[%parallel_loop3A_269] {strides = array<i32>} : memref<4096xi32, #tpu.memory_space<vmem>>, vector<16xi32>,
      %parallel_loop3A_271 = arith.constant 16 : i32
      %parallel_loop3A_272 = arith.muli %parallel_loop3A_265, %parallel_loop3A_271 : i32
      %parallel_loop3A_273 = arith.index_cast %parallel_loop3A_272 : i32 to index
      %parallel_loop3A_274 = tpu.vector_load %arg8[%parallel_loop3A_273] {strides = array<i32>} : memref<4096xi32, #tpu.memory_space<vmem>>, vector<16xi32>,
      %parallel_loop3A_275 = arith.constant 16 : i32
      %parallel_loop3A_276 = arith.muli %parallel_loop3A_265, %parallel_loop3A_275 : i32
      %parallel_loop3A_277 = vector.broadcast %parallel_loop3A_276 : i32 to vector<16xi32>
      %parallel_loop3A_278 = arith.addi %parallel_loop3A_277, %iota3A : vector<16xi32>
      %parallel_loop3A_279 = vector.broadcast %reduce_max3A_235 : i32 to vector<16xi32>
      %parallel_loop3A_280 = arith.cmpi slt, %parallel_loop3A_278, %parallel_loop3A_279 : vector<16xi32>
      %parallel_loop3A_281 = vector.broadcast %while3A_241#0 : i32 to vector<16xi32>
      %parallel_loop3A_282 = arith.cmpi sgt, %parallel_loop3A_270, %parallel_loop3A_281 : vector<16xi32>
      %parallel_loop3A_283 = vector.broadcast %while3A_241#0 : i32 to vector<16xi32>
      %parallel_loop3A_284 = arith.cmpi eq, %parallel_loop3A_270, %parallel_loop3A_283 : vector<16xi32>
      %parallel_loop3A_285 = vector.broadcast %while3A_255#0 : i32 to vector<16xi32>
      %parallel_loop3A_286 = arith.cmpi sle, %parallel_loop3A_274, %parallel_loop3A_285 : vector<16xi32>
      %parallel_loop3A_287 = arith.andi %parallel_loop3A_284, %parallel_loop3A_286 : vector<16xi1>
      %parallel_loop3A_288 = arith.ori %parallel_loop3A_282, %parallel_loop3A_287 : vector<16xi1>
      %parallel_loop3A_289 = arith.andi %parallel_loop3A_280, %parallel_loop3A_288 : vector<16xi1>
      %parallel_loop3A_290 = arith.constant 1 : i32
      %parallel_loop3A_291 = arith.constant 0 : i32
      %parallel_loop3A_292 = vector.broadcast %parallel_loop3A_290 : i32 to vector<16xi32>
      %parallel_loop3A_293 = vector.broadcast %parallel_loop3A_291 : i32 to vector<16xi32>
      %parallel_loop3A_294 = arith.select %parallel_loop3A_289, %parallel_loop3A_292, %parallel_loop3A_293 : vector<16xi1>, vector<16xi32>
      %parallel_loop3A_295 = arith.constant true
      %parallel_loop3A_296 = vector.broadcast %parallel_loop3A_295 : i1 to vector<16xi1>
      %parallel_loop3A_297 = tpu.scan <sum>, %parallel_loop3A_294 masked %parallel_loop3A_296 : vector<16xi32>, vector<16xi1> -> vector<16xi32>
      %parallel_loop3A_298 = arith.addi %parallel_loop3A_266, %parallel_loop3A_297 : vector<16xi32>
      %parallel_loop3A_299 = arith.constant 1 : i32
      %parallel_loop3A_300 = vector.broadcast %parallel_loop3A_299 : i32 to vector<16xi32>
      %parallel_loop3A_301 = arith.subi %parallel_loop3A_298, %parallel_loop3A_300 : vector<16xi32>
      %parallel_loop3A_302 = arith.constant 63 : i32
      %parallel_loop3A_303 = vector.broadcast %parallel_loop3A_302 : i32 to vector<16xi32>
      %parallel_loop3A_304 = arith.minsi %parallel_loop3A_301, %parallel_loop3A_303 : vector<16xi32>
      %parallel_loop3A_305 = arith.constant 31 : i32
      %parallel_loop3A_306 = vector.broadcast %parallel_loop3A_305 : i32 to vector<16xi32>
      %parallel_loop3A_307 = arith.shrsi %parallel_loop3A_270, %parallel_loop3A_306 : vector<16xi32>
      %parallel_loop3A_308 = arith.constant 2147483647 : i32
      %parallel_loop3A_309 = vector.broadcast %parallel_loop3A_308 : i32 to vector<16xi32>
      %parallel_loop3A_310 = arith.andi %parallel_loop3A_307, %parallel_loop3A_309 : vector<16xi32>
      %parallel_loop3A_311 = arith.xori %parallel_loop3A_270, %parallel_loop3A_310 : vector<16xi32>
      %parallel_loop3A_312 = tpu.bitcast %parallel_loop3A_311 : vector<16xi32> -> vector<16xf32>
      tpu.vector_store_idx %arg10[%parallel_loop3A_304], %parallel_loop3A_312 masked %parallel_loop3A_289 : memref<64xf32, #tpu.memory_space<vmem>>[vector<16xi32>], vector<16xf32>, vector<16xi1>
      %parallel_loop3A_313 = arith.constant 32768 : i32
      %parallel_loop3A_314 = arith.muli %add3A_204, %parallel_loop3A_313 : i32
      %parallel_loop3A_315 = vector.broadcast %parallel_loop3A_314 : i32 to vector<16xi32>
      %parallel_loop3A_316 = arith.addi %parallel_loop3A_274, %parallel_loop3A_315 : vector<16xi32>
      tpu.vector_store_idx %arg11[%parallel_loop3A_304], %parallel_loop3A_316 masked %parallel_loop3A_289 : memref<64xi32, #tpu.memory_space<vmem>>[vector<16xi32>], vector<16xi32>, vector<16xi1>
      %parallel_loop3A_317 = tpu.all_reduce %parallel_loop3A_289 {dim = 0 : i64, kind = #tpu.reduction_kind<sum>} : vector<16xi1> -> vector<16xi32>
      %parallel_loop3A_318 = arith.addi %parallel_loop3A_266, %parallel_loop3A_317 : vector<16xi32>
      scf.yield %parallel_loop3A_318 : vector<16xi32>
    } {sc.loop_unroll_factor = 4 : i64, sc.parallel_access}
    %dma_start3A_261 = arith.constant 0 : i32
    %dma_start3A_262 = tpu.memref_slice %arg3[%dma_start3A_261] : memref<4194304xf32, #tpu.memory_space<hbm>> -> memref<4194304xf32, #tpu.memory_space<hbm>>
    tpu.enqueue_indirect_dma source(%arg10 : memref<64xf32, #tpu.memory_space<vmem>>) target(%dma_start3A_262 : memref<4194304xf32, #tpu.memory_space<hbm>>) offsets(%arg11 : memref<64xi32, #tpu.memory_space<vmem>>) semaphore(%arg12 : memref<!tpu.dma_semaphore, #tpu.memory_space<semaphore_mem>>)
    %dma_wait3A_263 = arith.constant 0 : i32
    %dma_wait3A_264 = tpu.memref_slice %arg3[%dma_wait3A_263] : memref<4194304xf32, #tpu.memory_space<hbm>> -> memref<4194304xf32, #tpu.memory_space<hbm>>
    tpu.wait_indirect_dma semaphore(%arg12 : memref<!tpu.dma_semaphore, #tpu.memory_space<semaphore_mem>>) src(%arg10 : memref<64xf32, #tpu.memory_space<vmem>>) dst(%dma_wait3A_264 : memref<4194304xf32, #tpu.memory_space<hbm>>)
    return
  }
}

module attributes {stable_mosaic.version = 14 : i64} {
  func.func @zbody(%arg0: i32, %arg1: memref<16x32768xf32, #tpu.memory_space<vmem>>) attributes {dimension_semantics = [#tpu.dimension_semantics<arbitrary>], iteration_bounds = array<i64: 8>, scalar_prefetch = 0 : i64, scratch_operands = 0 : i64, tpu.core_type = #tpu.core_type<tc>, window_params = [{transform_indices = @transform_0, window_bounds = array<i64: 16, 32768>}]} {
    %broadcast_in_dim3A = arith.constant 0.000000e+00 : f32
    %broadcast_in_dim3A_0 = vector.broadcast %broadcast_in_dim3A : f32 to vector<16x32768xf32>
    %swap3A = arith.constant 0 : index
    %swap3A_1 = arith.constant 0 : index
    %swap3A_2 = vector.load %arg1[%swap3A, %swap3A_1] : memref<16x32768xf32, #tpu.memory_space<vmem>>, vector<16x32768xf32>
    tpu.vector_store %arg1[%swap3A, %swap3A_1], %broadcast_in_dim3A_0 {strides = array<i32>} : memref<16x32768xf32, #tpu.memory_space<vmem>>, vector<16x32768xf32>,
    return
  }
  func.func @transform_0(%arg0: i32) -> (i32, i32) {
    %c0_i32 = arith.constant 0 : i32
    %c0_i32_0 = arith.constant 0 : i32
    return %arg0, %c0_i32 : i32, i32
  }
}

</mosaic_0001>

<sc_bundles>
// kernel: kernel.4.cloned.1.call-start
scs
__scs_entry_jumppad:
0x0: {  	(pc) =	sbr.rel $0x88, $3  }
0x1: {  	(tag) =	ssettag $0x0;
	lr =	simm.s32 $0x1  }
0x2: {  	[smem:$0x3FA0] =	sst lr;
	_ =	strace $0xD0000000  }
0x3: {  	_ = 	snop  }
0x4: {  	_ = 	snop  }
0x5: {  	_ = 	snop  }
0x6: {  	_ = 	snop  }
0x7: {  	_ = 	snop  }
__scs_overlays_trampoline_lowered:
0x8: {  	[smem:$0x3FAF] =	sst s0  }
0x9: {  	[smem:$0x3FB0] =	sst s1  }
0xa: {  	[smem:$0x3FB1] =	sst s2  }
0xb: {  	[smem:$0x3FB2] =	sst s3  }
0xc: {  	[smem:$0x3FB3] =	sst s4  }
0xd: {  	[smem:$0x3FB4] =	sst s5  }
0xe: {  	[smem:$0x3FB5] =	sst s6  }
0xf: {  	[smem:$0x3FB6] =	sst s7  }
0x10: {  	[smem:$0x3FB7] =	sst s8  }
0x11: {  	[smem:$0x3FB8] =	sst s9;
	s0 =	simm.s32 @!p0 $0x0  }
0x12: {  	s1 =	sld [smem:$0x3F9E];
	s0 =	simm.s32 @p0 $0x1  }
0x13: {  	[smem:$0x3FB9] =	sst s0;
	s0 =	simm.s32 @!p1 $0x0  }
0x14: {  	s2 =	sld [smem:$0x3F9D];
	s0 =	simm.s32 @p1 $0x1  }
0x15: {  	[smem:$0x3FBA] =	sst s0;
	s0 =	simm.s32 @!p2 $0x0  }
0x16: {  	s3 =	sld [smem:$0x3FDB];
	s0 =	simm.s32 @p2 $0x1  }
0x17: {  	s4 =	simm.s32 $0x1BF5;
	[smem:$0x3FBC] =	sst s0  }
0x18: {  	s0 =	sld [smem:$0x3F9F];
	_ =	swait.ge [sflag:s4], $0x0  }
0x19: {  	s7 =	sld [smem:$0x3FA0]  }
0x1a: {  	s8 =	sadd.s32 $0xFFFFE003, lr  }
0x1b: {  	s9 =	sadd.s32 $0xFFFFFEF7, lr;
	s5 =	simm.s32 $0xFFFFFFFF;
	p2 =	slt.u32 s8, $0xFFFFF086  }
0x1c: {  	p1 =	slt.u32 s9, $0xF7A;
	s5 =	simm.s32 @!p2 $0x0  }
0x1d: {  	s5 =	simm.s32 @p1 $0x1;
	p0 =	seq.s32 s7, s2  }
0x1e: {  	s7 =	smul.u32 @!p0 $0xF7A, s2;
	p2 =	seq.s32 @!p0 s5, $0x0  }
0x1f: {  	s9 =	smul.u32 $0xF7A, s1;
	s8 =	simm.s32 @!p0 $0x1BF5;
	p2 =	por !p2, p0  }
0x20: {  	[sflag:s8] =	ssyncset.s32 @!p0 $0xFFFFF086;
	s6 =	sadd.s32 @!p0 s3, s7;
	s7 =	simm.s32 @!p0 $0x108  }
0x21: {  	s3 =	sadd.s32 s3, s9;
	s6 =	sadd.s32 @!p0 $0x88, s6;
	s7 =	simm.s32 @p2 $0x1082  }
0x22: {  	[simem:s7], [sflag:s8] =	dma.local @!p0 [hbm:s6], $0xF7A  }
0x23: {  	s9 =	sor.u32 $0xD0000000, s2;
	s6 =	simm.s32 $0x108;
	_ =	swait.ge @!p0 [sflag:s8], $0x0  }
0x24: {  	s3 =	sadd.s32 $0x88, s3;
	s6 =	simm.s32 @!p1 $0x1082;
	[sflag:s4] =	ssyncset.s32 $0xFFFFF086  }
0x25: {  	[simem:s6], [sflag:s4] =	dma.local [hbm:s3], $0xF7A  }
0x26: {  	[smem:$0x3FA0] =	sst s1;
	(tag) =	ssettag s2;
	_ =	strace s9  }
0x27: {  	s1 =	sld [smem:$0x3FB0]  }
0x28: {  	s2 =	sld [smem:$0x3FB1]  }
0x29: {  	s4 =	sld [smem:$0x3FB3]  }
0x2a: {  	p0 =	seq.s32 s5, $0x0;
	s5 =	sld [smem:$0x3FB4]  }
0x2b: {  	s6 =	sld [smem:$0x3FB5]  }
0x2c: {  	s7 =	sld [smem:$0x3FB6]  }
0x2d: {  	s3 =	simm.s32 $0x108;
	s8 =	sld [smem:$0x3FB7]  }
0x2e: {  	s3 =	simm.s32 @!p0 $0x1082;
	s9 =	sld [smem:$0x3FB8]  }
0x2f: {  	lr =	sadd.s32 s0, s3;
	s0 =	sld [smem:$0x3FAF]  }
0x30: {  	s3 =	sld [smem:$0x3FB2]  }
0x31: {  	[smem:$0x3FBB] =	sst s10  }
0x32: {  	s10 =	sld [smem:$0x3FB9];
	_ =	sdelay $0x3  }
0x33: {  	p0 =	seq.s32 s10, $0x1;
	s10 =	sld [smem:$0x3FBB];
	_ =	sdelay $0x3  }
0x34: {  	[smem:$0x3FBB] =	sst s10  }
0x35: {  	s10 =	sld [smem:$0x3FBA];
	_ =	sdelay $0x3  }
0x36: {  	p1 =	seq.s32 s10, $0x1;
	s10 =	sld [smem:$0x3FBB];
	_ =	sdelay $0x3  }
0x37: {  	[smem:$0x3FBB] =	sst s10  }
0x38: {  	s10 =	sld [smem:$0x3FBC]  }
0x39: {  	_ = 	snop;
	(pc) =	sbr.ind lr, $3  }
0x3a: {  	_ = 	snop  }
0x3b: {  	_ = 	snop  }
0x3c: {  	p2 =	seq.s32 s10, $0x1;
	s10 =	sld [smem:$0x3FBB]  }
0x3d: {  	_ =	shalt  }
0x3e: {  	_ =	shalt  }
0x3f: {  	_ =	shalt  }
0x40: {  	_ =	shalt  }
0x41: {  	_ =	shalt  }
0x42: {  	_ =	shalt  }
0x43: {  	_ =	shalt  }
0x44: {  	_ =	shalt  }
0x45: {  	_ =	shalt  }
0x46: {  	_ =	shalt  }
0x47: {  	_ =	shalt  }
0x48: {  	_ =	shalt  }
0x49: {  	_ =	shalt  }
0x4a: {  	_ =	shalt  }
0x4b: {  	_ =	shalt  }
0x4c: {  	_ =	shalt  }
0x4d: {  	_ =	shalt  }
0x4e: {  	_ =	shalt  }
0x4f: {  	_ =	shalt  }
0x50: {  	_ =	shalt  }
0x51: {  	_ =	shalt  }
0x52: {  	_ =	shalt  }
0x53: {  	_ =	shalt  }
0x54: {  	_ =	shalt  }
0x55: {  	_ =	shalt  }
0x56: {  	_ =	shalt  }
0x57: {  	_ =	shalt  }
0x58: {  	_ =	shalt  }
0x59: {  	_ =	shalt  }
0x5a: {  	_ =	shalt  }
0x5b: {  	_ =	shalt  }
0x5c: {  	_ =	shalt  }
0x5d: {  	_ =	shalt  }
0x5e: {  	_ =	shalt  }
0x5f: {  	_ =	shalt  }
0x60: {  	_ =	shalt  }
0x61: {  	_ =	shalt  }
0x62: {  	_ =	shalt  }
0x63: {  	_ =	shalt  }
0x64: {  	_ =	shalt  }
0x65: {  	_ =	shalt  }
0x66: {  	_ =	shalt  }
0x67: {  	_ =	shalt  }
0x68: {  	_ =	shalt  }
0x69: {  	_ =	shalt  }
0x6a: {  	_ =	shalt  }
0x6b: {  	_ =	shalt  }
0x6c: {  	_ =	shalt  }
0x6d: {  	_ =	shalt  }
0x6e: {  	_ =	shalt  }
0x6f: {  	_ =	shalt  }
0x70: {  	_ =	shalt  }
0x71: {  	_ =	shalt  }
0x72: {  	_ =	shalt  }
0x73: {  	_ =	shalt  }
0x74: {  	_ =	shalt  }
0x75: {  	_ =	shalt  }
0x76: {  	_ =	shalt  }
0x77: {  	_ =	shalt  }
0x78: {  	_ =	shalt  }
0x79: {  	_ =	shalt  }
0x7a: {  	_ =	shalt  }
0x7b: {  	_ =	shalt  }
0x7c: {  	_ =	shalt  }
0x7d: {  	_ =	shalt  }
0x7e: {  	_ =	shalt  }
0x7f: {  	_ =	shalt  }
0x80: {  	_ =	shalt  }
0x81: {  	_ =	shalt  }
0x82: {  	_ =	shalt  }
0x83: {  	_ =	shalt  }
0x84: {  	_ =	shalt  }
0x85: {  	_ =	shalt  }
0x86: {  	_ =	shalt  }
0x87: {  	_ =	shalt  }
.Lfunc_end0:
.L_simem_size_0:
called_computation_lowered:
.L_overlay_start_0:
0x88: {  	s2 =	sld [smem:$0x3FD9]  }
0x89: {  	s3 =	sld [smem:$0x3FFE];
	_ =	sdelay $0x1  }
0x8a: {  	s1 =	srdreg.scid  }
0x8b: {  	s0 =	sand.u32 $0x1, s1  }
0x8c: {  	s17 =	sshll.u32 s0, $0xA;
	s2 =	sadd.s32 s3, s2  }
0x8d: {  	s2 =	sadd.s32 s2, s17  }
0x8e: {  	[smem:$0x3FC7] =	sst s2  }
0x8f: {  	_ = 	snop  }
0x90: {  	s2 =	sld [smem:$0x3FD0];
	(tm) =	ssettm $0x1  }
0x91: {  	s18 =	sld [smem:$0x3FFB];
	_ =	sdelay $0x3  }
0x92: {  	_ =	strace s18  }
0x93: {  	s3 =	sld [smem:$0x3FFC];
	_ =	sdelay $0x3  }
0x94: {  	_ =	strace s3  }
0x95: {  	s3 =	sld [smem:$0x3FFD];
	_ =	sdelay $0x3  }
0x96: {  	_ =	strace s3  }
0x97: {  	_ =	strace $0x8FFFFFFF  }
0x98: {  	s19 =	sld [smem:$0x3FDB];
	_ =	sdelay $0x1  }
0x99: {  	s4 =	simm.s32 $_scs_section_size  }
0x9a: {  	s5 =	simm.s32 $_size__tile_overlayer_lowered;
	s6 =	simm.s32 $_tile_overlayer_lowered  }
0x9b: {  	s22 =	simm.s32 $0x1BFF;
	s21 =	sshll.u32 s6, $0x1;
	s3 =	sadd.s32 s4, s19  }
0x9c: {  	s7 =	simm.s32 $0x0;
	s20 =	sshll.u32 s5, $0x1;
	s5 =	sadd.s32 s21, s3  }
0x9d: {  	[timem:s7], [sflag:s22] =	dma.local [hbm:s5], s20  }
0x9e: {  	_ =	swait.ge [sflag:s22], s20  }
0x9f: {  	s4 =	ssub.s32 $0x0, s20;
	[sflag:s22] =	ssyncset.done $0x0  }
0xa0: {  	[sflag:s22] =	ssyncadd.s32 s4;
	_ =	sdelay $0x1  }
0xa1: {  	s23 =	simm.s32 $0x1B8B  }
0xa2: {  	_ =	swait.ge [sflag:s23], $0x1  }
0xa3: {  	[sflag:s23] =	ssyncset.done $0x0  }
0xa4: {  	s25 =	simm.s32 $0x1B8E;
	s24 =	sld [smem:$0x3FFE];
	[sflag:s23] =	ssyncadd.s32 $0xFFFFFFFF  }
0xa5: {  	s26 =	simm.s32 $execute0_lowered;
	[smem:$0x3FD2] =	sst s25  }
0xa6: {  	s5 =	sshll.u32 s26, $0x1;
	_ =	strace $0x80000046;
	[dreg:$0x1] =	wrdreg $0xFFFFFFFF  }
0xa7: {  	s28 =	simm.s32 $_size_execute0_lowered;
	s3 =	sadd.s32 s3, s5;
	[dreg:$0x0] =	wrdreg $0x0  }
0xa8: {  	s5 =	sshll.u32 s28, $0x1;
	[dreg:$0x2] =	wrdreg s3  }
0xa9: {  	[dreg:$0x3] =	wrdreg s5  }
0xaa: {  	[dreg:$0x4] =	wrdreg $0xC0  }
0xab: {  	_ =	task [dreg:s7], $0x5FFFF  }
0xac: {  	[dreg:$0x1] =	wrdreg $0xFFFFFFFF  }
0xad: {  	[dreg:$0x0] =	wrdreg $0x60  }
0xae: {  	[dreg:$0x2] =	wrdreg s2  }
0xaf: {  	[dreg:$0x3] =	wrdreg s24  }
0xb0: {  	[dreg:$0x4] =	wrdreg $0x9  }
0xb1: {  	_ =	task.clear_ibuf [dreg:s7], $0x5FFFF;
	_ =	strace $0x90000046  }
0xb2: {  	s29 =	simm.s32 $0x9;
	_ =	strace $0x80000048  }
0xb3: {  	_ =	swait.ge [sflag:s29], $0x1  }
0xb4: {  	[sflag:s29] =	ssyncadd.s32 $0xFFFFFFFF  }
0xb5: {  	_ =	strace $0x90000048  }
0xb6: {  	_ =	sfence  }
0xb7: {  	s30 =	sld [smem:$0x0];
	_ =	sdelay $0x2  }
0xb8: {  	s31 =	sshll.u32 s1, $0xD;
	s1 =	sshrl.u32 s1, $0x2  }
0xb9: {  	s3 =	sand.u32 $0x4000, s31;
	s1 =	sadd.s32 s1, s30  }
0xba: {  	s0 =	sor.u32 s3, s0;
	s1 =	sshll.u32 s1, $0x11  }
0xbb: {  	s0 =	sor.u32 s1, s0  }
0xbc: {  	s0 =	sadd.s32 $0x8F2B, s0  }
0xbd: {  	[sflag:s0] =	ssyncadd.remote.s32 $0x1  }
0xbe: {  	_ =	sfence.sel $0xFFFF  }
0xbf: {  	[dreg:$0x0] =	wrdreg $0xFFFFFFFF;
	(pc) =	sbr.abs _section_cstart, $3  }
0xc0: {  	[dreg:$0x1] =	wrdreg $0xFFFFFFFF  }
0xc1: {  	_ =	task.clear_ibuf [dreg:s7], $0x2FFFF;
	_ =	strace $0x9FFFFFFF  }
0xc2: {  	(tm) =	ssettm $0x7FFFFFFF  }
0xc3: {  	_ =	shalt  }
tec
execute0_lowered:
.L_overlay_start_1:
0x0: {  	(tag) =	ssettag $0x1  }
0x1: {  	s0 =	rddreg [dreg:$0x0]  }
0x2: {  	s1 =	rddreg [dreg:$0x1];
	s2 =	simm.s32 $0x0;
	s3 =	srdreg.scid  }
0x3: {  	s4 =	stileid.u32;
	s9 =	simm.s32 $0x2;
	s13 =	simm.s32 $0x11000  }
0x4: {  	s16 =	simm.s32 $0x40;
	s17 =	simm.s32 $0x1;
	s18 =	simm.s32 $0x3  }
0x5: {  	s19 =	simm.s32 $0x0;
	[smem:$0x7FF] =	sst s2;
	s3 =	sand.u32 $0x1, s3  }
0x6: {  	s4 =	sshll.u32 s4, $0x1;
	_ =	strace $0x80000047;
	s5 =	ssub.s32 $0x2, s3  }
0x7: {  	s4 =	sor.u32 s3, s4;
	s3 =	sadd.s32 $0x400, s1;
	s26 =	sshrl.u32 s5, $0x1  }
0x8: {  	s6 =	sshll.u32 s4, $0xE;
	s11 =	sshll.u32 s4, $0x11;
	s1 =	ssub.s32 s5, s26  }
0x9: {  	s28 =	sadd.s32 s0, s6;
	s12 =	sor.u32 $0x8000, s11;
	s14 =	sor.u32 $0x10000, s11  }
.Ltmp0:
0xa: {  	s15 =	sor.u32 $0x18000, s11;
	v0 =	vmov s11;
	s11 =	simm.s32 $0x12000;
	(pc) =	sbr.rel .LBB2_1-.Ltmp0, $4  }
0xb: {  	[dreg:$0x3] =	wrdreg s28;
	s29 =	sshrl.u32 s12, $0x3;
	s30 =	sshrl.u32 s14, $0x3  }
0xc: {  	s7 =	sshrl.u32 s15, $0x3;
	s8 =	smax.u32 s1, $0x1;
	v1 =	vmov s12;
	s12 =	simm.s32 $0x10000  }
0xd: {  	v4 =	vlaneseq.u32;
	v2 =	vmov s14;
	v3 =	vmov s15;
	s14 =	simm.s32 $0x16000;
	s15 =	simm.s32 $0x16080;
	s31 =	sadd.s32 s0, s29  }
0xe: {  	v5 =	vimm.s32 $0x0;
	v7 =	vimm.s32 $0x1;
	v6 =	vor.u32 $0x2000, v4;
	s6 =	sadd.s32 s0, s30;
	s7 =	sadd.s32 s0, s7;
	[dreg:$0x4] =	wrdreg s31  }
.LBB2_117:
0xf: {  	s19 =	sadd.s32 $0x1, s19  }
0x10: {  	p0 =	sne.s32 s19, s8  }
.Ltmp1:
0x11: {  	_ = 	snop;
	(pc) =	sbr.rel @!p0 .LBB2_118-.Ltmp1, $4  }
0x12: {  	[hbm4b:s3+s16] =	stream.indirect.scatter [tilespmem:s14], [sflag:$0x1], $0x1, s15, s16, $0xb8;
	[tilespmem:$0x16100] =	vst v63  }
0x13: {  	_ =	swait.ge [sflag:s17], $0x40  }
0x14: {  	[sflag:s17] =	ssyncset.done $0x0  }
0x15: {  	[sflag:s17] =	ssyncadd.s32 $0xFFFFFFC0  }
.LBB2_1:
0x16: {  	s0 =	rddreg [dreg:$0x3]  }
0x17: {  	[tilespmem:s2], [sflag:$0x2] =	stream.linear.gather [hbm4b:s0+s2], $0x8000, $0x38;
	[tilespmem:$0x16100] =	vst v63  }
0x18: {  	_ =	swait.ge [sflag:s9], $0x8000  }
0x19: {  	[sflag:s9] =	ssyncset.done $0x0  }
0x1a: {  	s1 =	simm.s32 $0x8000;
	s31 =	rddreg [dreg:$0x4];
	[sflag:s9] =	ssyncadd.s32 $0xFFFF8000  }
0x1b: {  	[tilespmem:s1], [sflag:$0x3] =	stream.linear.gather [hbm4b:s31+s2], $0x8000, $0x38;
	[tilespmem:$0x16100] =	vst v63  }
0x1c: {  	s1 =	simm.s32 $0x12040  }
0x1d: {  	[tilespmem:s1+$0xFFFFFFC0] =	vst v5  }
0x1e: {  	[tilespmem:s1+$0x30] =	vst v5  }
0x1f: {  	[tilespmem:s1+$0x20] =	vst v5  }
0x20: {  	[tilespmem:s1+$0x10] =	vst v5  }
0x21: {  	[tilespmem:s1+$0x0] =	vst v5  }
0x22: {  	[tilespmem:s1+$0xFFFFFFF0] =	vst v5  }
0x23: {  	s21 =	simm.s32 $0x0;
	s20 =	simm.s32 $0x100;
	[tilespmem:s1+$0xFFFFFFE0] =	vst v5  }
.LBB2_2:
0x24: {  	s21 =	sadd.s32 $0x8, s21;
	[tilespmem:s1+$0xFFFFFFD0] =	vst v5;
	s1 =	sadd.s32 $0x80, s1;
	s0 =	simm.s32 $0x1C0  }
0x25: {  	[tilespmem:s1+$0xFFFFFFC0] =	vst v5;
	p0 =	slt.u32 s21, $0x3F8  }
0x26: {  	[tilespmem:s1+$0x30] =	vst v5  }
.Ltmp2:
0x27: {  	[tilespmem:s1+$0x20] =	vst v5;
	(pc) =	sbr.rel @p0 .LBB2_2-.Ltmp2, $4  }
0x28: {  	[tilespmem:s1+$0x10] =	vst v5  }
0x29: {  	[tilespmem:s1+$0x0] =	vst v5  }
0x2a: {  	[tilespmem:s1+$0xFFFFFFF0] =	vst v5  }
0x2b: {  	[tilespmem:s1+$0xFFFFFFE0] =	vst v5  }
0x2c: {  	[tilespmem:s1+$0xFFFFFFD0] =	vst v5  }
0x2d: {  	s30 =	sor.u32 $0x60, s0;
	v8 =	vld [tilespmem:s20+$0x40]  }
0x2e: {  	s31 =	sor.u32 $0x70, s0;
	v16 =	vld [tilespmem:s30+$0x0]  }
0x2f: {  	v17 =	vld [tilespmem:s31+$0x0]  }
0x30: {  	v18 =	vld [tilespmem:s20+$0xFFFFFF20]  }
0x31: {  	v19 =	vld [tilespmem:s20+$0xFFFFFF30]  }
0x32: {  	v20 =	vld [tilespmem:s20+$0xFFFFFF40]  }
0x33: {  	v21 =	vld [tilespmem:s20+$0xFFFFFF50]  }
0x34: {  	v22 =	vld [tilespmem:s20+$0xFFFFFF60]  }
0x35: {  	v23 =	vld [tilespmem:s20+$0xFFFFFF70]  }
0x36: {  	s23 =	simm.s32 $0x140;
	v24 =	vld [tilespmem:s20+$0xFFFFFF80]  }
0x37: {  	s21 =	sor.u32 $0x50, s23;
	v25 =	vld [tilespmem:s20+$0xFFFFFFB0]  }
0x38: {  	s24 =	sor.u32 $0x60, s23;
	v9 =	vld [tilespmem:s21+$0x0]  }
0x39: {  	s22 =	simm.s32 $0xC0;
	s1 =	sor.u32 $0x70, s23;
	v10 =	vld [tilespmem:s24+$0x0]  }
0x3a: {  	s26 =	sor.u32 $0x60, s22;
	v11 =	vld [tilespmem:s1+$0x0]  }
0x3b: {  	s28 =	sor.u32 $0x70, s22;
	v13 =	vld [tilespmem:s26+$0x0]  }
0x3c: {  	v14 =	vld [tilespmem:s28+$0x0]  }
0x3d: {  	s25 =	sor.u32 $0x50, s22;
	v26 =	vld [tilespmem:s20+$0xFFFFFFC0]  }
0x3e: {  	v12 =	vld [tilespmem:s25+$0x0]  }
0x3f: {  	v8 =	vmax.f32 v8, v9;
	v9 =	vmax.f32 v10, v11;
	v10 =	vld [tilespmem:s20+$0xFFFFFF90]  }
0x40: {  	s29 =	sor.u32 $0x50, s0;
	v8 =	vmax.f32 v8, v9;
	v9 =	vld [tilespmem:s20+$0xFFFFFFA0]  }
0x41: {  	v15 =	vld [tilespmem:s29+$0x0];
	v18 =	vmax.f32 v18, v19;
	v13 =	vmax.f32 v13, v14  }
0x42: {  	v53 =	vld [tilespmem:s20+$0x10];
	v14 =	vmax.f32 v16, v17;
	v16 =	vmax.f32 v20, v21;
	v17 =	vmax.f32 v22, v23  }
0x43: {  	v55 =	vld [tilespmem:s20+$0x20];
	v12 =	vmax.f32 v26, v12;
	v16 =	vmax.f32 v16, v17;
	v11 =	vshra.s32 v8, $0x1F  }
0x44: {  	v56 =	vld [tilespmem:s20+$0x80];
	v12 =	vmax.f32 v12, v13;
	v54 =	vshra.s32 v16, $0x1F;
	v11 =	vand.u32 $0x7FC00000, v11  }
0x45: {  	v8 =	vxor.u32 v8, v11;
	v11 =	vld [tilespmem:s20+$0x0];
	v10 =	vmax.f32 v24, v10;
	v9 =	vmax.f32 v9, v25  }
0x46: {  	v58 =	vshra.s32 v12, $0x1F;
	v19 =	vand.u32 $0x7FC00000, v54;
	v9 =	vmax.f32 v10, v9;
	v10 =	vld [tilespmem:s20+$0x30]  }
0x47: {  	v59 =	vld [tilespmem:s20+$0xA0];
	v20 =	vand.u32 $0x7FC00000, v58;
	v16 =	vxor.u32 v16, v19;
	v8 =	vshra.s32 v8, $0x12  }
0x48: {  	v61 =	vld [tilespmem:s20+$0xC0];
	v12 =	vxor.u32 v12, v20;
	v8 =	vand.u32 $0xFFFFFFF0, v8;
	v57 =	vshra.s32 v9, $0x1F  }
0x49: {  	v13 =	vld [tilespmem:s20+$0x90];
	v60 =	vadd.s32 v6, v8;
	v8 =	vshra.s32 v16, $0x12;
	v22 =	vand.u32 $0x7FC00000, v57  }
0x4a: {  	v16 =	vld [tilespmem:s20+$0xB0];
	v8 =	vand.u32 $0xFFFFFFF0, v8;
	v11 =	vmax.f32 v11, v53;
	v9 =	vxor.u32 v9, v22  }
0x4b: {  	v63 =	vld [tilespmem:s20+$0xFFFFFF00];
	v62 =	vadd.s32 v6, v8;
	v9 =	vshra.s32 v9, $0x12;
	v10 =	vmax.f32 v55, v10  }
0x4c: {  	v17 =	vld [tilespmem:s20+$0xFFFFFF10];
	v8 =	vand.u32 $0xFFFFFFF0, v9;
	v9 =	vshra.s32 v12, $0x12;
	v11 =	vmax.f32 v11, v10  }
0x4d: {  	v9 =	vand.u32 $0xFFFFFFF0, v9;
	v10 =	vshra.s32 v11, $0x1F  }
0x4e: {  	v12 =	vmax.f32 v56, v13;
	v13 =	vand.u32 $0x7FC00000, v10;
	v10 =	vadd.s32 v6, v9  }
0x4f: {  	v8 =	vadd.s32 v6, v8;
	v9 =	vxor.u32 v11, v13;
	v11 =	vmax.f32 v59, v16  }
0x50: {  	v9 =	vshra.s32 v9, $0x12;
	v11 =	vmax.f32 v12, v11;
	v12 =	vmax.f32 v61, v15  }
0x51: {  	s23 =	simm.s32 $0x0;
	[tilespmem:v60+s11+$0x0] =	vst.idx.add.s32.msk $0xffff, v7;
	v15 =	vmax.f32 v63, v17;
	v16 =	vshra.s32 v11, $0x1F;
	v13 =	vmax.f32 v12, v14  }
0x52: {  	s22 =	simm.s32 $0x80000000;
	s21 =	simm.s32 $0x15FF0;
	s24 =	simm.s32 $0x3C0;
	[tilespmem:v62+s11+$0x0] =	vst.idx.add.s32.msk $0xffff, v7;
	v12 =	vmax.f32 v15, v18;
	v14 =	vand.u32 $0x7FC00000, v16;
	v15 =	vshra.s32 v13, $0x1F  }
.LBB2_4:
0x53: {  	s0 =	sadd.s32 $0xFFFFFF00, s24;
	s1 =	sadd.s32 $0xFFFFFF80, s24;
	v16 =	vshra.s32 v12, $0x1F;
	[tilespmem:v10+s11+$0x0] =	vst.idx.add.s32.msk $0xffff, v7;
	v10 =	vxor.u32 v11, v14;
	v11 =	vand.u32 $0x7FC00000, v15;
	s20 =	sadd.s32 $0x200, s20  }
0x54: {  	s25 =	sor.u32 $0x50, s0;
	s26 =	sor.u32 $0x60, s0;
	v14 =	vld [tilespmem:s20+$0x40];
	s28 =	sor.u32 $0x50, s1;
	v15 =	vand.u32 $0x7FC00000, v16;
	v10 =	vshra.s32 v10, $0x12;
	v11 =	vxor.u32 v13, v11  }
0x55: {  	s23 =	sadd.s32 $0x8, s23;
	v9 =	vand.u32 $0xFFFFFFF0, v9;
	s0 =	sor.u32 $0x70, s0;
	v13 =	vld [tilespmem:s28+$0x0];
	s28 =	sor.u32 $0x60, s1;
	v12 =	vxor.u32 v12, v15;
	v11 =	vshra.s32 v11, $0x12  }
0x56: {  	p0 =	slt.u32 s23, $0x1F8;
	s1 =	sor.u32 $0x70, s1;
	v10 =	vand.u32 $0xFFFFFFF0, v10;
	v15 =	vld [tilespmem:s28+$0x0];
	s28 =	sor.u32 $0x50, s24;
	v12 =	vshra.s32 v12, $0x12;
	v11 =	vand.u32 $0xFFFFFFF0, v11  }
0x57: {  	s29 =	sor.u32 $0x70, s24;
	v17 =	vadd.s32 v6, v9;
	v16 =	vld [tilespmem:s1+$0x0];
	s1 =	sor.u32 $0x60, s24;
	v12 =	vand.u32 $0xFFFFFFF0, v12;
	v9 =	vadd.s32 v6, v11  }
0x58: {  	v18 =	vadd.s32 v6, v10;
	v11 =	vld [tilespmem:s25+$0x0];
	v12 =	vadd.s32 v6, v12  }
0x59: {  	v10 =	vld [tilespmem:s26+$0x0]  }
0x5a: {  	v19 =	vld [tilespmem:s0+$0x0]  }
0x5b: {  	v20 =	vld [tilespmem:s28+$0x0]  }
0x5c: {  	v13 =	vmax.f32 v14, v13;
	v14 =	vmax.f32 v15, v16;
	v15 =	vld [tilespmem:s1+$0x0]  }
0x5d: {  	v13 =	vmax.f32 v13, v14;
	v14 =	vld [tilespmem:s29+$0x0]  }
0x5e: {  	v16 =	vld [tilespmem:s20+$0xFFFFFF10];
	v21 =	vshra.s32 v13, $0x1F  }
0x5f: {  	v22 =	vld [tilespmem:s20+$0xFFFFFF20];
	v10 =	vmax.f32 v10, v19;
	v19 =	vand.u32 $0x7FC00000, v21  }
0x60: {  	v21 =	vld [tilespmem:s20+$0xFFFFFF30];
	v13 =	vxor.u32 v13, v19  }
0x61: {  	v19 =	vld [tilespmem:s20+$0xFFFFFF40];
	v13 =	vshra.s32 v13, $0x12  }
0x62: {  	v23 =	vld [tilespmem:s20+$0xFFFFFF50];
	v13 =	vand.u32 $0xFFFFFFF0, v13;
	v14 =	vmax.f32 v15, v14  }
0x63: {  	v15 =	vld [tilespmem:s20+$0xFFFFFF60];
	v13 =	vadd.s32 v6, v13  }
0x64: {  	v24 =	vld [tilespmem:s20+$0xFFFFFF70]  }
0x65: {  	v21 =	vmax.f32 v22, v21;
	v22 =	vld [tilespmem:s20+$0xFFFFFF80]  }
0x66: {  	v25 =	vld [tilespmem:s20+$0xFFFFFF90]  }
0x67: {  	v19 =	vmax.f32 v19, v23;
	v23 =	vld [tilespmem:s20+$0xFFFFFFA0]  }
0x68: {  	s25 =	simm.s32 $0x0;
	[tilespmem:v13+s11+$0x0] =	vst.idx.add.s32.msk $0xffff, v7  }
0x69: {  	v13 =	vmax.f32 v15, v24;
	v15 =	vld [tilespmem:s20+$0xFFFFFFB0]  }
0x6a: {  	v13 =	vmax.f32 v19, v13;
	v19 =	vld [tilespmem:s20+$0xFFFFFFC0]  }
0x6b: {  	v24 =	vshra.s32 v13, $0x1F;
	v22 =	vmax.f32 v22, v25;
	v25 =	vld [tilespmem:s20+$0x0]  }
0x6c: {  	v24 =	vand.u32 $0x7FC00000, v24;
	v26 =	vld [tilespmem:s20+$0x10]  }
0x6d: {  	v13 =	vxor.u32 v13, v24;
	v24 =	vld [tilespmem:s20+$0x20]  }
0x6e: {  	v13 =	vshra.s32 v13, $0x12;
	v15 =	vmax.f32 v23, v15;
	v23 =	vld [tilespmem:s20+$0x30]  }
0x6f: {  	v13 =	vand.u32 $0xFFFFFFF0, v13;
	v15 =	vmax.f32 v22, v15;
	v11 =	vmax.f32 v19, v11;
	v19 =	vld [tilespmem:s20+$0x80]  }
0x70: {  	v13 =	vadd.s32 v6, v13;
	v22 =	vshra.s32 v15, $0x1F;
	v10 =	vmax.f32 v11, v10;
	v11 =	vld [tilespmem:s20+$0x90]  }
0x71: {  	v22 =	vand.u32 $0x7FC00000, v22;
	v27 =	vshra.s32 v10, $0x1F;
	v25 =	vmax.f32 v25, v26;
	v26 =	vld [tilespmem:s20+$0xA0]  }
0x72: {  	v15 =	vxor.u32 v15, v22;
	v22 =	vand.u32 $0x7FC00000, v27;
	v27 =	vld [tilespmem:s20+$0xB0]  }
0x73: {  	v15 =	vshra.s32 v15, $0x12;
	v10 =	vxor.u32 v10, v22;
	v22 =	vmax.f32 v24, v23;
	v23 =	vld [tilespmem:s20+$0xC0]  }
0x74: {  	v24 =	vld [tilespmem:s20+$0xFFFFFF00];
	v15 =	vand.u32 $0xFFFFFFF0, v15;
	v10 =	vshra.s32 v10, $0x12;
	v22 =	vmax.f32 v25, v22  }
0x75: {  	v10 =	vand.u32 $0xFFFFFFF0, v10;
	v25 =	vshra.s32 v22, $0x1F;
	v11 =	vmax.f32 v19, v11;
	[tilespmem:v9+s11+$0x0] =	vst.idx.add.s32.msk $0xffff, v7  }
.Ltmp3:
0x76: {  	v19 =	vadd.s32 v6, v15;
	v10 =	vadd.s32 v6, v10;
	v9 =	vand.u32 $0x7FC00000, v25;
	[tilespmem:v12+s11+$0x0] =	vst.idx.add.s32.msk $0xffff, v7;
	(pc) =	sbr.rel @p0 .LBB2_4-.Ltmp3, $4  }
0x77: {  	[tilespmem:v13+s11+$0x0] =	vst.idx.add.s32.msk $0xffff, v7;
	v9 =	vxor.u32 v22, v9;
	v12 =	vmax.f32 v26, v27  }
0x78: {  	v9 =	vshra.s32 v9, $0x12;
	v11 =	vmax.f32 v11, v12;
	v12 =	vmax.f32 v23, v20;
	[tilespmem:v8+s11+$0x0] =	vst.idx.add.s32.msk $0xffff, v7  }
0x79: {  	v16 =	vmax.f32 v24, v16;
	v15 =	vshra.s32 v11, $0x1F;
	v13 =	vmax.f32 v12, v14;
	[tilespmem:v17+s11+$0x0] =	vst.idx.add.s32.msk $0xffff, v7  }
0x7a: {  	s24 =	sadd.s32 $0x200, s24;
	v8 =	vmovc v19;
	v12 =	vmax.f32 v16, v21;
	v14 =	vand.u32 $0x7FC00000, v15;
	v15 =	vshra.s32 v13, $0x1F;
	[tilespmem:v18+s11+$0x0] =	vst.idx.add.s32.msk $0xffff, v7  }
0x7b: {  	v16 =	vshra.s32 v12, $0x1F;
	v15 =	vand.u32 $0x7FC00000, v15  }
0x7c: {  	v11 =	vxor.u32 v11, v14;
	v9 =	vand.u32 $0xFFFFFFF0, v9;
	v16 =	vand.u32 $0x7FC00000, v16  }
0x7d: {  	v13 =	vxor.u32 v13, v15;
	v11 =	vshra.s32 v11, $0x12;
	v9 =	vadd.s32 v6, v9  }
0x7e: {  	v62 =	vxor.u32 v12, v16;
	v13 =	vshra.s32 v13, $0x12;
	v11 =	vand.u32 $0xFFFFFFF0, v11  }
0x7f: {  	v12 =	vshra.s32 v62, $0x12;
	v13 =	vand.u32 $0xFFFFFFF0, v13;
	v63 =	vadd.s32 v6, v11  }
0x80: {  	v12 =	vand.u32 $0xFFFFFFF0, v12;
	v13 =	vadd.s32 v6, v13  }
0x81: {  	[tilespmem:v10+s11+$0x0] =	vst.idx.add.s32.msk $0xffff, v7;
	v12 =	vadd.s32 v6, v12  }
0x82: {  	[tilespmem:v8+s11+$0x0] =	vst.idx.add.s32.msk $0xffff, v7  }
0x83: {  	[tilespmem:v9+s11+$0x0] =	vst.idx.add.s32.msk $0xffff, v7  }
0x84: {  	[tilespmem:v63+s11+$0x0] =	vst.idx.add.s32.msk $0xffff, v7  }
0x85: {  	[tilespmem:v13+s11+$0x0] =	vst.idx.add.s32.msk $0xffff, v7  }
0x86: {  	[tilespmem:v12+s11+$0x0] =	vst.idx.add.s32.msk $0xffff, v7  }
.LBB2_6:
0x87: {  	v8 =	vld [tilespmem:s21+$0x0];
	_ =	sdelay $0x4  }
0x88: {  	(xrf0) =	vadd.scan.msk.s32 $0xffff, v8;
	_ =	sdelay $0x5  }
0x89: {  	v8, _, _ =	vpop (xrf0)  }
0x8a: {  	(v2sf) =	vpush v8, $0xF;
	_ =	sdelay $0xe  }
0x8b: {  	s0 =	spop (v2sf)  }
0x8c: {  	s25 =	sadd.s32 s25, s0  }
0x8d: {  	p0 =	slt.s32 s25, $0x40  }
.Ltmp4:
0x8e: {  	_ = 	snop;
	(pc) =	sbr.rel @p0 .LBB2_6-.Ltmp4, $2  }
0x8f: {  	_ =	sdelay $0x2  }
0x90: {  	s21 =	sadd.s32 $0xFFFFFFF0, s21;
	s22 =	sadd.s32 $0xFFC00000, s22  }
0x91: {  	s0 =	simm.s32 $0x40  }
0x92: {  	v8 =	vld [tilespmem:s0+$0xFFFFFFC0]  }
0x93: {  	v11 =	vld [tilespmem:s0+$0x30]  }
0x94: {  	v12 =	vld [tilespmem:s0+$0x20]  }
0x95: {  	v9 =	vld [tilespmem:s0+$0x0]  }
0x96: {  	v14 =	vld [tilespmem:s0+$0xFFFFFFE0]  }
0x97: {  	v13 =	vld [tilespmem:s0+$0xFFFFFFD0];
	v10 =	vshra.s32 v8, $0x1F  }
0x98: {  	v15 =	vand.u32 $0x7FFFFFFF, v10  }
0x99: {  	v16 =	vimm.s32 $0x0;
	v10 =	vmov s22;
	v15 =	vxor.u32 v8, v15  }
0x9a: {  	v17 =	vld [tilespmem:s0+$0xFFFFFFF0];
	v18 =	vshra.s32 v11, $0x1F;
	v19 =	vshra.s32 v9, $0x1F;
	vm7 =	vge.s32 v15, v10  }
0x9b: {  	v21 =	vshra.s32 v14, $0x1F;
	v19 =	vand.u32 $0x7FFFFFFF, v19;
	v20 =	vmpcnt.ones.xlane vm7  }
0x9c: {  	v22 =	vld [tilespmem:s0+$0x10];
	v23 =	vshra.s32 v13, $0x1F;
	v8 =	vshra.s32 v12, $0x1F;
	v9 =	vxor.u32 v9, v19  }
0x9d: {  	v8 =	vand.u32 $0x7FFFFFFF, v8;
	v19 =	vadd.s32 v16, v20;
	v20 =	vand.u32 $0x7FFFFFFF, v23  }
0x9e: {  	vm0 =	vge.s32 v9, v10;
	v8 =	vxor.u32 v12, v8;
	v20 =	vxor.u32 v13, v20  }
0x9f: {  	v12 =	vshra.s32 v17, $0x1F;
	v13 =	vsel vm0, $0x1, v5;
	vm5 =	vge.s32 v20, v10  }
0xa0: {  	v18 =	vand.u32 $0x7FFFFFFF, v18;
	v12 =	vand.u32 $0x7FFFFFFF, v12;
	(xrf0) =	vadd.scan.msk.s32 $0xffff, v13;
	v23 =	vsel vm5, $0x1, v5  }
0xa1: {  	v21 =	vand.u32 $0x7FFFFFFF, v21;
	v12 =	vxor.u32 v17, v12;
	v17 =	vshra.s32 v22, $0x1F;
	(xrf0) =	vadd.scan.msk.s32 $0xffff, v23  }
0xa2: {  	v14 =	vxor.u32 v14, v21;
	v13 =	vand.u32 $0x7FFFFFFF, v17;
	v17 =	vsel vm7, $0x1, v5  }
0xa3: {  	v11 =	vxor.u32 v11, v18;
	vm6 =	vge.s32 v14, v10;
	vm2 =	vge.s32 v12, v10;
	(xrf0) =	vadd.scan.msk.s32 $0xffff, v17  }
0xa4: {  	vm3 =	vge.s32 v11, v10;
	v13 =	vxor.u32 v22, v13;
	v17 =	vsel vm2, $0x1, v5  }
0xa5: {  	v21 =	vmpcnt.ones.xlane vm6;
	vm4 =	vge.s32 v13, v10;
	(xrf0) =	vadd.scan.msk.s32 $0xffff, v17;
	v17 =	vsel vm6, $0x1, v5  }
0xa6: {  	s31 =	simm.s32 $0x0;
	v61 =	vmpcnt.ones.xlane vm3;
	vm1 =	vge.s32 v8, v10;
	v18 =	vsel vm4, $0x1, v5;
	(xrf0) =	vadd.scan.msk.s32 $0xffff, v17;
	v25, _, _ =	vpop (xrf0)  }
0xa7: {  	v60 =	vor.u32 s31, v4;
	v59 =	vmpcnt.ones.xlane vm1;
	v24 =	vmpcnt.ones.xlane vm5;
	(xrf0) =	vadd.scan.msk.s32 $0xffff, v18;
	v27, _, _ =	vpop (xrf0)  }
0xa8: {  	v58 =	vmpcnt.ones.xlane vm2;
	v23 =	vmpcnt.ones.xlane vm0;
	v18 =	vadd.s32 v27, v19  }
0xa9: {  	v22 =	vadd.s32 v19, v24;
	v17 =	vsel vm1, $0x1, v5;
	v19, _, _ =	vpop (xrf0);
	v18 =	vadd.s32 $0xFFFFFFFF, v18  }
0xaa: {  	v26 =	vmpcnt.ones.xlane vm4;
	(xrf0) =	vadd.scan.msk.s32 $0xffff, v17;
	v16 =	vadd.s32 v19, v16;
	v19 =	vsel vm3, $0x1, v5  }
0xab: {  	v21 =	vadd.s32 v22, v21;
	v29, _, _ =	vpop (xrf0);
	v28 =	vadd.s32 $0xFFFFFFFF, v16;
	vm8 =	vlt.s32 v18, $0xFFF;
	(xrf0) =	vadd.scan.msk.s32 $0xffff, v19  }
0xac: {  	v24 =	vadd.s32 v21, v58;
	vm9 =	vlt.s32 v28, $0xFFF;
	v17 =	vnsel vm8, $0xFFF, v18;
	v18, _, _ =	vpop (xrf0)  }
0xad: {  	s30 =	simm.s32 $0x10;
	v28 =	vnsel vm9, $0xFFF, v28;
	v18 =	vadd.s32 v18, v22;
	v22 =	vadd.s32 v24, v23;
	v23, _, _ =	vpop (xrf0)  }
0xae: {  	v16 =	vor.u32 s30, v4;
	v23 =	vadd.s32 v23, v22;
	v22 =	vadd.s32 v22, v26  }
0xaf: {  	v19 =	vadd.s32 v29, v21;
	v21 =	vadd.s32 v25, v24;
	v18 =	vadd.s32 $0xFFFFFFFF, v18  }
0xb0: {  	v63, _, _ =	vpop (xrf0);
	vm8 =	vlt.s32 v18, $0xFFF;
	v62 =	vadd.s32 $0xFFFFFFFF, v23;
	v26 =	vadd.s32 v22, v59  }
0xb1: {  	[tilespmem:v17+s12+$0x0] =	vst.idx.msk vm5, v20;
	v23 =	vnsel vm8, $0xFFF, v18;
	vm8 =	vlt.s32 v62, $0xFFF;
	v18 =	vadd.s32 v63, v22;
	v22, _, _ =	vpop (xrf0)  }
0xb2: {  	s20 =	simm.s32 $0x70;
	[tilespmem:v28+s12+$0x0] =	vst.idx.msk vm7, v15;
	v20 =	vnsel vm8, $0xFFF, v62;
	v18 =	vadd.s32 $0xFFFFFFFF, v18;
	v15 =	vadd.s32 v22, v26  }
0xb3: {  	s21 =	simm.s32 $0x0;
	s24 =	simm.s32 $0xC0;
	s23 =	simm.s32 $0x70;
	[tilespmem:v28+s13+$0x0] =	vst.idx.msk vm7, v60;
	vm7 =	vlt.s32 v18, $0xFFF;
	v22 =	vadd.s32 $0xFFFFFFFF, v15;
	v15 =	vadd.s32 v26, v61  }
.LBB2_8:
0xb4: {  	v24 =	vld [tilespmem:s24+$0xFFFFFFC0];
	s21 =	sadd.s32 $0x8, s21;
	[tilespmem:v17+s13+$0x0] =	vst.idx.msk vm5, v16;
	v16 =	vadd.s32 $0xFFFFFFFF, v19;
	v17 =	vadd.s32 $0xFFFFFFFF, v21;
	s20 =	sadd.s32 $0x80, s20  }
0xb5: {  	s0 =	sadd.s32 $0xFFFFFFB0, s23;
	v19 =	vld [tilespmem:s24+$0x30];
	p0 =	slt.u32 s21, $0x7F8;
	vm5 =	vlt.s32 v16, $0xFFF;
	vm8 =	vlt.s32 v17, $0xFFF  }
0xb6: {  	v21 =	vld [tilespmem:s24+$0x20];
	[tilespmem:v23+s12+$0x0] =	vst.idx.msk vm6, v14;
	v14 =	vor.u32 s0, v4;
	v16 =	vnsel vm5, $0xFFF, v16;
	v17 =	vnsel vm8, $0xFFF, v17;
	s0 =	sadd.s32 $0xFFFFFFF0, s23  }
0xb7: {  	s1 =	sadd.s32 $0xFFFFFFD0, s23;
	s25 =	sadd.s32 $0xFFFFFFE0, s23;
	v25 =	vld [tilespmem:s24+$0x0];
	[tilespmem:v23+s13+$0x0] =	vst.idx.msk vm6, v14;
	v14 =	vor.u32 s0, v4;
	v23 =	vor.u32 s23, v4  }
0xb8: {  	v27 =	vor.u32 s1, v4;
	s0 =	sadd.s32 $0xFFFFFFC0, s23;
	s23 =	smov.u32 s20;
	v26 =	vld [tilespmem:s24+$0xFFFFFFE0];
	[tilespmem:v20+s12+$0x0] =	vst.idx.msk vm4, v13;
	v13 =	vor.u32 s25, v4  }
0xb9: {  	v30 =	vor.u32 s0, v4;
	v28 =	vshra.s32 v24, $0x1F;
	v29 =	vld [tilespmem:s24+$0xFFFFFFD0];
	[tilespmem:v20+s13+$0x0] =	vst.idx.msk vm4, v13;
	vm4 =	vlt.s32 v22, $0xFFF  }
0xba: {  	v18 =	vnsel vm7, $0xFFF, v18;
	v13 =	vand.u32 $0x7FFFFFFF, v28;
	v20 =	vld [tilespmem:s24+$0xFFFFFFF0];
	v22 =	vnsel vm4, $0xFFF, v22  }
0xbb: {  	v28 =	vshra.s32 v19, $0x1F;
	v24 =	vxor.u32 v24, v13;
	v13 =	vshra.s32 v21, $0x1F;
	[tilespmem:v16+s12+$0x0] =	vst.idx.msk vm2, v12  }
0xbc: {  	vm7 =	vge.s32 v24, v10;
	v12 =	vshra.s32 v25, $0x1F;
	v13 =	vand.u32 $0x7FFFFFFF, v13;
	[tilespmem:v16+s13+$0x0] =	vst.idx.msk vm2, v30  }
0xbd: {  	v16 =	vmpcnt.ones.xlane vm7;
	v30 =	vshra.s32 v26, $0x1F;
	v12 =	vand.u32 $0x7FFFFFFF, v12;
	v31 =	vld [tilespmem:s24+$0x10];
	[tilespmem:v17+s12+$0x0] =	vst.idx.msk vm0, v9  }
0xbe: {  	v32 =	vshra.s32 v29, $0x1F;
	v9 =	vxor.u32 v25, v12;
	v12 =	vxor.u32 v21, v13;
	[tilespmem:v17+s13+$0x0] =	vst.idx.msk vm0, v27  }
0xbf: {  	v16 =	vadd.s32 v15, v16;
	v13 =	vshra.s32 v20, $0x1F;
	vm0 =	vge.s32 v9, v10;
	[tilespmem:v18+s12+$0x0] =	vst.idx.msk vm1, v8  }
0xc0: {  	v21 =	vand.u32 $0x7FFFFFFF, v28;
	v17 =	vand.u32 $0x7FFFFFFF, v32;
	v8 =	vmovc v12;
	v13 =	vand.u32 $0x7FFFFFFF, v13;
	[tilespmem:v22+s12+$0x0] =	vst.idx.msk vm3, v11  }
0xc1: {  	v25 =	vxor.u32 v29, v17;
	v11 =	vsel vm0, $0x1, v5;
	v12 =	vxor.u32 v20, v13;
	[tilespmem:v22+s13+$0x0] =	vst.idx.msk vm3, v23  }
0xc2: {  	vm5 =	vge.s32 v25, v10;
	vm2 =	vge.s32 v12, v10;
	v13 =	vshra.s32 v31, $0x1F;
	[tilespmem:v18+s13+$0x0] =	vst.idx.msk vm1, v14  }
0xc3: {  	v14 =	vsel vm5, $0x1, v5;
	v17 =	vmpcnt.ones.xlane vm5;
	v13 =	vand.u32 $0x7FFFFFFF, v13;
	(xrf0) =	vadd.scan.msk.s32 $0xffff, v11  }
0xc4: {  	v20 =	vand.u32 $0x7FFFFFFF, v30;
	v18 =	vsel vm7, $0x1, v5;
	v13 =	vxor.u32 v31, v13;
	(xrf0) =	vadd.scan.msk.s32 $0xffff, v14  }
0xc5: {  	v11 =	vxor.u32 v19, v21;
	v22 =	vadd.s32 v16, v17;
	vm4 =	vge.s32 v13, v10;
	(xrf0) =	vadd.scan.msk.s32 $0xffff, v18  }
0xc6: {  	v14 =	vxor.u32 v26, v20;
	v17 =	vsel vm2, $0x1, v5;
	v18 =	vsel vm4, $0x1, v5  }
0xc7: {  	vm6 =	vge.s32 v14, v10;
	(xrf0) =	vadd.scan.msk.s32 $0xffff, v17  }
0xc8: {  	v20 =	vmpcnt.ones.xlane vm0;
	v19 =	vmpcnt.ones.xlane vm6;
	v17 =	vsel vm6, $0x1, v5  }
0xc9: {  	vm1 =	vge.s32 v8, v10;
	v28 =	vmpcnt.ones.xlane vm2;
	vm3 =	vge.s32 v11, v10;
	(xrf0) =	vadd.scan.msk.s32 $0xffff, v17;
	v23, _, _ =	vpop (xrf0)  }
0xca: {  	v26 =	vmpcnt.ones.xlane vm4;
	v19 =	vadd.s32 v22, v19;
	v17 =	vsel vm1, $0x1, v5;
	v27, _, _ =	vpop (xrf0);
	(xrf0) =	vadd.scan.msk.s32 $0xffff, v18  }
0xcb: {  	v18 =	vadd.s32 v19, v28;
	v16 =	vadd.s32 v27, v16;
	v27 =	vmpcnt.ones.xlane vm1;
	v21, _, _ =	vpop (xrf0)  }
0xcc: {  	s0 =	sadd.s32 $0xFFFFFFA0, s20;
	v28 =	vsel vm3, $0x1, v5;
	v15 =	vadd.s32 v21, v15;
	v21 =	vadd.s32 $0xFFFFFFFF, v16;
	(xrf0) =	vadd.scan.msk.s32 $0xffff, v17  }
0xcd: {  	v16 =	vor.u32 s0, v4;
	v15 =	vadd.s32 $0xFFFFFFFF, v15;
	vm8 =	vlt.s32 v21, $0xFFF;
	v29, _, _ =	vpop (xrf0);
	(xrf0) =	vadd.scan.msk.s32 $0xffff, v28  }
0xce: {  	s0 =	sadd.s32 $0xFFFFFF90, s20;
	vm9 =	vlt.s32 v15, $0xFFF;
	v17 =	vnsel vm8, $0xFFF, v21;
	v19 =	vadd.s32 v29, v19  }
0xcf: {  	v28 =	vor.u32 s0, v4;
	v21 =	vadd.s32 v23, v18;
	v15 =	vnsel vm9, $0xFFF, v15;
	v23, _, _ =	vpop (xrf0)  }
0xd0: {  	v18 =	vadd.s32 v18, v20;
	v29 =	vmpcnt.ones.xlane vm3;
	v22 =	vadd.s32 v23, v22;
	v20, _, _ =	vpop (xrf0)  }
.Ltmp5:
0xd1: {  	v30 =	vadd.s32 $0xFFFFFFFF, v22;
	v20 =	vadd.s32 v20, v18;
	v18 =	vadd.s32 v18, v26;
	(pc) =	sbr.rel @p0 .LBB2_8-.Ltmp5, $4  }
0xd2: {  	vm8 =	vlt.s32 v30, $0xFFF;
	v20 =	vadd.s32 $0xFFFFFFFF, v20;
	v26 =	vadd.s32 v18, v27;
	v27, _, _ =	vpop (xrf0)  }
0xd3: {  	[tilespmem:v17+s12+$0x0] =	vst.idx.msk vm5, v25;
	v23 =	vnsel vm8, $0xFFF, v30;
	vm8 =	vlt.s32 v20, $0xFFF;
	v18 =	vadd.s32 v27, v18;
	v22, _, _ =	vpop (xrf0)  }
0xd4: {  	[tilespmem:v15+s12+$0x0] =	vst.idx.msk vm7, v24;
	v20 =	vnsel vm8, $0xFFF, v20;
	v18 =	vadd.s32 $0xFFFFFFFF, v18;
	v22 =	vadd.s32 v22, v26  }
0xd5: {  	s24 =	sadd.s32 $0x80, s24;
	[tilespmem:v15+s13+$0x0] =	vst.idx.msk vm7, v28;
	vm7 =	vlt.s32 v18, $0xFFF;
	v22 =	vadd.s32 $0xFFFFFFFF, v22;
	v15 =	vadd.s32 v26, v29  }
0xd6: {  	v10 =	vxor.u32 $0x80000000, v15  }
0xd7: {  	(xrf0) =	vmax.scan.msk.u32 $0xffff, v10;
	_ =	sdelay $0x5  }
0xd8: {  	v10, _, _ =	vpop (xrf0)  }
0xd9: {  	(v2sf) =	vpush v10, $0xF;
	_ =	sdelay $0xa  }
0xda: {  	[tilespmem:v17+s13+$0x0] =	vst.idx.msk vm5, v16;
	v58 =	vadd.s32 $0xFFFFFFFF, v21;
	vm15 =	vlt.s32 v22, $0xFFF;
	v61 =	vnsel vm7, $0xFFF, v18  }
0xdb: {  	s0 =	sadd.s32 $0xFFFFFFB0, s23;
	[tilespmem:v23+s12+$0x0] =	vst.idx.msk vm6, v14;
	vm14 =	vlt.s32 v58, $0xFFF;
	v63 =	vnsel vm15, $0xFFF, v22;
	v10 =	vadd.s32 $0xFFFFFFFF, v19  }
0xdc: {  	s25 =	sadd.s32 $0xFFFFFFE0, s23;
	[tilespmem:v20+s12+$0x0] =	vst.idx.msk vm4, v13;
	v59 =	vor.u32 s0, v4;
	v15 =	vnsel vm14, $0xFFF, v58;
	vm8 =	vlt.s32 v10, $0xFFF  }
0xdd: {  	v60 =	vor.u32 s25, v4;
	[tilespmem:v23+s13+$0x0] =	vst.idx.msk vm6, v59;
	v10 =	vnsel vm8, $0xFFF, v10  }
0xde: {  	[tilespmem:v20+s13+$0x0] =	vst.idx.msk vm4, v60;
	s1 =	spop (v2sf)  }
0xdf: {  	[tilespmem:v61+s12+$0x0] =	vst.idx.msk vm1, v8;
	s28 =	sadd.s32 $0x8000000F, s1  }
0xe0: {  	[tilespmem:v63+s12+$0x0] =	vst.idx.msk vm3, v11;
	s20 =	sshra.s32 s28, $0x4  }
0xe1: {  	s26 =	sadd.s32 $0xFFFFFFC0, s23;
	p0 =	sgt.s32 s22, $0x7F7FFFFF;
	[tilespmem:v15+s12+$0x0] =	vst.idx.msk vm0, v9;
	s0 =	sshrl.u32 s20, $0x1E  }
.Ltmp6:
0xe2: {  	s21 =	sadd.s32 $0xFFFFFFD0, s23;
	v62 =	vor.u32 s26, v4;
	[tilespmem:v10+s12+$0x0] =	vst.idx.msk vm2, v12;
	s0 =	sadd.s32 s0, s20;
	(pc) =	sbr.rel @p0 .LBB2_16-.Ltmp6, $4  }
0xe3: {  	s29 =	sadd.s32 $0xFFFFFFF0, s23;
	v8 =	vor.u32 s23, v4;
	[tilespmem:v10+s13+$0x0] =	vst.idx.msk vm2, v62;
	v10 =	vor.u32 s21, v4;
	s21 =	sand.u32 $0xFFFFFFFC, s0  }
0xe4: {  	v9 =	vor.u32 s29, v4;
	[tilespmem:v63+s13+$0x0] =	vst.idx.msk vm3, v8;
	s24 =	ssub.s32 s20, s21  }
0xe5: {  	[tilespmem:v61+s13+$0x0] =	vst.idx.msk vm1, v9;
	s1 =	sxor.u32 $0x80000000, s1;
	s30 =	sshll.u32 s20, $0x6;
	s31 =	sshll.u32 s24, $0x6  }
0xe6: {  	[tilespmem:v15+s13+$0x0] =	vst.idx.msk vm0, v10;
	v8 =	vmov s1;
	s25 =	sshll.u32 s20, $0x4;
	s23 =	ssub.s32 s30, s31  }
.Ltmp7:
0xe7: {  	(pc) =	sbr.rel .LBB2_11-.Ltmp7, $4  }
0xe8: {  	_ = 	snop  }
0xe9: {  	s0 =	sshra.s32 s23, $0x2  }
0xea: {  	s1 =	sshll.u32 s24, $0x4;
	s29 =	simm.s32 $0x7F800000;
	p0 =	slt.s32 s21, $0x1  }
0xeb: {  	p1 =	slt.s32 s24, $0x1;
	s26 =	sadd.s32 $0x10000, s0;
	s28 =	ssub.s32 s25, s1  }
.LBB2_15:
0xec: {  	(xrf0) =	vadd.scan.msk.s32 $0xffff, v10;
	_ =	sdelay $0x5  }
0xed: {  	v9, _, _ =	vpop (xrf0)  }
0xee: {  	(v2sf) =	vpush v9, $0xF;
	_ =	sdelay $0xe  }
0xef: {  	s0 =	spop (v2sf)  }
0xf0: {  	p2 =	sgt.s32 s0, $0x3F;
	s0 =	sadd.s32 $0xFFFFFFFF, s30  }
0xf1: {  	s22 =	smov.u32 @p2 s30;
	s0 =	smov.u32 @p2 s29  }
0xf2: {  	p2 =	slt.s32 s22, s0  }
.Ltmp8:
0xf3: {  	_ = 	snop;
	(pc) =	sbr.rel @!p2 .LBB2_16-.Ltmp8, $2  }
0xf4: {  	_ =	sdelay $0x2  }
0xf5: {  	s29 =	smov.u32 s0  }
.LBB2_11:
.Ltmp9:
0xf6: {  	s0 =	ssub.s32 s29, s22;
	(pc) =	sbr.rel @p0 .LBB2_12-.Ltmp9, $4  }
0xf7: {  	s0 =	sadd.s32 $0x1, s0  }
0xf8: {  	s0 =	sshrl.u32 s0, $0x1  }
0xf9: {  	s30 =	sadd.s32 s22, s0  }
0xfa: {  	v10 =	vimm.s32 $0x0;
	v9 =	vmov s30  }
0xfb: {  	s1 =	simm.s32 $0x10020  }
0xfc: {  	v11 =	vld [tilespmem:s1+$0xFFFFFFE0];
	_ =	sdelay $0x2  }
0xfd: {  	v12 =	vld [tilespmem:s1+$0x10]  }
0xfe: {  	p2 =	sgt.s32 s21, $0x4;
	v13 =	vld [tilespmem:s1+$0xFFFFFFF0]  }
.Ltmp10:
0xff: {  	s31 =	simm.s32 $0x0;
	s0 =	simm.s32 $0x20;
	vm4 =	vge.s32 v11, v9;
	v11 =	vld [tilespmem:s1+$0x0];
	(pc) =	sbr.rel @!p2 .LBB2_121-.Ltmp10, $4  }
0x100: {  	s10 =	simm.s32 $0x30;
	s4 =	simm.s32 $0x10;
	v14 =	vor.u32 s31, v4;
	v15 =	vor.u32 s0, v4  }
0x101: {  	v16 =	vor.u32 s10, v4;
	v63 =	vor.u32 s4, v4;
	vm2 =	vlt.s32 v14, v8  }
0x102: {  	vm0 =	vlt.s32 v16, v8;
	vm3 =	vlt.s32 v63, v8;
	vm1 =	vlt.s32 v15, v8  }
0x103: {  	s0 =	simm.s32 $0x4;
	vm5 =	vge.s32 v13, v9;
	s1 =	simm.s32 $0x10060;
	vm4 =	vmand vm2, vm4;
	vm2 =	vge.s32 v12, v9  }
.LBB2_120:
0x104: {  	v12 =	vld [tilespmem:s1+$0x10];
	v13 =	vsel vm4, $0x1, v5;
	vm3 =	vmand vm3, vm5;
	vm4 =	vge.s32 v11, v9  }
0x105: {  	s0 =	sadd.s32 $0x4, s0;
	v14 =	vld [tilespmem:s1+$0xFFFFFFE0];
	v10 =	vadd.s32 v13, v10;
	v11 =	vsel vm3, $0x1, v5;
	vm1 =	vmand vm1, vm4  }
0x106: {  	vm0 =	vmand vm0, vm2;
	s31 =	sadd.s32 $0x40, s31;
	p2 =	slt.s32 s0, s21;
	v13 =	vld [tilespmem:s1+$0xFFFFFFF0];
	v10 =	vadd.s32 v11, v10;
	v15 =	vsel vm1, $0x1, v5  }
.Ltmp11:
0x107: {  	v16 =	vor.u32 s31, v4;
	s4 =	sadd.s32 $0x20, s31;
	s10 =	sadd.s32 $0x30, s31;
	v11 =	vld [tilespmem:s1+$0x0];
	v10 =	vadd.s32 v15, v10;
	v15 =	vsel vm0, $0x1, v5;
	(pc) =	sbr.rel @p2 .LBB2_120-.Ltmp11, $4  }
0x108: {  	s5 =	sadd.s32 $0x10, s31;
	v17 =	vor.u32 s4, v4;
	v18 =	vor.u32 s10, v4;
	v10 =	vadd.s32 v15, v10  }
0x109: {  	vm2 =	vlt.s32 v16, v8;
	vm0 =	vlt.s32 v18, v8;
	v15 =	vor.u32 s5, v4  }
0x10a: {  	vm1 =	vlt.s32 v17, v8;
	vm3 =	vlt.s32 v15, v8;
	vm4 =	vge.s32 v14, v9  }
0x10b: {  	s1 =	sadd.s32 $0x40, s1;
	vm4 =	vmand vm2, vm4;
	vm5 =	vge.s32 v13, v9;
	vm2 =	vge.s32 v12, v9  }
.LBB2_121:
0x10c: {  	v12 =	vsel vm4, $0x1, v5;
	vm3 =	vmand vm3, vm5;
	vm15 =	vge.s32 v11, v9  }
0x10d: {  	v10 =	vadd.s32 v12, v10;
	v11 =	vsel vm3, $0x1, v5;
	vm1 =	vmand vm1, vm15  }
0x10e: {  	vm0 =	vmand vm0, vm2;
	v10 =	vadd.s32 v11, v10;
	v11 =	vsel vm1, $0x1, v5  }
0x10f: {  	v10 =	vadd.s32 v11, v10;
	v11 =	vsel vm0, $0x1, v5  }
0x110: {  	v10 =	vadd.s32 v11, v10  }
.LBB2_12:
.Ltmp12:
0x111: {  	(pc) =	sbr.rel @p1 .LBB2_15-.Ltmp12, $1  }
0x112: {  	_ =	sdelay $0x3  }
0x113: {  	s0 =	smov.u32 s28;
	s1 =	smov.u32 s26;
	s31 =	smov.u32 s21  }
.LBB2_14:
0x114: {  	v11 =	vld [tilespmem:s1+$0x0];
	_ =	sdelay $0x1  }
0x115: {  	s31 =	sadd.s32 $0x1, s31  }
0x116: {  	p2 =	slt.s32 s31, s20  }
.Ltmp13:
0x117: {  	v12 =	vor.u32 s0, v4;
	(pc) =	sbr.rel @p2 .LBB2_14-.Ltmp13, $4  }
0x118: {  	vm0 =	vlt.s32 v12, v8;
	vm1 =	vge.s32 v11, v9  }
0x119: {  	vm0 =	vmand vm0, vm1  }
0x11a: {  	v11 =	vsel vm0, $0x1, v5  }
0x11b: {  	s1 =	sadd.s32 $0x10, s1;
	s0 =	sadd.s32 $0x10, s0;
	v10 =	vadd.s32 v11, v10  }
.Ltmp14:
0x11c: {  	_ = 	snop;
	(pc) =	sbr.rel .LBB2_15-.Ltmp14, $1  }
0x11d: {  	_ =	sdelay $0x3  }
.LBB2_16:
0x11e: {  	p1 =	slt.s32 s21, $0x1  }
.Ltmp15:
0x11f: {  	_ = 	snop;
	(pc) =	sbr.rel @p1 .LBB2_17-.Ltmp15, $2  }
0x120: {  	_ =	sdelay $0x2  }
0x121: {  	v9 =	vmov s22;
	v10 =	vimm.s32 $0x0  }
0x122: {  	s1 =	simm.s32 $0x10020  }
0x123: {  	v11 =	vld [tilespmem:s1+$0xFFFFFFE0];
	_ =	sdelay $0x2  }
0x124: {  	v12 =	vld [tilespmem:s1+$0x10]  }
0x125: {  	p0 =	sgt.s32 s21, $0x4;
	v13 =	vld [tilespmem:s1+$0xFFFFFFF0]  }
.Ltmp16:
0x126: {  	s22 =	simm.s32 $0x0;
	s0 =	simm.s32 $0x20;
	vm4 =	vgt.s32 v11, v9;
	v11 =	vld [tilespmem:s1+$0x0];
	(pc) =	sbr.rel @!p0 .LBB2_124-.Ltmp16, $4  }
0x127: {  	s4 =	simm.s32 $0x30;
	s5 =	simm.s32 $0x10;
	v14 =	vor.u32 s22, v4;
	v15 =	vor.u32 s0, v4  }
0x128: {  	v16 =	vor.u32 s4, v4;
	v63 =	vor.u32 s5, v4;
	vm2 =	vlt.s32 v14, v8  }
0x129: {  	vm0 =	vlt.s32 v16, v8;
	vm3 =	vlt.s32 v63, v8;
	vm1 =	vlt.s32 v15, v8  }
0x12a: {  	s0 =	simm.s32 $0x4;
	vm5 =	vgt.s32 v13, v9;
	s1 =	simm.s32 $0x10060;
	vm4 =	vmand vm2, vm4;
	vm2 =	vgt.s32 v12, v9  }
.LBB2_123:
0x12b: {  	v12 =	vld [tilespmem:s1+$0x10];
	v13 =	vsel vm4, $0x1, v5;
	vm3 =	vmand vm3, vm5;
	vm4 =	vgt.s32 v11, v9  }
0x12c: {  	s0 =	sadd.s32 $0x4, s0;
	v14 =	vld [tilespmem:s1+$0xFFFFFFE0];
	v10 =	vadd.s32 v13, v10;
	v11 =	vsel vm3, $0x1, v5;
	vm1 =	vmand vm1, vm4  }
0x12d: {  	vm0 =	vmand vm0, vm2;
	s22 =	sadd.s32 $0x40, s22;
	p0 =	slt.s32 s0, s21;
	v13 =	vld [tilespmem:s1+$0xFFFFFFF0];
	v10 =	vadd.s32 v11, v10;
	v15 =	vsel vm1, $0x1, v5  }
.Ltmp17:
0x12e: {  	v16 =	vor.u32 s22, v4;
	s4 =	sadd.s32 $0x20, s22;
	s5 =	sadd.s32 $0x30, s22;
	v11 =	vld [tilespmem:s1+$0x0];
	v10 =	vadd.s32 v15, v10;
	v15 =	vsel vm0, $0x1, v5;
	(pc) =	sbr.rel @p0 .LBB2_123-.Ltmp17, $4  }
0x12f: {  	s10 =	sadd.s32 $0x10, s22;
	v17 =	vor.u32 s4, v4;
	v18 =	vor.u32 s5, v4;
	v10 =	vadd.s32 v15, v10  }
0x130: {  	vm2 =	vlt.s32 v16, v8;
	vm0 =	vlt.s32 v18, v8;
	v15 =	vor.u32 s10, v4  }
0x131: {  	vm1 =	vlt.s32 v17, v8;
	vm3 =	vlt.s32 v15, v8;
	vm4 =	vgt.s32 v14, v9  }
0x132: {  	s1 =	sadd.s32 $0x40, s1;
	vm4 =	vmand vm2, vm4;
	vm5 =	vgt.s32 v13, v9;
	vm2 =	vgt.s32 v12, v9  }
.LBB2_124:
0x133: {  	v12 =	vsel vm4, $0x1, v5;
	vm3 =	vmand vm3, vm5;
	vm15 =	vgt.s32 v11, v9  }
0x134: {  	v10 =	vadd.s32 v12, v10;
	v11 =	vsel vm3, $0x1, v5;
	vm1 =	vmand vm1, vm15  }
0x135: {  	vm0 =	vmand vm0, vm2;
	v10 =	vadd.s32 v11, v10;
	v11 =	vsel vm1, $0x1, v5  }
0x136: {  	v10 =	vadd.s32 v11, v10;
	v11 =	vsel vm0, $0x1, v5  }
0x137: {  	v10 =	vadd.s32 v11, v10  }
.LBB2_17:
0x138: {  	p0 =	slt.s32 s24, $0x1  }
.Ltmp18:
0x139: {  	_ = 	snop;
	(pc) =	sbr.rel @p0 .LBB2_20-.Ltmp18, $1  }
0x13a: {  	_ =	sdelay $0x3  }
0x13b: {  	s0 =	sshra.s32 s23, $0x2;
	s1 =	sshll.u32 s24, $0x4  }
0x13c: {  	s22 =	smov.u32 s21;
	s0 =	sadd.s32 $0x10000, s0;
	s1 =	ssub.s32 s25, s1  }
.LBB2_19:
0x13d: {  	v11 =	vld [tilespmem:s0+$0x0];
	_ =	sdelay $0x1  }
0x13e: {  	s22 =	sadd.s32 $0x1, s22  }
0x13f: {  	p2 =	slt.s32 s22, s20  }
.Ltmp19:
0x140: {  	v12 =	vor.u32 s1, v4;
	(pc) =	sbr.rel @p2 .LBB2_19-.Ltmp19, $4  }
0x141: {  	vm0 =	vlt.s32 v12, v8;
	vm1 =	vgt.s32 v11, v9  }
0x142: {  	vm0 =	vmand vm0, vm1  }
0x143: {  	v11 =	vsel vm0, $0x1, v5  }
0x144: {  	s0 =	sadd.s32 $0x10, s0;
	s1 =	sadd.s32 $0x10, s1;
	v10 =	vadd.s32 v11, v10  }
.LBB2_20:
0x145: {  	(xrf0) =	vadd.scan.msk.s32 $0xffff, v10;
	_ =	sdelay $0x5  }
0x146: {  	v10, _, _ =	vpop (xrf0)  }
0x147: {  	(v2sf) =	vpush v10, $0xF;
	_ =	sdelay $0xb  }
.Ltmp20:
0x148: {  	_ = 	snop;
	(pc) =	sbr.rel .LBB2_21-.Ltmp20, $4  }
0x149: {  	_ = 	snop  }
0x14a: {  	s30 =	sshra.s32 s23, $0x2;
	s31 =	sshll.u32 s24, $0x4;
	s28 =	simm.s32 $0x7FFF  }
0x14b: {  	s22 =	sadd.s32 $0x10000, s30;
	s23 =	sadd.s32 $0x11000, s30;
	s0 =	spop (v2sf)  }
0x14c: {  	s24 =	ssub.s32 s25, s31;
	s25 =	simm.s32 $0x0;
	s26 =	ssub.s32 $0x40, s0  }
.LBB2_25:
0x14d: {  	(xrf0) =	vadd.scan.msk.s32 $0xffff, v11;
	_ =	sdelay $0x5  }
0x14e: {  	v10, _, _ =	vpop (xrf0)  }
0x14f: {  	(v2sf) =	vpush v10, $0xF;
	_ =	sdelay $0xe  }
0x150: {  	s0 =	spop (v2sf)  }
0x151: {  	p2 =	slt.s32 s0, s26;
	s0 =	sadd.s32 $0x1, s29  }
0x152: {  	s25 =	smov.u32 @p2 s0;
	s29 =	smov.u32 @p2 s28  }
0x153: {  	p2 =	slt.s32 s25, s29  }
.Ltmp21:
0x154: {  	_ = 	snop;
	(pc) =	sbr.rel @!p2 .LBB2_26-.Ltmp21, $2  }
0x155: {  	_ =	sdelay $0x2  }
0x156: {  	s28 =	smov.u32 s29  }
.LBB2_21:
.Ltmp22:
0x157: {  	(pc) =	sbr.rel @p1 .LBB2_22-.Ltmp22, $4  }
0x158: {  	_ = 	snop  }
0x159: {  	s0 =	sadd.s32 s25, s28  }
0x15a: {  	s29 =	sshra.s32 s0, $0x1  }
0x15b: {  	v11 =	vimm.s32 $0x0;
	v10 =	vmov s29  }
0x15c: {  	s0 =	simm.s32 $0x10020  }
0x15d: {  	s31 =	simm.s32 $0x11020;
	v17 =	vld [tilespmem:s0+$0x10]  }
0x15e: {  	v18 =	vld [tilespmem:s31+$0x10]  }
0x15f: {  	v19 =	vld [tilespmem:s0+$0x0]  }
0x160: {  	v12 =	vld [tilespmem:s31+$0x0]  }
0x161: {  	s30 =	simm.s32 $0x0;
	v13 =	vld [tilespmem:s0+$0xFFFFFFF0]  }
0x162: {  	s1 =	simm.s32 $0x30;
	p2 =	sgt.s32 s21, $0x4;
	v15 =	vor.u32 s30, v4;
	v14 =	vld [tilespmem:s0+$0xFFFFFFE0]  }
.Ltmp23:
0x163: {  	v16 =	vor.u32 s1, v4;
	vm3 =	vlt.s32 v15, v8;
	v15 =	vld [tilespmem:s31+$0xFFFFFFE0];
	(pc) =	sbr.rel @!p2 .LBB2_127-.Ltmp23, $4  }
0x164: {  	s4 =	simm.s32 $0x10;
	s5 =	simm.s32 $0x20;
	vm0 =	vlt.s32 v16, v8;
	v16 =	vld [tilespmem:s31+$0xFFFFFFF0]  }
0x165: {  	v20 =	vor.u32 s4, v4;
	v21 =	vor.u32 s5, v4  }
0x166: {  	vm2 =	vlt.s32 v20, v8;
	vm1 =	vlt.s32 v21, v8  }
0x167: {  	s0 =	simm.s32 $0x4;
	s1 =	simm.s32 $0x10060;
	vm4 =	veq.s32 v19, v9;
	vm5 =	veq.s32 v17, v9;
	vm6 =	vle.s32 v18, v10  }
.LBB2_126:
0x168: {  	v17 =	vld [tilespmem:s1+$0x10];
	vm7 =	veq.s32 v14, v9;
	vm8 =	vle.s32 v15, v10;
	vm9 =	vle.s32 v12, v10;
	s31 =	sadd.s32 $0x40, s31  }
0x169: {  	v18 =	vld [tilespmem:s31+$0x10];
	vm7 =	vmand vm7, vm8;
	vm8 =	veq.s32 v13, v9;
	vm10 =	vle.s32 v16, v10  }
0x16a: {  	vm5 =	vmand vm5, vm6;
	v19 =	vld [tilespmem:s1+$0x0];
	vm3 =	vmand vm3, vm7;
	vm7 =	vmand vm8, vm10  }
0x16b: {  	v12 =	vld [tilespmem:s31+$0x0];
	v14 =	vsel vm3, $0x1, v5;
	vm2 =	vmand vm2, vm7;
	vm3 =	vmand vm4, vm9  }
0x16c: {  	s0 =	sadd.s32 $0x4, s0;
	v13 =	vld [tilespmem:s1+$0xFFFFFFF0];
	v11 =	vadd.s32 v14, v11;
	v15 =	vsel vm2, $0x1, v5;
	vm1 =	vmand vm1, vm3  }
0x16d: {  	s30 =	sadd.s32 $0x40, s30;
	vm0 =	vmand vm0, vm5;
	p2 =	slt.s32 s0, s21;
	v14 =	vld [tilespmem:s1+$0xFFFFFFE0];
	v11 =	vadd.s32 v15, v11;
	v16 =	vsel vm1, $0x1, v5  }
.Ltmp24:
0x16e: {  	s4 =	sadd.s32 $0x30, s30;
	v20 =	vsel vm0, $0x1, v5;
	v15 =	vld [tilespmem:s31+$0xFFFFFFE0];
	v11 =	vadd.s32 v16, v11;
	(pc) =	sbr.rel @p2 .LBB2_126-.Ltmp24, $4  }
0x16f: {  	v21 =	vor.u32 s30, v4;
	s5 =	sadd.s32 $0x10, s30;
	s10 =	sadd.s32 $0x20, s30;
	v22 =	vor.u32 s4, v4;
	v16 =	vld [tilespmem:s31+$0xFFFFFFF0];
	v11 =	vadd.s32 v20, v11  }
0x170: {  	vm3 =	vlt.s32 v21, v8;
	v21 =	vor.u32 s10, v4;
	v20 =	vor.u32 s5, v4  }
0x171: {  	vm0 =	vlt.s32 v22, v8;
	vm1 =	vlt.s32 v21, v8;
	vm2 =	vlt.s32 v20, v8  }
0x172: {  	vm5 =	veq.s32 v17, v9;
	s1 =	sadd.s32 $0x40, s1;
	vm6 =	vle.s32 v18, v10;
	vm4 =	veq.s32 v19, v9  }
.LBB2_127:
0x173: {  	vm7 =	veq.s32 v14, v9;
	vm8 =	vle.s32 v15, v10;
	vm9 =	vle.s32 v12, v10  }
0x174: {  	vm13 =	veq.s32 v13, v9;
	vm7 =	vmand vm7, vm8;
	vm10 =	vle.s32 v16, v10  }
0x175: {  	vm5 =	vmand vm5, vm6;
	vm3 =	vmand vm3, vm7;
	vm14 =	vmand vm13, vm10  }
0x176: {  	vm15 =	vmand vm4, vm9;
	v60 =	vsel vm3, $0x1, v5;
	vm2 =	vmand vm2, vm14  }
0x177: {  	vm1 =	vmand vm1, vm15;
	v11 =	vadd.s32 v60, v11;
	v61 =	vsel vm2, $0x1, v5  }
0x178: {  	vm0 =	vmand vm0, vm5;
	v62 =	vsel vm1, $0x1, v5;
	v11 =	vadd.s32 v61, v11  }
0x179: {  	v63 =	vsel vm0, $0x1, v5;
	v11 =	vadd.s32 v62, v11  }
0x17a: {  	v11 =	vadd.s32 v63, v11  }
.LBB2_22:
.Ltmp25:
0x17b: {  	(pc) =	sbr.rel @p0 .LBB2_25-.Ltmp25, $1  }
0x17c: {  	_ =	sdelay $0x3  }
0x17d: {  	s0 =	smov.u32 s24  }
0x17e: {  	s1 =	smov.u32 s23;
	s30 =	smov.u32 s22;
	s31 =	smov.u32 s21  }
.LBB2_24:
0x17f: {  	v12 =	vld [tilespmem:s30+$0x0]  }
0x180: {  	v13 =	vld [tilespmem:s1+$0x0];
	_ =	sdelay $0x2  }
0x181: {  	s31 =	sadd.s32 $0x1, s31  }
0x182: {  	p2 =	slt.s32 s31, s20  }
.Ltmp26:
0x183: {  	v14 =	vor.u32 s0, v4;
	vm0 =	veq.s32 v12, v9;
	vm1 =	vle.s32 v13, v10;
	(pc) =	sbr.rel @p2 .LBB2_24-.Ltmp26, $4  }
0x184: {  	vm2 =	vlt.s32 v14, v8;
	vm0 =	vmand vm0, vm1  }
0x185: {  	vm0 =	vmand vm2, vm0  }
0x186: {  	v63 =	vsel vm0, $0x1, v5  }
0x187: {  	s30 =	sadd.s32 $0x10, s30;
	s1 =	sadd.s32 $0x10, s1;
	s0 =	sadd.s32 $0x10, s0;
	v11 =	vadd.s32 v63, v11  }
.Ltmp27:
0x188: {  	_ = 	snop;
	(pc) =	sbr.rel .LBB2_25-.Ltmp27, $1  }
0x189: {  	_ =	sdelay $0x3  }
.LBB2_26:
.Ltmp28:
0x18a: {  	(pc) =	sbr.rel @p1 .LBB2_27-.Ltmp28, $2  }
0x18b: {  	_ =	sdelay $0x2  }
0x18c: {  	v10 =	vmov s25  }
0x18d: {  	s25 =	simm.s32 $0x10020  }
0x18e: {  	s0 =	simm.s32 $0x11020;
	v13 =	vld [tilespmem:s25+$0xFFFFFFE0]  }
0x18f: {  	v12 =	vld [tilespmem:s0+$0xFFFFFFE0]  }
0x190: {  	v14 =	vld [tilespmem:s25+$0xFFFFFFF0]  }
0x191: {  	s1 =	simm.s32 $0x0;
	v15 =	vld [tilespmem:s25+$0x0]  }
0x192: {  	s30 =	simm.s32 $0x10;
	v16 =	vld [tilespmem:s25+$0x10];
	v11 =	vor.u32 s1, v4  }
0x193: {  	s31 =	simm.s32 $0x20;
	s4 =	simm.s32 $0x30;
	v17 =	vld [tilespmem:s0+$0xFFFFFFF0];
	vm0 =	vlt.s32 v11, v8;
	v11 =	vor.u32 s30, v4  }
0x194: {  	v20 =	vld [tilespmem:s0+$0x10];
	v19 =	vor.u32 s4, v4;
	vm1 =	vlt.s32 v11, v8;
	v11 =	vor.u32 s31, v4  }
0x195: {  	v27 =	vimm.s32 $0x0;
	vm4 =	vlt.s32 v19, v8;
	vm3 =	vlt.s32 v11, v8  }
0x196: {  	v18 =	vshra.s32 v13, $0x1F;
	vm2 =	vgt.s32 v13, v9;
	vm5 =	vgt.s32 v14, v9  }
0x197: {  	vm6 =	vgt.s32 v15, v9;
	vm7 =	vgt.s32 v16, v9;
	v22 =	vand.u32 $0x7FFFFFFF, v18;
	v18 =	vld [tilespmem:s0+$0x0]  }
0x198: {  	vm8 =	veq.s32 v13, v9;
	vm9 =	vle.s32 v12, v10;
	vm10 =	veq.s32 v14, v9  }
0x199: {  	vm11 =	vle.s32 v17, v10;
	vm12 =	veq.s32 v15, v9;
	vm14 =	vle.s32 v20, v10  }
0x19a: {  	v30 =	vshra.s32 v15, $0x1F;
	v29 =	vshra.s32 v16, $0x1F;
	vm8 =	vmand vm8, vm9  }
0x19b: {  	vm9 =	veq.s32 v16, v9;
	vm2 =	vmor vm2, vm8;
	vm8 =	vmand vm10, vm11  }
0x19c: {  	vm15 =	vmand vm0, vm2;
	vm2 =	vmor vm5, vm8;
	vm13 =	vle.s32 v18, v10  }
0x19d: {  	vm8 =	vmand vm9, vm14;
	v11 =	vmpcnt.ones.xlane vm15;
	vm10 =	vmand vm12, vm13  }
0x19e: {  	p2 =	sgt.s32 s21, $0x4;
	vm11 =	vmand vm1, vm2;
	v21 =	vsel vm15, $0x1, v5;
	vm1 =	vmor vm6, vm10  }
.Ltmp29:
0x19f: {  	v19 =	vmpcnt.ones.xlane vm11;
	vm3 =	vmand vm3, vm1;
	vm1 =	vmor vm7, vm8;
	(pc) =	sbr.rel @!p2 .LBB2_129-.Ltmp29, $4  }
0x1a0: {  	v25 =	vadd.s32 v27, v11;
	v11 =	vmpcnt.ones.xlane vm3;
	vm4 =	vmand vm4, vm1  }
0x1a1: {  	v26 =	vsel vm11, $0x1, v5;
	(xrf0) =	vadd.scan.msk.s32 $0xffff, v21;
	v24 =	vadd.s32 v25, v19;
	v19 =	vmpcnt.ones.xlane vm4  }
0x1a2: {  	v21 =	vshra.s32 v14, $0x1F;
	(xrf0) =	vadd.scan.msk.s32 $0xffff, v26;
	v32 =	vsel vm3, $0x1, v5;
	v23 =	vadd.s32 v24, v11  }
0x1a3: {  	p1 =	por $0x0, $0x0;
	v28 =	vand.u32 $0x7FFFFFFF, v21;
	v31 =	vsel vm4, $0x1, v5;
	(xrf0) =	vadd.scan.msk.s32 $0xffff, v32;
	v11 =	vadd.s32 v23, v19  }
0x1a4: {  	(xrf0) =	vadd.scan.msk.s32 $0xffff, v31  }
0x1a5: {  	v22 =	vxor.u32 v13, v22;
	v13 =	vand.u32 $0x7FFFFFFF, v30;
	v19 =	vand.u32 $0x7FFFFFFF, v29  }
0x1a6: {  	v26 =	vxor.u32 v14, v28;
	v30 =	vadd.s32 v0, v12;
	v31 =	vadd.s32 v0, v17  }
0x1a7: {  	v32 =	vadd.s32 v0, v18;
	s25 =	simm.s32 $0x10060;
	vm6 =	vmmov vm3;
	vm10 =	vmmov vm4;
	v12, _, _ =	vpop (xrf0)  }
0x1a8: {  	s26 =	simm.s32 $0x11060;
	v28 =	vxor.u32 v15, v13;
	v29 =	vxor.u32 v16, v19;
	v13 =	vld [tilespmem:s25+$0xFFFFFFE0];
	v12 =	vadd.s32 v12, v27;
	v14, _, _ =	vpop (xrf0)  }
0x1a9: {  	s28 =	simm.s32 $0x40;
	v19 =	vadd.s32 v0, v20;
	v16 =	vadd.s32 $0xFFFFFFFF, v12;
	v14 =	vadd.s32 v14, v25;
	v15, _, _ =	vpop (xrf0);
	v12 =	vld [tilespmem:s26+$0xFFFFFFE0]  }
0x1aa: {  	v25 =	vor.u32 s28, v4;
	v18 =	vadd.s32 $0xFFFFFFFF, v14;
	v15 =	vadd.s32 v15, v24;
	v17, _, _ =	vpop (xrf0);
	v14 =	vld [tilespmem:s25+$0xFFFFFFF0]  }
0x1ab: {  	vm2 =	vlt.s32 v16, $0x3F;
	v20 =	vadd.s32 $0xFFFFFFFF, v15;
	v17 =	vadd.s32 v17, v23;
	v15 =	vld [tilespmem:s25+$0x0]  }
0x1ac: {  	vm3 =	vlt.s32 v18, $0x3F;
	v23 =	vnsel vm2, $0x3F, v16;
	v21 =	vadd.s32 $0xFFFFFFFF, v17;
	v17 =	vld [tilespmem:s26+$0xFFFFFFF0]  }
0x1ad: {  	s0 =	simm.s32 $0x50;
	vm2 =	vlt.s32 v20, $0x3F;
	v24 =	vnsel vm3, $0x3F, v18;
	v18 =	vld [tilespmem:s26+$0x0];
	vm3 =	vlt.s32 v21, $0x3F  }
0x1ae: {  	v16 =	vld [tilespmem:s25+$0x10];
	v27 =	vnsel vm2, $0x3F, v20;
	vm2 =	vlt.s32 v25, v8;
	v25 =	vor.u32 s0, v4  }
0x1af: {  	v21 =	vnsel vm3, $0x3F, v21;
	vm3 =	veq.s32 v13, v9;
	vm4 =	vle.s32 v12, v10  }
0x1b0: {  	vm8 =	vgt.s32 v13, v9;
	vm7 =	vlt.s32 v25, v8;
	vm3 =	vmand vm3, vm4  }
0x1b1: {  	s30 =	simm.s32 $0x60;
	v20 =	vld [tilespmem:s26+$0x10];
	vm4 =	veq.s32 v14, v9;
	vm9 =	vgt.s32 v14, v9;
	vm3 =	vmor vm8, vm3  }
0x1b2: {  	[tilespmem:v23+s14+$0x0] =	vst.idx.msk vm15, v22;
	v22 =	vor.u32 s30, v4;
	vm8 =	vle.s32 v17, v10;
	vm0 =	vle.s32 v18, v10  }
0x1b3: {  	[tilespmem:v23+s15+$0x0] =	vst.idx.msk vm15, v30;
	vm15 =	vmand vm2, vm3;
	vm2 =	veq.s32 v16, v9;
	v30 =	vshra.s32 v15, $0x1F  }
0x1b4: {  	vm4 =	vmand vm4, vm8;
	vm8 =	veq.s32 v15, v9;
	v23 =	vmpcnt.ones.xlane vm15  }
0x1b5: {  	[tilespmem:v24+s14+$0x0] =	vst.idx.msk vm11, v26;
	v26 =	vsel vm15, $0x1, v5;
	vm8 =	vmand vm8, vm0;
	vm3 =	vmor vm9, vm4  }
0x1b6: {  	vm4 =	vle.s32 v20, v10;
	vm9 =	vgt.s32 v15, v9;
	[tilespmem:v21+s14+$0x0] =	vst.idx.msk vm10, v29;
	v29 =	vshra.s32 v14, $0x1F  }
0x1b7: {  	s31 =	simm.s32 $0x70;
	vm4 =	vmand vm2, vm4;
	vm5 =	vmand vm7, vm3;
	vm3 =	vmor vm9, vm8  }
0x1b8: {  	vm7 =	vlt.s32 v22, v8;
	v22 =	vor.u32 s31, v4;
	v25 =	vadd.s32 v11, v23  }
0x1b9: {  	p2 =	sgt.s32 s21, $0x8;
	[tilespmem:v24+s15+$0x0] =	vst.idx.msk vm11, v31;
	vm3 =	vmand vm7, vm3;
	vm7 =	vgt.s32 v16, v9;
	vm0 =	vlt.s32 v22, v8  }
.Ltmp30:
0x1ba: {  	[tilespmem:v27+s14+$0x0] =	vst.idx.msk vm6, v28;
	v22 =	vshra.s32 v13, $0x1F;
	v24 =	vmpcnt.ones.xlane vm5;
	vm4 =	vmor vm7, vm4;
	(pc) =	sbr.rel @!p2 .LBB2_131-.Ltmp30, $4  }
0x1bb: {  	[tilespmem:v27+s15+$0x0] =	vst.idx.msk vm6, v32;
	v28 =	vsel vm5, $0x1, v5;
	v23 =	vmpcnt.ones.xlane vm3;
	vm4 =	vmand vm0, vm4  }
0x1bc: {  	(xrf0) =	vadd.scan.msk.s32 $0xffff, v26;
	v22 =	vand.u32 $0x7FFFFFFF, v22;
	v24 =	vadd.s32 v25, v24;
	v27 =	vmpcnt.ones.xlane vm4  }
0x1bd: {  	v63 =	vsel vm3, $0x1, v5;
	(xrf0) =	vadd.scan.msk.s32 $0xffff, v28;
	v28 =	vand.u32 $0x7FFFFFFF, v29;
	v23 =	vadd.s32 v24, v23  }
0x1be: {  	s29 =	simm.s32 $0x8;
	p1 =	por $0x1, $0x1;
	v29 =	vshra.s32 v16, $0x1F;
	(xrf0) =	vadd.scan.msk.s32 $0xffff, v63;
	v31 =	vsel vm4, $0x1, v5;
	v26 =	vadd.s32 v23, v27  }
.LBB2_132:
0x1bf: {  	v27 =	vxor.u32 v13, v22;
	v13 =	vand.u32 $0x7FFFFFFF, v30;
	v22 =	vand.u32 $0x7FFFFFFF, v29;
	(xrf0) =	vadd.scan.msk.s32 $0xffff, v31  }
0x1c0: {  	v28 =	vxor.u32 v14, v28;
	v31 =	vadd.s32 v0, v12;
	v33 =	vadd.s32 v0, v18  }
0x1c1: {  	vm0 =	vmmov vm3;
	s28 =	sadd.s32 $0x40, s28;
	v29 =	vxor.u32 v15, v13;
	v13 =	vimm.s32 $0x0  }
0x1c2: {  	[tilespmem:v21+s15+$0x0] =	vst.idx.msk vm10, v19;
	v19 =	vadd.s32 v0, v20;
	v30 =	vxor.u32 v16, v22;
	s1 =	sadd.s32 $0x30, s28;
	v13 =	vsel vm0, $0xFFFFFFFF, v13;
	v12, _, _ =	vpop (xrf0)  }
0x1c3: {  	vm0 =	vmmov vm4;
	v35 =	vor.u32 s1, v4;
	[tilespmem:$0x1FFE0] =	vst v13;
	v13 =	vimm.s32 $0x0;
	v14, _, _ =	vpop (xrf0)  }
0x1c4: {  	v13 =	vsel vm0, $0xFFFFFFFF, v13;
	v12 =	vadd.s32 v12, v11;
	vm0 =	vlt.s32 v35, v8;
	v15, _, _ =	vpop (xrf0)  }
0x1c5: {  	v16 =	vadd.s32 $0xFFFFFFFF, v12;
	v14 =	vadd.s32 v14, v25;
	v15 =	vadd.s32 v15, v24;
	v18, _, _ =	vpop (xrf0)  }
0x1c6: {  	s25 =	sadd.s32 $0x40, s25;
	vm3 =	vlt.s32 v16, $0x3F;
	v20 =	vadd.s32 $0xFFFFFFFF, v15;
	v18 =	vadd.s32 v18, v23  }
0x1c7: {  	s31 =	sadd.s32 $0x20, s28;
	[tilespmem:$0x1FFD0] =	vst v13;
	v13 =	vld [tilespmem:s25+$0xFFFFFFE0];
	v23 =	vnsel vm3, $0x3F, v16;
	vm3 =	vlt.s32 v20, $0x3F;
	v18 =	vadd.s32 $0xFFFFFFFF, v18  }
0x1c8: {  	s26 =	sadd.s32 $0x40, s26;
	v25 =	vor.u32 s31, v4;
	v15 =	vld [tilespmem:s25+$0x0];
	v34 =	vnsel vm3, $0x3F, v20;
	vm3 =	vlt.s32 v18, $0x3F  }
0x1c9: {  	vm7 =	vlt.s32 v25, v8;
	v25 =	vimm.s32 $0x0;
	v21 =	vnsel vm3, $0x3F, v18;
	v18 =	vld [tilespmem:s26+$0x0]  }
0x1ca: {  	v32 =	vadd.s32 v0, v17;
	v12 =	vld [tilespmem:s26+$0xFFFFFFE0];
	v17 =	vadd.s32 $0xFFFFFFFF, v14;
	v25 =	vsel vm0, $0xFFFFFFFF, v25  }
0x1cb: {  	vm4 =	vlt.s32 v17, $0x3F;
	[tilespmem:$0x1FFF0] =	vst v25;
	v25 =	vld [tilespmem:$0x1FFD0]  }
0x1cc: {  	s0 =	sadd.s32 $0x10, s28;
	v14 =	vld [tilespmem:s25+$0xFFFFFFF0];
	v24 =	vnsel vm4, $0x3F, v17;
	v20 =	vor.u32 s28, v4  }
0x1cd: {  	v17 =	vld [tilespmem:s26+$0xFFFFFFF0];
	vm6 =	vlt.s32 v20, v8;
	v20 =	vor.u32 s0, v4;
	vm8 =	vgt.s32 v13, v9  }
0x1ce: {  	vm12 =	veq.s32 v13, v9;
	vm1 =	veq.s32 v15, v9;
	vm0 =	vle.s32 v18, v10  }
0x1cf: {  	vm13 =	vle.s32 v12, v10;
	vm10 =	vgt.s32 v15, v9;
	vm0 =	vmand vm1, vm0  }
0x1d0: {  	vm12 =	vmand vm12, vm13;
	vm0 =	vmor vm10, vm0;
	vm10 =	vnez.u8 v25;
	v25 =	vld [tilespmem:$0x1FFE0]  }
0x1d1: {  	v16 =	vld [tilespmem:s25+$0x10];
	vm4 =	vlt.s32 v20, v8;
	[tilespmem:v23+s14+$0x0] =	vst.idx.msk vm15, v27;
	vm8 =	vmor vm8, vm12  }
0x1d2: {  	v20 =	vld [tilespmem:s26+$0x10];
	vm14 =	veq.s32 v14, v9;
	vm3 =	vle.s32 v17, v10;
	[tilespmem:v23+s15+$0x0] =	vst.idx.msk vm15, v31;
	vm15 =	vmand vm6, vm8  }
0x1d3: {  	vm9 =	vgt.s32 v14, v9;
	vm12 =	vmand vm14, vm3;
	v23 =	vmpcnt.ones.xlane vm15  }
0x1d4: {  	v22 =	vshra.s32 v13, $0x1F;
	[tilespmem:v24+s14+$0x0] =	vst.idx.msk vm5, v28;
	vm1 =	vmor vm9, vm12  }
0x1d5: {  	v11 =	vmovc v26;
	[tilespmem:v24+s15+$0x0] =	vst.idx.msk vm5, v32;
	vm5 =	vmand vm4, vm1;
	vm1 =	vnez.u8 v25;
	v25 =	vadd.s32 v26, v23;
	v26 =	vld [tilespmem:$0x1FFF0]  }
0x1d6: {  	v22 =	vand.u32 $0x7FFFFFFF, v22  }
0x1d7: {  	vm11 =	vgt.s32 v16, v9;
	vm13 =	veq.s32 v16, v9;
	vm2 =	vle.s32 v20, v10  }
0x1d8: {  	s29 =	sadd.s32 $0x4, s29;
	vm2 =	vmand vm13, vm2;
	v24 =	vmpcnt.ones.xlane vm5;
	vm3 =	vmand vm7, vm0  }
0x1d9: {  	p2 =	slt.s32 s29, s21;
	vm0 =	vmor vm11, vm2;
	v28 =	vsel vm5, $0x1, v5;
	v63 =	vsel vm3, $0x1, v5  }
.Ltmp31:
0x1da: {  	v23 =	vmpcnt.ones.xlane vm3;
	v24 =	vadd.s32 v25, v24;
	vm2 =	vnez.u8 v26;
	(pc) =	sbr.rel @p2 .LBB2_132-.Ltmp31, $4  }
0x1db: {  	[tilespmem:v21+s14+$0x0] =	vst.idx.msk vm10, v30;
	v30 =	vshra.s32 v15, $0x1F;
	v26 =	vsel vm15, $0x1, v5;
	vm4 =	vmand vm2, vm0  }
0x1dc: {  	v23 =	vadd.s32 v24, v23;
	[tilespmem:v34+s14+$0x0] =	vst.idx.msk vm1, v29;
	(xrf0) =	vadd.scan.msk.s32 $0xffff, v26;
	v27 =	vmpcnt.ones.xlane vm4  }
0x1dd: {  	v29 =	vshra.s32 v14, $0x1F;
	[tilespmem:v34+s15+$0x0] =	vst.idx.msk vm1, v33;
	v31 =	vsel vm4, $0x1, v5;
	(xrf0) =	vadd.scan.msk.s32 $0xffff, v28  }
0x1de: {  	v28 =	vand.u32 $0x7FFFFFFF, v29;
	v29 =	vshra.s32 v16, $0x1F;
	(xrf0) =	vadd.scan.msk.s32 $0xffff, v63;
	v26 =	vadd.s32 v23, v27  }
0x1df: {  	v27 =	vmov v11;
	v11 =	vmov v26;
	vm11 =	vmmov vm5  }
.LBB2_134:
0x1e0: {  	_ =	sdelay $0x1  }
0x1e1: {  	(xrf0) =	vadd.scan.msk.s32 $0xffff, v31;
	v26, _, _ =	vpop (xrf0)  }
0x1e2: {  	v26 =	vadd.s32 v26, v27  }
0x1e3: {  	v52, _, _ =	vpop (xrf0);
	v26 =	vadd.s32 $0xFFFFFFFF, v26  }
0x1e4: {  	v25 =	vadd.s32 v52, v25;
	vm0 =	vlt.s32 v26, $0x3F  }
0x1e5: {  	v53, _, _ =	vpop (xrf0);
	v25 =	vadd.s32 $0xFFFFFFFF, v25;
	v26 =	vnsel vm0, $0x3F, v26  }
0x1e6: {  	v24 =	vadd.s32 v53, v24;
	vm12 =	vlt.s32 v25, $0x3F  }
0x1e7: {  	v54, _, _ =	vpop (xrf0);
	v24 =	vadd.s32 $0xFFFFFFFF, v24;
	v25 =	vnsel vm12, $0x3F, v25  }
0x1e8: {  	v23 =	vadd.s32 v54, v23;
	vm1 =	vlt.s32 v24, $0x3F  }
0x1e9: {  	v13 =	vxor.u32 v13, v22;
	[tilespmem:v21+s15+$0x0] =	vst.idx.msk @p1 vm10, v19;
	v55 =	vadd.s32 $0xFFFFFFFF, v23;
	v56 =	vnsel vm1, $0x3F, v24  }
0x1ea: {  	v12 =	vadd.s32 v0, v12;
	vm2 =	vlt.s32 v55, $0x3F;
	[tilespmem:v26+s14+$0x0] =	vst.idx.msk vm15, v13  }
0x1eb: {  	v57 =	vxor.u32 v14, v28;
	v58 =	vnsel vm2, $0x3F, v55;
	[tilespmem:v26+s15+$0x0] =	vst.idx.msk vm15, v12  }
0x1ec: {  	v59 =	vand.u32 $0x7FFFFFFF, v30;
	v17 =	vadd.s32 v0, v17;
	[tilespmem:v25+s14+$0x0] =	vst.idx.msk vm11, v57  }
.Ltmp32:
0x1ed: {  	v12 =	vxor.u32 v15, v59;
	[tilespmem:v25+s15+$0x0] =	vst.idx.msk vm11, v17;
	(pc) =	sbr.rel .LBB2_28-.Ltmp32, $4  }
0x1ee: {  	v60 =	vand.u32 $0x7FFFFFFF, v29;
	v61 =	vadd.s32 v0, v18;
	[tilespmem:v56+s14+$0x0] =	vst.idx.msk vm3, v12  }
0x1ef: {  	v62 =	vxor.u32 v16, v60;
	[tilespmem:v56+s15+$0x0] =	vst.idx.msk vm3, v61  }
0x1f0: {  	v63 =	vadd.s32 v0, v20;
	[tilespmem:v58+s14+$0x0] =	vst.idx.msk vm4, v62  }
0x1f1: {  	vm13 =	vmmov vm3;
	vm14 =	vmmov vm4;
	[tilespmem:v58+s15+$0x0] =	vst.idx.msk vm4, v63  }
.LBB2_27:
0x1f2: {  	v11 =	vimm.s32 $0x0  }
.LBB2_28:
.Ltmp33:
0x1f3: {  	(pc) =	sbr.rel @p0 .LBB2_30-.Ltmp33, $1  }
0x1f4: {  	_ =	sdelay $0x3  }
.LBB2_29:
0x1f5: {  	v12 =	vld [tilespmem:s22+$0x0]  }
0x1f6: {  	v13 =	vld [tilespmem:s23+$0x0];
	_ =	sdelay $0x4  }
0x1f7: {  	vm0 =	veq.s32 v12, v9;
	vm1 =	vle.s32 v13, v10  }
0x1f8: {  	v14 =	vor.u32 s24, v4;
	vm2 =	vgt.s32 v12, v9;
	vm0 =	vmand vm0, vm1  }
0x1f9: {  	vm14 =	vlt.s32 v14, v8;
	vm0 =	vmor vm2, vm0  }
0x1fa: {  	vm0 =	vmand vm14, vm0  }
0x1fb: {  	v61 =	vsel vm0, $0x1, v5  }
0x1fc: {  	(xrf0) =	vadd.scan.msk.s32 $0xffff, v61;
	_ =	sdelay $0x5  }
0x1fd: {  	v14, _, _ =	vpop (xrf0)  }
0x1fe: {  	v14 =	vadd.s32 v14, v11  }
0x1ff: {  	v14 =	vadd.s32 $0xFFFFFFFF, v14  }
0x200: {  	vm15 =	vlt.s32 v14, $0x3F  }
0x201: {  	s21 =	sadd.s32 $0x1, s21;
	v14 =	vnsel vm15, $0x3F, v14  }
0x202: {  	p0 =	slt.s32 s21, s20  }
.Ltmp34:
0x203: {  	v15 =	vshra.s32 v12, $0x1F;
	(pc) =	sbr.rel @p0 .LBB2_29-.Ltmp34, $4  }
0x204: {  	v15 =	vand.u32 $0x7FFFFFFF, v15  }
0x205: {  	v12 =	vxor.u32 v12, v15;
	v62 =	vmpcnt.ones.xlane vm0  }
0x206: {  	v63 =	vadd.s32 v0, v13;
	[tilespmem:v14+s14+$0x0] =	vst.idx.msk vm0, v12  }
0x207: {  	s22 =	sadd.s32 $0x10, s22;
	s23 =	sadd.s32 $0x10, s23;
	s24 =	sadd.s32 $0x10, s24;
	v11 =	vadd.s32 v11, v62;
	[tilespmem:v14+s15+$0x0] =	vst.idx.msk vm0, v63  }
.LBB2_30:
0x208: {  	[hbm4b:s3+s16] =	stream.indirect.scatter [tilespmem:s14], [sflag:$0x1], $0x1, s15, s16, $0xb8;
	[tilespmem:$0x16100] =	vst v63  }
0x209: {  	_ =	swait.ge [sflag:s17], $0x40  }
0x20a: {  	[sflag:s17] =	ssyncset.done $0x0  }
0x20b: {  	[sflag:s17] =	ssyncadd.s32 $0xFFFFFFC0  }
0x20c: {  	_ =	swait.ge [sflag:s18], $0x8000  }
0x20d: {  	[sflag:s18] =	ssyncset.done $0x0  }
0x20e: {  	s0 =	simm.s32 $0x12040;
	[sflag:s18] =	ssyncadd.s32 $0xFFFF8000  }
0x20f: {  	[tilespmem:s2], [sflag:$0x2] =	stream.linear.gather [hbm4b:s6+s2], $0x8000, $0x38;
	[tilespmem:$0x16100] =	vst v63  }
0x210: {  	[tilespmem:s0+$0xFFFFFFC0] =	vst v5  }
0x211: {  	[tilespmem:s0+$0x30] =	vst v5  }
0x212: {  	[tilespmem:s0+$0x20] =	vst v5  }
0x213: {  	[tilespmem:s0+$0x10] =	vst v5  }
0x214: {  	[tilespmem:s0+$0x0] =	vst v5  }
0x215: {  	[tilespmem:s0+$0xFFFFFFF0] =	vst v5  }
0x216: {  	s1 =	simm.s32 $0x0;
	s20 =	simm.s32 $0x8100;
	[tilespmem:s0+$0xFFFFFFE0] =	vst v5  }
.LBB2_31:
0x217: {  	s1 =	sadd.s32 $0x8, s1;
	[tilespmem:s0+$0xFFFFFFD0] =	vst v5;
	s0 =	sadd.s32 $0x80, s0  }
0x218: {  	[tilespmem:s0+$0xFFFFFFC0] =	vst v5;
	p0 =	slt.u32 s1, $0x3F8  }
0x219: {  	[tilespmem:s0+$0x30] =	vst v5  }
.Ltmp35:
0x21a: {  	[tilespmem:s0+$0x20] =	vst v5;
	(pc) =	sbr.rel @p0 .LBB2_31-.Ltmp35, $4  }
0x21b: {  	[tilespmem:s0+$0x10] =	vst v5  }
0x21c: {  	[tilespmem:s0+$0x0] =	vst v5  }
0x21d: {  	[tilespmem:s0+$0xFFFFFFF0] =	vst v5  }
0x21e: {  	[tilespmem:s0+$0xFFFFFFE0] =	vst v5  }
0x21f: {  	[tilespmem:s0+$0xFFFFFFD0] =	vst v5  }
0x220: {  	v8 =	vld [tilespmem:s20+$0x40]  }
0x221: {  	v18 =	vld [tilespmem:s20+$0xFFFFFF20]  }
0x222: {  	v19 =	vld [tilespmem:s20+$0xFFFFFF30]  }
0x223: {  	v20 =	vld [tilespmem:s20+$0xFFFFFF40]  }
0x224: {  	v21 =	vld [tilespmem:s20+$0xFFFFFF50]  }
0x225: {  	v22 =	vld [tilespmem:s20+$0xFFFFFF60]  }
0x226: {  	v23 =	vld [tilespmem:s20+$0xFFFFFF70]  }
0x227: {  	v24 =	vld [tilespmem:s20+$0xFFFFFF80]  }
0x228: {  	s23 =	simm.s32 $0x140;
	v25 =	vld [tilespmem:s20+$0xFFFFFFB0]  }
0x229: {  	s1 =	sor.u32 $0x50, s23;
	v26 =	vld [tilespmem:s20+$0xFFFFFFC0]  }
0x22a: {  	s24 =	sor.u32 $0x60, s23;
	v9 =	vld [tilespmem:s1+$0x8000]  }
0x22b: {  	s4 =	simm.s32 $0xC0;
	s0 =	sor.u32 $0x70, s23;
	v10 =	vld [tilespmem:s24+$0x8000]  }
0x22c: {  	s26 =	sor.u32 $0x60, s4;
	v11 =	vld [tilespmem:s0+$0x8000]  }
0x22d: {  	s28 =	simm.s32 $0x1C0;
	s25 =	sor.u32 $0x50, s4;
	s4 =	sor.u32 $0x70, s4;
	v13 =	vld [tilespmem:s26+$0x8000]  }
0x22e: {  	s30 =	sor.u32 $0x60, s28;
	v14 =	vld [tilespmem:s4+$0x8000]  }
0x22f: {  	s31 =	sor.u32 $0x70, s28;
	v16 =	vld [tilespmem:s30+$0x8000]  }
0x230: {  	v17 =	vld [tilespmem:s31+$0x8000]  }
0x231: {  	v12 =	vld [tilespmem:s25+$0x8000]  }
0x232: {  	v8 =	vmax.f32 v8, v9;
	v9 =	vmax.f32 v10, v11;
	v10 =	vld [tilespmem:s20+$0xFFFFFF90]  }
0x233: {  	v8 =	vmax.f32 v8, v9;
	v9 =	vld [tilespmem:s20+$0xFFFFFFA0]  }
0x234: {  	v53 =	vld [tilespmem:s20+$0x10];
	v18 =	vmax.f32 v18, v19;
	v13 =	vmax.f32 v13, v14  }
0x235: {  	v55 =	vld [tilespmem:s20+$0x20];
	v14 =	vmax.f32 v16, v17;
	v16 =	vmax.f32 v20, v21;
	v17 =	vmax.f32 v22, v23  }
0x236: {  	v56 =	vld [tilespmem:s20+$0x80];
	v12 =	vmax.f32 v26, v12;
	v16 =	vmax.f32 v16, v17;
	v11 =	vshra.s32 v8, $0x1F  }
0x237: {  	v59 =	vld [tilespmem:s20+$0xA0];
	v12 =	vmax.f32 v12, v13;
	v54 =	vshra.s32 v16, $0x1F;
	v11 =	vand.u32 $0x7FC00000, v11  }
0x238: {  	v8 =	vxor.u32 v8, v11;
	v11 =	vld [tilespmem:s20+$0x0];
	v10 =	vmax.f32 v24, v10;
	v9 =	vmax.f32 v9, v25  }
0x239: {  	v58 =	vshra.s32 v12, $0x1F;
	v19 =	vand.u32 $0x7FC00000, v54;
	v9 =	vmax.f32 v10, v9;
	v10 =	vld [tilespmem:s20+$0x30]  }
0x23a: {  	v61 =	vld [tilespmem:s20+$0xC0];
	v20 =	vand.u32 $0x7FC00000, v58;
	v16 =	vxor.u32 v16, v19;
	v8 =	vshra.s32 v8, $0x12  }
0x23b: {  	v63 =	vld [tilespmem:s20+$0xFFFFFF00];
	v12 =	vxor.u32 v12, v20;
	v8 =	vand.u32 $0xFFFFFFF0, v8;
	v57 =	vshra.s32 v9, $0x1F  }
0x23c: {  	v13 =	vld [tilespmem:s20+$0x90];
	v60 =	vadd.s32 v6, v8;
	v8 =	vshra.s32 v16, $0x12;
	v22 =	vand.u32 $0x7FC00000, v57  }
0x23d: {  	s29 =	sor.u32 $0x50, s28;
	v16 =	vld [tilespmem:s20+$0xB0];
	v8 =	vand.u32 $0xFFFFFFF0, v8;
	v11 =	vmax.f32 v11, v53;
	v9 =	vxor.u32 v9, v22  }
0x23e: {  	v15 =	vld [tilespmem:s29+$0x8000];
	v62 =	vadd.s32 v6, v8;
	v9 =	vshra.s32 v9, $0x12;
	v10 =	vmax.f32 v55, v10  }
0x23f: {  	v17 =	vld [tilespmem:s20+$0xFFFFFF10];
	v8 =	vand.u32 $0xFFFFFFF0, v9;
	v9 =	vshra.s32 v12, $0x12;
	v11 =	vmax.f32 v11, v10  }
0x240: {  	v9 =	vand.u32 $0xFFFFFFF0, v9;
	v10 =	vshra.s32 v11, $0x1F  }
0x241: {  	v12 =	vmax.f32 v56, v13;
	v13 =	vand.u32 $0x7FC00000, v10;
	v10 =	vadd.s32 v6, v9  }
0x242: {  	v8 =	vadd.s32 v6, v8;
	v9 =	vxor.u32 v11, v13;
	v11 =	vmax.f32 v59, v16  }
0x243: {  	v9 =	vshra.s32 v9, $0x12;
	v11 =	vmax.f32 v12, v11;
	v12 =	vmax.f32 v61, v15  }
0x244: {  	[tilespmem:v60+s11+$0x0] =	vst.idx.add.s32.msk $0xffff, v7;
	v15 =	vmax.f32 v63, v17;
	v16 =	vshra.s32 v11, $0x1F;
	v13 =	vmax.f32 v12, v14  }
0x245: {  	s21 =	simm.s32 $0x0;
	s23 =	simm.s32 $0x3C0;
	[tilespmem:v62+s11+$0x0] =	vst.idx.add.s32.msk $0xffff, v7;
	v12 =	vmax.f32 v15, v18;
	v14 =	vand.u32 $0x7FC00000, v16;
	v15 =	vshra.s32 v13, $0x1F  }
.LBB2_33:
0x246: {  	s0 =	sadd.s32 $0xFFFFFF00, s23;
	s1 =	sadd.s32 $0xFFFFFF80, s23;
	v16 =	vshra.s32 v12, $0x1F;
	[tilespmem:v10+s11+$0x0] =	vst.idx.add.s32.msk $0xffff, v7;
	v10 =	vxor.u32 v11, v14;
	v11 =	vand.u32 $0x7FC00000, v15;
	s20 =	sadd.s32 $0x200, s20  }
0x247: {  	s4 =	sor.u32 $0x50, s0;
	s5 =	sor.u32 $0x60, s0;
	v14 =	vld [tilespmem:s20+$0x40];
	s10 =	sor.u32 $0x50, s1;
	v15 =	vand.u32 $0x7FC00000, v16;
	v10 =	vshra.s32 v10, $0x12;
	v11 =	vxor.u32 v13, v11  }
0x248: {  	s21 =	sadd.s32 $0x8, s21;
	v9 =	vand.u32 $0xFFFFFFF0, v9;
	s0 =	sor.u32 $0x70, s0;
	v13 =	vld [tilespmem:s10+$0x8000];
	s10 =	sor.u32 $0x60, s1;
	v12 =	vxor.u32 v12, v15;
	v11 =	vshra.s32 v11, $0x12  }
0x249: {  	p0 =	slt.u32 s21, $0x1F8;
	s1 =	sor.u32 $0x70, s1;
	v10 =	vand.u32 $0xFFFFFFF0, v10;
	v15 =	vld [tilespmem:s10+$0x8000];
	s10 =	sor.u32 $0x50, s23;
	v12 =	vshra.s32 v12, $0x12;
	v11 =	vand.u32 $0xFFFFFFF0, v11  }
0x24a: {  	s22 =	sor.u32 $0x70, s23;
	v17 =	vadd.s32 v6, v9;
	v16 =	vld [tilespmem:s1+$0x8000];
	s1 =	sor.u32 $0x60, s23;
	v12 =	vand.u32 $0xFFFFFFF0, v12;
	v9 =	vadd.s32 v6, v11  }
0x24b: {  	v18 =	vadd.s32 v6, v10;
	v11 =	vld [tilespmem:s4+$0x8000];
	v12 =	vadd.s32 v6, v12  }
0x24c: {  	v10 =	vld [tilespmem:s5+$0x8000]  }
0x24d: {  	v19 =	vld [tilespmem:s0+$0x8000]  }
0x24e: {  	v20 =	vld [tilespmem:s10+$0x8000]  }
0x24f: {  	v13 =	vmax.f32 v14, v13;
	v14 =	vmax.f32 v15, v16;
	v15 =	vld [tilespmem:s1+$0x8000]  }
0x250: {  	v13 =	vmax.f32 v13, v14;
	v14 =	vld [tilespmem:s22+$0x8000]  }
0x251: {  	v16 =	vld [tilespmem:s20+$0xFFFFFF10];
	v21 =	vshra.s32 v13, $0x1F  }
0x252: {  	v22 =	vld [tilespmem:s20+$0xFFFFFF20];
	v10 =	vmax.f32 v10, v19;
	v19 =	vand.u32 $0x7FC00000, v21  }
0x253: {  	v21 =	vld [tilespmem:s20+$0xFFFFFF30];
	v13 =	vxor.u32 v13, v19  }
0x254: {  	v19 =	vld [tilespmem:s20+$0xFFFFFF40];
	v13 =	vshra.s32 v13, $0x12  }
0x255: {  	v23 =	vld [tilespmem:s20+$0xFFFFFF50];
	v13 =	vand.u32 $0xFFFFFFF0, v13;
	v14 =	vmax.f32 v15, v14  }
0x256: {  	v15 =	vld [tilespmem:s20+$0xFFFFFF60];
	v13 =	vadd.s32 v6, v13  }
0x257: {  	v24 =	vld [tilespmem:s20+$0xFFFFFF70]  }
0x258: {  	v21 =	vmax.f32 v22, v21;
	v22 =	vld [tilespmem:s20+$0xFFFFFF80]  }
0x259: {  	v25 =	vld [tilespmem:s20+$0xFFFFFF90]  }
0x25a: {  	v19 =	vmax.f32 v19, v23;
	v23 =	vld [tilespmem:s20+$0xFFFFFFA0]  }
0x25b: {  	s24 =	simm.s32 $0x0;
	s25 =	simm.s32 $0x15FF0;
	s22 =	simm.s32 $0x80000000;
	[tilespmem:v13+s11+$0x0] =	vst.idx.add.s32.msk $0xffff, v7  }
0x25c: {  	v13 =	vmax.f32 v15, v24;
	v15 =	vld [tilespmem:s20+$0xFFFFFFB0]  }
0x25d: {  	v13 =	vmax.f32 v19, v13;
	v19 =	vld [tilespmem:s20+$0xFFFFFFC0]  }
0x25e: {  	v24 =	vshra.s32 v13, $0x1F;
	v22 =	vmax.f32 v22, v25;
	v25 =	vld [tilespmem:s20+$0x0]  }
0x25f: {  	v24 =	vand.u32 $0x7FC00000, v24;
	v26 =	vld [tilespmem:s20+$0x10]  }
0x260: {  	v13 =	vxor.u32 v13, v24;
	v24 =	vld [tilespmem:s20+$0x20]  }
0x261: {  	v13 =	vshra.s32 v13, $0x12;
	v15 =	vmax.f32 v23, v15;
	v23 =	vld [tilespmem:s20+$0x30]  }
0x262: {  	v13 =	vand.u32 $0xFFFFFFF0, v13;
	v15 =	vmax.f32 v22, v15;
	v11 =	vmax.f32 v19, v11;
	v19 =	vld [tilespmem:s20+$0x80]  }
0x263: {  	v13 =	vadd.s32 v6, v13;
	v22 =	vshra.s32 v15, $0x1F;
	v10 =	vmax.f32 v11, v10;
	v11 =	vld [tilespmem:s20+$0x90]  }
0x264: {  	v22 =	vand.u32 $0x7FC00000, v22;
	v27 =	vshra.s32 v10, $0x1F;
	v25 =	vmax.f32 v25, v26;
	v26 =	vld [tilespmem:s20+$0xA0]  }
0x265: {  	v15 =	vxor.u32 v15, v22;
	v22 =	vand.u32 $0x7FC00000, v27;
	v27 =	vld [tilespmem:s20+$0xB0]  }
0x266: {  	v15 =	vshra.s32 v15, $0x12;
	v10 =	vxor.u32 v10, v22;
	v22 =	vmax.f32 v24, v23;
	v23 =	vld [tilespmem:s20+$0xC0]  }
0x267: {  	v24 =	vld [tilespmem:s20+$0xFFFFFF00];
	v15 =	vand.u32 $0xFFFFFFF0, v15;
	v10 =	vshra.s32 v10, $0x12;
	v22 =	vmax.f32 v25, v22  }
0x268: {  	v10 =	vand.u32 $0xFFFFFFF0, v10;
	v25 =	vshra.s32 v22, $0x1F;
	v11 =	vmax.f32 v19, v11;
	[tilespmem:v9+s11+$0x0] =	vst.idx.add.s32.msk $0xffff, v7  }
.Ltmp36:
0x269: {  	v19 =	vadd.s32 v6, v15;
	v10 =	vadd.s32 v6, v10;
	v9 =	vand.u32 $0x7FC00000, v25;
	[tilespmem:v12+s11+$0x0] =	vst.idx.add.s32.msk $0xffff, v7;
	(pc) =	sbr.rel @p0 .LBB2_33-.Ltmp36, $4  }
0x26a: {  	[tilespmem:v13+s11+$0x0] =	vst.idx.add.s32.msk $0xffff, v7;
	v9 =	vxor.u32 v22, v9;
	v12 =	vmax.f32 v26, v27  }
0x26b: {  	v9 =	vshra.s32 v9, $0x12;
	v11 =	vmax.f32 v11, v12;
	v12 =	vmax.f32 v23, v20;
	[tilespmem:v8+s11+$0x0] =	vst.idx.add.s32.msk $0xffff, v7  }
0x26c: {  	v16 =	vmax.f32 v24, v16;
	v15 =	vshra.s32 v11, $0x1F;
	v13 =	vmax.f32 v12, v14;
	[tilespmem:v17+s11+$0x0] =	vst.idx.add.s32.msk $0xffff, v7  }
0x26d: {  	s23 =	sadd.s32 $0x200, s23;
	v8 =	vmovc v19;
	v12 =	vmax.f32 v16, v21;
	v14 =	vand.u32 $0x7FC00000, v15;
	v15 =	vshra.s32 v13, $0x1F;
	[tilespmem:v18+s11+$0x0] =	vst.idx.add.s32.msk $0xffff, v7  }
0x26e: {  	v16 =	vshra.s32 v12, $0x1F;
	v15 =	vand.u32 $0x7FC00000, v15  }
0x26f: {  	v11 =	vxor.u32 v11, v14;
	v9 =	vand.u32 $0xFFFFFFF0, v9;
	v16 =	vand.u32 $0x7FC00000, v16  }
0x270: {  	v13 =	vxor.u32 v13, v15;
	v11 =	vshra.s32 v11, $0x12;
	v9 =	vadd.s32 v6, v9  }
0x271: {  	v62 =	vxor.u32 v12, v16;
	v13 =	vshra.s32 v13, $0x12;
	v11 =	vand.u32 $0xFFFFFFF0, v11  }
0x272: {  	v12 =	vshra.s32 v62, $0x12;
	v13 =	vand.u32 $0xFFFFFFF0, v13;
	v63 =	vadd.s32 v6, v11  }
0x273: {  	v12 =	vand.u32 $0xFFFFFFF0, v12;
	v13 =	vadd.s32 v6, v13  }
0x274: {  	[tilespmem:v10+s11+$0x0] =	vst.idx.add.s32.msk $0xffff, v7;
	v12 =	vadd.s32 v6, v12  }
0x275: {  	[tilespmem:v8+s11+$0x0] =	vst.idx.add.s32.msk $0xffff, v7  }
0x276: {  	[tilespmem:v9+s11+$0x0] =	vst.idx.add.s32.msk $0xffff, v7  }
0x277: {  	[tilespmem:v63+s11+$0x0] =	vst.idx.add.s32.msk $0xffff, v7  }
0x278: {  	[tilespmem:v13+s11+$0x0] =	vst.idx.add.s32.msk $0xffff, v7  }
0x279: {  	[tilespmem:v12+s11+$0x0] =	vst.idx.add.s32.msk $0xffff, v7  }
.LBB2_35:
0x27a: {  	v8 =	vld [tilespmem:s25+$0x0];
	_ =	sdelay $0x4  }
0x27b: {  	(xrf0) =	vadd.scan.msk.s32 $0xffff, v8;
	_ =	sdelay $0x5  }
0x27c: {  	v8, _, _ =	vpop (xrf0)  }
0x27d: {  	(v2sf) =	vpush v8, $0xF;
	_ =	sdelay $0xe  }
0x27e: {  	s0 =	spop (v2sf)  }
0x27f: {  	s24 =	sadd.s32 s24, s0  }
0x280: {  	p0 =	slt.s32 s24, $0x40  }
.Ltmp37:
0x281: {  	_ = 	snop;
	(pc) =	sbr.rel @p0 .LBB2_35-.Ltmp37, $2  }
0x282: {  	_ =	sdelay $0x2  }
0x283: {  	s25 =	sadd.s32 $0xFFFFFFF0, s25;
	s22 =	sadd.s32 $0xFFC00000, s22  }
0x284: {  	s0 =	simm.s32 $0x8040  }
0x285: {  	v8 =	vld [tilespmem:s0+$0xFFFFFFC0]  }
0x286: {  	v11 =	vld [tilespmem:s0+$0x30]  }
0x287: {  	v12 =	vld [tilespmem:s0+$0x20]  }
0x288: {  	v9 =	vld [tilespmem:s0+$0x0]  }
0x289: {  	v14 =	vld [tilespmem:s0+$0xFFFFFFE0]  }
0x28a: {  	v13 =	vld [tilespmem:s0+$0xFFFFFFD0];
	v10 =	vshra.s32 v8, $0x1F  }
0x28b: {  	v15 =	vand.u32 $0x7FFFFFFF, v10  }
0x28c: {  	v16 =	vimm.s32 $0x0;
	v10 =	vmov s22;
	v15 =	vxor.u32 v8, v15  }
0x28d: {  	v17 =	vld [tilespmem:s0+$0xFFFFFFF0];
	v18 =	vshra.s32 v11, $0x1F;
	v19 =	vshra.s32 v9, $0x1F;
	vm7 =	vge.s32 v15, v10  }
0x28e: {  	v21 =	vshra.s32 v14, $0x1F;
	v19 =	vand.u32 $0x7FFFFFFF, v19;
	v20 =	vmpcnt.ones.xlane vm7  }
0x28f: {  	v22 =	vld [tilespmem:s0+$0x10];
	v23 =	vshra.s32 v13, $0x1F;
	v8 =	vshra.s32 v12, $0x1F;
	v9 =	vxor.u32 v9, v19  }
0x290: {  	v8 =	vand.u32 $0x7FFFFFFF, v8;
	v19 =	vadd.s32 v16, v20;
	v20 =	vand.u32 $0x7FFFFFFF, v23  }
0x291: {  	vm0 =	vge.s32 v9, v10;
	v8 =	vxor.u32 v12, v8;
	v20 =	vxor.u32 v13, v20  }
0x292: {  	v12 =	vshra.s32 v17, $0x1F;
	v13 =	vsel vm0, $0x1, v5;
	vm5 =	vge.s32 v20, v10  }
0x293: {  	v18 =	vand.u32 $0x7FFFFFFF, v18;
	v12 =	vand.u32 $0x7FFFFFFF, v12;
	(xrf0) =	vadd.scan.msk.s32 $0xffff, v13;
	v23 =	vsel vm5, $0x1, v5  }
0x294: {  	v21 =	vand.u32 $0x7FFFFFFF, v21;
	v12 =	vxor.u32 v17, v12;
	v17 =	vshra.s32 v22, $0x1F;
	(xrf0) =	vadd.scan.msk.s32 $0xffff, v23  }
0x295: {  	v14 =	vxor.u32 v14, v21;
	v13 =	vand.u32 $0x7FFFFFFF, v17;
	v17 =	vsel vm7, $0x1, v5  }
0x296: {  	v11 =	vxor.u32 v11, v18;
	vm6 =	vge.s32 v14, v10;
	vm2 =	vge.s32 v12, v10;
	(xrf0) =	vadd.scan.msk.s32 $0xffff, v17  }
0x297: {  	vm3 =	vge.s32 v11, v10;
	v13 =	vxor.u32 v22, v13;
	v17 =	vsel vm2, $0x1, v5  }
0x298: {  	v21 =	vmpcnt.ones.xlane vm6;
	vm4 =	vge.s32 v13, v10;
	(xrf0) =	vadd.scan.msk.s32 $0xffff, v17;
	v17 =	vsel vm6, $0x1, v5  }
0x299: {  	s31 =	simm.s32 $0x0;
	v61 =	vmpcnt.ones.xlane vm3;
	vm1 =	vge.s32 v8, v10;
	v18 =	vsel vm4, $0x1, v5;
	(xrf0) =	vadd.scan.msk.s32 $0xffff, v17;
	v25, _, _ =	vpop (xrf0)  }
0x29a: {  	v60 =	vor.u32 s31, v4;
	v59 =	vmpcnt.ones.xlane vm1;
	v24 =	vmpcnt.ones.xlane vm5;
	(xrf0) =	vadd.scan.msk.s32 $0xffff, v18;
	v27, _, _ =	vpop (xrf0)  }
0x29b: {  	v58 =	vmpcnt.ones.xlane vm2;
	v23 =	vmpcnt.ones.xlane vm0;
	v18 =	vadd.s32 v27, v19  }
0x29c: {  	v22 =	vadd.s32 v19, v24;
	v17 =	vsel vm1, $0x1, v5;
	v19, _, _ =	vpop (xrf0);
	v18 =	vadd.s32 $0xFFFFFFFF, v18  }
0x29d: {  	v26 =	vmpcnt.ones.xlane vm4;
	(xrf0) =	vadd.scan.msk.s32 $0xffff, v17;
	v16 =	vadd.s32 v19, v16;
	v19 =	vsel vm3, $0x1, v5  }
0x29e: {  	v21 =	vadd.s32 v22, v21;
	v29, _, _ =	vpop (xrf0);
	v28 =	vadd.s32 $0xFFFFFFFF, v16;
	vm8 =	vlt.s32 v18, $0xFFF;
	(xrf0) =	vadd.scan.msk.s32 $0xffff, v19  }
0x29f: {  	v24 =	vadd.s32 v21, v58;
	vm9 =	vlt.s32 v28, $0xFFF;
	v17 =	vnsel vm8, $0xFFF, v18;
	v18, _, _ =	vpop (xrf0)  }
0x2a0: {  	s30 =	simm.s32 $0x10;
	v28 =	vnsel vm9, $0xFFF, v28;
	v18 =	vadd.s32 v18, v22;
	v22 =	vadd.s32 v24, v23;
	v23, _, _ =	vpop (xrf0)  }
0x2a1: {  	v16 =	vor.u32 s30, v4;
	v23 =	vadd.s32 v23, v22;
	v22 =	vadd.s32 v22, v26  }
0x2a2: {  	v19 =	vadd.s32 v29, v21;
	v21 =	vadd.s32 v25, v24;
	v18 =	vadd.s32 $0xFFFFFFFF, v18  }
0x2a3: {  	v63, _, _ =	vpop (xrf0);
	vm8 =	vlt.s32 v18, $0xFFF;
	v62 =	vadd.s32 $0xFFFFFFFF, v23;
	v26 =	vadd.s32 v22, v59  }
0x2a4: {  	[tilespmem:v17+s12+$0x0] =	vst.idx.msk vm5, v20;
	v23 =	vnsel vm8, $0xFFF, v18;
	vm8 =	vlt.s32 v62, $0xFFF;
	v18 =	vadd.s32 v63, v22;
	v22, _, _ =	vpop (xrf0)  }
0x2a5: {  	s20 =	simm.s32 $0x70;
	[tilespmem:v28+s12+$0x0] =	vst.idx.msk vm7, v15;
	v20 =	vnsel vm8, $0xFFF, v62;
	v18 =	vadd.s32 $0xFFFFFFFF, v18;
	v15 =	vadd.s32 v22, v26  }
0x2a6: {  	s21 =	simm.s32 $0x0;
	s24 =	simm.s32 $0x80C0;
	s23 =	simm.s32 $0x70;
	[tilespmem:v28+s13+$0x0] =	vst.idx.msk vm7, v60;
	vm7 =	vlt.s32 v18, $0xFFF;
	v22 =	vadd.s32 $0xFFFFFFFF, v15;
	v15 =	vadd.s32 v26, v61  }
.LBB2_37:
0x2a7: {  	v24 =	vld [tilespmem:s24+$0xFFFFFFC0];
	s21 =	sadd.s32 $0x8, s21;
	[tilespmem:v17+s13+$0x0] =	vst.idx.msk vm5, v16;
	v16 =	vadd.s32 $0xFFFFFFFF, v19;
	v17 =	vadd.s32 $0xFFFFFFFF, v21;
	s20 =	sadd.s32 $0x80, s20  }
0x2a8: {  	s0 =	sadd.s32 $0xFFFFFFB0, s23;
	v19 =	vld [tilespmem:s24+$0x30];
	p0 =	slt.u32 s21, $0x7F8;
	vm5 =	vlt.s32 v16, $0xFFF;
	vm8 =	vlt.s32 v17, $0xFFF  }
0x2a9: {  	v21 =	vld [tilespmem:s24+$0x20];
	[tilespmem:v23+s12+$0x0] =	vst.idx.msk vm6, v14;
	v14 =	vor.u32 s0, v4;
	v16 =	vnsel vm5, $0xFFF, v16;
	v17 =	vnsel vm8, $0xFFF, v17;
	s0 =	sadd.s32 $0xFFFFFFF0, s23  }
0x2aa: {  	s1 =	sadd.s32 $0xFFFFFFD0, s23;
	s4 =	sadd.s32 $0xFFFFFFE0, s23;
	v25 =	vld [tilespmem:s24+$0x0];
	[tilespmem:v23+s13+$0x0] =	vst.idx.msk vm6, v14;
	v14 =	vor.u32 s0, v4;
	v23 =	vor.u32 s23, v4  }
0x2ab: {  	v27 =	vor.u32 s1, v4;
	s0 =	sadd.s32 $0xFFFFFFC0, s23;
	s23 =	smov.u32 s20;
	v26 =	vld [tilespmem:s24+$0xFFFFFFE0];
	[tilespmem:v20+s12+$0x0] =	vst.idx.msk vm4, v13;
	v13 =	vor.u32 s4, v4  }
0x2ac: {  	v30 =	vor.u32 s0, v4;
	v28 =	vshra.s32 v24, $0x1F;
	v29 =	vld [tilespmem:s24+$0xFFFFFFD0];
	[tilespmem:v20+s13+$0x0] =	vst.idx.msk vm4, v13;
	vm4 =	vlt.s32 v22, $0xFFF  }
0x2ad: {  	v18 =	vnsel vm7, $0xFFF, v18;
	v13 =	vand.u32 $0x7FFFFFFF, v28;
	v20 =	vld [tilespmem:s24+$0xFFFFFFF0];
	v22 =	vnsel vm4, $0xFFF, v22  }
0x2ae: {  	v28 =	vshra.s32 v19, $0x1F;
	v24 =	vxor.u32 v24, v13;
	v13 =	vshra.s32 v21, $0x1F;
	[tilespmem:v16+s12+$0x0] =	vst.idx.msk vm2, v12  }
0x2af: {  	vm7 =	vge.s32 v24, v10;
	v12 =	vshra.s32 v25, $0x1F;
	v13 =	vand.u32 $0x7FFFFFFF, v13;
	[tilespmem:v16+s13+$0x0] =	vst.idx.msk vm2, v30  }
0x2b0: {  	v16 =	vmpcnt.ones.xlane vm7;
	v30 =	vshra.s32 v26, $0x1F;
	v12 =	vand.u32 $0x7FFFFFFF, v12;
	v31 =	vld [tilespmem:s24+$0x10];
	[tilespmem:v17+s12+$0x0] =	vst.idx.msk vm0, v9  }
0x2b1: {  	v32 =	vshra.s32 v29, $0x1F;
	v9 =	vxor.u32 v25, v12;
	v12 =	vxor.u32 v21, v13;
	[tilespmem:v17+s13+$0x0] =	vst.idx.msk vm0, v27  }
0x2b2: {  	v16 =	vadd.s32 v15, v16;
	v13 =	vshra.s32 v20, $0x1F;
	vm0 =	vge.s32 v9, v10;
	[tilespmem:v18+s12+$0x0] =	vst.idx.msk vm1, v8  }
0x2b3: {  	v21 =	vand.u32 $0x7FFFFFFF, v28;
	v17 =	vand.u32 $0x7FFFFFFF, v32;
	v8 =	vmovc v12;
	v13 =	vand.u32 $0x7FFFFFFF, v13;
	[tilespmem:v22+s12+$0x0] =	vst.idx.msk vm3, v11  }
0x2b4: {  	v25 =	vxor.u32 v29, v17;
	v11 =	vsel vm0, $0x1, v5;
	v12 =	vxor.u32 v20, v13;
	[tilespmem:v22+s13+$0x0] =	vst.idx.msk vm3, v23  }
0x2b5: {  	vm5 =	vge.s32 v25, v10;
	vm2 =	vge.s32 v12, v10;
	v13 =	vshra.s32 v31, $0x1F;
	[tilespmem:v18+s13+$0x0] =	vst.idx.msk vm1, v14  }
0x2b6: {  	v14 =	vsel vm5, $0x1, v5;
	v17 =	vmpcnt.ones.xlane vm5;
	v13 =	vand.u32 $0x7FFFFFFF, v13;
	(xrf0) =	vadd.scan.msk.s32 $0xffff, v11  }
0x2b7: {  	v20 =	vand.u32 $0x7FFFFFFF, v30;
	v18 =	vsel vm7, $0x1, v5;
	v13 =	vxor.u32 v31, v13;
	(xrf0) =	vadd.scan.msk.s32 $0xffff, v14  }
0x2b8: {  	v11 =	vxor.u32 v19, v21;
	v22 =	vadd.s32 v16, v17;
	vm4 =	vge.s32 v13, v10;
	(xrf0) =	vadd.scan.msk.s32 $0xffff, v18  }
0x2b9: {  	v14 =	vxor.u32 v26, v20;
	v17 =	vsel vm2, $0x1, v5;
	v18 =	vsel vm4, $0x1, v5  }
0x2ba: {  	vm6 =	vge.s32 v14, v10;
	(xrf0) =	vadd.scan.msk.s32 $0xffff, v17  }
0x2bb: {  	v20 =	vmpcnt.ones.xlane vm0;
	v19 =	vmpcnt.ones.xlane vm6;
	v17 =	vsel vm6, $0x1, v5  }
0x2bc: {  	vm1 =	vge.s32 v8, v10;
	v28 =	vmpcnt.ones.xlane vm2;
	vm3 =	vge.s32 v11, v10;
	(xrf0) =	vadd.scan.msk.s32 $0xffff, v17;
	v23, _, _ =	vpop (xrf0)  }
0x2bd: {  	v26 =	vmpcnt.ones.xlane vm4;
	v19 =	vadd.s32 v22, v19;
	v17 =	vsel vm1, $0x1, v5;
	v27, _, _ =	vpop (xrf0);
	(xrf0) =	vadd.scan.msk.s32 $0xffff, v18  }
0x2be: {  	v18 =	vadd.s32 v19, v28;
	v16 =	vadd.s32 v27, v16;
	v27 =	vmpcnt.ones.xlane vm1;
	v21, _, _ =	vpop (xrf0)  }
0x2bf: {  	s0 =	sadd.s32 $0xFFFFFFA0, s20;
	v28 =	vsel vm3, $0x1, v5;
	v15 =	vadd.s32 v21, v15;
	v21 =	vadd.s32 $0xFFFFFFFF, v16;
	(xrf0) =	vadd.scan.msk.s32 $0xffff, v17  }
0x2c0: {  	v16 =	vor.u32 s0, v4;
	v15 =	vadd.s32 $0xFFFFFFFF, v15;
	vm8 =	vlt.s32 v21, $0xFFF;
	v29, _, _ =	vpop (xrf0);
	(xrf0) =	vadd.scan.msk.s32 $0xffff, v28  }
0x2c1: {  	s0 =	sadd.s32 $0xFFFFFF90, s20;
	vm9 =	vlt.s32 v15, $0xFFF;
	v17 =	vnsel vm8, $0xFFF, v21;
	v19 =	vadd.s32 v29, v19  }
0x2c2: {  	v28 =	vor.u32 s0, v4;
	v21 =	vadd.s32 v23, v18;
	v15 =	vnsel vm9, $0xFFF, v15;
	v23, _, _ =	vpop (xrf0)  }
0x2c3: {  	v18 =	vadd.s32 v18, v20;
	v29 =	vmpcnt.ones.xlane vm3;
	v22 =	vadd.s32 v23, v22;
	v20, _, _ =	vpop (xrf0)  }
.Ltmp38:
0x2c4: {  	v30 =	vadd.s32 $0xFFFFFFFF, v22;
	v20 =	vadd.s32 v20, v18;
	v18 =	vadd.s32 v18, v26;
	(pc) =	sbr.rel @p0 .LBB2_37-.Ltmp38, $4  }
0x2c5: {  	vm8 =	vlt.s32 v30, $0xFFF;
	v20 =	vadd.s32 $0xFFFFFFFF, v20;
	v26 =	vadd.s32 v18, v27;
	v27, _, _ =	vpop (xrf0)  }
0x2c6: {  	[tilespmem:v17+s12+$0x0] =	vst.idx.msk vm5, v25;
	v23 =	vnsel vm8, $0xFFF, v30;
	vm8 =	vlt.s32 v20, $0xFFF;
	v18 =	vadd.s32 v27, v18;
	v22, _, _ =	vpop (xrf0)  }
0x2c7: {  	[tilespmem:v15+s12+$0x0] =	vst.idx.msk vm7, v24;
	v20 =	vnsel vm8, $0xFFF, v20;
	v18 =	vadd.s32 $0xFFFFFFFF, v18;
	v22 =	vadd.s32 v22, v26  }
0x2c8: {  	s24 =	sadd.s32 $0x80, s24;
	[tilespmem:v15+s13+$0x0] =	vst.idx.msk vm7, v28;
	vm7 =	vlt.s32 v18, $0xFFF;
	v22 =	vadd.s32 $0xFFFFFFFF, v22;
	v15 =	vadd.s32 v26, v29  }
0x2c9: {  	v10 =	vxor.u32 $0x80000000, v15  }
0x2ca: {  	(xrf0) =	vmax.scan.msk.u32 $0xffff, v10;
	_ =	sdelay $0x5  }
0x2cb: {  	v10, _, _ =	vpop (xrf0)  }
0x2cc: {  	(v2sf) =	vpush v10, $0xF;
	_ =	sdelay $0xa  }
0x2cd: {  	[tilespmem:v17+s13+$0x0] =	vst.idx.msk vm5, v16;
	v58 =	vadd.s32 $0xFFFFFFFF, v21;
	vm15 =	vlt.s32 v22, $0xFFF;
	v61 =	vnsel vm7, $0xFFF, v18  }
0x2ce: {  	s0 =	sadd.s32 $0xFFFFFFB0, s23;
	[tilespmem:v23+s12+$0x0] =	vst.idx.msk vm6, v14;
	vm14 =	vlt.s32 v58, $0xFFF;
	v63 =	vnsel vm15, $0xFFF, v22  }
0x2cf: {  	s25 =	sadd.s32 $0xFFFFFFE0, s23;
	[tilespmem:v20+s12+$0x0] =	vst.idx.msk vm4, v13;
	v59 =	vor.u32 s0, v4;
	v15 =	vnsel vm14, $0xFFF, v58  }
0x2d0: {  	v60 =	vor.u32 s25, v4;
	[tilespmem:v23+s13+$0x0] =	vst.idx.msk vm6, v59;
	v10 =	vadd.s32 $0xFFFFFFFF, v19  }
0x2d1: {  	[tilespmem:v20+s13+$0x0] =	vst.idx.msk vm4, v60;
	vm8 =	vlt.s32 v10, $0xFFF;
	s1 =	spop (v2sf)  }
0x2d2: {  	[tilespmem:v61+s12+$0x0] =	vst.idx.msk vm1, v8;
	v10 =	vnsel vm8, $0xFFF, v10;
	s28 =	sadd.s32 $0x8000000F, s1  }
0x2d3: {  	[tilespmem:v63+s12+$0x0] =	vst.idx.msk vm3, v11;
	s20 =	sshra.s32 s28, $0x4  }
0x2d4: {  	s29 =	sadd.s32 $0xFFFFFFF0, s23;
	p0 =	sgt.s32 s22, $0x7F7FFFFF;
	v8 =	vor.u32 s23, v4;
	[tilespmem:v15+s12+$0x0] =	vst.idx.msk vm0, v9;
	s0 =	sshrl.u32 s20, $0x1E  }
.Ltmp39:
0x2d5: {  	v9 =	vor.u32 s29, v4;
	[tilespmem:v63+s13+$0x0] =	vst.idx.msk vm3, v8;
	s0 =	sadd.s32 s0, s20;
	(pc) =	sbr.rel @p0 .LBB2_45-.Ltmp39, $4  }
0x2d6: {  	s26 =	sadd.s32 $0xFFFFFFC0, s23;
	[tilespmem:v61+s13+$0x0] =	vst.idx.msk vm1, v9;
	s21 =	sand.u32 $0xFFFFFFFC, s0  }
0x2d7: {  	s4 =	sadd.s32 $0xFFFFFFD0, s23;
	v62 =	vor.u32 s26, v4;
	[tilespmem:v10+s12+$0x0] =	vst.idx.msk vm2, v12;
	s24 =	ssub.s32 s20, s21  }
0x2d8: {  	[tilespmem:v10+s13+$0x0] =	vst.idx.msk vm2, v62;
	v10 =	vor.u32 s4, v4;
	s1 =	sxor.u32 $0x80000000, s1;
	s30 =	sshll.u32 s20, $0x6;
	s31 =	sshll.u32 s24, $0x6  }
0x2d9: {  	[tilespmem:v15+s13+$0x0] =	vst.idx.msk vm0, v10;
	v8 =	vmov s1;
	s25 =	sshll.u32 s20, $0x4;
	s23 =	ssub.s32 s30, s31  }
.Ltmp40:
0x2da: {  	(pc) =	sbr.rel .LBB2_40-.Ltmp40, $4  }
0x2db: {  	_ = 	snop  }
0x2dc: {  	s0 =	sshra.s32 s23, $0x2  }
0x2dd: {  	s1 =	sshll.u32 s24, $0x4;
	s29 =	simm.s32 $0x7F800000;
	p0 =	slt.s32 s21, $0x1  }
0x2de: {  	p1 =	slt.s32 s24, $0x1;
	s26 =	sadd.s32 $0x10000, s0;
	s28 =	ssub.s32 s25, s1  }
.LBB2_44:
0x2df: {  	(xrf0) =	vadd.scan.msk.s32 $0xffff, v10;
	_ =	sdelay $0x5  }
0x2e0: {  	v9, _, _ =	vpop (xrf0)  }
0x2e1: {  	(v2sf) =	vpush v9, $0xF;
	_ =	sdelay $0xe  }
0x2e2: {  	s0 =	spop (v2sf)  }
0x2e3: {  	p2 =	sgt.s32 s0, $0x3F;
	s0 =	sadd.s32 $0xFFFFFFFF, s30  }
0x2e4: {  	s22 =	smov.u32 @p2 s30;
	s0 =	smov.u32 @p2 s29  }
0x2e5: {  	p2 =	slt.s32 s22, s0  }
.Ltmp41:
0x2e6: {  	_ = 	snop;
	(pc) =	sbr.rel @!p2 .LBB2_45-.Ltmp41, $2  }
0x2e7: {  	_ =	sdelay $0x2  }
0x2e8: {  	s29 =	smov.u32 s0  }
.LBB2_40:
.Ltmp42:
0x2e9: {  	s0 =	ssub.s32 s29, s22;
	(pc) =	sbr.rel @p0 .LBB2_41-.Ltmp42, $4  }
0x2ea: {  	s0 =	sadd.s32 $0x1, s0  }
0x2eb: {  	s0 =	sshrl.u32 s0, $0x1  }
0x2ec: {  	s30 =	sadd.s32 s22, s0  }
0x2ed: {  	v10 =	vimm.s32 $0x0;
	v9 =	vmov s30  }
0x2ee: {  	s1 =	simm.s32 $0x10020  }
0x2ef: {  	v11 =	vld [tilespmem:s1+$0xFFFFFFE0];
	_ =	sdelay $0x2  }
0x2f0: {  	v12 =	vld [tilespmem:s1+$0x10]  }
0x2f1: {  	p2 =	sgt.s32 s21, $0x4;
	v13 =	vld [tilespmem:s1+$0xFFFFFFF0]  }
.Ltmp43:
0x2f2: {  	s31 =	simm.s32 $0x0;
	s0 =	simm.s32 $0x20;
	vm4 =	vge.s32 v11, v9;
	v11 =	vld [tilespmem:s1+$0x0];
	(pc) =	sbr.rel @!p2 .LBB2_137-.Ltmp43, $4  }
0x2f3: {  	s4 =	simm.s32 $0x30;
	s5 =	simm.s32 $0x10;
	v14 =	vor.u32 s31, v4;
	v15 =	vor.u32 s0, v4  }
0x2f4: {  	v16 =	vor.u32 s4, v4;
	v63 =	vor.u32 s5, v4;
	vm2 =	vlt.s32 v14, v8  }
0x2f5: {  	vm0 =	vlt.s32 v16, v8;
	vm3 =	vlt.s32 v63, v8;
	vm1 =	vlt.s32 v15, v8  }
0x2f6: {  	s0 =	simm.s32 $0x4;
	vm5 =	vge.s32 v13, v9;
	s1 =	simm.s32 $0x10060;
	vm4 =	vmand vm2, vm4;
	vm2 =	vge.s32 v12, v9  }
.LBB2_136:
0x2f7: {  	v12 =	vld [tilespmem:s1+$0x10];
	v13 =	vsel vm4, $0x1, v5;
	vm3 =	vmand vm3, vm5;
	vm4 =	vge.s32 v11, v9  }
0x2f8: {  	s0 =	sadd.s32 $0x4, s0;
	v14 =	vld [tilespmem:s1+$0xFFFFFFE0];
	v10 =	vadd.s32 v13, v10;
	v11 =	vsel vm3, $0x1, v5;
	vm1 =	vmand vm1, vm4  }
0x2f9: {  	vm0 =	vmand vm0, vm2;
	s31 =	sadd.s32 $0x40, s31;
	p2 =	slt.s32 s0, s21;
	v13 =	vld [tilespmem:s1+$0xFFFFFFF0];
	v10 =	vadd.s32 v11, v10;
	v15 =	vsel vm1, $0x1, v5  }
.Ltmp44:
0x2fa: {  	v16 =	vor.u32 s31, v4;
	s4 =	sadd.s32 $0x20, s31;
	s5 =	sadd.s32 $0x30, s31;
	v11 =	vld [tilespmem:s1+$0x0];
	v10 =	vadd.s32 v15, v10;
	v15 =	vsel vm0, $0x1, v5;
	(pc) =	sbr.rel @p2 .LBB2_136-.Ltmp44, $4  }
0x2fb: {  	s10 =	sadd.s32 $0x10, s31;
	v17 =	vor.u32 s4, v4;
	v18 =	vor.u32 s5, v4;
	v10 =	vadd.s32 v15, v10  }
0x2fc: {  	vm2 =	vlt.s32 v16, v8;
	vm0 =	vlt.s32 v18, v8;
	v15 =	vor.u32 s10, v4  }
0x2fd: {  	vm1 =	vlt.s32 v17, v8;
	vm3 =	vlt.s32 v15, v8;
	vm4 =	vge.s32 v14, v9  }
0x2fe: {  	s1 =	sadd.s32 $0x40, s1;
	vm4 =	vmand vm2, vm4;
	vm5 =	vge.s32 v13, v9;
	vm2 =	vge.s32 v12, v9  }
.LBB2_137:
0x2ff: {  	v12 =	vsel vm4, $0x1, v5;
	vm3 =	vmand vm3, vm5;
	vm15 =	vge.s32 v11, v9  }
0x300: {  	v10 =	vadd.s32 v12, v10;
	v11 =	vsel vm3, $0x1, v5;
	vm1 =	vmand vm1, vm15  }
0x301: {  	vm0 =	vmand vm0, vm2;
	v10 =	vadd.s32 v11, v10;
	v11 =	vsel vm1, $0x1, v5  }
0x302: {  	v10 =	vadd.s32 v11, v10;
	v11 =	vsel vm0, $0x1, v5  }
0x303: {  	v10 =	vadd.s32 v11, v10  }
.LBB2_41:
.Ltmp45:
0x304: {  	(pc) =	sbr.rel @p1 .LBB2_44-.Ltmp45, $1  }
0x305: {  	_ =	sdelay $0x3  }
0x306: {  	s0 =	smov.u32 s28;
	s1 =	smov.u32 s26;
	s31 =	smov.u32 s21  }
.LBB2_43:
0x307: {  	v11 =	vld [tilespmem:s1+$0x0];
	_ =	sdelay $0x1  }
0x308: {  	s31 =	sadd.s32 $0x1, s31  }
0x309: {  	p2 =	slt.s32 s31, s20  }
.Ltmp46:
0x30a: {  	v12 =	vor.u32 s0, v4;
	(pc) =	sbr.rel @p2 .LBB2_43-.Ltmp46, $4  }
0x30b: {  	vm0 =	vlt.s32 v12, v8;
	vm1 =	vge.s32 v11, v9  }
0x30c: {  	vm0 =	vmand vm0, vm1  }
0x30d: {  	v11 =	vsel vm0, $0x1, v5  }
0x30e: {  	s1 =	sadd.s32 $0x10, s1;
	s0 =	sadd.s32 $0x10, s0;
	v10 =	vadd.s32 v11, v10  }
.Ltmp47:
0x30f: {  	_ = 	snop;
	(pc) =	sbr.rel .LBB2_44-.Ltmp47, $1  }
0x310: {  	_ =	sdelay $0x3  }
.LBB2_45:
0x311: {  	p1 =	slt.s32 s21, $0x1  }
.Ltmp48:
0x312: {  	_ = 	snop;
	(pc) =	sbr.rel @p1 .LBB2_46-.Ltmp48, $2  }
0x313: {  	_ =	sdelay $0x2  }
0x314: {  	v9 =	vmov s22;
	v10 =	vimm.s32 $0x0  }
0x315: {  	s1 =	simm.s32 $0x10020  }
0x316: {  	v11 =	vld [tilespmem:s1+$0xFFFFFFE0];
	_ =	sdelay $0x2  }
0x317: {  	v12 =	vld [tilespmem:s1+$0x10]  }
0x318: {  	p0 =	sgt.s32 s21, $0x4;
	v13 =	vld [tilespmem:s1+$0xFFFFFFF0]  }
.Ltmp49:
0x319: {  	s22 =	simm.s32 $0x0;
	s0 =	simm.s32 $0x20;
	vm4 =	vgt.s32 v11, v9;
	v11 =	vld [tilespmem:s1+$0x0];
	(pc) =	sbr.rel @!p0 .LBB2_140-.Ltmp49, $4  }
0x31a: {  	s4 =	simm.s32 $0x30;
	s5 =	simm.s32 $0x10;
	v14 =	vor.u32 s22, v4;
	v15 =	vor.u32 s0, v4  }
0x31b: {  	v16 =	vor.u32 s4, v4;
	v63 =	vor.u32 s5, v4;
	vm2 =	vlt.s32 v14, v8  }
0x31c: {  	vm0 =	vlt.s32 v16, v8;
	vm3 =	vlt.s32 v63, v8;
	vm1 =	vlt.s32 v15, v8  }
0x31d: {  	s0 =	simm.s32 $0x4;
	vm5 =	vgt.s32 v13, v9;
	s1 =	simm.s32 $0x10060;
	vm4 =	vmand vm2, vm4;
	vm2 =	vgt.s32 v12, v9  }
.LBB2_139:
0x31e: {  	v12 =	vld [tilespmem:s1+$0x10];
	v13 =	vsel vm4, $0x1, v5;
	vm3 =	vmand vm3, vm5;
	vm4 =	vgt.s32 v11, v9  }
0x31f: {  	s0 =	sadd.s32 $0x4, s0;
	v14 =	vld [tilespmem:s1+$0xFFFFFFE0];
	v10 =	vadd.s32 v13, v10;
	v11 =	vsel vm3, $0x1, v5;
	vm1 =	vmand vm1, vm4  }
0x320: {  	vm0 =	vmand vm0, vm2;
	s22 =	sadd.s32 $0x40, s22;
	p0 =	slt.s32 s0, s21;
	v13 =	vld [tilespmem:s1+$0xFFFFFFF0];
	v10 =	vadd.s32 v11, v10;
	v15 =	vsel vm1, $0x1, v5  }
.Ltmp50:
0x321: {  	v16 =	vor.u32 s22, v4;
	s4 =	sadd.s32 $0x20, s22;
	s5 =	sadd.s32 $0x30, s22;
	v11 =	vld [tilespmem:s1+$0x0];
	v10 =	vadd.s32 v15, v10;
	v15 =	vsel vm0, $0x1, v5;
	(pc) =	sbr.rel @p0 .LBB2_139-.Ltmp50, $4  }
0x322: {  	s10 =	sadd.s32 $0x10, s22;
	v17 =	vor.u32 s4, v4;
	v18 =	vor.u32 s5, v4;
	v10 =	vadd.s32 v15, v10  }
0x323: {  	vm2 =	vlt.s32 v16, v8;
	vm0 =	vlt.s32 v18, v8;
	v15 =	vor.u32 s10, v4  }
0x324: {  	vm1 =	vlt.s32 v17, v8;
	vm3 =	vlt.s32 v15, v8;
	vm4 =	vgt.s32 v14, v9  }
0x325: {  	s1 =	sadd.s32 $0x40, s1;
	vm4 =	vmand vm2, vm4;
	vm5 =	vgt.s32 v13, v9;
	vm2 =	vgt.s32 v12, v9  }
.LBB2_140:
0x326: {  	v12 =	vsel vm4, $0x1, v5;
	vm3 =	vmand vm3, vm5;
	vm15 =	vgt.s32 v11, v9  }
0x327: {  	v10 =	vadd.s32 v12, v10;
	v11 =	vsel vm3, $0x1, v5;
	vm1 =	vmand vm1, vm15  }
0x328: {  	vm0 =	vmand vm0, vm2;
	v10 =	vadd.s32 v11, v10;
	v11 =	vsel vm1, $0x1, v5  }
0x329: {  	v10 =	vadd.s32 v11, v10;
	v11 =	vsel vm0, $0x1, v5  }
0x32a: {  	v10 =	vadd.s32 v11, v10  }
.LBB2_46:
0x32b: {  	p0 =	slt.s32 s24, $0x1  }
.Ltmp51:
0x32c: {  	_ = 	snop;
	(pc) =	sbr.rel @p0 .LBB2_49-.Ltmp51, $1  }
0x32d: {  	_ =	sdelay $0x3  }
0x32e: {  	s0 =	sshra.s32 s23, $0x2;
	s1 =	sshll.u32 s24, $0x4  }
0x32f: {  	s22 =	smov.u32 s21;
	s0 =	sadd.s32 $0x10000, s0;
	s1 =	ssub.s32 s25, s1  }
.LBB2_48:
0x330: {  	v11 =	vld [tilespmem:s0+$0x0];
	_ =	sdelay $0x1  }
0x331: {  	s22 =	sadd.s32 $0x1, s22  }
0x332: {  	p2 =	slt.s32 s22, s20  }
.Ltmp52:
0x333: {  	v12 =	vor.u32 s1, v4;
	(pc) =	sbr.rel @p2 .LBB2_48-.Ltmp52, $4  }
0x334: {  	vm0 =	vlt.s32 v12, v8;
	vm1 =	vgt.s32 v11, v9  }
0x335: {  	vm0 =	vmand vm0, vm1  }
0x336: {  	v11 =	vsel vm0, $0x1, v5  }
0x337: {  	s0 =	sadd.s32 $0x10, s0;
	s1 =	sadd.s32 $0x10, s1;
	v10 =	vadd.s32 v11, v10  }
.LBB2_49:
0x338: {  	(xrf0) =	vadd.scan.msk.s32 $0xffff, v10;
	_ =	sdelay $0x5  }
0x339: {  	v10, _, _ =	vpop (xrf0)  }
0x33a: {  	(v2sf) =	vpush v10, $0xF;
	_ =	sdelay $0xb  }
.Ltmp53:
0x33b: {  	_ = 	snop;
	(pc) =	sbr.rel .LBB2_50-.Ltmp53, $4  }
0x33c: {  	_ = 	snop  }
0x33d: {  	s30 =	sshra.s32 s23, $0x2;
	s31 =	sshll.u32 s24, $0x4;
	s28 =	simm.s32 $0x7FFF  }
0x33e: {  	s22 =	sadd.s32 $0x10000, s30;
	s23 =	sadd.s32 $0x11000, s30;
	s0 =	spop (v2sf)  }
0x33f: {  	s24 =	ssub.s32 s25, s31;
	s25 =	simm.s32 $0x0;
	s26 =	ssub.s32 $0x40, s0  }
.LBB2_54:
0x340: {  	(xrf0) =	vadd.scan.msk.s32 $0xffff, v11;
	_ =	sdelay $0x5  }
0x341: {  	v10, _, _ =	vpop (xrf0)  }
0x342: {  	(v2sf) =	vpush v10, $0xF;
	_ =	sdelay $0xe  }
0x343: {  	s0 =	spop (v2sf)  }
0x344: {  	p2 =	slt.s32 s0, s26;
	s0 =	sadd.s32 $0x1, s29  }
0x345: {  	s25 =	smov.u32 @p2 s0;
	s29 =	smov.u32 @p2 s28  }
0x346: {  	p2 =	slt.s32 s25, s29  }
.Ltmp54:
0x347: {  	_ = 	snop;
	(pc) =	sbr.rel @!p2 .LBB2_55-.Ltmp54, $2  }
0x348: {  	_ =	sdelay $0x2  }
0x349: {  	s28 =	smov.u32 s29  }
.LBB2_50:
.Ltmp55:
0x34a: {  	(pc) =	sbr.rel @p1 .LBB2_51-.Ltmp55, $4  }
0x34b: {  	_ = 	snop  }
0x34c: {  	s0 =	sadd.s32 s25, s28  }
0x34d: {  	s29 =	sshra.s32 s0, $0x1  }
0x34e: {  	v11 =	vimm.s32 $0x0;
	v10 =	vmov s29  }
0x34f: {  	s0 =	simm.s32 $0x10020  }
0x350: {  	s31 =	simm.s32 $0x11020;
	v17 =	vld [tilespmem:s0+$0x10]  }
0x351: {  	v18 =	vld [tilespmem:s31+$0x10]  }
0x352: {  	v19 =	vld [tilespmem:s0+$0x0]  }
0x353: {  	v12 =	vld [tilespmem:s31+$0x0]  }
0x354: {  	s30 =	simm.s32 $0x0;
	v13 =	vld [tilespmem:s0+$0xFFFFFFF0]  }
0x355: {  	s1 =	simm.s32 $0x30;
	p2 =	sgt.s32 s21, $0x4;
	v15 =	vor.u32 s30, v4;
	v14 =	vld [tilespmem:s0+$0xFFFFFFE0]  }
.Ltmp56:
0x356: {  	v16 =	vor.u32 s1, v4;
	vm3 =	vlt.s32 v15, v8;
	v15 =	vld [tilespmem:s31+$0xFFFFFFE0];
	(pc) =	sbr.rel @!p2 .LBB2_143-.Ltmp56, $4  }
0x357: {  	s4 =	simm.s32 $0x10;
	s5 =	simm.s32 $0x20;
	vm0 =	vlt.s32 v16, v8;
	v16 =	vld [tilespmem:s31+$0xFFFFFFF0]  }
0x358: {  	v20 =	vor.u32 s4, v4;
	v21 =	vor.u32 s5, v4  }
0x359: {  	vm2 =	vlt.s32 v20, v8;
	vm1 =	vlt.s32 v21, v8  }
0x35a: {  	s0 =	simm.s32 $0x4;
	s1 =	simm.s32 $0x10060;
	vm4 =	veq.s32 v19, v9;
	vm5 =	veq.s32 v17, v9;
	vm6 =	vle.s32 v18, v10  }
.LBB2_142:
0x35b: {  	v17 =	vld [tilespmem:s1+$0x10];
	vm7 =	veq.s32 v14, v9;
	vm8 =	vle.s32 v15, v10;
	vm9 =	vle.s32 v12, v10;
	s31 =	sadd.s32 $0x40, s31  }
0x35c: {  	v18 =	vld [tilespmem:s31+$0x10];
	vm7 =	vmand vm7, vm8;
	vm8 =	veq.s32 v13, v9;
	vm10 =	vle.s32 v16, v10  }
0x35d: {  	vm5 =	vmand vm5, vm6;
	v19 =	vld [tilespmem:s1+$0x0];
	vm3 =	vmand vm3, vm7;
	vm7 =	vmand vm8, vm10  }
0x35e: {  	v12 =	vld [tilespmem:s31+$0x0];
	v14 =	vsel vm3, $0x1, v5;
	vm2 =	vmand vm2, vm7;
	vm3 =	vmand vm4, vm9  }
0x35f: {  	s0 =	sadd.s32 $0x4, s0;
	v13 =	vld [tilespmem:s1+$0xFFFFFFF0];
	v11 =	vadd.s32 v14, v11;
	v15 =	vsel vm2, $0x1, v5;
	vm1 =	vmand vm1, vm3  }
0x360: {  	s30 =	sadd.s32 $0x40, s30;
	vm0 =	vmand vm0, vm5;
	p2 =	slt.s32 s0, s21;
	v14 =	vld [tilespmem:s1+$0xFFFFFFE0];
	v11 =	vadd.s32 v15, v11;
	v16 =	vsel vm1, $0x1, v5  }
.Ltmp57:
0x361: {  	s4 =	sadd.s32 $0x30, s30;
	v20 =	vsel vm0, $0x1, v5;
	v15 =	vld [tilespmem:s31+$0xFFFFFFE0];
	v11 =	vadd.s32 v16, v11;
	(pc) =	sbr.rel @p2 .LBB2_142-.Ltmp57, $4  }
0x362: {  	v21 =	vor.u32 s30, v4;
	s5 =	sadd.s32 $0x10, s30;
	s10 =	sadd.s32 $0x20, s30;
	v22 =	vor.u32 s4, v4;
	v16 =	vld [tilespmem:s31+$0xFFFFFFF0];
	v11 =	vadd.s32 v20, v11  }
0x363: {  	vm3 =	vlt.s32 v21, v8;
	v21 =	vor.u32 s10, v4;
	v20 =	vor.u32 s5, v4  }
0x364: {  	vm0 =	vlt.s32 v22, v8;
	vm1 =	vlt.s32 v21, v8;
	vm2 =	vlt.s32 v20, v8  }
0x365: {  	vm5 =	veq.s32 v17, v9;
	s1 =	sadd.s32 $0x40, s1;
	vm6 =	vle.s32 v18, v10;
	vm4 =	veq.s32 v19, v9  }
.LBB2_143:
0x366: {  	vm7 =	veq.s32 v14, v9;
	vm8 =	vle.s32 v15, v10;
	vm9 =	vle.s32 v12, v10  }
0x367: {  	vm13 =	veq.s32 v13, v9;
	vm7 =	vmand vm7, vm8;
	vm10 =	vle.s32 v16, v10  }
0x368: {  	vm5 =	vmand vm5, vm6;
	vm3 =	vmand vm3, vm7;
	vm14 =	vmand vm13, vm10  }
0x369: {  	vm15 =	vmand vm4, vm9;
	v60 =	vsel vm3, $0x1, v5;
	vm2 =	vmand vm2, vm14  }
0x36a: {  	vm1 =	vmand vm1, vm15;
	v11 =	vadd.s32 v60, v11;
	v61 =	vsel vm2, $0x1, v5  }
0x36b: {  	vm0 =	vmand vm0, vm5;
	v62 =	vsel vm1, $0x1, v5;
	v11 =	vadd.s32 v61, v11  }
0x36c: {  	v63 =	vsel vm0, $0x1, v5;
	v11 =	vadd.s32 v62, v11  }
0x36d: {  	v11 =	vadd.s32 v63, v11  }
.LBB2_51:
.Ltmp58:
0x36e: {  	(pc) =	sbr.rel @p0 .LBB2_54-.Ltmp58, $1  }
0x36f: {  	_ =	sdelay $0x3  }
0x370: {  	s0 =	smov.u32 s24  }
0x371: {  	s1 =	smov.u32 s23;
	s30 =	smov.u32 s22;
	s31 =	smov.u32 s21  }
.LBB2_53:
0x372: {  	v12 =	vld [tilespmem:s30+$0x0]  }
0x373: {  	v13 =	vld [tilespmem:s1+$0x0];
	_ =	sdelay $0x2  }
0x374: {  	s31 =	sadd.s32 $0x1, s31  }
0x375: {  	p2 =	slt.s32 s31, s20  }
.Ltmp59:
0x376: {  	v14 =	vor.u32 s0, v4;
	vm0 =	veq.s32 v12, v9;
	vm1 =	vle.s32 v13, v10;
	(pc) =	sbr.rel @p2 .LBB2_53-.Ltmp59, $4  }
0x377: {  	vm2 =	vlt.s32 v14, v8;
	vm0 =	vmand vm0, vm1  }
0x378: {  	vm0 =	vmand vm2, vm0  }
0x379: {  	v63 =	vsel vm0, $0x1, v5  }
0x37a: {  	s30 =	sadd.s32 $0x10, s30;
	s1 =	sadd.s32 $0x10, s1;
	s0 =	sadd.s32 $0x10, s0;
	v11 =	vadd.s32 v63, v11  }
.Ltmp60:
0x37b: {  	_ = 	snop;
	(pc) =	sbr.rel .LBB2_54-.Ltmp60, $1  }
0x37c: {  	_ =	sdelay $0x3  }
.LBB2_55:
.Ltmp61:
0x37d: {  	(pc) =	sbr.rel @p1 .LBB2_56-.Ltmp61, $2  }
0x37e: {  	_ =	sdelay $0x2  }
0x37f: {  	v10 =	vmov s25  }
0x380: {  	s25 =	simm.s32 $0x10020  }
0x381: {  	s0 =	simm.s32 $0x11020;
	v13 =	vld [tilespmem:s25+$0xFFFFFFE0]  }
0x382: {  	v12 =	vld [tilespmem:s0+$0xFFFFFFE0]  }
0x383: {  	v14 =	vld [tilespmem:s25+$0xFFFFFFF0]  }
0x384: {  	s1 =	simm.s32 $0x0;
	v15 =	vld [tilespmem:s25+$0x0]  }
0x385: {  	s30 =	simm.s32 $0x10;
	v16 =	vld [tilespmem:s25+$0x10];
	v11 =	vor.u32 s1, v4  }
0x386: {  	s31 =	simm.s32 $0x20;
	s4 =	simm.s32 $0x30;
	v17 =	vld [tilespmem:s0+$0xFFFFFFF0];
	vm0 =	vlt.s32 v11, v8;
	v11 =	vor.u32 s30, v4  }
0x387: {  	v20 =	vld [tilespmem:s0+$0x10];
	v19 =	vor.u32 s4, v4;
	vm1 =	vlt.s32 v11, v8;
	v11 =	vor.u32 s31, v4  }
0x388: {  	v27 =	vimm.s32 $0x0;
	vm4 =	vlt.s32 v19, v8;
	vm3 =	vlt.s32 v11, v8  }
0x389: {  	v18 =	vshra.s32 v13, $0x1F;
	vm2 =	vgt.s32 v13, v9;
	vm5 =	vgt.s32 v14, v9  }
0x38a: {  	vm6 =	vgt.s32 v15, v9;
	vm7 =	vgt.s32 v16, v9;
	v22 =	vand.u32 $0x7FFFFFFF, v18;
	v18 =	vld [tilespmem:s0+$0x0]  }
0x38b: {  	vm8 =	veq.s32 v13, v9;
	vm9 =	vle.s32 v12, v10;
	vm10 =	veq.s32 v14, v9  }
0x38c: {  	vm11 =	vle.s32 v17, v10;
	vm12 =	veq.s32 v15, v9;
	vm14 =	vle.s32 v20, v10  }
0x38d: {  	v30 =	vshra.s32 v15, $0x1F;
	v29 =	vshra.s32 v16, $0x1F;
	vm8 =	vmand vm8, vm9  }
0x38e: {  	vm9 =	veq.s32 v16, v9;
	vm2 =	vmor vm2, vm8;
	vm8 =	vmand vm10, vm11  }
0x38f: {  	vm15 =	vmand vm0, vm2;
	vm2 =	vmor vm5, vm8;
	vm13 =	vle.s32 v18, v10  }
0x390: {  	vm8 =	vmand vm9, vm14;
	v11 =	vmpcnt.ones.xlane vm15;
	vm10 =	vmand vm12, vm13  }
0x391: {  	p2 =	sgt.s32 s21, $0x4;
	vm11 =	vmand vm1, vm2;
	v21 =	vsel vm15, $0x1, v5;
	vm1 =	vmor vm6, vm10  }
.Ltmp62:
0x392: {  	v19 =	vmpcnt.ones.xlane vm11;
	vm3 =	vmand vm3, vm1;
	vm1 =	vmor vm7, vm8;
	(pc) =	sbr.rel @!p2 .LBB2_145-.Ltmp62, $4  }
0x393: {  	v25 =	vadd.s32 v27, v11;
	v11 =	vmpcnt.ones.xlane vm3;
	vm4 =	vmand vm4, vm1  }
0x394: {  	v26 =	vsel vm11, $0x1, v5;
	(xrf0) =	vadd.scan.msk.s32 $0xffff, v21;
	v24 =	vadd.s32 v25, v19;
	v19 =	vmpcnt.ones.xlane vm4  }
0x395: {  	v21 =	vshra.s32 v14, $0x1F;
	(xrf0) =	vadd.scan.msk.s32 $0xffff, v26;
	v32 =	vsel vm3, $0x1, v5;
	v23 =	vadd.s32 v24, v11  }
0x396: {  	p1 =	por $0x0, $0x0;
	v28 =	vand.u32 $0x7FFFFFFF, v21;
	v31 =	vsel vm4, $0x1, v5;
	(xrf0) =	vadd.scan.msk.s32 $0xffff, v32;
	v11 =	vadd.s32 v23, v19  }
0x397: {  	(xrf0) =	vadd.scan.msk.s32 $0xffff, v31  }
0x398: {  	v22 =	vxor.u32 v13, v22;
	v13 =	vand.u32 $0x7FFFFFFF, v30;
	v19 =	vand.u32 $0x7FFFFFFF, v29  }
0x399: {  	v26 =	vxor.u32 v14, v28;
	v30 =	vadd.s32 v1, v12;
	v31 =	vadd.s32 v1, v17  }
0x39a: {  	v32 =	vadd.s32 v1, v18;
	s25 =	simm.s32 $0x10060;
	vm6 =	vmmov vm3;
	vm10 =	vmmov vm4;
	v12, _, _ =	vpop (xrf0)  }
0x39b: {  	s26 =	simm.s32 $0x11060;
	v28 =	vxor.u32 v15, v13;
	v29 =	vxor.u32 v16, v19;
	v13 =	vld [tilespmem:s25+$0xFFFFFFE0];
	v12 =	vadd.s32 v12, v27;
	v14, _, _ =	vpop (xrf0)  }
0x39c: {  	s28 =	simm.s32 $0x40;
	v19 =	vadd.s32 v1, v20;
	v16 =	vadd.s32 $0xFFFFFFFF, v12;
	v14 =	vadd.s32 v14, v25;
	v15, _, _ =	vpop (xrf0);
	v12 =	vld [tilespmem:s26+$0xFFFFFFE0]  }
0x39d: {  	v25 =	vor.u32 s28, v4;
	v18 =	vadd.s32 $0xFFFFFFFF, v14;
	v15 =	vadd.s32 v15, v24;
	v17, _, _ =	vpop (xrf0);
	v14 =	vld [tilespmem:s25+$0xFFFFFFF0]  }
0x39e: {  	vm2 =	vlt.s32 v16, $0x3F;
	v20 =	vadd.s32 $0xFFFFFFFF, v15;
	v17 =	vadd.s32 v17, v23;
	v15 =	vld [tilespmem:s25+$0x0]  }
0x39f: {  	vm3 =	vlt.s32 v18, $0x3F;
	v23 =	vnsel vm2, $0x3F, v16;
	v21 =	vadd.s32 $0xFFFFFFFF, v17;
	v17 =	vld [tilespmem:s26+$0xFFFFFFF0]  }
0x3a0: {  	s0 =	simm.s32 $0x50;
	vm2 =	vlt.s32 v20, $0x3F;
	v24 =	vnsel vm3, $0x3F, v18;
	v18 =	vld [tilespmem:s26+$0x0];
	vm3 =	vlt.s32 v21, $0x3F  }
0x3a1: {  	v16 =	vld [tilespmem:s25+$0x10];
	v27 =	vnsel vm2, $0x3F, v20;
	vm2 =	vlt.s32 v25, v8;
	v25 =	vor.u32 s0, v4  }
0x3a2: {  	v21 =	vnsel vm3, $0x3F, v21;
	vm3 =	veq.s32 v13, v9;
	vm4 =	vle.s32 v12, v10  }
0x3a3: {  	vm8 =	vgt.s32 v13, v9;
	vm7 =	vlt.s32 v25, v8;
	vm3 =	vmand vm3, vm4  }
0x3a4: {  	s30 =	simm.s32 $0x60;
	v20 =	vld [tilespmem:s26+$0x10];
	vm4 =	veq.s32 v14, v9;
	vm9 =	vgt.s32 v14, v9;
	vm3 =	vmor vm8, vm3  }
0x3a5: {  	[tilespmem:v23+s14+$0x0] =	vst.idx.msk vm15, v22;
	v22 =	vor.u32 s30, v4;
	vm8 =	vle.s32 v17, v10;
	vm0 =	vle.s32 v18, v10  }
0x3a6: {  	[tilespmem:v23+s15+$0x0] =	vst.idx.msk vm15, v30;
	vm15 =	vmand vm2, vm3;
	vm2 =	veq.s32 v16, v9;
	v30 =	vshra.s32 v15, $0x1F  }
0x3a7: {  	vm4 =	vmand vm4, vm8;
	vm8 =	veq.s32 v15, v9;
	v23 =	vmpcnt.ones.xlane vm15  }
0x3a8: {  	[tilespmem:v24+s14+$0x0] =	vst.idx.msk vm11, v26;
	v26 =	vsel vm15, $0x1, v5;
	vm8 =	vmand vm8, vm0;
	vm3 =	vmor vm9, vm4  }
0x3a9: {  	vm4 =	vle.s32 v20, v10;
	vm9 =	vgt.s32 v15, v9;
	[tilespmem:v21+s14+$0x0] =	vst.idx.msk vm10, v29;
	v29 =	vshra.s32 v14, $0x1F  }
0x3aa: {  	s31 =	simm.s32 $0x70;
	vm4 =	vmand vm2, vm4;
	vm5 =	vmand vm7, vm3;
	vm3 =	vmor vm9, vm8  }
0x3ab: {  	vm7 =	vlt.s32 v22, v8;
	v22 =	vor.u32 s31, v4;
	v25 =	vadd.s32 v11, v23  }
0x3ac: {  	p2 =	sgt.s32 s21, $0x8;
	[tilespmem:v24+s15+$0x0] =	vst.idx.msk vm11, v31;
	vm3 =	vmand vm7, vm3;
	vm7 =	vgt.s32 v16, v9;
	vm0 =	vlt.s32 v22, v8  }
.Ltmp63:
0x3ad: {  	[tilespmem:v27+s14+$0x0] =	vst.idx.msk vm6, v28;
	v22 =	vshra.s32 v13, $0x1F;
	v24 =	vmpcnt.ones.xlane vm5;
	vm4 =	vmor vm7, vm4;
	(pc) =	sbr.rel @!p2 .LBB2_147-.Ltmp63, $4  }
0x3ae: {  	[tilespmem:v27+s15+$0x0] =	vst.idx.msk vm6, v32;
	v28 =	vsel vm5, $0x1, v5;
	v23 =	vmpcnt.ones.xlane vm3;
	vm4 =	vmand vm0, vm4  }
0x3af: {  	(xrf0) =	vadd.scan.msk.s32 $0xffff, v26;
	v22 =	vand.u32 $0x7FFFFFFF, v22;
	v24 =	vadd.s32 v25, v24;
	v27 =	vmpcnt.ones.xlane vm4  }
0x3b0: {  	v63 =	vsel vm3, $0x1, v5;
	(xrf0) =	vadd.scan.msk.s32 $0xffff, v28;
	v28 =	vand.u32 $0x7FFFFFFF, v29;
	v23 =	vadd.s32 v24, v23  }
0x3b1: {  	s29 =	simm.s32 $0x8;
	p1 =	por $0x1, $0x1;
	v29 =	vshra.s32 v16, $0x1F;
	(xrf0) =	vadd.scan.msk.s32 $0xffff, v63;
	v31 =	vsel vm4, $0x1, v5;
	v26 =	vadd.s32 v23, v27  }
.LBB2_148:
0x3b2: {  	v27 =	vxor.u32 v13, v22;
	v13 =	vand.u32 $0x7FFFFFFF, v30;
	v22 =	vand.u32 $0x7FFFFFFF, v29;
	(xrf0) =	vadd.scan.msk.s32 $0xffff, v31  }
0x3b3: {  	v28 =	vxor.u32 v14, v28;
	v31 =	vadd.s32 v1, v12;
	v33 =	vadd.s32 v1, v18  }
0x3b4: {  	vm0 =	vmmov vm3;
	s28 =	sadd.s32 $0x40, s28;
	v29 =	vxor.u32 v15, v13;
	v13 =	vimm.s32 $0x0  }
0x3b5: {  	[tilespmem:v21+s15+$0x0] =	vst.idx.msk vm10, v19;
	v19 =	vadd.s32 v1, v20;
	v30 =	vxor.u32 v16, v22;
	s1 =	sadd.s32 $0x30, s28;
	v13 =	vsel vm0, $0xFFFFFFFF, v13;
	v12, _, _ =	vpop (xrf0)  }
0x3b6: {  	vm0 =	vmmov vm4;
	v35 =	vor.u32 s1, v4;
	[tilespmem:$0x1FFB0] =	vst v13;
	v13 =	vimm.s32 $0x0;
	v14, _, _ =	vpop (xrf0)  }
0x3b7: {  	v13 =	vsel vm0, $0xFFFFFFFF, v13;
	v12 =	vadd.s32 v12, v11;
	vm0 =	vlt.s32 v35, v8;
	v15, _, _ =	vpop (xrf0)  }
0x3b8: {  	v16 =	vadd.s32 $0xFFFFFFFF, v12;
	v14 =	vadd.s32 v14, v25;
	v15 =	vadd.s32 v15, v24;
	v18, _, _ =	vpop (xrf0)  }
0x3b9: {  	s25 =	sadd.s32 $0x40, s25;
	vm3 =	vlt.s32 v16, $0x3F;
	v20 =	vadd.s32 $0xFFFFFFFF, v15;
	v18 =	vadd.s32 v18, v23  }
0x3ba: {  	s31 =	sadd.s32 $0x20, s28;
	[tilespmem:$0x1FFA0] =	vst v13;
	v13 =	vld [tilespmem:s25+$0xFFFFFFE0];
	v23 =	vnsel vm3, $0x3F, v16;
	vm3 =	vlt.s32 v20, $0x3F;
	v18 =	vadd.s32 $0xFFFFFFFF, v18  }
0x3bb: {  	s26 =	sadd.s32 $0x40, s26;
	v25 =	vor.u32 s31, v4;
	v15 =	vld [tilespmem:s25+$0x0];
	v34 =	vnsel vm3, $0x3F, v20;
	vm3 =	vlt.s32 v18, $0x3F  }
0x3bc: {  	vm7 =	vlt.s32 v25, v8;
	v25 =	vimm.s32 $0x0;
	v21 =	vnsel vm3, $0x3F, v18;
	v18 =	vld [tilespmem:s26+$0x0]  }
0x3bd: {  	v32 =	vadd.s32 v1, v17;
	v12 =	vld [tilespmem:s26+$0xFFFFFFE0];
	v17 =	vadd.s32 $0xFFFFFFFF, v14;
	v25 =	vsel vm0, $0xFFFFFFFF, v25  }
0x3be: {  	vm4 =	vlt.s32 v17, $0x3F;
	[tilespmem:$0x1FFC0] =	vst v25;
	v25 =	vld [tilespmem:$0x1FFA0]  }
0x3bf: {  	s0 =	sadd.s32 $0x10, s28;
	v14 =	vld [tilespmem:s25+$0xFFFFFFF0];
	v24 =	vnsel vm4, $0x3F, v17;
	v20 =	vor.u32 s28, v4  }
0x3c0: {  	v17 =	vld [tilespmem:s26+$0xFFFFFFF0];
	vm6 =	vlt.s32 v20, v8;
	v20 =	vor.u32 s0, v4;
	vm8 =	vgt.s32 v13, v9  }
0x3c1: {  	vm12 =	veq.s32 v13, v9;
	vm1 =	veq.s32 v15, v9;
	vm0 =	vle.s32 v18, v10  }
0x3c2: {  	vm13 =	vle.s32 v12, v10;
	vm10 =	vgt.s32 v15, v9;
	vm0 =	vmand vm1, vm0  }
0x3c3: {  	vm12 =	vmand vm12, vm13;
	vm0 =	vmor vm10, vm0;
	vm10 =	vnez.u8 v25;
	v25 =	vld [tilespmem:$0x1FFB0]  }
0x3c4: {  	v16 =	vld [tilespmem:s25+$0x10];
	vm4 =	vlt.s32 v20, v8;
	[tilespmem:v23+s14+$0x0] =	vst.idx.msk vm15, v27;
	vm8 =	vmor vm8, vm12  }
0x3c5: {  	v20 =	vld [tilespmem:s26+$0x10];
	vm14 =	veq.s32 v14, v9;
	vm3 =	vle.s32 v17, v10;
	[tilespmem:v23+s15+$0x0] =	vst.idx.msk vm15, v31;
	vm15 =	vmand vm6, vm8  }
0x3c6: {  	vm9 =	vgt.s32 v14, v9;
	vm12 =	vmand vm14, vm3;
	v23 =	vmpcnt.ones.xlane vm15  }
0x3c7: {  	v22 =	vshra.s32 v13, $0x1F;
	[tilespmem:v24+s14+$0x0] =	vst.idx.msk vm5, v28;
	vm1 =	vmor vm9, vm12  }
0x3c8: {  	v11 =	vmovc v26;
	[tilespmem:v24+s15+$0x0] =	vst.idx.msk vm5, v32;
	vm5 =	vmand vm4, vm1;
	vm1 =	vnez.u8 v25;
	v25 =	vadd.s32 v26, v23;
	v26 =	vld [tilespmem:$0x1FFC0]  }
0x3c9: {  	v22 =	vand.u32 $0x7FFFFFFF, v22  }
0x3ca: {  	vm11 =	vgt.s32 v16, v9;
	vm13 =	veq.s32 v16, v9;
	vm2 =	vle.s32 v20, v10  }
0x3cb: {  	s29 =	sadd.s32 $0x4, s29;
	vm2 =	vmand vm13, vm2;
	v24 =	vmpcnt.ones.xlane vm5;
	vm3 =	vmand vm7, vm0  }
0x3cc: {  	p2 =	slt.s32 s29, s21;
	vm0 =	vmor vm11, vm2;
	v28 =	vsel vm5, $0x1, v5;
	v63 =	vsel vm3, $0x1, v5  }
.Ltmp64:
0x3cd: {  	v23 =	vmpcnt.ones.xlane vm3;
	v24 =	vadd.s32 v25, v24;
	vm2 =	vnez.u8 v26;
	(pc) =	sbr.rel @p2 .LBB2_148-.Ltmp64, $4  }
0x3ce: {  	[tilespmem:v21+s14+$0x0] =	vst.idx.msk vm10, v30;
	v30 =	vshra.s32 v15, $0x1F;
	v26 =	vsel vm15, $0x1, v5;
	vm4 =	vmand vm2, vm0  }
0x3cf: {  	v23 =	vadd.s32 v24, v23;
	[tilespmem:v34+s14+$0x0] =	vst.idx.msk vm1, v29;
	(xrf0) =	vadd.scan.msk.s32 $0xffff, v26;
	v27 =	vmpcnt.ones.xlane vm4  }
0x3d0: {  	v29 =	vshra.s32 v14, $0x1F;
	[tilespmem:v34+s15+$0x0] =	vst.idx.msk vm1, v33;
	v31 =	vsel vm4, $0x1, v5;
	(xrf0) =	vadd.scan.msk.s32 $0xffff, v28  }
0x3d1: {  	v28 =	vand.u32 $0x7FFFFFFF, v29;
	v29 =	vshra.s32 v16, $0x1F;
	(xrf0) =	vadd.scan.msk.s32 $0xffff, v63;
	v26 =	vadd.s32 v23, v27  }
0x3d2: {  	v27 =	vmov v11;
	v11 =	vmov v26;
	vm11 =	vmmov vm5  }
.LBB2_150:
0x3d3: {  	_ =	sdelay $0x1  }
0x3d4: {  	(xrf0) =	vadd.scan.msk.s32 $0xffff, v31;
	v26, _, _ =	vpop (xrf0)  }
0x3d5: {  	v26 =	vadd.s32 v26, v27  }
0x3d6: {  	v52, _, _ =	vpop (xrf0);
	v26 =	vadd.s32 $0xFFFFFFFF, v26  }
0x3d7: {  	v25 =	vadd.s32 v52, v25;
	vm0 =	vlt.s32 v26, $0x3F  }
0x3d8: {  	v53, _, _ =	vpop (xrf0);
	v25 =	vadd.s32 $0xFFFFFFFF, v25;
	v26 =	vnsel vm0, $0x3F, v26  }
0x3d9: {  	v24 =	vadd.s32 v53, v24;
	vm12 =	vlt.s32 v25, $0x3F  }
0x3da: {  	v54, _, _ =	vpop (xrf0);
	v24 =	vadd.s32 $0xFFFFFFFF, v24;
	v25 =	vnsel vm12, $0x3F, v25  }
0x3db: {  	v23 =	vadd.s32 v54, v23;
	vm1 =	vlt.s32 v24, $0x3F  }
0x3dc: {  	v13 =	vxor.u32 v13, v22;
	[tilespmem:v21+s15+$0x0] =	vst.idx.msk @p1 vm10, v19;
	v55 =	vadd.s32 $0xFFFFFFFF, v23;
	v56 =	vnsel vm1, $0x3F, v24  }
0x3dd: {  	v12 =	vadd.s32 v1, v12;
	vm2 =	vlt.s32 v55, $0x3F;
	[tilespmem:v26+s14+$0x0] =	vst.idx.msk vm15, v13  }
0x3de: {  	v57 =	vxor.u32 v14, v28;
	v58 =	vnsel vm2, $0x3F, v55;
	[tilespmem:v26+s15+$0x0] =	vst.idx.msk vm15, v12  }
0x3df: {  	v59 =	vand.u32 $0x7FFFFFFF, v30;
	v17 =	vadd.s32 v1, v17;
	[tilespmem:v25+s14+$0x0] =	vst.idx.msk vm11, v57  }
.Ltmp65:
0x3e0: {  	v12 =	vxor.u32 v15, v59;
	[tilespmem:v25+s15+$0x0] =	vst.idx.msk vm11, v17;
	(pc) =	sbr.rel .LBB2_57-.Ltmp65, $4  }
0x3e1: {  	v60 =	vand.u32 $0x7FFFFFFF, v29;
	v61 =	vadd.s32 v1, v18;
	[tilespmem:v56+s14+$0x0] =	vst.idx.msk vm3, v12  }
0x3e2: {  	v62 =	vxor.u32 v16, v60;
	[tilespmem:v56+s15+$0x0] =	vst.idx.msk vm3, v61  }
0x3e3: {  	v63 =	vadd.s32 v1, v20;
	[tilespmem:v58+s14+$0x0] =	vst.idx.msk vm4, v62  }
0x3e4: {  	vm13 =	vmmov vm3;
	vm14 =	vmmov vm4;
	[tilespmem:v58+s15+$0x0] =	vst.idx.msk vm4, v63  }
.LBB2_56:
0x3e5: {  	v11 =	vimm.s32 $0x0  }
.LBB2_57:
.Ltmp66:
0x3e6: {  	(pc) =	sbr.rel @p0 .LBB2_59-.Ltmp66, $1  }
0x3e7: {  	_ =	sdelay $0x3  }
.LBB2_58:
0x3e8: {  	v12 =	vld [tilespmem:s22+$0x0]  }
0x3e9: {  	v13 =	vld [tilespmem:s23+$0x0];
	_ =	sdelay $0x4  }
0x3ea: {  	vm0 =	veq.s32 v12, v9;
	vm1 =	vle.s32 v13, v10  }
0x3eb: {  	v14 =	vor.u32 s24, v4;
	vm2 =	vgt.s32 v12, v9;
	vm0 =	vmand vm0, vm1  }
0x3ec: {  	vm14 =	vlt.s32 v14, v8;
	vm0 =	vmor vm2, vm0  }
0x3ed: {  	vm0 =	vmand vm14, vm0  }
0x3ee: {  	v61 =	vsel vm0, $0x1, v5  }
0x3ef: {  	(xrf0) =	vadd.scan.msk.s32 $0xffff, v61;
	_ =	sdelay $0x5  }
0x3f0: {  	v14, _, _ =	vpop (xrf0)  }
0x3f1: {  	v14 =	vadd.s32 v14, v11  }
0x3f2: {  	v14 =	vadd.s32 $0xFFFFFFFF, v14  }
0x3f3: {  	vm15 =	vlt.s32 v14, $0x3F  }
0x3f4: {  	s21 =	sadd.s32 $0x1, s21;
	v14 =	vnsel vm15, $0x3F, v14  }
0x3f5: {  	p0 =	slt.s32 s21, s20  }
.Ltmp67:
0x3f6: {  	v15 =	vshra.s32 v12, $0x1F;
	(pc) =	sbr.rel @p0 .LBB2_58-.Ltmp67, $4  }
0x3f7: {  	v15 =	vand.u32 $0x7FFFFFFF, v15  }
0x3f8: {  	v12 =	vxor.u32 v12, v15;
	v62 =	vmpcnt.ones.xlane vm0  }
0x3f9: {  	v63 =	vadd.s32 v1, v13;
	[tilespmem:v14+s14+$0x0] =	vst.idx.msk vm0, v12  }
0x3fa: {  	s22 =	sadd.s32 $0x10, s22;
	s23 =	sadd.s32 $0x10, s23;
	s24 =	sadd.s32 $0x10, s24;
	v11 =	vadd.s32 v11, v62;
	[tilespmem:v14+s15+$0x0] =	vst.idx.msk vm0, v63  }
.LBB2_59:
0x3fb: {  	[hbm4b:s3+s16] =	stream.indirect.scatter [tilespmem:s14], [sflag:$0x1], $0x1, s15, s16, $0xb8;
	[tilespmem:$0x16100] =	vst v63  }
0x3fc: {  	_ =	swait.ge [sflag:s17], $0x40  }
0x3fd: {  	[sflag:s17] =	ssyncset.done $0x0  }
0x3fe: {  	[sflag:s17] =	ssyncadd.s32 $0xFFFFFFC0  }
0x3ff: {  	_ =	swait.ge [sflag:s9], $0x8000  }
0x400: {  	[sflag:s9] =	ssyncset.done $0x0  }
0x401: {  	s0 =	simm.s32 $0x8000;
	[sflag:s9] =	ssyncadd.s32 $0xFFFF8000  }
0x402: {  	[tilespmem:s0], [sflag:$0x3] =	stream.linear.gather [hbm4b:s7+s2], $0x8000, $0x38;
	[tilespmem:$0x16100] =	vst v63  }
0x403: {  	s0 =	simm.s32 $0x12040  }
0x404: {  	[tilespmem:s0+$0xFFFFFFC0] =	vst v5  }
0x405: {  	[tilespmem:s0+$0x30] =	vst v5  }
0x406: {  	[tilespmem:s0+$0x20] =	vst v5  }
0x407: {  	[tilespmem:s0+$0x10] =	vst v5  }
0x408: {  	[tilespmem:s0+$0x0] =	vst v5  }
0x409: {  	[tilespmem:s0+$0xFFFFFFF0] =	vst v5  }
0x40a: {  	s1 =	simm.s32 $0x0;
	[tilespmem:s0+$0xFFFFFFE0] =	vst v5  }
.LBB2_60:
0x40b: {  	s1 =	sadd.s32 $0x8, s1;
	[tilespmem:s0+$0xFFFFFFD0] =	vst v5;
	s0 =	sadd.s32 $0x80, s0  }
0x40c: {  	[tilespmem:s0+$0xFFFFFFC0] =	vst v5;
	p0 =	slt.u32 s1, $0x3F8  }
0x40d: {  	[tilespmem:s0+$0x30] =	vst v5  }
.Ltmp68:
0x40e: {  	[tilespmem:s0+$0x20] =	vst v5;
	(pc) =	sbr.rel @p0 .LBB2_60-.Ltmp68, $4  }
0x40f: {  	[tilespmem:s0+$0x10] =	vst v5  }
0x410: {  	[tilespmem:s0+$0x0] =	vst v5  }
0x411: {  	[tilespmem:s0+$0xFFFFFFF0] =	vst v5  }
0x412: {  	s20 =	simm.s32 $0x100;
	[tilespmem:s0+$0xFFFFFFE0] =	vst v5  }
0x413: {  	[tilespmem:s0+$0xFFFFFFD0] =	vst v5  }
0x414: {  	v8 =	vld [tilespmem:s20+$0x40]  }
0x415: {  	v18 =	vld [tilespmem:s20+$0xFFFFFF20]  }
0x416: {  	v19 =	vld [tilespmem:s20+$0xFFFFFF30]  }
0x417: {  	v20 =	vld [tilespmem:s20+$0xFFFFFF40]  }
0x418: {  	v21 =	vld [tilespmem:s20+$0xFFFFFF50]  }
0x419: {  	v22 =	vld [tilespmem:s20+$0xFFFFFF60]  }
0x41a: {  	v23 =	vld [tilespmem:s20+$0xFFFFFF70]  }
0x41b: {  	v24 =	vld [tilespmem:s20+$0xFFFFFF80]  }
0x41c: {  	s23 =	simm.s32 $0x140;
	v25 =	vld [tilespmem:s20+$0xFFFFFFB0]  }
0x41d: {  	s1 =	sor.u32 $0x50, s23;
	v26 =	vld [tilespmem:s20+$0xFFFFFFC0]  }
0x41e: {  	s24 =	sor.u32 $0x60, s23;
	v9 =	vld [tilespmem:s1+$0x0]  }
0x41f: {  	s4 =	simm.s32 $0xC0;
	s0 =	sor.u32 $0x70, s23;
	v10 =	vld [tilespmem:s24+$0x0]  }
0x420: {  	s26 =	sor.u32 $0x60, s4;
	v11 =	vld [tilespmem:s0+$0x0]  }
0x421: {  	s28 =	simm.s32 $0x1C0;
	s25 =	sor.u32 $0x50, s4;
	s4 =	sor.u32 $0x70, s4;
	v13 =	vld [tilespmem:s26+$0x0]  }
0x422: {  	s30 =	sor.u32 $0x60, s28;
	v14 =	vld [tilespmem:s4+$0x0]  }
0x423: {  	s31 =	sor.u32 $0x70, s28;
	v16 =	vld [tilespmem:s30+$0x0]  }
0x424: {  	v17 =	vld [tilespmem:s31+$0x0]  }
0x425: {  	v12 =	vld [tilespmem:s25+$0x0]  }
0x426: {  	v8 =	vmax.f32 v8, v9;
	v9 =	vmax.f32 v10, v11;
	v10 =	vld [tilespmem:s20+$0xFFFFFF90]  }
0x427: {  	v8 =	vmax.f32 v8, v9;
	v9 =	vld [tilespmem:s20+$0xFFFFFFA0]  }
0x428: {  	v53 =	vld [tilespmem:s20+$0x10];
	v18 =	vmax.f32 v18, v19;
	v13 =	vmax.f32 v13, v14  }
0x429: {  	v55 =	vld [tilespmem:s20+$0x20];
	v14 =	vmax.f32 v16, v17;
	v16 =	vmax.f32 v20, v21;
	v17 =	vmax.f32 v22, v23  }
0x42a: {  	v56 =	vld [tilespmem:s20+$0x80];
	v12 =	vmax.f32 v26, v12;
	v16 =	vmax.f32 v16, v17;
	v11 =	vshra.s32 v8, $0x1F  }
0x42b: {  	v59 =	vld [tilespmem:s20+$0xA0];
	v12 =	vmax.f32 v12, v13;
	v54 =	vshra.s32 v16, $0x1F;
	v11 =	vand.u32 $0x7FC00000, v11  }
0x42c: {  	v8 =	vxor.u32 v8, v11;
	v11 =	vld [tilespmem:s20+$0x0];
	v10 =	vmax.f32 v24, v10;
	v9 =	vmax.f32 v9, v25  }
0x42d: {  	v58 =	vshra.s32 v12, $0x1F;
	v19 =	vand.u32 $0x7FC00000, v54;
	v9 =	vmax.f32 v10, v9;
	v10 =	vld [tilespmem:s20+$0x30]  }
0x42e: {  	v61 =	vld [tilespmem:s20+$0xC0];
	v20 =	vand.u32 $0x7FC00000, v58;
	v16 =	vxor.u32 v16, v19;
	v8 =	vshra.s32 v8, $0x12  }
0x42f: {  	v63 =	vld [tilespmem:s20+$0xFFFFFF00];
	v12 =	vxor.u32 v12, v20;
	v8 =	vand.u32 $0xFFFFFFF0, v8;
	v57 =	vshra.s32 v9, $0x1F  }
0x430: {  	v13 =	vld [tilespmem:s20+$0x90];
	v60 =	vadd.s32 v6, v8;
	v8 =	vshra.s32 v16, $0x12;
	v22 =	vand.u32 $0x7FC00000, v57  }
0x431: {  	s29 =	sor.u32 $0x50, s28;
	v16 =	vld [tilespmem:s20+$0xB0];
	v8 =	vand.u32 $0xFFFFFFF0, v8;
	v11 =	vmax.f32 v11, v53;
	v9 =	vxor.u32 v9, v22  }
0x432: {  	v15 =	vld [tilespmem:s29+$0x0];
	v62 =	vadd.s32 v6, v8;
	v9 =	vshra.s32 v9, $0x12;
	v10 =	vmax.f32 v55, v10  }
0x433: {  	v17 =	vld [tilespmem:s20+$0xFFFFFF10];
	v8 =	vand.u32 $0xFFFFFFF0, v9;
	v9 =	vshra.s32 v12, $0x12;
	v11 =	vmax.f32 v11, v10  }
0x434: {  	v9 =	vand.u32 $0xFFFFFFF0, v9;
	v10 =	vshra.s32 v11, $0x1F  }
0x435: {  	v12 =	vmax.f32 v56, v13;
	v13 =	vand.u32 $0x7FC00000, v10;
	v10 =	vadd.s32 v6, v9  }
0x436: {  	v8 =	vadd.s32 v6, v8;
	v9 =	vxor.u32 v11, v13;
	v11 =	vmax.f32 v59, v16  }
0x437: {  	v9 =	vshra.s32 v9, $0x12;
	v11 =	vmax.f32 v12, v11;
	v12 =	vmax.f32 v61, v15  }
0x438: {  	[tilespmem:v60+s11+$0x0] =	vst.idx.add.s32.msk $0xffff, v7;
	v15 =	vmax.f32 v63, v17;
	v16 =	vshra.s32 v11, $0x1F;
	v13 =	vmax.f32 v12, v14  }
0x439: {  	s21 =	simm.s32 $0x0;
	s23 =	simm.s32 $0x3C0;
	[tilespmem:v62+s11+$0x0] =	vst.idx.add.s32.msk $0xffff, v7;
	v12 =	vmax.f32 v15, v18;
	v14 =	vand.u32 $0x7FC00000, v16;
	v15 =	vshra.s32 v13, $0x1F  }
.LBB2_62:
0x43a: {  	s0 =	sadd.s32 $0xFFFFFF00, s23;
	s1 =	sadd.s32 $0xFFFFFF80, s23;
	v16 =	vshra.s32 v12, $0x1F;
	[tilespmem:v10+s11+$0x0] =	vst.idx.add.s32.msk $0xffff, v7;
	v10 =	vxor.u32 v11, v14;
	v11 =	vand.u32 $0x7FC00000, v15;
	s20 =	sadd.s32 $0x200, s20  }
0x43b: {  	s4 =	sor.u32 $0x50, s0;
	s5 =	sor.u32 $0x60, s0;
	v14 =	vld [tilespmem:s20+$0x40];
	s10 =	sor.u32 $0x50, s1;
	v15 =	vand.u32 $0x7FC00000, v16;
	v10 =	vshra.s32 v10, $0x12;
	v11 =	vxor.u32 v13, v11  }
0x43c: {  	s21 =	sadd.s32 $0x8, s21;
	v9 =	vand.u32 $0xFFFFFFF0, v9;
	s0 =	sor.u32 $0x70, s0;
	v13 =	vld [tilespmem:s10+$0x0];
	s10 =	sor.u32 $0x60, s1;
	v12 =	vxor.u32 v12, v15;
	v11 =	vshra.s32 v11, $0x12  }
0x43d: {  	p0 =	slt.u32 s21, $0x1F8;
	s1 =	sor.u32 $0x70, s1;
	v10 =	vand.u32 $0xFFFFFFF0, v10;
	v15 =	vld [tilespmem:s10+$0x0];
	s10 =	sor.u32 $0x50, s23;
	v12 =	vshra.s32 v12, $0x12;
	v11 =	vand.u32 $0xFFFFFFF0, v11  }
0x43e: {  	s22 =	sor.u32 $0x70, s23;
	v17 =	vadd.s32 v6, v9;
	v16 =	vld [tilespmem:s1+$0x0];
	s1 =	sor.u32 $0x60, s23;
	v12 =	vand.u32 $0xFFFFFFF0, v12;
	v9 =	vadd.s32 v6, v11  }
0x43f: {  	v18 =	vadd.s32 v6, v10;
	v11 =	vld [tilespmem:s4+$0x0];
	v12 =	vadd.s32 v6, v12  }
0x440: {  	v10 =	vld [tilespmem:s5+$0x0]  }
0x441: {  	v19 =	vld [tilespmem:s0+$0x0]  }
0x442: {  	v20 =	vld [tilespmem:s10+$0x0]  }
0x443: {  	v13 =	vmax.f32 v14, v13;
	v14 =	vmax.f32 v15, v16;
	v15 =	vld [tilespmem:s1+$0x0]  }
0x444: {  	v13 =	vmax.f32 v13, v14;
	v14 =	vld [tilespmem:s22+$0x0]  }
0x445: {  	v16 =	vld [tilespmem:s20+$0xFFFFFF10];
	v21 =	vshra.s32 v13, $0x1F  }
0x446: {  	v22 =	vld [tilespmem:s20+$0xFFFFFF20];
	v10 =	vmax.f32 v10, v19;
	v19 =	vand.u32 $0x7FC00000, v21  }
0x447: {  	v21 =	vld [tilespmem:s20+$0xFFFFFF30];
	v13 =	vxor.u32 v13, v19  }
0x448: {  	v19 =	vld [tilespmem:s20+$0xFFFFFF40];
	v13 =	vshra.s32 v13, $0x12  }
0x449: {  	v23 =	vld [tilespmem:s20+$0xFFFFFF50];
	v13 =	vand.u32 $0xFFFFFFF0, v13;
	v14 =	vmax.f32 v15, v14  }
0x44a: {  	v15 =	vld [tilespmem:s20+$0xFFFFFF60];
	v13 =	vadd.s32 v6, v13  }
0x44b: {  	v24 =	vld [tilespmem:s20+$0xFFFFFF70]  }
0x44c: {  	v21 =	vmax.f32 v22, v21;
	v22 =	vld [tilespmem:s20+$0xFFFFFF80]  }
0x44d: {  	v25 =	vld [tilespmem:s20+$0xFFFFFF90]  }
0x44e: {  	v19 =	vmax.f32 v19, v23;
	v23 =	vld [tilespmem:s20+$0xFFFFFFA0]  }
0x44f: {  	s24 =	simm.s32 $0x0;
	s25 =	simm.s32 $0x15FF0;
	s22 =	simm.s32 $0x80000000;
	[tilespmem:v13+s11+$0x0] =	vst.idx.add.s32.msk $0xffff, v7  }
0x450: {  	v13 =	vmax.f32 v15, v24;
	v15 =	vld [tilespmem:s20+$0xFFFFFFB0]  }
0x451: {  	v13 =	vmax.f32 v19, v13;
	v19 =	vld [tilespmem:s20+$0xFFFFFFC0]  }
0x452: {  	v24 =	vshra.s32 v13, $0x1F;
	v22 =	vmax.f32 v22, v25;
	v25 =	vld [tilespmem:s20+$0x0]  }
0x453: {  	v24 =	vand.u32 $0x7FC00000, v24;
	v26 =	vld [tilespmem:s20+$0x10]  }
0x454: {  	v13 =	vxor.u32 v13, v24;
	v24 =	vld [tilespmem:s20+$0x20]  }
0x455: {  	v13 =	vshra.s32 v13, $0x12;
	v15 =	vmax.f32 v23, v15;
	v23 =	vld [tilespmem:s20+$0x30]  }
0x456: {  	v13 =	vand.u32 $0xFFFFFFF0, v13;
	v15 =	vmax.f32 v22, v15;
	v11 =	vmax.f32 v19, v11;
	v19 =	vld [tilespmem:s20+$0x80]  }
0x457: {  	v13 =	vadd.s32 v6, v13;
	v22 =	vshra.s32 v15, $0x1F;
	v10 =	vmax.f32 v11, v10;
	v11 =	vld [tilespmem:s20+$0x90]  }
0x458: {  	v22 =	vand.u32 $0x7FC00000, v22;
	v27 =	vshra.s32 v10, $0x1F;
	v25 =	vmax.f32 v25, v26;
	v26 =	vld [tilespmem:s20+$0xA0]  }
0x459: {  	v15 =	vxor.u32 v15, v22;
	v22 =	vand.u32 $0x7FC00000, v27;
	v27 =	vld [tilespmem:s20+$0xB0]  }
0x45a: {  	v15 =	vshra.s32 v15, $0x12;
	v10 =	vxor.u32 v10, v22;
	v22 =	vmax.f32 v24, v23;
	v23 =	vld [tilespmem:s20+$0xC0]  }
0x45b: {  	v24 =	vld [tilespmem:s20+$0xFFFFFF00];
	v15 =	vand.u32 $0xFFFFFFF0, v15;
	v10 =	vshra.s32 v10, $0x12;
	v22 =	vmax.f32 v25, v22  }
0x45c: {  	v10 =	vand.u32 $0xFFFFFFF0, v10;
	v25 =	vshra.s32 v22, $0x1F;
	v11 =	vmax.f32 v19, v11;
	[tilespmem:v9+s11+$0x0] =	vst.idx.add.s32.msk $0xffff, v7  }
.Ltmp69:
0x45d: {  	v19 =	vadd.s32 v6, v15;
	v10 =	vadd.s32 v6, v10;
	v9 =	vand.u32 $0x7FC00000, v25;
	[tilespmem:v12+s11+$0x0] =	vst.idx.add.s32.msk $0xffff, v7;
	(pc) =	sbr.rel @p0 .LBB2_62-.Ltmp69, $4  }
0x45e: {  	[tilespmem:v13+s11+$0x0] =	vst.idx.add.s32.msk $0xffff, v7;
	v9 =	vxor.u32 v22, v9;
	v12 =	vmax.f32 v26, v27  }
0x45f: {  	v9 =	vshra.s32 v9, $0x12;
	v11 =	vmax.f32 v11, v12;
	v12 =	vmax.f32 v23, v20;
	[tilespmem:v8+s11+$0x0] =	vst.idx.add.s32.msk $0xffff, v7  }
0x460: {  	v16 =	vmax.f32 v24, v16;
	v15 =	vshra.s32 v11, $0x1F;
	v13 =	vmax.f32 v12, v14;
	[tilespmem:v17+s11+$0x0] =	vst.idx.add.s32.msk $0xffff, v7  }
0x461: {  	s23 =	sadd.s32 $0x200, s23;
	v8 =	vmovc v19;
	v12 =	vmax.f32 v16, v21;
	v14 =	vand.u32 $0x7FC00000, v15;
	v15 =	vshra.s32 v13, $0x1F;
	[tilespmem:v18+s11+$0x0] =	vst.idx.add.s32.msk $0xffff, v7  }
0x462: {  	v16 =	vshra.s32 v12, $0x1F;
	v15 =	vand.u32 $0x7FC00000, v15  }
0x463: {  	v11 =	vxor.u32 v11, v14;
	v9 =	vand.u32 $0xFFFFFFF0, v9;
	v16 =	vand.u32 $0x7FC00000, v16  }
0x464: {  	v13 =	vxor.u32 v13, v15;
	v11 =	vshra.s32 v11, $0x12;
	v9 =	vadd.s32 v6, v9  }
0x465: {  	v62 =	vxor.u32 v12, v16;
	v13 =	vshra.s32 v13, $0x12;
	v11 =	vand.u32 $0xFFFFFFF0, v11  }
0x466: {  	v12 =	vshra.s32 v62, $0x12;
	v13 =	vand.u32 $0xFFFFFFF0, v13;
	v63 =	vadd.s32 v6, v11  }
0x467: {  	v12 =	vand.u32 $0xFFFFFFF0, v12;
	v13 =	vadd.s32 v6, v13  }
0x468: {  	[tilespmem:v10+s11+$0x0] =	vst.idx.add.s32.msk $0xffff, v7;
	v12 =	vadd.s32 v6, v12  }
0x469: {  	[tilespmem:v8+s11+$0x0] =	vst.idx.add.s32.msk $0xffff, v7  }
0x46a: {  	[tilespmem:v9+s11+$0x0] =	vst.idx.add.s32.msk $0xffff, v7  }
0x46b: {  	[tilespmem:v63+s11+$0x0] =	vst.idx.add.s32.msk $0xffff, v7  }
0x46c: {  	[tilespmem:v13+s11+$0x0] =	vst.idx.add.s32.msk $0xffff, v7  }
0x46d: {  	[tilespmem:v12+s11+$0x0] =	vst.idx.add.s32.msk $0xffff, v7  }
.LBB2_64:
0x46e: {  	v8 =	vld [tilespmem:s25+$0x0];
	_ =	sdelay $0x4  }
0x46f: {  	(xrf0) =	vadd.scan.msk.s32 $0xffff, v8;
	_ =	sdelay $0x5  }
0x470: {  	v8, _, _ =	vpop (xrf0)  }
0x471: {  	(v2sf) =	vpush v8, $0xF;
	_ =	sdelay $0xe  }
0x472: {  	s0 =	spop (v2sf)  }
0x473: {  	s24 =	sadd.s32 s24, s0  }
0x474: {  	p0 =	slt.s32 s24, $0x40  }
.Ltmp70:
0x475: {  	_ = 	snop;
	(pc) =	sbr.rel @p0 .LBB2_64-.Ltmp70, $2  }
0x476: {  	_ =	sdelay $0x2  }
0x477: {  	s25 =	sadd.s32 $0xFFFFFFF0, s25;
	s22 =	sadd.s32 $0xFFC00000, s22  }
0x478: {  	s0 =	simm.s32 $0x40  }
0x479: {  	v8 =	vld [tilespmem:s0+$0xFFFFFFC0]  }
0x47a: {  	v11 =	vld [tilespmem:s0+$0x30]  }
0x47b: {  	v12 =	vld [tilespmem:s0+$0x20]  }
0x47c: {  	v9 =	vld [tilespmem:s0+$0x0]  }
0x47d: {  	v14 =	vld [tilespmem:s0+$0xFFFFFFE0]  }
0x47e: {  	v13 =	vld [tilespmem:s0+$0xFFFFFFD0];
	v10 =	vshra.s32 v8, $0x1F  }
0x47f: {  	v15 =	vand.u32 $0x7FFFFFFF, v10  }
0x480: {  	v16 =	vimm.s32 $0x0;
	v10 =	vmov s22;
	v15 =	vxor.u32 v8, v15  }
0x481: {  	v17 =	vld [tilespmem:s0+$0xFFFFFFF0];
	v18 =	vshra.s32 v11, $0x1F;
	v19 =	vshra.s32 v9, $0x1F;
	vm7 =	vge.s32 v15, v10  }
0x482: {  	v21 =	vshra.s32 v14, $0x1F;
	v19 =	vand.u32 $0x7FFFFFFF, v19;
	v20 =	vmpcnt.ones.xlane vm7  }
0x483: {  	v22 =	vld [tilespmem:s0+$0x10];
	v23 =	vshra.s32 v13, $0x1F;
	v8 =	vshra.s32 v12, $0x1F;
	v9 =	vxor.u32 v9, v19  }
0x484: {  	v8 =	vand.u32 $0x7FFFFFFF, v8;
	v19 =	vadd.s32 v16, v20;
	v20 =	vand.u32 $0x7FFFFFFF, v23  }
0x485: {  	vm0 =	vge.s32 v9, v10;
	v8 =	vxor.u32 v12, v8;
	v20 =	vxor.u32 v13, v20  }
0x486: {  	v12 =	vshra.s32 v17, $0x1F;
	v13 =	vsel vm0, $0x1, v5;
	vm5 =	vge.s32 v20, v10  }
0x487: {  	v18 =	vand.u32 $0x7FFFFFFF, v18;
	v12 =	vand.u32 $0x7FFFFFFF, v12;
	(xrf0) =	vadd.scan.msk.s32 $0xffff, v13;
	v23 =	vsel vm5, $0x1, v5  }
0x488: {  	v21 =	vand.u32 $0x7FFFFFFF, v21;
	v12 =	vxor.u32 v17, v12;
	v17 =	vshra.s32 v22, $0x1F;
	(xrf0) =	vadd.scan.msk.s32 $0xffff, v23  }
0x489: {  	v14 =	vxor.u32 v14, v21;
	v13 =	vand.u32 $0x7FFFFFFF, v17;
	v17 =	vsel vm7, $0x1, v5  }
0x48a: {  	v11 =	vxor.u32 v11, v18;
	vm6 =	vge.s32 v14, v10;
	vm2 =	vge.s32 v12, v10;
	(xrf0) =	vadd.scan.msk.s32 $0xffff, v17  }
0x48b: {  	vm3 =	vge.s32 v11, v10;
	v13 =	vxor.u32 v22, v13;
	v17 =	vsel vm2, $0x1, v5  }
0x48c: {  	v21 =	vmpcnt.ones.xlane vm6;
	vm4 =	vge.s32 v13, v10;
	(xrf0) =	vadd.scan.msk.s32 $0xffff, v17;
	v17 =	vsel vm6, $0x1, v5  }
0x48d: {  	s31 =	simm.s32 $0x0;
	v61 =	vmpcnt.ones.xlane vm3;
	vm1 =	vge.s32 v8, v10;
	v18 =	vsel vm4, $0x1, v5;
	(xrf0) =	vadd.scan.msk.s32 $0xffff, v17;
	v25, _, _ =	vpop (xrf0)  }
0x48e: {  	v60 =	vor.u32 s31, v4;
	v59 =	vmpcnt.ones.xlane vm1;
	v24 =	vmpcnt.ones.xlane vm5;
	(xrf0) =	vadd.scan.msk.s32 $0xffff, v18;
	v27, _, _ =	vpop (xrf0)  }
0x48f: {  	v58 =	vmpcnt.ones.xlane vm2;
	v23 =	vmpcnt.ones.xlane vm0;
	v18 =	vadd.s32 v27, v19  }
0x490: {  	v22 =	vadd.s32 v19, v24;
	v17 =	vsel vm1, $0x1, v5;
	v19, _, _ =	vpop (xrf0);
	v18 =	vadd.s32 $0xFFFFFFFF, v18  }
0x491: {  	v26 =	vmpcnt.ones.xlane vm4;
	(xrf0) =	vadd.scan.msk.s32 $0xffff, v17;
	v16 =	vadd.s32 v19, v16;
	v19 =	vsel vm3, $0x1, v5  }
0x492: {  	v21 =	vadd.s32 v22, v21;
	v29, _, _ =	vpop (xrf0);
	v28 =	vadd.s32 $0xFFFFFFFF, v16;
	vm8 =	vlt.s32 v18, $0xFFF;
	(xrf0) =	vadd.scan.msk.s32 $0xffff, v19  }
0x493: {  	v24 =	vadd.s32 v21, v58;
	vm9 =	vlt.s32 v28, $0xFFF;
	v17 =	vnsel vm8, $0xFFF, v18;
	v18, _, _ =	vpop (xrf0)  }
0x494: {  	s30 =	simm.s32 $0x10;
	v28 =	vnsel vm9, $0xFFF, v28;
	v18 =	vadd.s32 v18, v22;
	v22 =	vadd.s32 v24, v23;
	v23, _, _ =	vpop (xrf0)  }
0x495: {  	v16 =	vor.u32 s30, v4;
	v23 =	vadd.s32 v23, v22;
	v22 =	vadd.s32 v22, v26  }
0x496: {  	v19 =	vadd.s32 v29, v21;
	v21 =	vadd.s32 v25, v24;
	v18 =	vadd.s32 $0xFFFFFFFF, v18  }
0x497: {  	v63, _, _ =	vpop (xrf0);
	vm8 =	vlt.s32 v18, $0xFFF;
	v62 =	vadd.s32 $0xFFFFFFFF, v23;
	v26 =	vadd.s32 v22, v59  }
0x498: {  	[tilespmem:v17+s12+$0x0] =	vst.idx.msk vm5, v20;
	v23 =	vnsel vm8, $0xFFF, v18;
	vm8 =	vlt.s32 v62, $0xFFF;
	v18 =	vadd.s32 v63, v22;
	v22, _, _ =	vpop (xrf0)  }
0x499: {  	s20 =	simm.s32 $0x70;
	[tilespmem:v28+s12+$0x0] =	vst.idx.msk vm7, v15;
	v20 =	vnsel vm8, $0xFFF, v62;
	v18 =	vadd.s32 $0xFFFFFFFF, v18;
	v15 =	vadd.s32 v22, v26  }
0x49a: {  	s21 =	simm.s32 $0x0;
	s24 =	simm.s32 $0xC0;
	s23 =	simm.s32 $0x70;
	[tilespmem:v28+s13+$0x0] =	vst.idx.msk vm7, v60;
	vm7 =	vlt.s32 v18, $0xFFF;
	v22 =	vadd.s32 $0xFFFFFFFF, v15;
	v15 =	vadd.s32 v26, v61  }
.LBB2_66:
0x49b: {  	v24 =	vld [tilespmem:s24+$0xFFFFFFC0];
	s21 =	sadd.s32 $0x8, s21;
	[tilespmem:v17+s13+$0x0] =	vst.idx.msk vm5, v16;
	v16 =	vadd.s32 $0xFFFFFFFF, v19;
	v17 =	vadd.s32 $0xFFFFFFFF, v21;
	s20 =	sadd.s32 $0x80, s20  }
0x49c: {  	s0 =	sadd.s32 $0xFFFFFFB0, s23;
	v19 =	vld [tilespmem:s24+$0x30];
	p0 =	slt.u32 s21, $0x7F8;
	vm5 =	vlt.s32 v16, $0xFFF;
	vm8 =	vlt.s32 v17, $0xFFF  }
0x49d: {  	v21 =	vld [tilespmem:s24+$0x20];
	[tilespmem:v23+s12+$0x0] =	vst.idx.msk vm6, v14;
	v14 =	vor.u32 s0, v4;
	v16 =	vnsel vm5, $0xFFF, v16;
	v17 =	vnsel vm8, $0xFFF, v17;
	s0 =	sadd.s32 $0xFFFFFFF0, s23  }
0x49e: {  	s1 =	sadd.s32 $0xFFFFFFD0, s23;
	s4 =	sadd.s32 $0xFFFFFFE0, s23;
	v25 =	vld [tilespmem:s24+$0x0];
	[tilespmem:v23+s13+$0x0] =	vst.idx.msk vm6, v14;
	v14 =	vor.u32 s0, v4;
	v23 =	vor.u32 s23, v4  }
0x49f: {  	v27 =	vor.u32 s1, v4;
	s0 =	sadd.s32 $0xFFFFFFC0, s23;
	s23 =	smov.u32 s20;
	v26 =	vld [tilespmem:s24+$0xFFFFFFE0];
	[tilespmem:v20+s12+$0x0] =	vst.idx.msk vm4, v13;
	v13 =	vor.u32 s4, v4  }
0x4a0: {  	v30 =	vor.u32 s0, v4;
	v28 =	vshra.s32 v24, $0x1F;
	v29 =	vld [tilespmem:s24+$0xFFFFFFD0];
	[tilespmem:v20+s13+$0x0] =	vst.idx.msk vm4, v13;
	vm4 =	vlt.s32 v22, $0xFFF  }
0x4a1: {  	v18 =	vnsel vm7, $0xFFF, v18;
	v13 =	vand.u32 $0x7FFFFFFF, v28;
	v20 =	vld [tilespmem:s24+$0xFFFFFFF0];
	v22 =	vnsel vm4, $0xFFF, v22  }
0x4a2: {  	v28 =	vshra.s32 v19, $0x1F;
	v24 =	vxor.u32 v24, v13;
	v13 =	vshra.s32 v21, $0x1F;
	[tilespmem:v16+s12+$0x0] =	vst.idx.msk vm2, v12  }
0x4a3: {  	vm7 =	vge.s32 v24, v10;
	v12 =	vshra.s32 v25, $0x1F;
	v13 =	vand.u32 $0x7FFFFFFF, v13;
	[tilespmem:v16+s13+$0x0] =	vst.idx.msk vm2, v30  }
0x4a4: {  	v16 =	vmpcnt.ones.xlane vm7;
	v30 =	vshra.s32 v26, $0x1F;
	v12 =	vand.u32 $0x7FFFFFFF, v12;
	v31 =	vld [tilespmem:s24+$0x10];
	[tilespmem:v17+s12+$0x0] =	vst.idx.msk vm0, v9  }
0x4a5: {  	v32 =	vshra.s32 v29, $0x1F;
	v9 =	vxor.u32 v25, v12;
	v12 =	vxor.u32 v21, v13;
	[tilespmem:v17+s13+$0x0] =	vst.idx.msk vm0, v27  }
0x4a6: {  	v16 =	vadd.s32 v15, v16;
	v13 =	vshra.s32 v20, $0x1F;
	vm0 =	vge.s32 v9, v10;
	[tilespmem:v18+s12+$0x0] =	vst.idx.msk vm1, v8  }
0x4a7: {  	v21 =	vand.u32 $0x7FFFFFFF, v28;
	v17 =	vand.u32 $0x7FFFFFFF, v32;
	v8 =	vmovc v12;
	v13 =	vand.u32 $0x7FFFFFFF, v13;
	[tilespmem:v22+s12+$0x0] =	vst.idx.msk vm3, v11  }
0x4a8: {  	v25 =	vxor.u32 v29, v17;
	v11 =	vsel vm0, $0x1, v5;
	v12 =	vxor.u32 v20, v13;
	[tilespmem:v22+s13+$0x0] =	vst.idx.msk vm3, v23  }
0x4a9: {  	vm5 =	vge.s32 v25, v10;
	vm2 =	vge.s32 v12, v10;
	v13 =	vshra.s32 v31, $0x1F;
	[tilespmem:v18+s13+$0x0] =	vst.idx.msk vm1, v14  }
0x4aa: {  	v14 =	vsel vm5, $0x1, v5;
	v17 =	vmpcnt.ones.xlane vm5;
	v13 =	vand.u32 $0x7FFFFFFF, v13;
	(xrf0) =	vadd.scan.msk.s32 $0xffff, v11  }
0x4ab: {  	v20 =	vand.u32 $0x7FFFFFFF, v30;
	v18 =	vsel vm7, $0x1, v5;
	v13 =	vxor.u32 v31, v13;
	(xrf0) =	vadd.scan.msk.s32 $0xffff, v14  }
0x4ac: {  	v11 =	vxor.u32 v19, v21;
	v22 =	vadd.s32 v16, v17;
	vm4 =	vge.s32 v13, v10;
	(xrf0) =	vadd.scan.msk.s32 $0xffff, v18  }
0x4ad: {  	v14 =	vxor.u32 v26, v20;
	v17 =	vsel vm2, $0x1, v5;
	v18 =	vsel vm4, $0x1, v5  }
0x4ae: {  	vm6 =	vge.s32 v14, v10;
	(xrf0) =	vadd.scan.msk.s32 $0xffff, v17  }
0x4af: {  	v20 =	vmpcnt.ones.xlane vm0;
	v19 =	vmpcnt.ones.xlane vm6;
	v17 =	vsel vm6, $0x1, v5  }
0x4b0: {  	vm1 =	vge.s32 v8, v10;
	v28 =	vmpcnt.ones.xlane vm2;
	vm3 =	vge.s32 v11, v10;
	(xrf0) =	vadd.scan.msk.s32 $0xffff, v17;
	v23, _, _ =	vpop (xrf0)  }
0x4b1: {  	v26 =	vmpcnt.ones.xlane vm4;
	v19 =	vadd.s32 v22, v19;
	v17 =	vsel vm1, $0x1, v5;
	v27, _, _ =	vpop (xrf0);
	(xrf0) =	vadd.scan.msk.s32 $0xffff, v18  }
0x4b2: {  	v18 =	vadd.s32 v19, v28;
	v16 =	vadd.s32 v27, v16;
	v27 =	vmpcnt.ones.xlane vm1;
	v21, _, _ =	vpop (xrf0)  }
0x4b3: {  	s0 =	sadd.s32 $0xFFFFFFA0, s20;
	v28 =	vsel vm3, $0x1, v5;
	v15 =	vadd.s32 v21, v15;
	v21 =	vadd.s32 $0xFFFFFFFF, v16;
	(xrf0) =	vadd.scan.msk.s32 $0xffff, v17  }
0x4b4: {  	v16 =	vor.u32 s0, v4;
	v15 =	vadd.s32 $0xFFFFFFFF, v15;
	vm8 =	vlt.s32 v21, $0xFFF;
	v29, _, _ =	vpop (xrf0);
	(xrf0) =	vadd.scan.msk.s32 $0xffff, v28  }
0x4b5: {  	s0 =	sadd.s32 $0xFFFFFF90, s20;
	vm9 =	vlt.s32 v15, $0xFFF;
	v17 =	vnsel vm8, $0xFFF, v21;
	v19 =	vadd.s32 v29, v19  }
0x4b6: {  	v28 =	vor.u32 s0, v4;
	v21 =	vadd.s32 v23, v18;
	v15 =	vnsel vm9, $0xFFF, v15;
	v23, _, _ =	vpop (xrf0)  }
0x4b7: {  	v18 =	vadd.s32 v18, v20;
	v29 =	vmpcnt.ones.xlane vm3;
	v22 =	vadd.s32 v23, v22;
	v20, _, _ =	vpop (xrf0)  }
.Ltmp71:
0x4b8: {  	v30 =	vadd.s32 $0xFFFFFFFF, v22;
	v20 =	vadd.s32 v20, v18;
	v18 =	vadd.s32 v18, v26;
	(pc) =	sbr.rel @p0 .LBB2_66-.Ltmp71, $4  }
0x4b9: {  	vm8 =	vlt.s32 v30, $0xFFF;
	v20 =	vadd.s32 $0xFFFFFFFF, v20;
	v26 =	vadd.s32 v18, v27;
	v27, _, _ =	vpop (xrf0)  }
0x4ba: {  	[tilespmem:v17+s12+$0x0] =	vst.idx.msk vm5, v25;
	v23 =	vnsel vm8, $0xFFF, v30;
	vm8 =	vlt.s32 v20, $0xFFF;
	v18 =	vadd.s32 v27, v18;
	v22, _, _ =	vpop (xrf0)  }
0x4bb: {  	[tilespmem:v15+s12+$0x0] =	vst.idx.msk vm7, v24;
	v20 =	vnsel vm8, $0xFFF, v20;
	v18 =	vadd.s32 $0xFFFFFFFF, v18;
	v22 =	vadd.s32 v22, v26  }
0x4bc: {  	s24 =	sadd.s32 $0x80, s24;
	[tilespmem:v15+s13+$0x0] =	vst.idx.msk vm7, v28;
	vm7 =	vlt.s32 v18, $0xFFF;
	v22 =	vadd.s32 $0xFFFFFFFF, v22;
	v15 =	vadd.s32 v26, v29  }
0x4bd: {  	v10 =	vxor.u32 $0x80000000, v15  }
0x4be: {  	(xrf0) =	vmax.scan.msk.u32 $0xffff, v10;
	_ =	sdelay $0x5  }
0x4bf: {  	v10, _, _ =	vpop (xrf0)  }
0x4c0: {  	(v2sf) =	vpush v10, $0xF;
	_ =	sdelay $0xa  }
0x4c1: {  	[tilespmem:v17+s13+$0x0] =	vst.idx.msk vm5, v16;
	v58 =	vadd.s32 $0xFFFFFFFF, v21;
	vm15 =	vlt.s32 v22, $0xFFF;
	v61 =	vnsel vm7, $0xFFF, v18  }
0x4c2: {  	s0 =	sadd.s32 $0xFFFFFFB0, s23;
	[tilespmem:v23+s12+$0x0] =	vst.idx.msk vm6, v14;
	vm14 =	vlt.s32 v58, $0xFFF;
	v63 =	vnsel vm15, $0xFFF, v22  }
0x4c3: {  	s25 =	sadd.s32 $0xFFFFFFE0, s23;
	[tilespmem:v20+s12+$0x0] =	vst.idx.msk vm4, v13;
	v59 =	vor.u32 s0, v4;
	v15 =	vnsel vm14, $0xFFF, v58  }
0x4c4: {  	v60 =	vor.u32 s25, v4;
	[tilespmem:v23+s13+$0x0] =	vst.idx.msk vm6, v59;
	v10 =	vadd.s32 $0xFFFFFFFF, v19  }
0x4c5: {  	[tilespmem:v20+s13+$0x0] =	vst.idx.msk vm4, v60;
	vm8 =	vlt.s32 v10, $0xFFF;
	s1 =	spop (v2sf)  }
0x4c6: {  	[tilespmem:v61+s12+$0x0] =	vst.idx.msk vm1, v8;
	v10 =	vnsel vm8, $0xFFF, v10;
	s28 =	sadd.s32 $0x8000000F, s1  }
0x4c7: {  	[tilespmem:v63+s12+$0x0] =	vst.idx.msk vm3, v11;
	s20 =	sshra.s32 s28, $0x4  }
0x4c8: {  	s29 =	sadd.s32 $0xFFFFFFF0, s23;
	p0 =	sgt.s32 s22, $0x7F7FFFFF;
	v8 =	vor.u32 s23, v4;
	[tilespmem:v15+s12+$0x0] =	vst.idx.msk vm0, v9;
	s0 =	sshrl.u32 s20, $0x1E  }
.Ltmp72:
0x4c9: {  	v9 =	vor.u32 s29, v4;
	[tilespmem:v63+s13+$0x0] =	vst.idx.msk vm3, v8;
	s0 =	sadd.s32 s0, s20;
	(pc) =	sbr.rel @p0 .LBB2_74-.Ltmp72, $4  }
0x4ca: {  	s26 =	sadd.s32 $0xFFFFFFC0, s23;
	[tilespmem:v61+s13+$0x0] =	vst.idx.msk vm1, v9;
	s21 =	sand.u32 $0xFFFFFFFC, s0  }
0x4cb: {  	s4 =	sadd.s32 $0xFFFFFFD0, s23;
	v62 =	vor.u32 s26, v4;
	[tilespmem:v10+s12+$0x0] =	vst.idx.msk vm2, v12;
	s24 =	ssub.s32 s20, s21  }
0x4cc: {  	[tilespmem:v10+s13+$0x0] =	vst.idx.msk vm2, v62;
	v10 =	vor.u32 s4, v4;
	s1 =	sxor.u32 $0x80000000, s1;
	s30 =	sshll.u32 s20, $0x6;
	s31 =	sshll.u32 s24, $0x6  }
0x4cd: {  	[tilespmem:v15+s13+$0x0] =	vst.idx.msk vm0, v10;
	v8 =	vmov s1;
	s25 =	sshll.u32 s20, $0x4;
	s23 =	ssub.s32 s30, s31  }
.Ltmp73:
0x4ce: {  	(pc) =	sbr.rel .LBB2_69-.Ltmp73, $4  }
0x4cf: {  	_ = 	snop  }
0x4d0: {  	s0 =	sshra.s32 s23, $0x2  }
0x4d1: {  	s1 =	sshll.u32 s24, $0x4;
	s29 =	simm.s32 $0x7F800000;
	p0 =	slt.s32 s21, $0x1  }
0x4d2: {  	p1 =	slt.s32 s24, $0x1;
	s26 =	sadd.s32 $0x10000, s0;
	s28 =	ssub.s32 s25, s1  }
.LBB2_73:
0x4d3: {  	(xrf0) =	vadd.scan.msk.s32 $0xffff, v10;
	_ =	sdelay $0x5  }
0x4d4: {  	v9, _, _ =	vpop (xrf0)  }
0x4d5: {  	(v2sf) =	vpush v9, $0xF;
	_ =	sdelay $0xe  }
0x4d6: {  	s0 =	spop (v2sf)  }
0x4d7: {  	p2 =	sgt.s32 s0, $0x3F;
	s0 =	sadd.s32 $0xFFFFFFFF, s30  }
0x4d8: {  	s22 =	smov.u32 @p2 s30;
	s0 =	smov.u32 @p2 s29  }
0x4d9: {  	p2 =	slt.s32 s22, s0  }
.Ltmp74:
0x4da: {  	_ = 	snop;
	(pc) =	sbr.rel @!p2 .LBB2_74-.Ltmp74, $2  }
0x4db: {  	_ =	sdelay $0x2  }
0x4dc: {  	s29 =	smov.u32 s0  }
.LBB2_69:
.Ltmp75:
0x4dd: {  	s0 =	ssub.s32 s29, s22;
	(pc) =	sbr.rel @p0 .LBB2_70-.Ltmp75, $4  }
0x4de: {  	s0 =	sadd.s32 $0x1, s0  }
0x4df: {  	s0 =	sshrl.u32 s0, $0x1  }
0x4e0: {  	s30 =	sadd.s32 s22, s0  }
0x4e1: {  	v10 =	vimm.s32 $0x0;
	v9 =	vmov s30  }
0x4e2: {  	s1 =	simm.s32 $0x10020  }
0x4e3: {  	v11 =	vld [tilespmem:s1+$0xFFFFFFE0];
	_ =	sdelay $0x2  }
0x4e4: {  	v12 =	vld [tilespmem:s1+$0x10]  }
0x4e5: {  	p2 =	sgt.s32 s21, $0x4;
	v13 =	vld [tilespmem:s1+$0xFFFFFFF0]  }
.Ltmp76:
0x4e6: {  	s31 =	simm.s32 $0x0;
	s0 =	simm.s32 $0x20;
	vm4 =	vge.s32 v11, v9;
	v11 =	vld [tilespmem:s1+$0x0];
	(pc) =	sbr.rel @!p2 .LBB2_153-.Ltmp76, $4  }
0x4e7: {  	s4 =	simm.s32 $0x30;
	s5 =	simm.s32 $0x10;
	v14 =	vor.u32 s31, v4;
	v15 =	vor.u32 s0, v4  }
0x4e8: {  	v16 =	vor.u32 s4, v4;
	v63 =	vor.u32 s5, v4;
	vm2 =	vlt.s32 v14, v8  }
0x4e9: {  	vm0 =	vlt.s32 v16, v8;
	vm3 =	vlt.s32 v63, v8;
	vm1 =	vlt.s32 v15, v8  }
0x4ea: {  	s0 =	simm.s32 $0x4;
	vm5 =	vge.s32 v13, v9;
	s1 =	simm.s32 $0x10060;
	vm4 =	vmand vm2, vm4;
	vm2 =	vge.s32 v12, v9  }
.LBB2_152:
0x4eb: {  	v12 =	vld [tilespmem:s1+$0x10];
	v13 =	vsel vm4, $0x1, v5;
	vm3 =	vmand vm3, vm5;
	vm4 =	vge.s32 v11, v9  }
0x4ec: {  	s0 =	sadd.s32 $0x4, s0;
	v14 =	vld [tilespmem:s1+$0xFFFFFFE0];
	v10 =	vadd.s32 v13, v10;
	v11 =	vsel vm3, $0x1, v5;
	vm1 =	vmand vm1, vm4  }
0x4ed: {  	vm0 =	vmand vm0, vm2;
	s31 =	sadd.s32 $0x40, s31;
	p2 =	slt.s32 s0, s21;
	v13 =	vld [tilespmem:s1+$0xFFFFFFF0];
	v10 =	vadd.s32 v11, v10;
	v15 =	vsel vm1, $0x1, v5  }
.Ltmp77:
0x4ee: {  	v16 =	vor.u32 s31, v4;
	s4 =	sadd.s32 $0x20, s31;
	s5 =	sadd.s32 $0x30, s31;
	v11 =	vld [tilespmem:s1+$0x0];
	v10 =	vadd.s32 v15, v10;
	v15 =	vsel vm0, $0x1, v5;
	(pc) =	sbr.rel @p2 .LBB2_152-.Ltmp77, $4  }
0x4ef: {  	s10 =	sadd.s32 $0x10, s31;
	v17 =	vor.u32 s4, v4;
	v18 =	vor.u32 s5, v4;
	v10 =	vadd.s32 v15, v10  }
0x4f0: {  	vm2 =	vlt.s32 v16, v8;
	vm0 =	vlt.s32 v18, v8;
	v15 =	vor.u32 s10, v4  }
0x4f1: {  	vm1 =	vlt.s32 v17, v8;
	vm3 =	vlt.s32 v15, v8;
	vm4 =	vge.s32 v14, v9  }
0x4f2: {  	s1 =	sadd.s32 $0x40, s1;
	vm4 =	vmand vm2, vm4;
	vm5 =	vge.s32 v13, v9;
	vm2 =	vge.s32 v12, v9  }
.LBB2_153:
0x4f3: {  	v12 =	vsel vm4, $0x1, v5;
	vm3 =	vmand vm3, vm5;
	vm15 =	vge.s32 v11, v9  }
0x4f4: {  	v10 =	vadd.s32 v12, v10;
	v11 =	vsel vm3, $0x1, v5;
	vm1 =	vmand vm1, vm15  }
0x4f5: {  	vm0 =	vmand vm0, vm2;
	v10 =	vadd.s32 v11, v10;
	v11 =	vsel vm1, $0x1, v5  }
0x4f6: {  	v10 =	vadd.s32 v11, v10;
	v11 =	vsel vm0, $0x1, v5  }
0x4f7: {  	v10 =	vadd.s32 v11, v10  }
.LBB2_70:
.Ltmp78:
0x4f8: {  	(pc) =	sbr.rel @p1 .LBB2_73-.Ltmp78, $1  }
0x4f9: {  	_ =	sdelay $0x3  }
0x4fa: {  	s0 =	smov.u32 s28;
	s1 =	smov.u32 s26;
	s31 =	smov.u32 s21  }
.LBB2_72:
0x4fb: {  	v11 =	vld [tilespmem:s1+$0x0];
	_ =	sdelay $0x1  }
0x4fc: {  	s31 =	sadd.s32 $0x1, s31  }
0x4fd: {  	p2 =	slt.s32 s31, s20  }
.Ltmp79:
0x4fe: {  	v12 =	vor.u32 s0, v4;
	(pc) =	sbr.rel @p2 .LBB2_72-.Ltmp79, $4  }
0x4ff: {  	vm0 =	vlt.s32 v12, v8;
	vm1 =	vge.s32 v11, v9  }
0x500: {  	vm0 =	vmand vm0, vm1  }
0x501: {  	v11 =	vsel vm0, $0x1, v5  }
0x502: {  	s1 =	sadd.s32 $0x10, s1;
	s0 =	sadd.s32 $0x10, s0;
	v10 =	vadd.s32 v11, v10  }
.Ltmp80:
0x503: {  	_ = 	snop;
	(pc) =	sbr.rel .LBB2_73-.Ltmp80, $1  }
0x504: {  	_ =	sdelay $0x3  }
.LBB2_74:
0x505: {  	p1 =	slt.s32 s21, $0x1  }
.Ltmp81:
0x506: {  	_ = 	snop;
	(pc) =	sbr.rel @p1 .LBB2_75-.Ltmp81, $2  }
0x507: {  	_ =	sdelay $0x2  }
0x508: {  	v9 =	vmov s22;
	v10 =	vimm.s32 $0x0  }
0x509: {  	s1 =	simm.s32 $0x10020  }
0x50a: {  	v11 =	vld [tilespmem:s1+$0xFFFFFFE0];
	_ =	sdelay $0x2  }
0x50b: {  	v12 =	vld [tilespmem:s1+$0x10]  }
0x50c: {  	p0 =	sgt.s32 s21, $0x4;
	v13 =	vld [tilespmem:s1+$0xFFFFFFF0]  }
.Ltmp82:
0x50d: {  	s22 =	simm.s32 $0x0;
	s0 =	simm.s32 $0x20;
	vm4 =	vgt.s32 v11, v9;
	v11 =	vld [tilespmem:s1+$0x0];
	(pc) =	sbr.rel @!p0 .LBB2_156-.Ltmp82, $4  }
0x50e: {  	s4 =	simm.s32 $0x30;
	s5 =	simm.s32 $0x10;
	v14 =	vor.u32 s22, v4;
	v15 =	vor.u32 s0, v4  }
0x50f: {  	v16 =	vor.u32 s4, v4;
	v63 =	vor.u32 s5, v4;
	vm2 =	vlt.s32 v14, v8  }
0x510: {  	vm0 =	vlt.s32 v16, v8;
	vm3 =	vlt.s32 v63, v8;
	vm1 =	vlt.s32 v15, v8  }
0x511: {  	s0 =	simm.s32 $0x4;
	vm5 =	vgt.s32 v13, v9;
	s1 =	simm.s32 $0x10060;
	vm4 =	vmand vm2, vm4;
	vm2 =	vgt.s32 v12, v9  }
.LBB2_155:
0x512: {  	v12 =	vld [tilespmem:s1+$0x10];
	v13 =	vsel vm4, $0x1, v5;
	vm3 =	vmand vm3, vm5;
	vm4 =	vgt.s32 v11, v9  }
0x513: {  	s0 =	sadd.s32 $0x4, s0;
	v14 =	vld [tilespmem:s1+$0xFFFFFFE0];
	v10 =	vadd.s32 v13, v10;
	v11 =	vsel vm3, $0x1, v5;
	vm1 =	vmand vm1, vm4  }
0x514: {  	vm0 =	vmand vm0, vm2;
	s22 =	sadd.s32 $0x40, s22;
	p0 =	slt.s32 s0, s21;
	v13 =	vld [tilespmem:s1+$0xFFFFFFF0];
	v10 =	vadd.s32 v11, v10;
	v15 =	vsel vm1, $0x1, v5  }
.Ltmp83:
0x515: {  	v16 =	vor.u32 s22, v4;
	s4 =	sadd.s32 $0x20, s22;
	s5 =	sadd.s32 $0x30, s22;
	v11 =	vld [tilespmem:s1+$0x0];
	v10 =	vadd.s32 v15, v10;
	v15 =	vsel vm0, $0x1, v5;
	(pc) =	sbr.rel @p0 .LBB2_155-.Ltmp83, $4  }
0x516: {  	s10 =	sadd.s32 $0x10, s22;
	v17 =	vor.u32 s4, v4;
	v18 =	vor.u32 s5, v4;
	v10 =	vadd.s32 v15, v10  }
0x517: {  	vm2 =	vlt.s32 v16, v8;
	vm0 =	vlt.s32 v18, v8;
	v15 =	vor.u32 s10, v4  }
0x518: {  	vm1 =	vlt.s32 v17, v8;
	vm3 =	vlt.s32 v15, v8;
	vm4 =	vgt.s32 v14, v9  }
0x519: {  	s1 =	sadd.s32 $0x40, s1;
	vm4 =	vmand vm2, vm4;
	vm5 =	vgt.s32 v13, v9;
	vm2 =	vgt.s32 v12, v9  }
.LBB2_156:
0x51a: {  	v12 =	vsel vm4, $0x1, v5;
	vm3 =	vmand vm3, vm5;
	vm15 =	vgt.s32 v11, v9  }
0x51b: {  	v10 =	vadd.s32 v12, v10;
	v11 =	vsel vm3, $0x1, v5;
	vm1 =	vmand vm1, vm15  }
0x51c: {  	vm0 =	vmand vm0, vm2;
	v10 =	vadd.s32 v11, v10;
	v11 =	vsel vm1, $0x1, v5  }
0x51d: {  	v10 =	vadd.s32 v11, v10;
	v11 =	vsel vm0, $0x1, v5  }
0x51e: {  	v10 =	vadd.s32 v11, v10  }
.LBB2_75:
0x51f: {  	p0 =	slt.s32 s24, $0x1  }
.Ltmp84:
0x520: {  	_ = 	snop;
	(pc) =	sbr.rel @p0 .LBB2_78-.Ltmp84, $1  }
0x521: {  	_ =	sdelay $0x3  }
0x522: {  	s0 =	sshra.s32 s23, $0x2;
	s1 =	sshll.u32 s24, $0x4  }
0x523: {  	s22 =	smov.u32 s21;
	s0 =	sadd.s32 $0x10000, s0;
	s1 =	ssub.s32 s25, s1  }
.LBB2_77:
0x524: {  	v11 =	vld [tilespmem:s0+$0x0];
	_ =	sdelay $0x1  }
0x525: {  	s22 =	sadd.s32 $0x1, s22  }
0x526: {  	p2 =	slt.s32 s22, s20  }
.Ltmp85:
0x527: {  	v12 =	vor.u32 s1, v4;
	(pc) =	sbr.rel @p2 .LBB2_77-.Ltmp85, $4  }
0x528: {  	vm0 =	vlt.s32 v12, v8;
	vm1 =	vgt.s32 v11, v9  }
0x529: {  	vm0 =	vmand vm0, vm1  }
0x52a: {  	v11 =	vsel vm0, $0x1, v5  }
0x52b: {  	s0 =	sadd.s32 $0x10, s0;
	s1 =	sadd.s32 $0x10, s1;
	v10 =	vadd.s32 v11, v10  }
.LBB2_78:
0x52c: {  	(xrf0) =	vadd.scan.msk.s32 $0xffff, v10;
	_ =	sdelay $0x5  }
0x52d: {  	v10, _, _ =	vpop (xrf0)  }
0x52e: {  	(v2sf) =	vpush v10, $0xF;
	_ =	sdelay $0xb  }
.Ltmp86:
0x52f: {  	_ = 	snop;
	(pc) =	sbr.rel .LBB2_79-.Ltmp86, $4  }
0x530: {  	_ = 	snop  }
0x531: {  	s30 =	sshra.s32 s23, $0x2;
	s31 =	sshll.u32 s24, $0x4;
	s28 =	simm.s32 $0x7FFF  }
0x532: {  	s22 =	sadd.s32 $0x10000, s30;
	s23 =	sadd.s32 $0x11000, s30;
	s0 =	spop (v2sf)  }
0x533: {  	s24 =	ssub.s32 s25, s31;
	s25 =	simm.s32 $0x0;
	s26 =	ssub.s32 $0x40, s0  }
.LBB2_83:
0x534: {  	(xrf0) =	vadd.scan.msk.s32 $0xffff, v11;
	_ =	sdelay $0x5  }
0x535: {  	v10, _, _ =	vpop (xrf0)  }
0x536: {  	(v2sf) =	vpush v10, $0xF;
	_ =	sdelay $0xe  }
0x537: {  	s0 =	spop (v2sf)  }
0x538: {  	p2 =	slt.s32 s0, s26;
	s0 =	sadd.s32 $0x1, s29  }
0x539: {  	s25 =	smov.u32 @p2 s0;
	s29 =	smov.u32 @p2 s28  }
0x53a: {  	p2 =	slt.s32 s25, s29  }
.Ltmp87:
0x53b: {  	_ = 	snop;
	(pc) =	sbr.rel @!p2 .LBB2_84-.Ltmp87, $2  }
0x53c: {  	_ =	sdelay $0x2  }
0x53d: {  	s28 =	smov.u32 s29  }
.LBB2_79:
.Ltmp88:
0x53e: {  	(pc) =	sbr.rel @p1 .LBB2_80-.Ltmp88, $4  }
0x53f: {  	_ = 	snop  }
0x540: {  	s0 =	sadd.s32 s25, s28  }
0x541: {  	s29 =	sshra.s32 s0, $0x1  }
0x542: {  	v11 =	vimm.s32 $0x0;
	v10 =	vmov s29  }
0x543: {  	s0 =	simm.s32 $0x10020  }
0x544: {  	s31 =	simm.s32 $0x11020;
	v17 =	vld [tilespmem:s0+$0x10]  }
0x545: {  	v18 =	vld [tilespmem:s31+$0x10]  }
0x546: {  	v19 =	vld [tilespmem:s0+$0x0]  }
0x547: {  	v12 =	vld [tilespmem:s31+$0x0]  }
0x548: {  	s30 =	simm.s32 $0x0;
	v13 =	vld [tilespmem:s0+$0xFFFFFFF0]  }
0x549: {  	s1 =	simm.s32 $0x30;
	p2 =	sgt.s32 s21, $0x4;
	v15 =	vor.u32 s30, v4;
	v14 =	vld [tilespmem:s0+$0xFFFFFFE0]  }
.Ltmp89:
0x54a: {  	v16 =	vor.u32 s1, v4;
	vm3 =	vlt.s32 v15, v8;
	v15 =	vld [tilespmem:s31+$0xFFFFFFE0];
	(pc) =	sbr.rel @!p2 .LBB2_159-.Ltmp89, $4  }
0x54b: {  	s4 =	simm.s32 $0x10;
	s5 =	simm.s32 $0x20;
	vm0 =	vlt.s32 v16, v8;
	v16 =	vld [tilespmem:s31+$0xFFFFFFF0]  }
0x54c: {  	v20 =	vor.u32 s4, v4;
	v21 =	vor.u32 s5, v4  }
0x54d: {  	vm2 =	vlt.s32 v20, v8;
	vm1 =	vlt.s32 v21, v8  }
0x54e: {  	s0 =	simm.s32 $0x4;
	s1 =	simm.s32 $0x10060;
	vm4 =	veq.s32 v19, v9;
	vm5 =	veq.s32 v17, v9;
	vm6 =	vle.s32 v18, v10  }
.LBB2_158:
0x54f: {  	v17 =	vld [tilespmem:s1+$0x10];
	vm7 =	veq.s32 v14, v9;
	vm8 =	vle.s32 v15, v10;
	vm9 =	vle.s32 v12, v10;
	s31 =	sadd.s32 $0x40, s31  }
0x550: {  	v18 =	vld [tilespmem:s31+$0x10];
	vm7 =	vmand vm7, vm8;
	vm8 =	veq.s32 v13, v9;
	vm10 =	vle.s32 v16, v10  }
0x551: {  	vm5 =	vmand vm5, vm6;
	v19 =	vld [tilespmem:s1+$0x0];
	vm3 =	vmand vm3, vm7;
	vm7 =	vmand vm8, vm10  }
0x552: {  	v12 =	vld [tilespmem:s31+$0x0];
	v14 =	vsel vm3, $0x1, v5;
	vm2 =	vmand vm2, vm7;
	vm3 =	vmand vm4, vm9  }
0x553: {  	s0 =	sadd.s32 $0x4, s0;
	v13 =	vld [tilespmem:s1+$0xFFFFFFF0];
	v11 =	vadd.s32 v14, v11;
	v15 =	vsel vm2, $0x1, v5;
	vm1 =	vmand vm1, vm3  }
0x554: {  	s30 =	sadd.s32 $0x40, s30;
	vm0 =	vmand vm0, vm5;
	p2 =	slt.s32 s0, s21;
	v14 =	vld [tilespmem:s1+$0xFFFFFFE0];
	v11 =	vadd.s32 v15, v11;
	v16 =	vsel vm1, $0x1, v5  }
.Ltmp90:
0x555: {  	s4 =	sadd.s32 $0x30, s30;
	v20 =	vsel vm0, $0x1, v5;
	v15 =	vld [tilespmem:s31+$0xFFFFFFE0];
	v11 =	vadd.s32 v16, v11;
	(pc) =	sbr.rel @p2 .LBB2_158-.Ltmp90, $4  }
0x556: {  	v21 =	vor.u32 s30, v4;
	s5 =	sadd.s32 $0x10, s30;
	s10 =	sadd.s32 $0x20, s30;
	v22 =	vor.u32 s4, v4;
	v16 =	vld [tilespmem:s31+$0xFFFFFFF0];
	v11 =	vadd.s32 v20, v11  }
0x557: {  	vm3 =	vlt.s32 v21, v8;
	v21 =	vor.u32 s10, v4;
	v20 =	vor.u32 s5, v4  }
0x558: {  	vm0 =	vlt.s32 v22, v8;
	vm1 =	vlt.s32 v21, v8;
	vm2 =	vlt.s32 v20, v8  }
0x559: {  	vm5 =	veq.s32 v17, v9;
	s1 =	sadd.s32 $0x40, s1;
	vm6 =	vle.s32 v18, v10;
	vm4 =	veq.s32 v19, v9  }
.LBB2_159:
0x55a: {  	vm7 =	veq.s32 v14, v9;
	vm8 =	vle.s32 v15, v10;
	vm9 =	vle.s32 v12, v10  }
0x55b: {  	vm13 =	veq.s32 v13, v9;
	vm7 =	vmand vm7, vm8;
	vm10 =	vle.s32 v16, v10  }
0x55c: {  	vm5 =	vmand vm5, vm6;
	vm3 =	vmand vm3, vm7;
	vm14 =	vmand vm13, vm10  }
0x55d: {  	vm15 =	vmand vm4, vm9;
	v60 =	vsel vm3, $0x1, v5;
	vm2 =	vmand vm2, vm14  }
0x55e: {  	vm1 =	vmand vm1, vm15;
	v11 =	vadd.s32 v60, v11;
	v61 =	vsel vm2, $0x1, v5  }
0x55f: {  	vm0 =	vmand vm0, vm5;
	v62 =	vsel vm1, $0x1, v5;
	v11 =	vadd.s32 v61, v11  }
0x560: {  	v63 =	vsel vm0, $0x1, v5;
	v11 =	vadd.s32 v62, v11  }
0x561: {  	v11 =	vadd.s32 v63, v11  }
.LBB2_80:
.Ltmp91:
0x562: {  	(pc) =	sbr.rel @p0 .LBB2_83-.Ltmp91, $1  }
0x563: {  	_ =	sdelay $0x3  }
0x564: {  	s0 =	smov.u32 s24  }
0x565: {  	s1 =	smov.u32 s23;
	s30 =	smov.u32 s22;
	s31 =	smov.u32 s21  }
.LBB2_82:
0x566: {  	v12 =	vld [tilespmem:s30+$0x0]  }
0x567: {  	v13 =	vld [tilespmem:s1+$0x0];
	_ =	sdelay $0x2  }
0x568: {  	s31 =	sadd.s32 $0x1, s31  }
0x569: {  	p2 =	slt.s32 s31, s20  }
.Ltmp92:
0x56a: {  	v14 =	vor.u32 s0, v4;
	vm0 =	veq.s32 v12, v9;
	vm1 =	vle.s32 v13, v10;
	(pc) =	sbr.rel @p2 .LBB2_82-.Ltmp92, $4  }
0x56b: {  	vm2 =	vlt.s32 v14, v8;
	vm0 =	vmand vm0, vm1  }
0x56c: {  	vm0 =	vmand vm2, vm0  }
0x56d: {  	v63 =	vsel vm0, $0x1, v5  }
0x56e: {  	s30 =	sadd.s32 $0x10, s30;
	s1 =	sadd.s32 $0x10, s1;
	s0 =	sadd.s32 $0x10, s0;
	v11 =	vadd.s32 v63, v11  }
.Ltmp93:
0x56f: {  	_ = 	snop;
	(pc) =	sbr.rel .LBB2_83-.Ltmp93, $1  }
0x570: {  	_ =	sdelay $0x3  }
.LBB2_84:
.Ltmp94:
0x571: {  	(pc) =	sbr.rel @p1 .LBB2_85-.Ltmp94, $2  }
0x572: {  	_ =	sdelay $0x2  }
0x573: {  	v10 =	vmov s25  }
0x574: {  	s25 =	simm.s32 $0x10020  }
0x575: {  	s0 =	simm.s32 $0x11020;
	v13 =	vld [tilespmem:s25+$0xFFFFFFE0]  }
0x576: {  	v12 =	vld [tilespmem:s0+$0xFFFFFFE0]  }
0x577: {  	v14 =	vld [tilespmem:s25+$0xFFFFFFF0]  }
0x578: {  	s1 =	simm.s32 $0x0;
	v15 =	vld [tilespmem:s25+$0x0]  }
0x579: {  	s30 =	simm.s32 $0x10;
	v16 =	vld [tilespmem:s25+$0x10];
	v11 =	vor.u32 s1, v4  }
0x57a: {  	s31 =	simm.s32 $0x20;
	s4 =	simm.s32 $0x30;
	v17 =	vld [tilespmem:s0+$0xFFFFFFF0];
	vm0 =	vlt.s32 v11, v8;
	v11 =	vor.u32 s30, v4  }
0x57b: {  	v20 =	vld [tilespmem:s0+$0x10];
	v19 =	vor.u32 s4, v4;
	vm1 =	vlt.s32 v11, v8;
	v11 =	vor.u32 s31, v4  }
0x57c: {  	v27 =	vimm.s32 $0x0;
	vm4 =	vlt.s32 v19, v8;
	vm3 =	vlt.s32 v11, v8  }
0x57d: {  	v18 =	vshra.s32 v13, $0x1F;
	vm2 =	vgt.s32 v13, v9;
	vm5 =	vgt.s32 v14, v9  }
0x57e: {  	vm6 =	vgt.s32 v15, v9;
	vm7 =	vgt.s32 v16, v9;
	v22 =	vand.u32 $0x7FFFFFFF, v18;
	v18 =	vld [tilespmem:s0+$0x0]  }
0x57f: {  	vm8 =	veq.s32 v13, v9;
	vm9 =	vle.s32 v12, v10;
	vm10 =	veq.s32 v14, v9  }
0x580: {  	vm11 =	vle.s32 v17, v10;
	vm12 =	veq.s32 v15, v9;
	vm14 =	vle.s32 v20, v10  }
0x581: {  	v30 =	vshra.s32 v15, $0x1F;
	v29 =	vshra.s32 v16, $0x1F;
	vm8 =	vmand vm8, vm9  }
0x582: {  	vm9 =	veq.s32 v16, v9;
	vm2 =	vmor vm2, vm8;
	vm8 =	vmand vm10, vm11  }
0x583: {  	vm15 =	vmand vm0, vm2;
	vm2 =	vmor vm5, vm8;
	vm13 =	vle.s32 v18, v10  }
0x584: {  	vm8 =	vmand vm9, vm14;
	v11 =	vmpcnt.ones.xlane vm15;
	vm10 =	vmand vm12, vm13  }
0x585: {  	p2 =	sgt.s32 s21, $0x4;
	vm11 =	vmand vm1, vm2;
	v21 =	vsel vm15, $0x1, v5;
	vm1 =	vmor vm6, vm10  }
.Ltmp95:
0x586: {  	v19 =	vmpcnt.ones.xlane vm11;
	vm3 =	vmand vm3, vm1;
	vm1 =	vmor vm7, vm8;
	(pc) =	sbr.rel @!p2 .LBB2_161-.Ltmp95, $4  }
0x587: {  	v25 =	vadd.s32 v27, v11;
	v11 =	vmpcnt.ones.xlane vm3;
	vm4 =	vmand vm4, vm1  }
0x588: {  	v26 =	vsel vm11, $0x1, v5;
	(xrf0) =	vadd.scan.msk.s32 $0xffff, v21;
	v24 =	vadd.s32 v25, v19;
	v19 =	vmpcnt.ones.xlane vm4  }
0x589: {  	v21 =	vshra.s32 v14, $0x1F;
	(xrf0) =	vadd.scan.msk.s32 $0xffff, v26;
	v32 =	vsel vm3, $0x1, v5;
	v23 =	vadd.s32 v24, v11  }
0x58a: {  	p1 =	por $0x0, $0x0;
	v28 =	vand.u32 $0x7FFFFFFF, v21;
	v31 =	vsel vm4, $0x1, v5;
	(xrf0) =	vadd.scan.msk.s32 $0xffff, v32;
	v11 =	vadd.s32 v23, v19  }
0x58b: {  	(xrf0) =	vadd.scan.msk.s32 $0xffff, v31  }
0x58c: {  	v22 =	vxor.u32 v13, v22;
	v13 =	vand.u32 $0x7FFFFFFF, v30;
	v19 =	vand.u32 $0x7FFFFFFF, v29  }
0x58d: {  	v26 =	vxor.u32 v14, v28;
	v30 =	vadd.s32 v2, v12;
	v31 =	vadd.s32 v2, v17  }
0x58e: {  	v32 =	vadd.s32 v2, v18;
	s25 =	simm.s32 $0x10060;
	vm6 =	vmmov vm3;
	vm10 =	vmmov vm4;
	v12, _, _ =	vpop (xrf0)  }
0x58f: {  	s26 =	simm.s32 $0x11060;
	v28 =	vxor.u32 v15, v13;
	v29 =	vxor.u32 v16, v19;
	v13 =	vld [tilespmem:s25+$0xFFFFFFE0];
	v12 =	vadd.s32 v12, v27;
	v14, _, _ =	vpop (xrf0)  }
0x590: {  	s28 =	simm.s32 $0x40;
	v19 =	vadd.s32 v2, v20;
	v16 =	vadd.s32 $0xFFFFFFFF, v12;
	v14 =	vadd.s32 v14, v25;
	v15, _, _ =	vpop (xrf0);
	v12 =	vld [tilespmem:s26+$0xFFFFFFE0]  }
0x591: {  	v25 =	vor.u32 s28, v4;
	v18 =	vadd.s32 $0xFFFFFFFF, v14;
	v15 =	vadd.s32 v15, v24;
	v17, _, _ =	vpop (xrf0);
	v14 =	vld [tilespmem:s25+$0xFFFFFFF0]  }
0x592: {  	vm2 =	vlt.s32 v16, $0x3F;
	v20 =	vadd.s32 $0xFFFFFFFF, v15;
	v17 =	vadd.s32 v17, v23;
	v15 =	vld [tilespmem:s25+$0x0]  }
0x593: {  	vm3 =	vlt.s32 v18, $0x3F;
	v23 =	vnsel vm2, $0x3F, v16;
	v21 =	vadd.s32 $0xFFFFFFFF, v17;
	v17 =	vld [tilespmem:s26+$0xFFFFFFF0]  }
0x594: {  	s0 =	simm.s32 $0x50;
	vm2 =	vlt.s32 v20, $0x3F;
	v24 =	vnsel vm3, $0x3F, v18;
	v18 =	vld [tilespmem:s26+$0x0];
	vm3 =	vlt.s32 v21, $0x3F  }
0x595: {  	v16 =	vld [tilespmem:s25+$0x10];
	v27 =	vnsel vm2, $0x3F, v20;
	vm2 =	vlt.s32 v25, v8;
	v25 =	vor.u32 s0, v4  }
0x596: {  	v21 =	vnsel vm3, $0x3F, v21;
	vm3 =	veq.s32 v13, v9;
	vm4 =	vle.s32 v12, v10  }
0x597: {  	vm8 =	vgt.s32 v13, v9;
	vm7 =	vlt.s32 v25, v8;
	vm3 =	vmand vm3, vm4  }
0x598: {  	s30 =	simm.s32 $0x60;
	v20 =	vld [tilespmem:s26+$0x10];
	vm4 =	veq.s32 v14, v9;
	vm9 =	vgt.s32 v14, v9;
	vm3 =	vmor vm8, vm3  }
0x599: {  	[tilespmem:v23+s14+$0x0] =	vst.idx.msk vm15, v22;
	v22 =	vor.u32 s30, v4;
	vm8 =	vle.s32 v17, v10;
	vm0 =	vle.s32 v18, v10  }
0x59a: {  	[tilespmem:v23+s15+$0x0] =	vst.idx.msk vm15, v30;
	vm15 =	vmand vm2, vm3;
	vm2 =	veq.s32 v16, v9;
	v30 =	vshra.s32 v15, $0x1F  }
0x59b: {  	vm4 =	vmand vm4, vm8;
	vm8 =	veq.s32 v15, v9;
	v23 =	vmpcnt.ones.xlane vm15  }
0x59c: {  	[tilespmem:v24+s14+$0x0] =	vst.idx.msk vm11, v26;
	v26 =	vsel vm15, $0x1, v5;
	vm8 =	vmand vm8, vm0;
	vm3 =	vmor vm9, vm4  }
0x59d: {  	vm4 =	vle.s32 v20, v10;
	vm9 =	vgt.s32 v15, v9;
	[tilespmem:v21+s14+$0x0] =	vst.idx.msk vm10, v29;
	v29 =	vshra.s32 v14, $0x1F  }
0x59e: {  	s31 =	simm.s32 $0x70;
	vm4 =	vmand vm2, vm4;
	vm5 =	vmand vm7, vm3;
	vm3 =	vmor vm9, vm8  }
0x59f: {  	vm7 =	vlt.s32 v22, v8;
	v22 =	vor.u32 s31, v4;
	v25 =	vadd.s32 v11, v23  }
0x5a0: {  	p2 =	sgt.s32 s21, $0x8;
	[tilespmem:v24+s15+$0x0] =	vst.idx.msk vm11, v31;
	vm3 =	vmand vm7, vm3;
	vm7 =	vgt.s32 v16, v9;
	vm0 =	vlt.s32 v22, v8  }
.Ltmp96:
0x5a1: {  	[tilespmem:v27+s14+$0x0] =	vst.idx.msk vm6, v28;
	v22 =	vshra.s32 v13, $0x1F;
	v24 =	vmpcnt.ones.xlane vm5;
	vm4 =	vmor vm7, vm4;
	(pc) =	sbr.rel @!p2 .LBB2_163-.Ltmp96, $4  }
0x5a2: {  	[tilespmem:v27+s15+$0x0] =	vst.idx.msk vm6, v32;
	v28 =	vsel vm5, $0x1, v5;
	v23 =	vmpcnt.ones.xlane vm3;
	vm4 =	vmand vm0, vm4  }
0x5a3: {  	(xrf0) =	vadd.scan.msk.s32 $0xffff, v26;
	v22 =	vand.u32 $0x7FFFFFFF, v22;
	v24 =	vadd.s32 v25, v24;
	v27 =	vmpcnt.ones.xlane vm4  }
0x5a4: {  	v63 =	vsel vm3, $0x1, v5;
	(xrf0) =	vadd.scan.msk.s32 $0xffff, v28;
	v28 =	vand.u32 $0x7FFFFFFF, v29;
	v23 =	vadd.s32 v24, v23  }
0x5a5: {  	s29 =	simm.s32 $0x8;
	p1 =	por $0x1, $0x1;
	v29 =	vshra.s32 v16, $0x1F;
	(xrf0) =	vadd.scan.msk.s32 $0xffff, v63;
	v31 =	vsel vm4, $0x1, v5;
	v26 =	vadd.s32 v23, v27  }
.LBB2_164:
0x5a6: {  	v27 =	vxor.u32 v13, v22;
	v13 =	vand.u32 $0x7FFFFFFF, v30;
	v22 =	vand.u32 $0x7FFFFFFF, v29;
	(xrf0) =	vadd.scan.msk.s32 $0xffff, v31  }
0x5a7: {  	v28 =	vxor.u32 v14, v28;
	v31 =	vadd.s32 v2, v12;
	v33 =	vadd.s32 v2, v18  }
0x5a8: {  	vm0 =	vmmov vm3;
	s28 =	sadd.s32 $0x40, s28;
	v29 =	vxor.u32 v15, v13;
	v13 =	vimm.s32 $0x0  }
0x5a9: {  	[tilespmem:v21+s15+$0x0] =	vst.idx.msk vm10, v19;
	v19 =	vadd.s32 v2, v20;
	v30 =	vxor.u32 v16, v22;
	s1 =	sadd.s32 $0x30, s28;
	v13 =	vsel vm0, $0xFFFFFFFF, v13;
	v12, _, _ =	vpop (xrf0)  }
0x5aa: {  	vm0 =	vmmov vm4;
	v35 =	vor.u32 s1, v4;
	[tilespmem:$0x1FF80] =	vst v13;
	v13 =	vimm.s32 $0x0;
	v14, _, _ =	vpop (xrf0)  }
0x5ab: {  	v13 =	vsel vm0, $0xFFFFFFFF, v13;
	v12 =	vadd.s32 v12, v11;
	vm0 =	vlt.s32 v35, v8;
	v15, _, _ =	vpop (xrf0)  }
0x5ac: {  	v16 =	vadd.s32 $0xFFFFFFFF, v12;
	v14 =	vadd.s32 v14, v25;
	v15 =	vadd.s32 v15, v24;
	v18, _, _ =	vpop (xrf0)  }
0x5ad: {  	s25 =	sadd.s32 $0x40, s25;
	vm3 =	vlt.s32 v16, $0x3F;
	v20 =	vadd.s32 $0xFFFFFFFF, v15;
	v18 =	vadd.s32 v18, v23  }
0x5ae: {  	s31 =	sadd.s32 $0x20, s28;
	[tilespmem:$0x1FF70] =	vst v13;
	v13 =	vld [tilespmem:s25+$0xFFFFFFE0];
	v23 =	vnsel vm3, $0x3F, v16;
	vm3 =	vlt.s32 v20, $0x3F;
	v18 =	vadd.s32 $0xFFFFFFFF, v18  }
0x5af: {  	s26 =	sadd.s32 $0x40, s26;
	v25 =	vor.u32 s31, v4;
	v15 =	vld [tilespmem:s25+$0x0];
	v34 =	vnsel vm3, $0x3F, v20;
	vm3 =	vlt.s32 v18, $0x3F  }
0x5b0: {  	vm7 =	vlt.s32 v25, v8;
	v25 =	vimm.s32 $0x0;
	v21 =	vnsel vm3, $0x3F, v18;
	v18 =	vld [tilespmem:s26+$0x0]  }
0x5b1: {  	v32 =	vadd.s32 v2, v17;
	v12 =	vld [tilespmem:s26+$0xFFFFFFE0];
	v17 =	vadd.s32 $0xFFFFFFFF, v14;
	v25 =	vsel vm0, $0xFFFFFFFF, v25  }
0x5b2: {  	vm4 =	vlt.s32 v17, $0x3F;
	[tilespmem:$0x1FF90] =	vst v25;
	v25 =	vld [tilespmem:$0x1FF70]  }
0x5b3: {  	s0 =	sadd.s32 $0x10, s28;
	v14 =	vld [tilespmem:s25+$0xFFFFFFF0];
	v24 =	vnsel vm4, $0x3F, v17;
	v20 =	vor.u32 s28, v4  }
0x5b4: {  	v17 =	vld [tilespmem:s26+$0xFFFFFFF0];
	vm6 =	vlt.s32 v20, v8;
	v20 =	vor.u32 s0, v4;
	vm8 =	vgt.s32 v13, v9  }
0x5b5: {  	vm12 =	veq.s32 v13, v9;
	vm1 =	veq.s32 v15, v9;
	vm0 =	vle.s32 v18, v10  }
0x5b6: {  	vm13 =	vle.s32 v12, v10;
	vm10 =	vgt.s32 v15, v9;
	vm0 =	vmand vm1, vm0  }
0x5b7: {  	vm12 =	vmand vm12, vm13;
	vm0 =	vmor vm10, vm0;
	vm10 =	vnez.u8 v25;
	v25 =	vld [tilespmem:$0x1FF80]  }
0x5b8: {  	v16 =	vld [tilespmem:s25+$0x10];
	vm4 =	vlt.s32 v20, v8;
	[tilespmem:v23+s14+$0x0] =	vst.idx.msk vm15, v27;
	vm8 =	vmor vm8, vm12  }
0x5b9: {  	v20 =	vld [tilespmem:s26+$0x10];
	vm14 =	veq.s32 v14, v9;
	vm3 =	vle.s32 v17, v10;
	[tilespmem:v23+s15+$0x0] =	vst.idx.msk vm15, v31;
	vm15 =	vmand vm6, vm8  }
0x5ba: {  	vm9 =	vgt.s32 v14, v9;
	vm12 =	vmand vm14, vm3;
	v23 =	vmpcnt.ones.xlane vm15  }
0x5bb: {  	v22 =	vshra.s32 v13, $0x1F;
	[tilespmem:v24+s14+$0x0] =	vst.idx.msk vm5, v28;
	vm1 =	vmor vm9, vm12  }
0x5bc: {  	v11 =	vmovc v26;
	[tilespmem:v24+s15+$0x0] =	vst.idx.msk vm5, v32;
	vm5 =	vmand vm4, vm1;
	vm1 =	vnez.u8 v25;
	v25 =	vadd.s32 v26, v23;
	v26 =	vld [tilespmem:$0x1FF90]  }
0x5bd: {  	v22 =	vand.u32 $0x7FFFFFFF, v22  }
0x5be: {  	vm11 =	vgt.s32 v16, v9;
	vm13 =	veq.s32 v16, v9;
	vm2 =	vle.s32 v20, v10  }
0x5bf: {  	s29 =	sadd.s32 $0x4, s29;
	vm2 =	vmand vm13, vm2;
	v24 =	vmpcnt.ones.xlane vm5;
	vm3 =	vmand vm7, vm0  }
0x5c0: {  	p2 =	slt.s32 s29, s21;
	vm0 =	vmor vm11, vm2;
	v28 =	vsel vm5, $0x1, v5;
	v63 =	vsel vm3, $0x1, v5  }
.Ltmp97:
0x5c1: {  	v23 =	vmpcnt.ones.xlane vm3;
	v24 =	vadd.s32 v25, v24;
	vm2 =	vnez.u8 v26;
	(pc) =	sbr.rel @p2 .LBB2_164-.Ltmp97, $4  }
0x5c2: {  	[tilespmem:v21+s14+$0x0] =	vst.idx.msk vm10, v30;
	v30 =	vshra.s32 v15, $0x1F;
	v26 =	vsel vm15, $0x1, v5;
	vm4 =	vmand vm2, vm0  }
0x5c3: {  	v23 =	vadd.s32 v24, v23;
	[tilespmem:v34+s14+$0x0] =	vst.idx.msk vm1, v29;
	(xrf0) =	vadd.scan.msk.s32 $0xffff, v26;
	v27 =	vmpcnt.ones.xlane vm4  }
0x5c4: {  	v29 =	vshra.s32 v14, $0x1F;
	[tilespmem:v34+s15+$0x0] =	vst.idx.msk vm1, v33;
	v31 =	vsel vm4, $0x1, v5;
	(xrf0) =	vadd.scan.msk.s32 $0xffff, v28  }
0x5c5: {  	v28 =	vand.u32 $0x7FFFFFFF, v29;
	v29 =	vshra.s32 v16, $0x1F;
	(xrf0) =	vadd.scan.msk.s32 $0xffff, v63;
	v26 =	vadd.s32 v23, v27  }
0x5c6: {  	v27 =	vmov v11;
	v11 =	vmov v26;
	vm11 =	vmmov vm5  }
.LBB2_166:
0x5c7: {  	_ =	sdelay $0x1  }
0x5c8: {  	(xrf0) =	vadd.scan.msk.s32 $0xffff, v31;
	v26, _, _ =	vpop (xrf0)  }
0x5c9: {  	v26 =	vadd.s32 v26, v27  }
0x5ca: {  	v52, _, _ =	vpop (xrf0);
	v26 =	vadd.s32 $0xFFFFFFFF, v26  }
0x5cb: {  	v25 =	vadd.s32 v52, v25;
	vm0 =	vlt.s32 v26, $0x3F  }
0x5cc: {  	v53, _, _ =	vpop (xrf0);
	v25 =	vadd.s32 $0xFFFFFFFF, v25;
	v26 =	vnsel vm0, $0x3F, v26  }
0x5cd: {  	v24 =	vadd.s32 v53, v24;
	vm12 =	vlt.s32 v25, $0x3F  }
0x5ce: {  	v54, _, _ =	vpop (xrf0);
	v24 =	vadd.s32 $0xFFFFFFFF, v24;
	v25 =	vnsel vm12, $0x3F, v25  }
0x5cf: {  	v23 =	vadd.s32 v54, v23;
	vm1 =	vlt.s32 v24, $0x3F  }
0x5d0: {  	v13 =	vxor.u32 v13, v22;
	[tilespmem:v21+s15+$0x0] =	vst.idx.msk @p1 vm10, v19;
	v55 =	vadd.s32 $0xFFFFFFFF, v23;
	v56 =	vnsel vm1, $0x3F, v24  }
0x5d1: {  	v12 =	vadd.s32 v2, v12;
	vm2 =	vlt.s32 v55, $0x3F;
	[tilespmem:v26+s14+$0x0] =	vst.idx.msk vm15, v13  }
0x5d2: {  	v57 =	vxor.u32 v14, v28;
	v58 =	vnsel vm2, $0x3F, v55;
	[tilespmem:v26+s15+$0x0] =	vst.idx.msk vm15, v12  }
0x5d3: {  	v59 =	vand.u32 $0x7FFFFFFF, v30;
	v17 =	vadd.s32 v2, v17;
	[tilespmem:v25+s14+$0x0] =	vst.idx.msk vm11, v57  }
.Ltmp98:
0x5d4: {  	v12 =	vxor.u32 v15, v59;
	[tilespmem:v25+s15+$0x0] =	vst.idx.msk vm11, v17;
	(pc) =	sbr.rel .LBB2_86-.Ltmp98, $4  }
0x5d5: {  	v60 =	vand.u32 $0x7FFFFFFF, v29;
	v61 =	vadd.s32 v2, v18;
	[tilespmem:v56+s14+$0x0] =	vst.idx.msk vm3, v12  }
0x5d6: {  	v62 =	vxor.u32 v16, v60;
	[tilespmem:v56+s15+$0x0] =	vst.idx.msk vm3, v61  }
0x5d7: {  	v63 =	vadd.s32 v2, v20;
	[tilespmem:v58+s14+$0x0] =	vst.idx.msk vm4, v62  }
0x5d8: {  	vm13 =	vmmov vm3;
	vm14 =	vmmov vm4;
	[tilespmem:v58+s15+$0x0] =	vst.idx.msk vm4, v63  }
.LBB2_85:
0x5d9: {  	v11 =	vimm.s32 $0x0  }
.LBB2_86:
.Ltmp99:
0x5da: {  	(pc) =	sbr.rel @p0 .LBB2_88-.Ltmp99, $1  }
0x5db: {  	_ =	sdelay $0x3  }
.LBB2_87:
0x5dc: {  	v12 =	vld [tilespmem:s22+$0x0]  }
0x5dd: {  	v13 =	vld [tilespmem:s23+$0x0];
	_ =	sdelay $0x4  }
0x5de: {  	vm0 =	veq.s32 v12, v9;
	vm1 =	vle.s32 v13, v10  }
0x5df: {  	v14 =	vor.u32 s24, v4;
	vm2 =	vgt.s32 v12, v9;
	vm0 =	vmand vm0, vm1  }
0x5e0: {  	vm14 =	vlt.s32 v14, v8;
	vm0 =	vmor vm2, vm0  }
0x5e1: {  	vm0 =	vmand vm14, vm0  }
0x5e2: {  	v61 =	vsel vm0, $0x1, v5  }
0x5e3: {  	(xrf0) =	vadd.scan.msk.s32 $0xffff, v61;
	_ =	sdelay $0x5  }
0x5e4: {  	v14, _, _ =	vpop (xrf0)  }
0x5e5: {  	v14 =	vadd.s32 v14, v11  }
0x5e6: {  	v14 =	vadd.s32 $0xFFFFFFFF, v14  }
0x5e7: {  	vm15 =	vlt.s32 v14, $0x3F  }
0x5e8: {  	s21 =	sadd.s32 $0x1, s21;
	v14 =	vnsel vm15, $0x3F, v14  }
0x5e9: {  	p0 =	slt.s32 s21, s20  }
.Ltmp100:
0x5ea: {  	v15 =	vshra.s32 v12, $0x1F;
	(pc) =	sbr.rel @p0 .LBB2_87-.Ltmp100, $4  }
0x5eb: {  	v15 =	vand.u32 $0x7FFFFFFF, v15  }
0x5ec: {  	v12 =	vxor.u32 v12, v15;
	v62 =	vmpcnt.ones.xlane vm0  }
0x5ed: {  	v63 =	vadd.s32 v2, v13;
	[tilespmem:v14+s14+$0x0] =	vst.idx.msk vm0, v12  }
0x5ee: {  	s22 =	sadd.s32 $0x10, s22;
	s23 =	sadd.s32 $0x10, s23;
	s24 =	sadd.s32 $0x10, s24;
	v11 =	vadd.s32 v11, v62;
	[tilespmem:v14+s15+$0x0] =	vst.idx.msk vm0, v63  }
.LBB2_88:
0x5ef: {  	[hbm4b:s3+s16] =	stream.indirect.scatter [tilespmem:s14], [sflag:$0x1], $0x1, s15, s16, $0xb8;
	[tilespmem:$0x16100] =	vst v63  }
0x5f0: {  	_ =	swait.ge [sflag:s17], $0x40  }
0x5f1: {  	[sflag:s17] =	ssyncset.done $0x0  }
0x5f2: {  	[sflag:s17] =	ssyncadd.s32 $0xFFFFFFC0  }
0x5f3: {  	_ =	swait.ge [sflag:s18], $0x8000  }
0x5f4: {  	[sflag:s18] =	ssyncset.done $0x0  }
0x5f5: {  	s0 =	simm.s32 $0x12040;
	[sflag:s18] =	ssyncadd.s32 $0xFFFF8000  }
0x5f6: {  	[tilespmem:s0+$0xFFFFFFC0] =	vst v5  }
0x5f7: {  	[tilespmem:s0+$0x30] =	vst v5  }
0x5f8: {  	[tilespmem:s0+$0x20] =	vst v5  }
0x5f9: {  	[tilespmem:s0+$0x10] =	vst v5  }
0x5fa: {  	[tilespmem:s0+$0x0] =	vst v5  }
0x5fb: {  	[tilespmem:s0+$0xFFFFFFF0] =	vst v5  }
0x5fc: {  	s1 =	simm.s32 $0x0;
	[tilespmem:s0+$0xFFFFFFE0] =	vst v5  }
.LBB2_89:
0x5fd: {  	s1 =	sadd.s32 $0x8, s1;
	[tilespmem:s0+$0xFFFFFFD0] =	vst v5;
	s0 =	sadd.s32 $0x80, s0  }
0x5fe: {  	[tilespmem:s0+$0xFFFFFFC0] =	vst v5;
	p0 =	slt.u32 s1, $0x3F8  }
0x5ff: {  	[tilespmem:s0+$0x30] =	vst v5  }
.Ltmp101:
0x600: {  	[tilespmem:s0+$0x20] =	vst v5;
	(pc) =	sbr.rel @p0 .LBB2_89-.Ltmp101, $4  }
0x601: {  	[tilespmem:s0+$0x10] =	vst v5  }
0x602: {  	[tilespmem:s0+$0x0] =	vst v5  }
0x603: {  	[tilespmem:s0+$0xFFFFFFF0] =	vst v5  }
0x604: {  	s20 =	simm.s32 $0x8100;
	[tilespmem:s0+$0xFFFFFFE0] =	vst v5  }
0x605: {  	[tilespmem:s0+$0xFFFFFFD0] =	vst v5  }
0x606: {  	v8 =	vld [tilespmem:s20+$0x40]  }
0x607: {  	v18 =	vld [tilespmem:s20+$0xFFFFFF20]  }
0x608: {  	v19 =	vld [tilespmem:s20+$0xFFFFFF30]  }
0x609: {  	v20 =	vld [tilespmem:s20+$0xFFFFFF40]  }
0x60a: {  	v21 =	vld [tilespmem:s20+$0xFFFFFF50]  }
0x60b: {  	v22 =	vld [tilespmem:s20+$0xFFFFFF60]  }
0x60c: {  	v23 =	vld [tilespmem:s20+$0xFFFFFF70]  }
0x60d: {  	v24 =	vld [tilespmem:s20+$0xFFFFFF80]  }
0x60e: {  	s23 =	simm.s32 $0x140;
	v25 =	vld [tilespmem:s20+$0xFFFFFFB0]  }
0x60f: {  	s1 =	sor.u32 $0x50, s23;
	v26 =	vld [tilespmem:s20+$0xFFFFFFC0]  }
0x610: {  	s24 =	sor.u32 $0x60, s23;
	v9 =	vld [tilespmem:s1+$0x8000]  }
0x611: {  	s4 =	simm.s32 $0xC0;
	s0 =	sor.u32 $0x70, s23;
	v10 =	vld [tilespmem:s24+$0x8000]  }
0x612: {  	s26 =	sor.u32 $0x60, s4;
	v11 =	vld [tilespmem:s0+$0x8000]  }
0x613: {  	s28 =	simm.s32 $0x1C0;
	s25 =	sor.u32 $0x50, s4;
	s4 =	sor.u32 $0x70, s4;
	v13 =	vld [tilespmem:s26+$0x8000]  }
0x614: {  	s30 =	sor.u32 $0x60, s28;
	v14 =	vld [tilespmem:s4+$0x8000]  }
0x615: {  	s31 =	sor.u32 $0x70, s28;
	v16 =	vld [tilespmem:s30+$0x8000]  }
0x616: {  	v17 =	vld [tilespmem:s31+$0x8000]  }
0x617: {  	v12 =	vld [tilespmem:s25+$0x8000]  }
0x618: {  	v8 =	vmax.f32 v8, v9;
	v9 =	vmax.f32 v10, v11;
	v10 =	vld [tilespmem:s20+$0xFFFFFF90]  }
0x619: {  	v8 =	vmax.f32 v8, v9;
	v9 =	vld [tilespmem:s20+$0xFFFFFFA0]  }
0x61a: {  	v53 =	vld [tilespmem:s20+$0x10];
	v18 =	vmax.f32 v18, v19;
	v13 =	vmax.f32 v13, v14  }
0x61b: {  	v55 =	vld [tilespmem:s20+$0x20];
	v14 =	vmax.f32 v16, v17;
	v16 =	vmax.f32 v20, v21;
	v17 =	vmax.f32 v22, v23  }
0x61c: {  	v56 =	vld [tilespmem:s20+$0x80];
	v12 =	vmax.f32 v26, v12;
	v16 =	vmax.f32 v16, v17;
	v11 =	vshra.s32 v8, $0x1F  }
0x61d: {  	v59 =	vld [tilespmem:s20+$0xA0];
	v12 =	vmax.f32 v12, v13;
	v54 =	vshra.s32 v16, $0x1F;
	v11 =	vand.u32 $0x7FC00000, v11  }
0x61e: {  	v8 =	vxor.u32 v8, v11;
	v11 =	vld [tilespmem:s20+$0x0];
	v10 =	vmax.f32 v24, v10;
	v9 =	vmax.f32 v9, v25  }
0x61f: {  	v58 =	vshra.s32 v12, $0x1F;
	v19 =	vand.u32 $0x7FC00000, v54;
	v9 =	vmax.f32 v10, v9;
	v10 =	vld [tilespmem:s20+$0x30]  }
0x620: {  	v61 =	vld [tilespmem:s20+$0xC0];
	v20 =	vand.u32 $0x7FC00000, v58;
	v16 =	vxor.u32 v16, v19;
	v8 =	vshra.s32 v8, $0x12  }
0x621: {  	v63 =	vld [tilespmem:s20+$0xFFFFFF00];
	v12 =	vxor.u32 v12, v20;
	v8 =	vand.u32 $0xFFFFFFF0, v8;
	v57 =	vshra.s32 v9, $0x1F  }
0x622: {  	v13 =	vld [tilespmem:s20+$0x90];
	v60 =	vadd.s32 v6, v8;
	v8 =	vshra.s32 v16, $0x12;
	v22 =	vand.u32 $0x7FC00000, v57  }
0x623: {  	s29 =	sor.u32 $0x50, s28;
	v16 =	vld [tilespmem:s20+$0xB0];
	v8 =	vand.u32 $0xFFFFFFF0, v8;
	v11 =	vmax.f32 v11, v53;
	v9 =	vxor.u32 v9, v22  }
0x624: {  	v15 =	vld [tilespmem:s29+$0x8000];
	v62 =	vadd.s32 v6, v8;
	v9 =	vshra.s32 v9, $0x12;
	v10 =	vmax.f32 v55, v10  }
0x625: {  	v17 =	vld [tilespmem:s20+$0xFFFFFF10];
	v8 =	vand.u32 $0xFFFFFFF0, v9;
	v9 =	vshra.s32 v12, $0x12;
	v11 =	vmax.f32 v11, v10  }
0x626: {  	v9 =	vand.u32 $0xFFFFFFF0, v9;
	v10 =	vshra.s32 v11, $0x1F  }
0x627: {  	v12 =	vmax.f32 v56, v13;
	v13 =	vand.u32 $0x7FC00000, v10;
	v10 =	vadd.s32 v6, v9  }
0x628: {  	v8 =	vadd.s32 v6, v8;
	v9 =	vxor.u32 v11, v13;
	v11 =	vmax.f32 v59, v16  }
0x629: {  	v9 =	vshra.s32 v9, $0x12;
	v11 =	vmax.f32 v12, v11;
	v12 =	vmax.f32 v61, v15  }
0x62a: {  	[tilespmem:v60+s11+$0x0] =	vst.idx.add.s32.msk $0xffff, v7;
	v15 =	vmax.f32 v63, v17;
	v16 =	vshra.s32 v11, $0x1F;
	v13 =	vmax.f32 v12, v14  }
0x62b: {  	s21 =	simm.s32 $0x0;
	s23 =	simm.s32 $0x3C0;
	[tilespmem:v62+s11+$0x0] =	vst.idx.add.s32.msk $0xffff, v7;
	v12 =	vmax.f32 v15, v18;
	v14 =	vand.u32 $0x7FC00000, v16;
	v15 =	vshra.s32 v13, $0x1F  }
.LBB2_91:
0x62c: {  	s0 =	sadd.s32 $0xFFFFFF00, s23;
	s1 =	sadd.s32 $0xFFFFFF80, s23;
	v16 =	vshra.s32 v12, $0x1F;
	[tilespmem:v10+s11+$0x0] =	vst.idx.add.s32.msk $0xffff, v7;
	v10 =	vxor.u32 v11, v14;
	v11 =	vand.u32 $0x7FC00000, v15;
	s20 =	sadd.s32 $0x200, s20  }
0x62d: {  	s4 =	sor.u32 $0x50, s0;
	s5 =	sor.u32 $0x60, s0;
	v14 =	vld [tilespmem:s20+$0x40];
	s10 =	sor.u32 $0x50, s1;
	v15 =	vand.u32 $0x7FC00000, v16;
	v10 =	vshra.s32 v10, $0x12;
	v11 =	vxor.u32 v13, v11  }
0x62e: {  	s21 =	sadd.s32 $0x8, s21;
	v9 =	vand.u32 $0xFFFFFFF0, v9;
	s0 =	sor.u32 $0x70, s0;
	v13 =	vld [tilespmem:s10+$0x8000];
	s10 =	sor.u32 $0x60, s1;
	v12 =	vxor.u32 v12, v15;
	v11 =	vshra.s32 v11, $0x12  }
0x62f: {  	p0 =	slt.u32 s21, $0x1F8;
	s1 =	sor.u32 $0x70, s1;
	v10 =	vand.u32 $0xFFFFFFF0, v10;
	v15 =	vld [tilespmem:s10+$0x8000];
	s10 =	sor.u32 $0x50, s23;
	v12 =	vshra.s32 v12, $0x12;
	v11 =	vand.u32 $0xFFFFFFF0, v11  }
0x630: {  	s22 =	sor.u32 $0x70, s23;
	v17 =	vadd.s32 v6, v9;
	v16 =	vld [tilespmem:s1+$0x8000];
	s1 =	sor.u32 $0x60, s23;
	v12 =	vand.u32 $0xFFFFFFF0, v12;
	v9 =	vadd.s32 v6, v11  }
0x631: {  	v18 =	vadd.s32 v6, v10;
	v11 =	vld [tilespmem:s4+$0x8000];
	v12 =	vadd.s32 v6, v12  }
0x632: {  	v10 =	vld [tilespmem:s5+$0x8000]  }
0x633: {  	v19 =	vld [tilespmem:s0+$0x8000]  }
0x634: {  	v20 =	vld [tilespmem:s10+$0x8000]  }
0x635: {  	v13 =	vmax.f32 v14, v13;
	v14 =	vmax.f32 v15, v16;
	v15 =	vld [tilespmem:s1+$0x8000]  }
0x636: {  	v13 =	vmax.f32 v13, v14;
	v14 =	vld [tilespmem:s22+$0x8000]  }
0x637: {  	v16 =	vld [tilespmem:s20+$0xFFFFFF10];
	v21 =	vshra.s32 v13, $0x1F  }
0x638: {  	v22 =	vld [tilespmem:s20+$0xFFFFFF20];
	v10 =	vmax.f32 v10, v19;
	v19 =	vand.u32 $0x7FC00000, v21  }
0x639: {  	v21 =	vld [tilespmem:s20+$0xFFFFFF30];
	v13 =	vxor.u32 v13, v19  }
0x63a: {  	v19 =	vld [tilespmem:s20+$0xFFFFFF40];
	v13 =	vshra.s32 v13, $0x12  }
0x63b: {  	v23 =	vld [tilespmem:s20+$0xFFFFFF50];
	v13 =	vand.u32 $0xFFFFFFF0, v13;
	v14 =	vmax.f32 v15, v14  }
0x63c: {  	v15 =	vld [tilespmem:s20+$0xFFFFFF60];
	v13 =	vadd.s32 v6, v13  }
0x63d: {  	v24 =	vld [tilespmem:s20+$0xFFFFFF70]  }
0x63e: {  	v21 =	vmax.f32 v22, v21;
	v22 =	vld [tilespmem:s20+$0xFFFFFF80]  }
0x63f: {  	v25 =	vld [tilespmem:s20+$0xFFFFFF90]  }
0x640: {  	v19 =	vmax.f32 v19, v23;
	v23 =	vld [tilespmem:s20+$0xFFFFFFA0]  }
0x641: {  	s24 =	simm.s32 $0x0;
	s25 =	simm.s32 $0x15FF0;
	s22 =	simm.s32 $0x80000000;
	[tilespmem:v13+s11+$0x0] =	vst.idx.add.s32.msk $0xffff, v7  }
0x642: {  	v13 =	vmax.f32 v15, v24;
	v15 =	vld [tilespmem:s20+$0xFFFFFFB0]  }
0x643: {  	v13 =	vmax.f32 v19, v13;
	v19 =	vld [tilespmem:s20+$0xFFFFFFC0]  }
0x644: {  	v24 =	vshra.s32 v13, $0x1F;
	v22 =	vmax.f32 v22, v25;
	v25 =	vld [tilespmem:s20+$0x0]  }
0x645: {  	v24 =	vand.u32 $0x7FC00000, v24;
	v26 =	vld [tilespmem:s20+$0x10]  }
0x646: {  	v13 =	vxor.u32 v13, v24;
	v24 =	vld [tilespmem:s20+$0x20]  }
0x647: {  	v13 =	vshra.s32 v13, $0x12;
	v15 =	vmax.f32 v23, v15;
	v23 =	vld [tilespmem:s20+$0x30]  }
0x648: {  	v13 =	vand.u32 $0xFFFFFFF0, v13;
	v15 =	vmax.f32 v22, v15;
	v11 =	vmax.f32 v19, v11;
	v19 =	vld [tilespmem:s20+$0x80]  }
0x649: {  	v13 =	vadd.s32 v6, v13;
	v22 =	vshra.s32 v15, $0x1F;
	v10 =	vmax.f32 v11, v10;
	v11 =	vld [tilespmem:s20+$0x90]  }
0x64a: {  	v22 =	vand.u32 $0x7FC00000, v22;
	v27 =	vshra.s32 v10, $0x1F;
	v25 =	vmax.f32 v25, v26;
	v26 =	vld [tilespmem:s20+$0xA0]  }
0x64b: {  	v15 =	vxor.u32 v15, v22;
	v22 =	vand.u32 $0x7FC00000, v27;
	v27 =	vld [tilespmem:s20+$0xB0]  }
0x64c: {  	v15 =	vshra.s32 v15, $0x12;
	v10 =	vxor.u32 v10, v22;
	v22 =	vmax.f32 v24, v23;
	v23 =	vld [tilespmem:s20+$0xC0]  }
0x64d: {  	v24 =	vld [tilespmem:s20+$0xFFFFFF00];
	v15 =	vand.u32 $0xFFFFFFF0, v15;
	v10 =	vshra.s32 v10, $0x12;
	v22 =	vmax.f32 v25, v22  }
0x64e: {  	v10 =	vand.u32 $0xFFFFFFF0, v10;
	v25 =	vshra.s32 v22, $0x1F;
	v11 =	vmax.f32 v19, v11;
	[tilespmem:v9+s11+$0x0] =	vst.idx.add.s32.msk $0xffff, v7  }
.Ltmp102:
0x64f: {  	v19 =	vadd.s32 v6, v15;
	v10 =	vadd.s32 v6, v10;
	v9 =	vand.u32 $0x7FC00000, v25;
	[tilespmem:v12+s11+$0x0] =	vst.idx.add.s32.msk $0xffff, v7;
	(pc) =	sbr.rel @p0 .LBB2_91-.Ltmp102, $4  }
0x650: {  	[tilespmem:v13+s11+$0x0] =	vst.idx.add.s32.msk $0xffff, v7;
	v9 =	vxor.u32 v22, v9;
	v12 =	vmax.f32 v26, v27  }
0x651: {  	v9 =	vshra.s32 v9, $0x12;
	v11 =	vmax.f32 v11, v12;
	v12 =	vmax.f32 v23, v20;
	[tilespmem:v8+s11+$0x0] =	vst.idx.add.s32.msk $0xffff, v7  }
0x652: {  	v16 =	vmax.f32 v24, v16;
	v15 =	vshra.s32 v11, $0x1F;
	v13 =	vmax.f32 v12, v14;
	[tilespmem:v17+s11+$0x0] =	vst.idx.add.s32.msk $0xffff, v7  }
0x653: {  	s23 =	sadd.s32 $0x200, s23;
	v8 =	vmovc v19;
	v12 =	vmax.f32 v16, v21;
	v14 =	vand.u32 $0x7FC00000, v15;
	v15 =	vshra.s32 v13, $0x1F;
	[tilespmem:v18+s11+$0x0] =	vst.idx.add.s32.msk $0xffff, v7  }
0x654: {  	v16 =	vshra.s32 v12, $0x1F;
	v15 =	vand.u32 $0x7FC00000, v15  }
0x655: {  	v11 =	vxor.u32 v11, v14;
	v9 =	vand.u32 $0xFFFFFFF0, v9;
	v16 =	vand.u32 $0x7FC00000, v16  }
0x656: {  	v13 =	vxor.u32 v13, v15;
	v11 =	vshra.s32 v11, $0x12;
	v9 =	vadd.s32 v6, v9  }
0x657: {  	v62 =	vxor.u32 v12, v16;
	v13 =	vshra.s32 v13, $0x12;
	v11 =	vand.u32 $0xFFFFFFF0, v11  }
0x658: {  	v12 =	vshra.s32 v62, $0x12;
	v13 =	vand.u32 $0xFFFFFFF0, v13;
	v63 =	vadd.s32 v6, v11  }
0x659: {  	v12 =	vand.u32 $0xFFFFFFF0, v12;
	v13 =	vadd.s32 v6, v13  }
0x65a: {  	[tilespmem:v10+s11+$0x0] =	vst.idx.add.s32.msk $0xffff, v7;
	v12 =	vadd.s32 v6, v12  }
0x65b: {  	[tilespmem:v8+s11+$0x0] =	vst.idx.add.s32.msk $0xffff, v7  }
0x65c: {  	[tilespmem:v9+s11+$0x0] =	vst.idx.add.s32.msk $0xffff, v7  }
0x65d: {  	[tilespmem:v63+s11+$0x0] =	vst.idx.add.s32.msk $0xffff, v7  }
0x65e: {  	[tilespmem:v13+s11+$0x0] =	vst.idx.add.s32.msk $0xffff, v7  }
0x65f: {  	[tilespmem:v12+s11+$0x0] =	vst.idx.add.s32.msk $0xffff, v7  }
.LBB2_93:
0x660: {  	v8 =	vld [tilespmem:s25+$0x0];
	_ =	sdelay $0x4  }
0x661: {  	(xrf0) =	vadd.scan.msk.s32 $0xffff, v8;
	_ =	sdelay $0x5  }
0x662: {  	v8, _, _ =	vpop (xrf0)  }
0x663: {  	(v2sf) =	vpush v8, $0xF;
	_ =	sdelay $0xe  }
0x664: {  	s0 =	spop (v2sf)  }
0x665: {  	s24 =	sadd.s32 s24, s0  }
0x666: {  	p0 =	slt.s32 s24, $0x40  }
.Ltmp103:
0x667: {  	_ = 	snop;
	(pc) =	sbr.rel @p0 .LBB2_93-.Ltmp103, $2  }
0x668: {  	_ =	sdelay $0x2  }
0x669: {  	s25 =	sadd.s32 $0xFFFFFFF0, s25;
	s22 =	sadd.s32 $0xFFC00000, s22  }
0x66a: {  	s0 =	simm.s32 $0x8040  }
0x66b: {  	v8 =	vld [tilespmem:s0+$0xFFFFFFC0]  }
0x66c: {  	v11 =	vld [tilespmem:s0+$0x30]  }
0x66d: {  	v12 =	vld [tilespmem:s0+$0x20]  }
0x66e: {  	v9 =	vld [tilespmem:s0+$0x0]  }
0x66f: {  	v14 =	vld [tilespmem:s0+$0xFFFFFFE0]  }
0x670: {  	v13 =	vld [tilespmem:s0+$0xFFFFFFD0];
	v10 =	vshra.s32 v8, $0x1F  }
0x671: {  	v15 =	vand.u32 $0x7FFFFFFF, v10  }
0x672: {  	v16 =	vimm.s32 $0x0;
	v10 =	vmov s22;
	v15 =	vxor.u32 v8, v15  }
0x673: {  	v17 =	vld [tilespmem:s0+$0xFFFFFFF0];
	v18 =	vshra.s32 v11, $0x1F;
	v19 =	vshra.s32 v9, $0x1F;
	vm7 =	vge.s32 v15, v10  }
0x674: {  	v21 =	vshra.s32 v14, $0x1F;
	v19 =	vand.u32 $0x7FFFFFFF, v19;
	v20 =	vmpcnt.ones.xlane vm7  }
0x675: {  	v22 =	vld [tilespmem:s0+$0x10];
	v23 =	vshra.s32 v13, $0x1F;
	v8 =	vshra.s32 v12, $0x1F;
	v9 =	vxor.u32 v9, v19  }
0x676: {  	v8 =	vand.u32 $0x7FFFFFFF, v8;
	v19 =	vadd.s32 v16, v20;
	v20 =	vand.u32 $0x7FFFFFFF, v23  }
0x677: {  	vm0 =	vge.s32 v9, v10;
	v8 =	vxor.u32 v12, v8;
	v20 =	vxor.u32 v13, v20  }
0x678: {  	v12 =	vshra.s32 v17, $0x1F;
	v13 =	vsel vm0, $0x1, v5;
	vm5 =	vge.s32 v20, v10  }
0x679: {  	v18 =	vand.u32 $0x7FFFFFFF, v18;
	v12 =	vand.u32 $0x7FFFFFFF, v12;
	(xrf0) =	vadd.scan.msk.s32 $0xffff, v13;
	v23 =	vsel vm5, $0x1, v5  }
0x67a: {  	v21 =	vand.u32 $0x7FFFFFFF, v21;
	v12 =	vxor.u32 v17, v12;
	v17 =	vshra.s32 v22, $0x1F;
	(xrf0) =	vadd.scan.msk.s32 $0xffff, v23  }
0x67b: {  	v14 =	vxor.u32 v14, v21;
	v13 =	vand.u32 $0x7FFFFFFF, v17;
	v17 =	vsel vm7, $0x1, v5  }
0x67c: {  	v11 =	vxor.u32 v11, v18;
	vm6 =	vge.s32 v14, v10;
	vm2 =	vge.s32 v12, v10;
	(xrf0) =	vadd.scan.msk.s32 $0xffff, v17  }
0x67d: {  	vm3 =	vge.s32 v11, v10;
	v13 =	vxor.u32 v22, v13;
	v17 =	vsel vm2, $0x1, v5  }
0x67e: {  	v21 =	vmpcnt.ones.xlane vm6;
	vm4 =	vge.s32 v13, v10;
	(xrf0) =	vadd.scan.msk.s32 $0xffff, v17;
	v17 =	vsel vm6, $0x1, v5  }
0x67f: {  	s31 =	simm.s32 $0x0;
	v61 =	vmpcnt.ones.xlane vm3;
	vm1 =	vge.s32 v8, v10;
	v18 =	vsel vm4, $0x1, v5;
	(xrf0) =	vadd.scan.msk.s32 $0xffff, v17;
	v25, _, _ =	vpop (xrf0)  }
0x680: {  	v60 =	vor.u32 s31, v4;
	v59 =	vmpcnt.ones.xlane vm1;
	v24 =	vmpcnt.ones.xlane vm5;
	(xrf0) =	vadd.scan.msk.s32 $0xffff, v18;
	v27, _, _ =	vpop (xrf0)  }
0x681: {  	v58 =	vmpcnt.ones.xlane vm2;
	v23 =	vmpcnt.ones.xlane vm0;
	v18 =	vadd.s32 v27, v19  }
0x682: {  	v22 =	vadd.s32 v19, v24;
	v17 =	vsel vm1, $0x1, v5;
	v19, _, _ =	vpop (xrf0);
	v18 =	vadd.s32 $0xFFFFFFFF, v18  }
0x683: {  	v26 =	vmpcnt.ones.xlane vm4;
	(xrf0) =	vadd.scan.msk.s32 $0xffff, v17;
	v16 =	vadd.s32 v19, v16;
	v19 =	vsel vm3, $0x1, v5  }
0x684: {  	v21 =	vadd.s32 v22, v21;
	v29, _, _ =	vpop (xrf0);
	v28 =	vadd.s32 $0xFFFFFFFF, v16;
	vm8 =	vlt.s32 v18, $0xFFF;
	(xrf0) =	vadd.scan.msk.s32 $0xffff, v19  }
0x685: {  	v24 =	vadd.s32 v21, v58;
	vm9 =	vlt.s32 v28, $0xFFF;
	v17 =	vnsel vm8, $0xFFF, v18;
	v18, _, _ =	vpop (xrf0)  }
0x686: {  	s30 =	simm.s32 $0x10;
	v28 =	vnsel vm9, $0xFFF, v28;
	v18 =	vadd.s32 v18, v22;
	v22 =	vadd.s32 v24, v23;
	v23, _, _ =	vpop (xrf0)  }
0x687: {  	v16 =	vor.u32 s30, v4;
	v23 =	vadd.s32 v23, v22;
	v22 =	vadd.s32 v22, v26  }
0x688: {  	v19 =	vadd.s32 v29, v21;
	v21 =	vadd.s32 v25, v24;
	v18 =	vadd.s32 $0xFFFFFFFF, v18  }
0x689: {  	v63, _, _ =	vpop (xrf0);
	vm8 =	vlt.s32 v18, $0xFFF;
	v62 =	vadd.s32 $0xFFFFFFFF, v23;
	v26 =	vadd.s32 v22, v59  }
0x68a: {  	[tilespmem:v17+s12+$0x0] =	vst.idx.msk vm5, v20;
	v23 =	vnsel vm8, $0xFFF, v18;
	vm8 =	vlt.s32 v62, $0xFFF;
	v18 =	vadd.s32 v63, v22;
	v22, _, _ =	vpop (xrf0)  }
0x68b: {  	s20 =	simm.s32 $0x70;
	[tilespmem:v28+s12+$0x0] =	vst.idx.msk vm7, v15;
	v20 =	vnsel vm8, $0xFFF, v62;
	v18 =	vadd.s32 $0xFFFFFFFF, v18;
	v15 =	vadd.s32 v22, v26  }
0x68c: {  	s21 =	simm.s32 $0x0;
	s24 =	simm.s32 $0x80C0;
	s23 =	simm.s32 $0x70;
	[tilespmem:v28+s13+$0x0] =	vst.idx.msk vm7, v60;
	vm7 =	vlt.s32 v18, $0xFFF;
	v22 =	vadd.s32 $0xFFFFFFFF, v15;
	v15 =	vadd.s32 v26, v61  }
.LBB2_95:
0x68d: {  	v24 =	vld [tilespmem:s24+$0xFFFFFFC0];
	s21 =	sadd.s32 $0x8, s21;
	[tilespmem:v17+s13+$0x0] =	vst.idx.msk vm5, v16;
	v16 =	vadd.s32 $0xFFFFFFFF, v19;
	v17 =	vadd.s32 $0xFFFFFFFF, v21;
	s20 =	sadd.s32 $0x80, s20  }
0x68e: {  	s0 =	sadd.s32 $0xFFFFFFB0, s23;
	v19 =	vld [tilespmem:s24+$0x30];
	p0 =	slt.u32 s21, $0x7F8;
	vm5 =	vlt.s32 v16, $0xFFF;
	vm8 =	vlt.s32 v17, $0xFFF  }
0x68f: {  	v21 =	vld [tilespmem:s24+$0x20];
	[tilespmem:v23+s12+$0x0] =	vst.idx.msk vm6, v14;
	v14 =	vor.u32 s0, v4;
	v16 =	vnsel vm5, $0xFFF, v16;
	v17 =	vnsel vm8, $0xFFF, v17;
	s0 =	sadd.s32 $0xFFFFFFF0, s23  }
0x690: {  	s1 =	sadd.s32 $0xFFFFFFD0, s23;
	s4 =	sadd.s32 $0xFFFFFFE0, s23;
	v25 =	vld [tilespmem:s24+$0x0];
	[tilespmem:v23+s13+$0x0] =	vst.idx.msk vm6, v14;
	v14 =	vor.u32 s0, v4;
	v23 =	vor.u32 s23, v4  }
0x691: {  	v27 =	vor.u32 s1, v4;
	s0 =	sadd.s32 $0xFFFFFFC0, s23;
	s23 =	smov.u32 s20;
	v26 =	vld [tilespmem:s24+$0xFFFFFFE0];
	[tilespmem:v20+s12+$0x0] =	vst.idx.msk vm4, v13;
	v13 =	vor.u32 s4, v4  }
0x692: {  	v30 =	vor.u32 s0, v4;
	v28 =	vshra.s32 v24, $0x1F;
	v29 =	vld [tilespmem:s24+$0xFFFFFFD0];
	[tilespmem:v20+s13+$0x0] =	vst.idx.msk vm4, v13;
	vm4 =	vlt.s32 v22, $0xFFF  }
0x693: {  	v18 =	vnsel vm7, $0xFFF, v18;
	v13 =	vand.u32 $0x7FFFFFFF, v28;
	v20 =	vld [tilespmem:s24+$0xFFFFFFF0];
	v22 =	vnsel vm4, $0xFFF, v22  }
0x694: {  	v28 =	vshra.s32 v19, $0x1F;
	v24 =	vxor.u32 v24, v13;
	v13 =	vshra.s32 v21, $0x1F;
	[tilespmem:v16+s12+$0x0] =	vst.idx.msk vm2, v12  }
0x695: {  	vm7 =	vge.s32 v24, v10;
	v12 =	vshra.s32 v25, $0x1F;
	v13 =	vand.u32 $0x7FFFFFFF, v13;
	[tilespmem:v16+s13+$0x0] =	vst.idx.msk vm2, v30  }
0x696: {  	v16 =	vmpcnt.ones.xlane vm7;
	v30 =	vshra.s32 v26, $0x1F;
	v12 =	vand.u32 $0x7FFFFFFF, v12;
	v31 =	vld [tilespmem:s24+$0x10];
	[tilespmem:v17+s12+$0x0] =	vst.idx.msk vm0, v9  }
0x697: {  	v32 =	vshra.s32 v29, $0x1F;
	v9 =	vxor.u32 v25, v12;
	v12 =	vxor.u32 v21, v13;
	[tilespmem:v17+s13+$0x0] =	vst.idx.msk vm0, v27  }
0x698: {  	v16 =	vadd.s32 v15, v16;
	v13 =	vshra.s32 v20, $0x1F;
	vm0 =	vge.s32 v9, v10;
	[tilespmem:v18+s12+$0x0] =	vst.idx.msk vm1, v8  }
0x699: {  	v21 =	vand.u32 $0x7FFFFFFF, v28;
	v17 =	vand.u32 $0x7FFFFFFF, v32;
	v8 =	vmovc v12;
	v13 =	vand.u32 $0x7FFFFFFF, v13;
	[tilespmem:v22+s12+$0x0] =	vst.idx.msk vm3, v11  }
0x69a: {  	v25 =	vxor.u32 v29, v17;
	v11 =	vsel vm0, $0x1, v5;
	v12 =	vxor.u32 v20, v13;
	[tilespmem:v22+s13+$0x0] =	vst.idx.msk vm3, v23  }
0x69b: {  	vm5 =	vge.s32 v25, v10;
	vm2 =	vge.s32 v12, v10;
	v13 =	vshra.s32 v31, $0x1F;
	[tilespmem:v18+s13+$0x0] =	vst.idx.msk vm1, v14  }
0x69c: {  	v14 =	vsel vm5, $0x1, v5;
	v17 =	vmpcnt.ones.xlane vm5;
	v13 =	vand.u32 $0x7FFFFFFF, v13;
	(xrf0) =	vadd.scan.msk.s32 $0xffff, v11  }
0x69d: {  	v20 =	vand.u32 $0x7FFFFFFF, v30;
	v18 =	vsel vm7, $0x1, v5;
	v13 =	vxor.u32 v31, v13;
	(xrf0) =	vadd.scan.msk.s32 $0xffff, v14  }
0x69e: {  	v11 =	vxor.u32 v19, v21;
	v22 =	vadd.s32 v16, v17;
	vm4 =	vge.s32 v13, v10;
	(xrf0) =	vadd.scan.msk.s32 $0xffff, v18  }
0x69f: {  	v14 =	vxor.u32 v26, v20;
	v17 =	vsel vm2, $0x1, v5;
	v18 =	vsel vm4, $0x1, v5  }
0x6a0: {  	vm6 =	vge.s32 v14, v10;
	(xrf0) =	vadd.scan.msk.s32 $0xffff, v17  }
0x6a1: {  	v20 =	vmpcnt.ones.xlane vm0;
	v19 =	vmpcnt.ones.xlane vm6;
	v17 =	vsel vm6, $0x1, v5  }
0x6a2: {  	vm1 =	vge.s32 v8, v10;
	v28 =	vmpcnt.ones.xlane vm2;
	vm3 =	vge.s32 v11, v10;
	(xrf0) =	vadd.scan.msk.s32 $0xffff, v17;
	v23, _, _ =	vpop (xrf0)  }
0x6a3: {  	v26 =	vmpcnt.ones.xlane vm4;
	v19 =	vadd.s32 v22, v19;
	v17 =	vsel vm1, $0x1, v5;
	v27, _, _ =	vpop (xrf0);
	(xrf0) =	vadd.scan.msk.s32 $0xffff, v18  }
0x6a4: {  	v18 =	vadd.s32 v19, v28;
	v16 =	vadd.s32 v27, v16;
	v27 =	vmpcnt.ones.xlane vm1;
	v21, _, _ =	vpop (xrf0)  }
0x6a5: {  	s0 =	sadd.s32 $0xFFFFFFA0, s20;
	v28 =	vsel vm3, $0x1, v5;
	v15 =	vadd.s32 v21, v15;
	v21 =	vadd.s32 $0xFFFFFFFF, v16;
	(xrf0) =	vadd.scan.msk.s32 $0xffff, v17  }
0x6a6: {  	v16 =	vor.u32 s0, v4;
	v15 =	vadd.s32 $0xFFFFFFFF, v15;
	vm8 =	vlt.s32 v21, $0xFFF;
	v29, _, _ =	vpop (xrf0);
	(xrf0) =	vadd.scan.msk.s32 $0xffff, v28  }
0x6a7: {  	s0 =	sadd.s32 $0xFFFFFF90, s20;
	vm9 =	vlt.s32 v15, $0xFFF;
	v17 =	vnsel vm8, $0xFFF, v21;
	v19 =	vadd.s32 v29, v19  }
0x6a8: {  	v28 =	vor.u32 s0, v4;
	v21 =	vadd.s32 v23, v18;
	v15 =	vnsel vm9, $0xFFF, v15;
	v23, _, _ =	vpop (xrf0)  }
0x6a9: {  	v18 =	vadd.s32 v18, v20;
	v29 =	vmpcnt.ones.xlane vm3;
	v22 =	vadd.s32 v23, v22;
	v20, _, _ =	vpop (xrf0)  }
.Ltmp104:
0x6aa: {  	v30 =	vadd.s32 $0xFFFFFFFF, v22;
	v20 =	vadd.s32 v20, v18;
	v18 =	vadd.s32 v18, v26;
	(pc) =	sbr.rel @p0 .LBB2_95-.Ltmp104, $4  }
0x6ab: {  	vm8 =	vlt.s32 v30, $0xFFF;
	v20 =	vadd.s32 $0xFFFFFFFF, v20;
	v26 =	vadd.s32 v18, v27;
	v27, _, _ =	vpop (xrf0)  }
0x6ac: {  	[tilespmem:v17+s12+$0x0] =	vst.idx.msk vm5, v25;
	v23 =	vnsel vm8, $0xFFF, v30;
	vm8 =	vlt.s32 v20, $0xFFF;
	v18 =	vadd.s32 v27, v18;
	v22, _, _ =	vpop (xrf0)  }
0x6ad: {  	[tilespmem:v15+s12+$0x0] =	vst.idx.msk vm7, v24;
	v20 =	vnsel vm8, $0xFFF, v20;
	v18 =	vadd.s32 $0xFFFFFFFF, v18;
	v22 =	vadd.s32 v22, v26  }
0x6ae: {  	s24 =	sadd.s32 $0x80, s24;
	[tilespmem:v15+s13+$0x0] =	vst.idx.msk vm7, v28;
	vm7 =	vlt.s32 v18, $0xFFF;
	v22 =	vadd.s32 $0xFFFFFFFF, v22;
	v15 =	vadd.s32 v26, v29  }
0x6af: {  	v10 =	vxor.u32 $0x80000000, v15  }
0x6b0: {  	(xrf0) =	vmax.scan.msk.u32 $0xffff, v10;
	_ =	sdelay $0x5  }
0x6b1: {  	v10, _, _ =	vpop (xrf0)  }
0x6b2: {  	(v2sf) =	vpush v10, $0xF;
	_ =	sdelay $0xa  }
0x6b3: {  	[tilespmem:v17+s13+$0x0] =	vst.idx.msk vm5, v16;
	v58 =	vadd.s32 $0xFFFFFFFF, v21;
	vm15 =	vlt.s32 v22, $0xFFF;
	v61 =	vnsel vm7, $0xFFF, v18  }
0x6b4: {  	s0 =	sadd.s32 $0xFFFFFFB0, s23;
	[tilespmem:v23+s12+$0x0] =	vst.idx.msk vm6, v14;
	vm14 =	vlt.s32 v58, $0xFFF;
	v63 =	vnsel vm15, $0xFFF, v22  }
0x6b5: {  	s25 =	sadd.s32 $0xFFFFFFE0, s23;
	[tilespmem:v20+s12+$0x0] =	vst.idx.msk vm4, v13;
	v59 =	vor.u32 s0, v4;
	v15 =	vnsel vm14, $0xFFF, v58  }
0x6b6: {  	v60 =	vor.u32 s25, v4;
	[tilespmem:v23+s13+$0x0] =	vst.idx.msk vm6, v59;
	v10 =	vadd.s32 $0xFFFFFFFF, v19  }
0x6b7: {  	[tilespmem:v20+s13+$0x0] =	vst.idx.msk vm4, v60;
	vm8 =	vlt.s32 v10, $0xFFF;
	s1 =	spop (v2sf)  }
0x6b8: {  	[tilespmem:v61+s12+$0x0] =	vst.idx.msk vm1, v8;
	v10 =	vnsel vm8, $0xFFF, v10;
	s28 =	sadd.s32 $0x8000000F, s1  }
0x6b9: {  	[tilespmem:v63+s12+$0x0] =	vst.idx.msk vm3, v11;
	s20 =	sshra.s32 s28, $0x4  }
0x6ba: {  	s29 =	sadd.s32 $0xFFFFFFF0, s23;
	p0 =	sgt.s32 s22, $0x7F7FFFFF;
	v8 =	vor.u32 s23, v4;
	[tilespmem:v15+s12+$0x0] =	vst.idx.msk vm0, v9;
	s0 =	sshrl.u32 s20, $0x1E  }
.Ltmp105:
0x6bb: {  	v9 =	vor.u32 s29, v4;
	[tilespmem:v63+s13+$0x0] =	vst.idx.msk vm3, v8;
	s0 =	sadd.s32 s0, s20;
	(pc) =	sbr.rel @p0 .LBB2_103-.Ltmp105, $4  }
0x6bc: {  	s26 =	sadd.s32 $0xFFFFFFC0, s23;
	[tilespmem:v61+s13+$0x0] =	vst.idx.msk vm1, v9;
	s21 =	sand.u32 $0xFFFFFFFC, s0  }
0x6bd: {  	s4 =	sadd.s32 $0xFFFFFFD0, s23;
	v62 =	vor.u32 s26, v4;
	[tilespmem:v10+s12+$0x0] =	vst.idx.msk vm2, v12;
	s24 =	ssub.s32 s20, s21  }
0x6be: {  	[tilespmem:v10+s13+$0x0] =	vst.idx.msk vm2, v62;
	v10 =	vor.u32 s4, v4;
	s1 =	sxor.u32 $0x80000000, s1;
	s30 =	sshll.u32 s20, $0x6;
	s31 =	sshll.u32 s24, $0x6  }
0x6bf: {  	[tilespmem:v15+s13+$0x0] =	vst.idx.msk vm0, v10;
	v8 =	vmov s1;
	s25 =	sshll.u32 s20, $0x4;
	s23 =	ssub.s32 s30, s31  }
.Ltmp106:
0x6c0: {  	(pc) =	sbr.rel .LBB2_98-.Ltmp106, $4  }
0x6c1: {  	_ = 	snop  }
0x6c2: {  	s0 =	sshra.s32 s23, $0x2  }
0x6c3: {  	s1 =	sshll.u32 s24, $0x4;
	s29 =	simm.s32 $0x7F800000;
	p0 =	slt.s32 s21, $0x1  }
0x6c4: {  	p1 =	slt.s32 s24, $0x1;
	s26 =	sadd.s32 $0x10000, s0;
	s28 =	ssub.s32 s25, s1  }
.LBB2_102:
0x6c5: {  	(xrf0) =	vadd.scan.msk.s32 $0xffff, v10;
	_ =	sdelay $0x5  }
0x6c6: {  	v9, _, _ =	vpop (xrf0)  }
0x6c7: {  	(v2sf) =	vpush v9, $0xF;
	_ =	sdelay $0xe  }
0x6c8: {  	s0 =	spop (v2sf)  }
0x6c9: {  	p2 =	sgt.s32 s0, $0x3F;
	s0 =	sadd.s32 $0xFFFFFFFF, s30  }
0x6ca: {  	s22 =	smov.u32 @p2 s30;
	s0 =	smov.u32 @p2 s29  }
0x6cb: {  	p2 =	slt.s32 s22, s0  }
.Ltmp107:
0x6cc: {  	_ = 	snop;
	(pc) =	sbr.rel @!p2 .LBB2_103-.Ltmp107, $2  }
0x6cd: {  	_ =	sdelay $0x2  }
0x6ce: {  	s29 =	smov.u32 s0  }
.LBB2_98:
.Ltmp108:
0x6cf: {  	s0 =	ssub.s32 s29, s22;
	(pc) =	sbr.rel @p0 .LBB2_99-.Ltmp108, $4  }
0x6d0: {  	s0 =	sadd.s32 $0x1, s0  }
0x6d1: {  	s0 =	sshrl.u32 s0, $0x1  }
0x6d2: {  	s30 =	sadd.s32 s22, s0  }
0x6d3: {  	v10 =	vimm.s32 $0x0;
	v9 =	vmov s30  }
0x6d4: {  	s1 =	simm.s32 $0x10020  }
0x6d5: {  	v11 =	vld [tilespmem:s1+$0xFFFFFFE0];
	_ =	sdelay $0x2  }
0x6d6: {  	v12 =	vld [tilespmem:s1+$0x10]  }
0x6d7: {  	p2 =	sgt.s32 s21, $0x4;
	v13 =	vld [tilespmem:s1+$0xFFFFFFF0]  }
.Ltmp109:
0x6d8: {  	s31 =	simm.s32 $0x0;
	s0 =	simm.s32 $0x20;
	vm4 =	vge.s32 v11, v9;
	v11 =	vld [tilespmem:s1+$0x0];
	(pc) =	sbr.rel @!p2 .LBB2_169-.Ltmp109, $4  }
0x6d9: {  	s4 =	simm.s32 $0x30;
	s5 =	simm.s32 $0x10;
	v14 =	vor.u32 s31, v4;
	v15 =	vor.u32 s0, v4  }
0x6da: {  	v16 =	vor.u32 s4, v4;
	v63 =	vor.u32 s5, v4;
	vm2 =	vlt.s32 v14, v8  }
0x6db: {  	vm0 =	vlt.s32 v16, v8;
	vm3 =	vlt.s32 v63, v8;
	vm1 =	vlt.s32 v15, v8  }
0x6dc: {  	s0 =	simm.s32 $0x4;
	vm5 =	vge.s32 v13, v9;
	s1 =	simm.s32 $0x10060;
	vm4 =	vmand vm2, vm4;
	vm2 =	vge.s32 v12, v9  }
.LBB2_168:
0x6dd: {  	v12 =	vld [tilespmem:s1+$0x10];
	v13 =	vsel vm4, $0x1, v5;
	vm3 =	vmand vm3, vm5;
	vm4 =	vge.s32 v11, v9  }
0x6de: {  	s0 =	sadd.s32 $0x4, s0;
	v14 =	vld [tilespmem:s1+$0xFFFFFFE0];
	v10 =	vadd.s32 v13, v10;
	v11 =	vsel vm3, $0x1, v5;
	vm1 =	vmand vm1, vm4  }
0x6df: {  	vm0 =	vmand vm0, vm2;
	s31 =	sadd.s32 $0x40, s31;
	p2 =	slt.s32 s0, s21;
	v13 =	vld [tilespmem:s1+$0xFFFFFFF0];
	v10 =	vadd.s32 v11, v10;
	v15 =	vsel vm1, $0x1, v5  }
.Ltmp110:
0x6e0: {  	v16 =	vor.u32 s31, v4;
	s4 =	sadd.s32 $0x20, s31;
	s5 =	sadd.s32 $0x30, s31;
	v11 =	vld [tilespmem:s1+$0x0];
	v10 =	vadd.s32 v15, v10;
	v15 =	vsel vm0, $0x1, v5;
	(pc) =	sbr.rel @p2 .LBB2_168-.Ltmp110, $4  }
0x6e1: {  	s10 =	sadd.s32 $0x10, s31;
	v17 =	vor.u32 s4, v4;
	v18 =	vor.u32 s5, v4;
	v10 =	vadd.s32 v15, v10  }
0x6e2: {  	vm2 =	vlt.s32 v16, v8;
	vm0 =	vlt.s32 v18, v8;
	v15 =	vor.u32 s10, v4  }
0x6e3: {  	vm1 =	vlt.s32 v17, v8;
	vm3 =	vlt.s32 v15, v8;
	vm4 =	vge.s32 v14, v9  }
0x6e4: {  	s1 =	sadd.s32 $0x40, s1;
	vm4 =	vmand vm2, vm4;
	vm5 =	vge.s32 v13, v9;
	vm2 =	vge.s32 v12, v9  }
.LBB2_169:
0x6e5: {  	v12 =	vsel vm4, $0x1, v5;
	vm3 =	vmand vm3, vm5;
	vm15 =	vge.s32 v11, v9  }
0x6e6: {  	v10 =	vadd.s32 v12, v10;
	v11 =	vsel vm3, $0x1, v5;
	vm1 =	vmand vm1, vm15  }
0x6e7: {  	vm0 =	vmand vm0, vm2;
	v10 =	vadd.s32 v11, v10;
	v11 =	vsel vm1, $0x1, v5  }
0x6e8: {  	v10 =	vadd.s32 v11, v10;
	v11 =	vsel vm0, $0x1, v5  }
0x6e9: {  	v10 =	vadd.s32 v11, v10  }
.LBB2_99:
.Ltmp111:
0x6ea: {  	(pc) =	sbr.rel @p1 .LBB2_102-.Ltmp111, $1  }
0x6eb: {  	_ =	sdelay $0x3  }
0x6ec: {  	s0 =	smov.u32 s28;
	s1 =	smov.u32 s26;
	s31 =	smov.u32 s21  }
.LBB2_101:
0x6ed: {  	v11 =	vld [tilespmem:s1+$0x0];
	_ =	sdelay $0x1  }
0x6ee: {  	s31 =	sadd.s32 $0x1, s31  }
0x6ef: {  	p2 =	slt.s32 s31, s20  }
.Ltmp112:
0x6f0: {  	v12 =	vor.u32 s0, v4;
	(pc) =	sbr.rel @p2 .LBB2_101-.Ltmp112, $4  }
0x6f1: {  	vm0 =	vlt.s32 v12, v8;
	vm1 =	vge.s32 v11, v9  }
0x6f2: {  	vm0 =	vmand vm0, vm1  }
0x6f3: {  	v11 =	vsel vm0, $0x1, v5  }
0x6f4: {  	s1 =	sadd.s32 $0x10, s1;
	s0 =	sadd.s32 $0x10, s0;
	v10 =	vadd.s32 v11, v10  }
.Ltmp113:
0x6f5: {  	_ = 	snop;
	(pc) =	sbr.rel .LBB2_102-.Ltmp113, $1  }
0x6f6: {  	_ =	sdelay $0x3  }
.LBB2_103:
0x6f7: {  	p1 =	slt.s32 s21, $0x1  }
.Ltmp114:
0x6f8: {  	_ = 	snop;
	(pc) =	sbr.rel @p1 .LBB2_104-.Ltmp114, $2  }
0x6f9: {  	_ =	sdelay $0x2  }
0x6fa: {  	v9 =	vmov s22;
	v10 =	vimm.s32 $0x0  }
0x6fb: {  	s1 =	simm.s32 $0x10020  }
0x6fc: {  	v11 =	vld [tilespmem:s1+$0xFFFFFFE0];
	_ =	sdelay $0x2  }
0x6fd: {  	v12 =	vld [tilespmem:s1+$0x10]  }
0x6fe: {  	p0 =	sgt.s32 s21, $0x4;
	v13 =	vld [tilespmem:s1+$0xFFFFFFF0]  }
.Ltmp115:
0x6ff: {  	s22 =	simm.s32 $0x0;
	s0 =	simm.s32 $0x20;
	vm4 =	vgt.s32 v11, v9;
	v11 =	vld [tilespmem:s1+$0x0];
	(pc) =	sbr.rel @!p0 .LBB2_172-.Ltmp115, $4  }
0x700: {  	s4 =	simm.s32 $0x30;
	s5 =	simm.s32 $0x10;
	v14 =	vor.u32 s22, v4;
	v15 =	vor.u32 s0, v4  }
0x701: {  	v16 =	vor.u32 s4, v4;
	v63 =	vor.u32 s5, v4;
	vm2 =	vlt.s32 v14, v8  }
0x702: {  	vm0 =	vlt.s32 v16, v8;
	vm3 =	vlt.s32 v63, v8;
	vm1 =	vlt.s32 v15, v8  }
0x703: {  	s0 =	simm.s32 $0x4;
	vm5 =	vgt.s32 v13, v9;
	s1 =	simm.s32 $0x10060;
	vm4 =	vmand vm2, vm4;
	vm2 =	vgt.s32 v12, v9  }
.LBB2_171:
0x704: {  	v12 =	vld [tilespmem:s1+$0x10];
	v13 =	vsel vm4, $0x1, v5;
	vm3 =	vmand vm3, vm5;
	vm4 =	vgt.s32 v11, v9  }
0x705: {  	s0 =	sadd.s32 $0x4, s0;
	v14 =	vld [tilespmem:s1+$0xFFFFFFE0];
	v10 =	vadd.s32 v13, v10;
	v11 =	vsel vm3, $0x1, v5;
	vm1 =	vmand vm1, vm4  }
0x706: {  	vm0 =	vmand vm0, vm2;
	s22 =	sadd.s32 $0x40, s22;
	p0 =	slt.s32 s0, s21;
	v13 =	vld [tilespmem:s1+$0xFFFFFFF0];
	v10 =	vadd.s32 v11, v10;
	v15 =	vsel vm1, $0x1, v5  }
.Ltmp116:
0x707: {  	v16 =	vor.u32 s22, v4;
	s4 =	sadd.s32 $0x20, s22;
	s5 =	sadd.s32 $0x30, s22;
	v11 =	vld [tilespmem:s1+$0x0];
	v10 =	vadd.s32 v15, v10;
	v15 =	vsel vm0, $0x1, v5;
	(pc) =	sbr.rel @p0 .LBB2_171-.Ltmp116, $4  }
0x708: {  	s10 =	sadd.s32 $0x10, s22;
	v17 =	vor.u32 s4, v4;
	v18 =	vor.u32 s5, v4;
	v10 =	vadd.s32 v15, v10  }
0x709: {  	vm2 =	vlt.s32 v16, v8;
	vm0 =	vlt.s32 v18, v8;
	v15 =	vor.u32 s10, v4  }
0x70a: {  	vm1 =	vlt.s32 v17, v8;
	vm3 =	vlt.s32 v15, v8;
	vm4 =	vgt.s32 v14, v9  }
0x70b: {  	s1 =	sadd.s32 $0x40, s1;
	vm4 =	vmand vm2, vm4;
	vm5 =	vgt.s32 v13, v9;
	vm2 =	vgt.s32 v12, v9  }
.LBB2_172:
0x70c: {  	v12 =	vsel vm4, $0x1, v5;
	vm3 =	vmand vm3, vm5;
	vm15 =	vgt.s32 v11, v9  }
0x70d: {  	v10 =	vadd.s32 v12, v10;
	v11 =	vsel vm3, $0x1, v5;
	vm1 =	vmand vm1, vm15  }
0x70e: {  	vm0 =	vmand vm0, vm2;
	v10 =	vadd.s32 v11, v10;
	v11 =	vsel vm1, $0x1, v5  }
0x70f: {  	v10 =	vadd.s32 v11, v10;
	v11 =	vsel vm0, $0x1, v5  }
0x710: {  	v10 =	vadd.s32 v11, v10  }
.LBB2_104:
0x711: {  	p0 =	slt.s32 s24, $0x1  }
.Ltmp117:
0x712: {  	_ = 	snop;
	(pc) =	sbr.rel @p0 .LBB2_107-.Ltmp117, $1  }
0x713: {  	_ =	sdelay $0x3  }
0x714: {  	s0 =	sshra.s32 s23, $0x2;
	s1 =	sshll.u32 s24, $0x4  }
0x715: {  	s22 =	smov.u32 s21;
	s0 =	sadd.s32 $0x10000, s0;
	s1 =	ssub.s32 s25, s1  }
.LBB2_106:
0x716: {  	v11 =	vld [tilespmem:s0+$0x0];
	_ =	sdelay $0x1  }
0x717: {  	s22 =	sadd.s32 $0x1, s22  }
0x718: {  	p2 =	slt.s32 s22, s20  }
.Ltmp118:
0x719: {  	v12 =	vor.u32 s1, v4;
	(pc) =	sbr.rel @p2 .LBB2_106-.Ltmp118, $4  }
0x71a: {  	vm0 =	vlt.s32 v12, v8;
	vm1 =	vgt.s32 v11, v9  }
0x71b: {  	vm0 =	vmand vm0, vm1  }
0x71c: {  	v11 =	vsel vm0, $0x1, v5  }
0x71d: {  	s0 =	sadd.s32 $0x10, s0;
	s1 =	sadd.s32 $0x10, s1;
	v10 =	vadd.s32 v11, v10  }
.LBB2_107:
0x71e: {  	(xrf0) =	vadd.scan.msk.s32 $0xffff, v10;
	_ =	sdelay $0x5  }
0x71f: {  	v10, _, _ =	vpop (xrf0)  }
0x720: {  	(v2sf) =	vpush v10, $0xF;
	_ =	sdelay $0xb  }
.Ltmp119:
0x721: {  	_ = 	snop;
	(pc) =	sbr.rel .LBB2_108-.Ltmp119, $4  }
0x722: {  	_ = 	snop  }
0x723: {  	s30 =	sshra.s32 s23, $0x2;
	s31 =	sshll.u32 s24, $0x4;
	s28 =	simm.s32 $0x7FFF  }
0x724: {  	s22 =	sadd.s32 $0x10000, s30;
	s23 =	sadd.s32 $0x11000, s30;
	s0 =	spop (v2sf)  }
0x725: {  	s24 =	ssub.s32 s25, s31;
	s25 =	simm.s32 $0x0;
	s26 =	ssub.s32 $0x40, s0  }
.LBB2_112:
0x726: {  	(xrf0) =	vadd.scan.msk.s32 $0xffff, v11;
	_ =	sdelay $0x5  }
0x727: {  	v10, _, _ =	vpop (xrf0)  }
0x728: {  	(v2sf) =	vpush v10, $0xF;
	_ =	sdelay $0xe  }
0x729: {  	s0 =	spop (v2sf)  }
0x72a: {  	p2 =	slt.s32 s0, s26;
	s0 =	sadd.s32 $0x1, s29  }
0x72b: {  	s25 =	smov.u32 @p2 s0;
	s29 =	smov.u32 @p2 s28  }
0x72c: {  	p2 =	slt.s32 s25, s29  }
.Ltmp120:
0x72d: {  	_ = 	snop;
	(pc) =	sbr.rel @!p2 .LBB2_113-.Ltmp120, $2  }
0x72e: {  	_ =	sdelay $0x2  }
0x72f: {  	s28 =	smov.u32 s29  }
.LBB2_108:
.Ltmp121:
0x730: {  	(pc) =	sbr.rel @p1 .LBB2_109-.Ltmp121, $4  }
0x731: {  	_ = 	snop  }
0x732: {  	s0 =	sadd.s32 s25, s28  }
0x733: {  	s29 =	sshra.s32 s0, $0x1  }
0x734: {  	v11 =	vimm.s32 $0x0;
	v10 =	vmov s29  }
0x735: {  	s0 =	simm.s32 $0x10020  }
0x736: {  	s31 =	simm.s32 $0x11020;
	v17 =	vld [tilespmem:s0+$0x10]  }
0x737: {  	v18 =	vld [tilespmem:s31+$0x10]  }
0x738: {  	v19 =	vld [tilespmem:s0+$0x0]  }
0x739: {  	v12 =	vld [tilespmem:s31+$0x0]  }
0x73a: {  	s30 =	simm.s32 $0x0;
	v13 =	vld [tilespmem:s0+$0xFFFFFFF0]  }
0x73b: {  	s1 =	simm.s32 $0x30;
	p2 =	sgt.s32 s21, $0x4;
	v15 =	vor.u32 s30, v4;
	v14 =	vld [tilespmem:s0+$0xFFFFFFE0]  }
.Ltmp122:
0x73c: {  	v16 =	vor.u32 s1, v4;
	vm3 =	vlt.s32 v15, v8;
	v15 =	vld [tilespmem:s31+$0xFFFFFFE0];
	(pc) =	sbr.rel @!p2 .LBB2_175-.Ltmp122, $4  }
0x73d: {  	s4 =	simm.s32 $0x10;
	s5 =	simm.s32 $0x20;
	vm0 =	vlt.s32 v16, v8;
	v16 =	vld [tilespmem:s31+$0xFFFFFFF0]  }
0x73e: {  	v20 =	vor.u32 s4, v4;
	v21 =	vor.u32 s5, v4  }
0x73f: {  	vm2 =	vlt.s32 v20, v8;
	vm1 =	vlt.s32 v21, v8  }
0x740: {  	s0 =	simm.s32 $0x4;
	s1 =	simm.s32 $0x10060;
	vm4 =	veq.s32 v19, v9;
	vm5 =	veq.s32 v17, v9;
	vm6 =	vle.s32 v18, v10  }
.LBB2_174:
0x741: {  	v17 =	vld [tilespmem:s1+$0x10];
	vm7 =	veq.s32 v14, v9;
	vm8 =	vle.s32 v15, v10;
	vm9 =	vle.s32 v12, v10;
	s31 =	sadd.s32 $0x40, s31  }
0x742: {  	v18 =	vld [tilespmem:s31+$0x10];
	vm7 =	vmand vm7, vm8;
	vm8 =	veq.s32 v13, v9;
	vm10 =	vle.s32 v16, v10  }
0x743: {  	vm5 =	vmand vm5, vm6;
	v19 =	vld [tilespmem:s1+$0x0];
	vm3 =	vmand vm3, vm7;
	vm7 =	vmand vm8, vm10  }
0x744: {  	v12 =	vld [tilespmem:s31+$0x0];
	v14 =	vsel vm3, $0x1, v5;
	vm2 =	vmand vm2, vm7;
	vm3 =	vmand vm4, vm9  }
0x745: {  	s0 =	sadd.s32 $0x4, s0;
	v13 =	vld [tilespmem:s1+$0xFFFFFFF0];
	v11 =	vadd.s32 v14, v11;
	v15 =	vsel vm2, $0x1, v5;
	vm1 =	vmand vm1, vm3  }
0x746: {  	s30 =	sadd.s32 $0x40, s30;
	vm0 =	vmand vm0, vm5;
	p2 =	slt.s32 s0, s21;
	v14 =	vld [tilespmem:s1+$0xFFFFFFE0];
	v11 =	vadd.s32 v15, v11;
	v16 =	vsel vm1, $0x1, v5  }
.Ltmp123:
0x747: {  	s4 =	sadd.s32 $0x30, s30;
	v20 =	vsel vm0, $0x1, v5;
	v15 =	vld [tilespmem:s31+$0xFFFFFFE0];
	v11 =	vadd.s32 v16, v11;
	(pc) =	sbr.rel @p2 .LBB2_174-.Ltmp123, $4  }
0x748: {  	v21 =	vor.u32 s30, v4;
	s5 =	sadd.s32 $0x10, s30;
	s10 =	sadd.s32 $0x20, s30;
	v22 =	vor.u32 s4, v4;
	v16 =	vld [tilespmem:s31+$0xFFFFFFF0];
	v11 =	vadd.s32 v20, v11  }
0x749: {  	vm3 =	vlt.s32 v21, v8;
	v21 =	vor.u32 s10, v4;
	v20 =	vor.u32 s5, v4  }
0x74a: {  	vm0 =	vlt.s32 v22, v8;
	vm1 =	vlt.s32 v21, v8;
	vm2 =	vlt.s32 v20, v8  }
0x74b: {  	vm5 =	veq.s32 v17, v9;
	s1 =	sadd.s32 $0x40, s1;
	vm6 =	vle.s32 v18, v10;
	vm4 =	veq.s32 v19, v9  }
.LBB2_175:
0x74c: {  	vm7 =	veq.s32 v14, v9;
	vm8 =	vle.s32 v15, v10;
	vm9 =	vle.s32 v12, v10  }
0x74d: {  	vm13 =	veq.s32 v13, v9;
	vm7 =	vmand vm7, vm8;
	vm10 =	vle.s32 v16, v10  }
0x74e: {  	vm5 =	vmand vm5, vm6;
	vm3 =	vmand vm3, vm7;
	vm14 =	vmand vm13, vm10  }
0x74f: {  	vm15 =	vmand vm4, vm9;
	v60 =	vsel vm3, $0x1, v5;
	vm2 =	vmand vm2, vm14  }
0x750: {  	vm1 =	vmand vm1, vm15;
	v11 =	vadd.s32 v60, v11;
	v61 =	vsel vm2, $0x1, v5  }
0x751: {  	vm0 =	vmand vm0, vm5;
	v62 =	vsel vm1, $0x1, v5;
	v11 =	vadd.s32 v61, v11  }
0x752: {  	v63 =	vsel vm0, $0x1, v5;
	v11 =	vadd.s32 v62, v11  }
0x753: {  	v11 =	vadd.s32 v63, v11  }
.LBB2_109:
.Ltmp124:
0x754: {  	(pc) =	sbr.rel @p0 .LBB2_112-.Ltmp124, $1  }
0x755: {  	_ =	sdelay $0x3  }
0x756: {  	s0 =	smov.u32 s24  }
0x757: {  	s1 =	smov.u32 s23;
	s30 =	smov.u32 s22;
	s31 =	smov.u32 s21  }
.LBB2_111:
0x758: {  	v12 =	vld [tilespmem:s30+$0x0]  }
0x759: {  	v13 =	vld [tilespmem:s1+$0x0];
	_ =	sdelay $0x2  }
0x75a: {  	s31 =	sadd.s32 $0x1, s31  }
0x75b: {  	p2 =	slt.s32 s31, s20  }
.Ltmp125:
0x75c: {  	v14 =	vor.u32 s0, v4;
	vm0 =	veq.s32 v12, v9;
	vm1 =	vle.s32 v13, v10;
	(pc) =	sbr.rel @p2 .LBB2_111-.Ltmp125, $4  }
0x75d: {  	vm2 =	vlt.s32 v14, v8;
	vm0 =	vmand vm0, vm1  }
0x75e: {  	vm0 =	vmand vm2, vm0  }
0x75f: {  	v63 =	vsel vm0, $0x1, v5  }
0x760: {  	s30 =	sadd.s32 $0x10, s30;
	s1 =	sadd.s32 $0x10, s1;
	s0 =	sadd.s32 $0x10, s0;
	v11 =	vadd.s32 v63, v11  }
.Ltmp126:
0x761: {  	_ = 	snop;
	(pc) =	sbr.rel .LBB2_112-.Ltmp126, $1  }
0x762: {  	_ =	sdelay $0x3  }
.LBB2_113:
.Ltmp127:
0x763: {  	(pc) =	sbr.rel @p1 .LBB2_114-.Ltmp127, $2  }
0x764: {  	_ =	sdelay $0x2  }
0x765: {  	v10 =	vmov s25  }
0x766: {  	s25 =	simm.s32 $0x10020  }
0x767: {  	s0 =	simm.s32 $0x11020;
	v13 =	vld [tilespmem:s25+$0xFFFFFFE0]  }
0x768: {  	v12 =	vld [tilespmem:s0+$0xFFFFFFE0]  }
0x769: {  	v14 =	vld [tilespmem:s25+$0xFFFFFFF0]  }
0x76a: {  	s1 =	simm.s32 $0x0;
	v15 =	vld [tilespmem:s25+$0x0]  }
0x76b: {  	s30 =	simm.s32 $0x10;
	v16 =	vld [tilespmem:s25+$0x10];
	v11 =	vor.u32 s1, v4  }
0x76c: {  	s31 =	simm.s32 $0x20;
	s4 =	simm.s32 $0x30;
	v17 =	vld [tilespmem:s0+$0xFFFFFFF0];
	vm0 =	vlt.s32 v11, v8;
	v11 =	vor.u32 s30, v4  }
0x76d: {  	v20 =	vld [tilespmem:s0+$0x10];
	v19 =	vor.u32 s4, v4;
	vm1 =	vlt.s32 v11, v8;
	v11 =	vor.u32 s31, v4  }
0x76e: {  	v27 =	vimm.s32 $0x0;
	vm4 =	vlt.s32 v19, v8;
	vm3 =	vlt.s32 v11, v8  }
0x76f: {  	v18 =	vshra.s32 v13, $0x1F;
	vm2 =	vgt.s32 v13, v9;
	vm5 =	vgt.s32 v14, v9  }
0x770: {  	vm6 =	vgt.s32 v15, v9;
	vm7 =	vgt.s32 v16, v9;
	v22 =	vand.u32 $0x7FFFFFFF, v18;
	v18 =	vld [tilespmem:s0+$0x0]  }
0x771: {  	vm8 =	veq.s32 v13, v9;
	vm9 =	vle.s32 v12, v10;
	vm10 =	veq.s32 v14, v9  }
0x772: {  	vm11 =	vle.s32 v17, v10;
	vm12 =	veq.s32 v15, v9;
	vm14 =	vle.s32 v20, v10  }
0x773: {  	v30 =	vshra.s32 v15, $0x1F;
	v29 =	vshra.s32 v16, $0x1F;
	vm8 =	vmand vm8, vm9  }
0x774: {  	vm9 =	veq.s32 v16, v9;
	vm2 =	vmor vm2, vm8;
	vm8 =	vmand vm10, vm11  }
0x775: {  	vm15 =	vmand vm0, vm2;
	vm2 =	vmor vm5, vm8;
	vm13 =	vle.s32 v18, v10  }
0x776: {  	vm8 =	vmand vm9, vm14;
	v11 =	vmpcnt.ones.xlane vm15;
	vm10 =	vmand vm12, vm13  }
0x777: {  	p2 =	sgt.s32 s21, $0x4;
	vm11 =	vmand vm1, vm2;
	v21 =	vsel vm15, $0x1, v5;
	vm1 =	vmor vm6, vm10  }
.Ltmp128:
0x778: {  	v19 =	vmpcnt.ones.xlane vm11;
	vm3 =	vmand vm3, vm1;
	vm1 =	vmor vm7, vm8;
	(pc) =	sbr.rel @!p2 .LBB2_177-.Ltmp128, $4  }
0x779: {  	v25 =	vadd.s32 v27, v11;
	v11 =	vmpcnt.ones.xlane vm3;
	vm4 =	vmand vm4, vm1  }
0x77a: {  	v26 =	vsel vm11, $0x1, v5;
	(xrf0) =	vadd.scan.msk.s32 $0xffff, v21;
	v24 =	vadd.s32 v25, v19;
	v19 =	vmpcnt.ones.xlane vm4  }
0x77b: {  	v21 =	vshra.s32 v14, $0x1F;
	(xrf0) =	vadd.scan.msk.s32 $0xffff, v26;
	v32 =	vsel vm3, $0x1, v5;
	v23 =	vadd.s32 v24, v11  }
0x77c: {  	p1 =	por $0x0, $0x0;
	v28 =	vand.u32 $0x7FFFFFFF, v21;
	v31 =	vsel vm4, $0x1, v5;
	(xrf0) =	vadd.scan.msk.s32 $0xffff, v32;
	v11 =	vadd.s32 v23, v19  }
0x77d: {  	(xrf0) =	vadd.scan.msk.s32 $0xffff, v31  }
0x77e: {  	v22 =	vxor.u32 v13, v22;
	v13 =	vand.u32 $0x7FFFFFFF, v30;
	v19 =	vand.u32 $0x7FFFFFFF, v29  }
0x77f: {  	v26 =	vxor.u32 v14, v28;
	v30 =	vadd.s32 v3, v12;
	v31 =	vadd.s32 v3, v17  }
0x780: {  	v32 =	vadd.s32 v3, v18;
	s25 =	simm.s32 $0x10060;
	vm6 =	vmmov vm3;
	vm10 =	vmmov vm4;
	v12, _, _ =	vpop (xrf0)  }
0x781: {  	s26 =	simm.s32 $0x11060;
	v28 =	vxor.u32 v15, v13;
	v29 =	vxor.u32 v16, v19;
	v13 =	vld [tilespmem:s25+$0xFFFFFFE0];
	v12 =	vadd.s32 v12, v27;
	v14, _, _ =	vpop (xrf0)  }
0x782: {  	s28 =	simm.s32 $0x40;
	v19 =	vadd.s32 v3, v20;
	v16 =	vadd.s32 $0xFFFFFFFF, v12;
	v14 =	vadd.s32 v14, v25;
	v15, _, _ =	vpop (xrf0);
	v12 =	vld [tilespmem:s26+$0xFFFFFFE0]  }
0x783: {  	v25 =	vor.u32 s28, v4;
	v18 =	vadd.s32 $0xFFFFFFFF, v14;
	v15 =	vadd.s32 v15, v24;
	v17, _, _ =	vpop (xrf0);
	v14 =	vld [tilespmem:s25+$0xFFFFFFF0]  }
0x784: {  	vm2 =	vlt.s32 v16, $0x3F;
	v20 =	vadd.s32 $0xFFFFFFFF, v15;
	v17 =	vadd.s32 v17, v23;
	v15 =	vld [tilespmem:s25+$0x0]  }
0x785: {  	vm3 =	vlt.s32 v18, $0x3F;
	v23 =	vnsel vm2, $0x3F, v16;
	v21 =	vadd.s32 $0xFFFFFFFF, v17;
	v17 =	vld [tilespmem:s26+$0xFFFFFFF0]  }
0x786: {  	s0 =	simm.s32 $0x50;
	vm2 =	vlt.s32 v20, $0x3F;
	v24 =	vnsel vm3, $0x3F, v18;
	v18 =	vld [tilespmem:s26+$0x0];
	vm3 =	vlt.s32 v21, $0x3F  }
0x787: {  	v16 =	vld [tilespmem:s25+$0x10];
	v27 =	vnsel vm2, $0x3F, v20;
	vm2 =	vlt.s32 v25, v8;
	v25 =	vor.u32 s0, v4  }
0x788: {  	v21 =	vnsel vm3, $0x3F, v21;
	vm3 =	veq.s32 v13, v9;
	vm4 =	vle.s32 v12, v10  }
0x789: {  	vm8 =	vgt.s32 v13, v9;
	vm7 =	vlt.s32 v25, v8;
	vm3 =	vmand vm3, vm4  }
0x78a: {  	s30 =	simm.s32 $0x60;
	v20 =	vld [tilespmem:s26+$0x10];
	vm4 =	veq.s32 v14, v9;
	vm9 =	vgt.s32 v14, v9;
	vm3 =	vmor vm8, vm3  }
0x78b: {  	[tilespmem:v23+s14+$0x0] =	vst.idx.msk vm15, v22;
	v22 =	vor.u32 s30, v4;
	vm8 =	vle.s32 v17, v10;
	vm0 =	vle.s32 v18, v10  }
0x78c: {  	[tilespmem:v23+s15+$0x0] =	vst.idx.msk vm15, v30;
	vm15 =	vmand vm2, vm3;
	vm2 =	veq.s32 v16, v9;
	v30 =	vshra.s32 v15, $0x1F  }
0x78d: {  	vm4 =	vmand vm4, vm8;
	vm8 =	veq.s32 v15, v9;
	v23 =	vmpcnt.ones.xlane vm15  }
0x78e: {  	[tilespmem:v24+s14+$0x0] =	vst.idx.msk vm11, v26;
	v26 =	vsel vm15, $0x1, v5;
	vm8 =	vmand vm8, vm0;
	vm3 =	vmor vm9, vm4  }
0x78f: {  	vm4 =	vle.s32 v20, v10;
	vm9 =	vgt.s32 v15, v9;
	[tilespmem:v21+s14+$0x0] =	vst.idx.msk vm10, v29;
	v29 =	vshra.s32 v14, $0x1F  }
0x790: {  	s31 =	simm.s32 $0x70;
	vm4 =	vmand vm2, vm4;
	vm5 =	vmand vm7, vm3;
	vm3 =	vmor vm9, vm8  }
0x791: {  	vm7 =	vlt.s32 v22, v8;
	v22 =	vor.u32 s31, v4;
	v25 =	vadd.s32 v11, v23  }
0x792: {  	p2 =	sgt.s32 s21, $0x8;
	[tilespmem:v24+s15+$0x0] =	vst.idx.msk vm11, v31;
	vm3 =	vmand vm7, vm3;
	vm7 =	vgt.s32 v16, v9;
	vm0 =	vlt.s32 v22, v8  }
.Ltmp129:
0x793: {  	[tilespmem:v27+s14+$0x0] =	vst.idx.msk vm6, v28;
	v22 =	vshra.s32 v13, $0x1F;
	v24 =	vmpcnt.ones.xlane vm5;
	vm4 =	vmor vm7, vm4;
	(pc) =	sbr.rel @!p2 .LBB2_179-.Ltmp129, $4  }
0x794: {  	[tilespmem:v27+s15+$0x0] =	vst.idx.msk vm6, v32;
	v28 =	vsel vm5, $0x1, v5;
	v23 =	vmpcnt.ones.xlane vm3;
	vm4 =	vmand vm0, vm4  }
0x795: {  	(xrf0) =	vadd.scan.msk.s32 $0xffff, v26;
	v22 =	vand.u32 $0x7FFFFFFF, v22;
	v24 =	vadd.s32 v25, v24;
	v27 =	vmpcnt.ones.xlane vm4  }
0x796: {  	v63 =	vsel vm3, $0x1, v5;
	(xrf0) =	vadd.scan.msk.s32 $0xffff, v28;
	v28 =	vand.u32 $0x7FFFFFFF, v29;
	v23 =	vadd.s32 v24, v23  }
0x797: {  	s29 =	simm.s32 $0x8;
	p1 =	por $0x1, $0x1;
	v29 =	vshra.s32 v16, $0x1F;
	(xrf0) =	vadd.scan.msk.s32 $0xffff, v63;
	v31 =	vsel vm4, $0x1, v5;
	v26 =	vadd.s32 v23, v27  }
.LBB2_180:
0x798: {  	v27 =	vxor.u32 v13, v22;
	v13 =	vand.u32 $0x7FFFFFFF, v30;
	v22 =	vand.u32 $0x7FFFFFFF, v29;
	(xrf0) =	vadd.scan.msk.s32 $0xffff, v31  }
0x799: {  	v28 =	vxor.u32 v14, v28;
	v31 =	vadd.s32 v3, v12;
	v33 =	vadd.s32 v3, v18  }
0x79a: {  	vm0 =	vmmov vm3;
	s28 =	sadd.s32 $0x40, s28;
	v29 =	vxor.u32 v15, v13;
	v13 =	vimm.s32 $0x0  }
0x79b: {  	[tilespmem:v21+s15+$0x0] =	vst.idx.msk vm10, v19;
	v19 =	vadd.s32 v3, v20;
	v30 =	vxor.u32 v16, v22;
	s1 =	sadd.s32 $0x30, s28;
	v13 =	vsel vm0, $0xFFFFFFFF, v13;
	v12, _, _ =	vpop (xrf0)  }
0x79c: {  	vm0 =	vmmov vm4;
	v35 =	vor.u32 s1, v4;
	[tilespmem:$0x1FF50] =	vst v13;
	v13 =	vimm.s32 $0x0;
	v14, _, _ =	vpop (xrf0)  }
0x79d: {  	v13 =	vsel vm0, $0xFFFFFFFF, v13;
	v12 =	vadd.s32 v12, v11;
	vm0 =	vlt.s32 v35, v8;
	v15, _, _ =	vpop (xrf0)  }
0x79e: {  	v16 =	vadd.s32 $0xFFFFFFFF, v12;
	v14 =	vadd.s32 v14, v25;
	v15 =	vadd.s32 v15, v24;
	v18, _, _ =	vpop (xrf0)  }
0x79f: {  	s25 =	sadd.s32 $0x40, s25;
	vm3 =	vlt.s32 v16, $0x3F;
	v20 =	vadd.s32 $0xFFFFFFFF, v15;
	v18 =	vadd.s32 v18, v23  }
0x7a0: {  	s31 =	sadd.s32 $0x20, s28;
	[tilespmem:$0x1FF40] =	vst v13;
	v13 =	vld [tilespmem:s25+$0xFFFFFFE0];
	v23 =	vnsel vm3, $0x3F, v16;
	vm3 =	vlt.s32 v20, $0x3F;
	v18 =	vadd.s32 $0xFFFFFFFF, v18  }
0x7a1: {  	s26 =	sadd.s32 $0x40, s26;
	v25 =	vor.u32 s31, v4;
	v15 =	vld [tilespmem:s25+$0x0];
	v34 =	vnsel vm3, $0x3F, v20;
	vm3 =	vlt.s32 v18, $0x3F  }
0x7a2: {  	vm7 =	vlt.s32 v25, v8;
	v25 =	vimm.s32 $0x0;
	v21 =	vnsel vm3, $0x3F, v18;
	v18 =	vld [tilespmem:s26+$0x0]  }
0x7a3: {  	v32 =	vadd.s32 v3, v17;
	v12 =	vld [tilespmem:s26+$0xFFFFFFE0];
	v17 =	vadd.s32 $0xFFFFFFFF, v14;
	v25 =	vsel vm0, $0xFFFFFFFF, v25  }
0x7a4: {  	vm4 =	vlt.s32 v17, $0x3F;
	[tilespmem:$0x1FF60] =	vst v25;
	v25 =	vld [tilespmem:$0x1FF40]  }
0x7a5: {  	s0 =	sadd.s32 $0x10, s28;
	v14 =	vld [tilespmem:s25+$0xFFFFFFF0];
	v24 =	vnsel vm4, $0x3F, v17;
	v20 =	vor.u32 s28, v4  }
0x7a6: {  	v17 =	vld [tilespmem:s26+$0xFFFFFFF0];
	vm6 =	vlt.s32 v20, v8;
	v20 =	vor.u32 s0, v4;
	vm8 =	vgt.s32 v13, v9  }
0x7a7: {  	vm12 =	veq.s32 v13, v9;
	vm1 =	veq.s32 v15, v9;
	vm0 =	vle.s32 v18, v10  }
0x7a8: {  	vm13 =	vle.s32 v12, v10;
	vm10 =	vgt.s32 v15, v9;
	vm0 =	vmand vm1, vm0  }
0x7a9: {  	vm12 =	vmand vm12, vm13;
	vm0 =	vmor vm10, vm0;
	vm10 =	vnez.u8 v25;
	v25 =	vld [tilespmem:$0x1FF50]  }
0x7aa: {  	v16 =	vld [tilespmem:s25+$0x10];
	vm4 =	vlt.s32 v20, v8;
	[tilespmem:v23+s14+$0x0] =	vst.idx.msk vm15, v27;
	vm8 =	vmor vm8, vm12  }
0x7ab: {  	v20 =	vld [tilespmem:s26+$0x10];
	vm14 =	veq.s32 v14, v9;
	vm3 =	vle.s32 v17, v10;
	[tilespmem:v23+s15+$0x0] =	vst.idx.msk vm15, v31;
	vm15 =	vmand vm6, vm8  }
0x7ac: {  	vm9 =	vgt.s32 v14, v9;
	vm12 =	vmand vm14, vm3;
	v23 =	vmpcnt.ones.xlane vm15  }
0x7ad: {  	v22 =	vshra.s32 v13, $0x1F;
	[tilespmem:v24+s14+$0x0] =	vst.idx.msk vm5, v28;
	vm1 =	vmor vm9, vm12  }
0x7ae: {  	v11 =	vmovc v26;
	[tilespmem:v24+s15+$0x0] =	vst.idx.msk vm5, v32;
	vm5 =	vmand vm4, vm1;
	vm1 =	vnez.u8 v25;
	v25 =	vadd.s32 v26, v23;
	v26 =	vld [tilespmem:$0x1FF60]  }
0x7af: {  	v22 =	vand.u32 $0x7FFFFFFF, v22  }
0x7b0: {  	vm11 =	vgt.s32 v16, v9;
	vm13 =	veq.s32 v16, v9;
	vm2 =	vle.s32 v20, v10  }
0x7b1: {  	s29 =	sadd.s32 $0x4, s29;
	vm2 =	vmand vm13, vm2;
	v24 =	vmpcnt.ones.xlane vm5;
	vm3 =	vmand vm7, vm0  }
0x7b2: {  	p2 =	slt.s32 s29, s21;
	vm0 =	vmor vm11, vm2;
	v28 =	vsel vm5, $0x1, v5;
	v63 =	vsel vm3, $0x1, v5  }
.Ltmp130:
0x7b3: {  	v23 =	vmpcnt.ones.xlane vm3;
	v24 =	vadd.s32 v25, v24;
	vm2 =	vnez.u8 v26;
	(pc) =	sbr.rel @p2 .LBB2_180-.Ltmp130, $4  }
0x7b4: {  	[tilespmem:v21+s14+$0x0] =	vst.idx.msk vm10, v30;
	v30 =	vshra.s32 v15, $0x1F;
	v26 =	vsel vm15, $0x1, v5;
	vm4 =	vmand vm2, vm0  }
0x7b5: {  	v23 =	vadd.s32 v24, v23;
	[tilespmem:v34+s14+$0x0] =	vst.idx.msk vm1, v29;
	(xrf0) =	vadd.scan.msk.s32 $0xffff, v26;
	v27 =	vmpcnt.ones.xlane vm4  }
0x7b6: {  	v29 =	vshra.s32 v14, $0x1F;
	[tilespmem:v34+s15+$0x0] =	vst.idx.msk vm1, v33;
	v31 =	vsel vm4, $0x1, v5;
	(xrf0) =	vadd.scan.msk.s32 $0xffff, v28  }
0x7b7: {  	v28 =	vand.u32 $0x7FFFFFFF, v29;
	v29 =	vshra.s32 v16, $0x1F;
	(xrf0) =	vadd.scan.msk.s32 $0xffff, v63;
	v26 =	vadd.s32 v23, v27  }
0x7b8: {  	v27 =	vmov v11;
	v11 =	vmov v26;
	vm11 =	vmmov vm5  }
.LBB2_182:
0x7b9: {  	_ =	sdelay $0x1  }
0x7ba: {  	(xrf0) =	vadd.scan.msk.s32 $0xffff, v31;
	v26, _, _ =	vpop (xrf0)  }
0x7bb: {  	v26 =	vadd.s32 v26, v27  }
0x7bc: {  	v52, _, _ =	vpop (xrf0);
	v26 =	vadd.s32 $0xFFFFFFFF, v26  }
0x7bd: {  	v25 =	vadd.s32 v52, v25;
	vm0 =	vlt.s32 v26, $0x3F  }
0x7be: {  	v53, _, _ =	vpop (xrf0);
	v25 =	vadd.s32 $0xFFFFFFFF, v25;
	v26 =	vnsel vm0, $0x3F, v26  }
0x7bf: {  	v24 =	vadd.s32 v53, v24;
	vm12 =	vlt.s32 v25, $0x3F  }
0x7c0: {  	v54, _, _ =	vpop (xrf0);
	v24 =	vadd.s32 $0xFFFFFFFF, v24;
	v25 =	vnsel vm12, $0x3F, v25  }
0x7c1: {  	v23 =	vadd.s32 v54, v23;
	vm1 =	vlt.s32 v24, $0x3F  }
0x7c2: {  	v13 =	vxor.u32 v13, v22;
	[tilespmem:v21+s15+$0x0] =	vst.idx.msk @p1 vm10, v19;
	v55 =	vadd.s32 $0xFFFFFFFF, v23;
	v56 =	vnsel vm1, $0x3F, v24  }
0x7c3: {  	v12 =	vadd.s32 v3, v12;
	vm2 =	vlt.s32 v55, $0x3F;
	[tilespmem:v26+s14+$0x0] =	vst.idx.msk vm15, v13  }
0x7c4: {  	v57 =	vxor.u32 v14, v28;
	v58 =	vnsel vm2, $0x3F, v55;
	[tilespmem:v26+s15+$0x0] =	vst.idx.msk vm15, v12  }
0x7c5: {  	v59 =	vand.u32 $0x7FFFFFFF, v30;
	v17 =	vadd.s32 v3, v17;
	[tilespmem:v25+s14+$0x0] =	vst.idx.msk vm11, v57  }
.Ltmp131:
0x7c6: {  	v12 =	vxor.u32 v15, v59;
	[tilespmem:v25+s15+$0x0] =	vst.idx.msk vm11, v17;
	(pc) =	sbr.rel .LBB2_115-.Ltmp131, $4  }
0x7c7: {  	v60 =	vand.u32 $0x7FFFFFFF, v29;
	v61 =	vadd.s32 v3, v18;
	[tilespmem:v56+s14+$0x0] =	vst.idx.msk vm3, v12  }
0x7c8: {  	v62 =	vxor.u32 v16, v60;
	[tilespmem:v56+s15+$0x0] =	vst.idx.msk vm3, v61  }
0x7c9: {  	v63 =	vadd.s32 v3, v20;
	[tilespmem:v58+s14+$0x0] =	vst.idx.msk vm4, v62  }
0x7ca: {  	vm13 =	vmmov vm3;
	vm14 =	vmmov vm4;
	[tilespmem:v58+s15+$0x0] =	vst.idx.msk vm4, v63  }
.LBB2_114:
0x7cb: {  	v11 =	vimm.s32 $0x0  }
.LBB2_115:
.Ltmp132:
0x7cc: {  	(pc) =	sbr.rel @p0 .LBB2_117-.Ltmp132, $1  }
0x7cd: {  	_ =	sdelay $0x3  }
.LBB2_116:
0x7ce: {  	v12 =	vld [tilespmem:s22+$0x0]  }
0x7cf: {  	v13 =	vld [tilespmem:s23+$0x0];
	_ =	sdelay $0x4  }
0x7d0: {  	vm0 =	veq.s32 v12, v9;
	vm1 =	vle.s32 v13, v10  }
0x7d1: {  	v14 =	vor.u32 s24, v4;
	vm2 =	vgt.s32 v12, v9;
	vm0 =	vmand vm0, vm1  }
0x7d2: {  	vm14 =	vlt.s32 v14, v8;
	vm0 =	vmor vm2, vm0  }
0x7d3: {  	vm0 =	vmand vm14, vm0  }
0x7d4: {  	v61 =	vsel vm0, $0x1, v5  }
0x7d5: {  	(xrf0) =	vadd.scan.msk.s32 $0xffff, v61;
	_ =	sdelay $0x5  }
0x7d6: {  	v14, _, _ =	vpop (xrf0)  }
0x7d7: {  	v14 =	vadd.s32 v14, v11  }
0x7d8: {  	v14 =	vadd.s32 $0xFFFFFFFF, v14  }
0x7d9: {  	vm15 =	vlt.s32 v14, $0x3F  }
0x7da: {  	s21 =	sadd.s32 $0x1, s21;
	v14 =	vnsel vm15, $0x3F, v14  }
0x7db: {  	p0 =	slt.s32 s21, s20  }
.Ltmp133:
0x7dc: {  	v15 =	vshra.s32 v12, $0x1F;
	(pc) =	sbr.rel @p0 .LBB2_116-.Ltmp133, $4  }
0x7dd: {  	v15 =	vand.u32 $0x7FFFFFFF, v15  }
0x7de: {  	v12 =	vxor.u32 v12, v15;
	v62 =	vmpcnt.ones.xlane vm0  }
0x7df: {  	v63 =	vadd.s32 v3, v13;
	[tilespmem:v14+s14+$0x0] =	vst.idx.msk vm0, v12  }
0x7e0: {  	s22 =	sadd.s32 $0x10, s22;
	s23 =	sadd.s32 $0x10, s23;
	s24 =	sadd.s32 $0x10, s24;
	v11 =	vadd.s32 v11, v62;
	[tilespmem:v14+s15+$0x0] =	vst.idx.msk vm0, v63  }
.Ltmp134:
0x7e1: {  	_ = 	snop;
	(pc) =	sbr.rel .LBB2_117-.Ltmp134, $1  }
0x7e2: {  	_ =	sdelay $0x3  }
.LBB2_129:
.Ltmp135:
0x7e3: {  	(pc) =	sbr.rel .LBB2_134-.Ltmp135, $2  }
0x7e4: {  	_ =	sdelay $0x2  }
0x7e5: {  	_ = 	snop  }
.LBB2_145:
.Ltmp136:
0x7e6: {  	(pc) =	sbr.rel .LBB2_150-.Ltmp136, $2  }
0x7e7: {  	_ =	sdelay $0x2  }
0x7e8: {  	_ = 	snop  }
.LBB2_161:
.Ltmp137:
0x7e9: {  	(pc) =	sbr.rel .LBB2_166-.Ltmp137, $2  }
0x7ea: {  	_ =	sdelay $0x2  }
0x7eb: {  	_ = 	snop  }
.LBB2_177:
.Ltmp138:
0x7ec: {  	(pc) =	sbr.rel .LBB2_182-.Ltmp138, $2  }
0x7ed: {  	_ =	sdelay $0x2  }
0x7ee: {  	_ = 	snop  }
.LBB2_131:
.Ltmp139:
0x7ef: {  	(pc) =	sbr.rel .LBB2_134-.Ltmp139, $2  }
0x7f0: {  	_ =	sdelay $0x2  }
0x7f1: {  	v27 =	vmov v11;
	v11 =	vmov v26;
	vm11 =	vmmov vm5  }
.LBB2_147:
.Ltmp140:
0x7f2: {  	(pc) =	sbr.rel .LBB2_150-.Ltmp140, $2  }
0x7f3: {  	_ =	sdelay $0x2  }
0x7f4: {  	v27 =	vmov v11;
	v11 =	vmov v26;
	vm11 =	vmmov vm5  }
.LBB2_163:
.Ltmp141:
0x7f5: {  	(pc) =	sbr.rel .LBB2_166-.Ltmp141, $2  }
0x7f6: {  	_ =	sdelay $0x2  }
0x7f7: {  	v27 =	vmov v11;
	v11 =	vmov v26;
	vm11 =	vmmov vm5  }
.LBB2_179:
.Ltmp142:
0x7f8: {  	(pc) =	sbr.rel .LBB2_182-.Ltmp142, $2  }
0x7f9: {  	_ =	sdelay $0x2  }
0x7fa: {  	v27 =	vmov v11;
	v11 =	vmov v26;
	vm11 =	vmmov vm5  }
.LBB2_118:
0x7fb: {  	_ =	sfence.sel $0x180000  }
0x7fc: {  	[bflag:$0x0] =	sbarrier.arrive $0xFFFF  }
0x7fd: {  	_ =	strace $0x90000047  }
0x7fe: {  	s0 =	stileid.u32;
	[bflag:$0x2] =	sbarrier.arrive $0xFFFF  }
0x7ff: {  	p0 =	sne.s32 s0, $0x0;
	s0 =	rddreg [dreg:$0x2]  }
0x800: {  	s0 =	sadd.s32 @!p0 $0x100000, s0  }
0x801: {  	[sflag:s0] =	ssyncadd.tile.s32 @!p0 $0x1;
	_ =	shalt  }
.Lfunc_end2:
_tile_overlayer_lowered:
.L_overlay_start_2:
0x802: {  	(tag) =	ssettag $0x2  }
0x803: {  	s0 =	rddreg [dreg:$0x0];
	s2 =	stileid.u32  }
0x804: {  	s1 =	rddreg [dreg:$0x1];
	p0 =	sne.s32 s2, $0x0  }
0x805: {  	s3 =	rddreg [dreg:$0x2];
	[bflag:$0x3] =	sbarrier.arrive $0xFFFF;
	s2 =	simm.s32 @!p0 $0x1C04  }
0x806: {  	[timem:s3], [sflag:s2] =	dma.local @!p0 [hbm:s0], s1  }
0x807: {  	s0 =	simm.s32 @!p0 $0x4  }
0x808: {  	_ =	swait.ge @!p0 [sflag:s0], s1  }
0x809: {  	s1 =	ssub.s32 @!p0 $0x0, s1;
	[sflag:s0] =	ssyncset.done @!p0 $0x0  }
0x80a: {  	[sflag:s0] =	ssyncadd.s32 @!p0 s1  }
0x80b: {  	[bflag:$0x3] =	sbarrier.arrive $0xFFFF  }
0x80c: {  	_ =	shalt  }

</sc_bundles>
